<compile_context>
chip_gen: v7x
topology: tpu7x:2x2x1
jax: 0.10.2.dev20260603
libtpu: 0.0.44.dev20260713+nightly
codegen_flags: <defaults>
</compile_context>

<pallas_src>
import functools

import jax
import jax.numpy as jnp
from jax import lax
from jax.experimental import pallas as pl
from jax.experimental.pallas import tpu as pltpu
from jax.experimental.pallas import tpu_sc as plsc

NUM_CORES = 2
NUM_SUBCORES = 16
NUM_WORKERS = NUM_CORES * NUM_SUBCORES

V = 1000000
D = 64
VMAIN = 999936
NCOLS = 7812
COLS_PER_TILE = 245

CHUNK = 128
RING = 4
LAG = 2


def _iota16():
    return lax.iota(jnp.int32, 16)


def _diag_vectors():
    lanes = _iota16()
    return [(lanes + dd) & 15 for dd in range(16)], lanes


def _transpose_block_flat(src_ref, dst_flat, n_s, n_d, rots, lanes, wvs):
    def srow(si, carry):
        svec = si * 16 + lanes
        for di in range(n_d // 16):
            base_w = si * 16 * n_d + di * 16
            xs = []
            for dd in range(16):
                xs.append(plsc.load_gather(src_ref, [di * 16 + rots[dd], svec]))
            for dd in range(16):
                plsc.store_scatter(dst_flat, [base_w + wvs[dd]], xs[dd])
        return carry

    lax.fori_loop(0, n_s // 16, srow, 0)


@jax.jit
def _sc_transpose(wt, tail):
    mesh = plsc.VectorSubcoreMesh(core_axis_name="c", subcore_axis_name="s")

    @functools.partial(
        pl.kernel,
        mesh=mesh,
        out_type=jax.ShapeDtypeStruct((V * D,), jnp.float32),
        scratch_types=[
            pltpu.VMEM((2, D, 128), jnp.float32),
            pltpu.VMEM((2 * 128 * D,), jnp.float32),
            pltpu.VMEM((D, D), jnp.float32),
            pltpu.SemaphoreType.DMA((2,)),
            pltpu.SemaphoreType.DMA((2,)),
        ],
        compiler_params=pltpu.CompilerParams(use_tc_tiling_on_sc=True, needs_layout_passes=False),
    )
    def k(wt_hbm, tail_hbm, out_hbm, blk_v, obuf_v, tail_v, isem, osem):
        wid = lax.axis_index("s") * NUM_CORES + lax.axis_index("c")
        rots, lanes0 = _diag_vectors()
        wvs = [lanes0 * D + rots[dd] for dd in range(16)]

        def col_of(kk):
            return jnp.minimum(wid + 32 * kk, NCOLS - 1)

        def fire_in(c, p):
            for r in range(8):
                pltpu.async_copy(
                    wt_hbm.at[pl.ds(r * 8, 8), pl.ds(c * 128, 128)],
                    blk_v.at[p, pl.ds(r * 8, 8)],
                    isem.at[p],
                )

        def wait_in(c, p):
            for r in range(8):
                pltpu.make_async_copy(
                    wt_hbm.at[pl.ds(r * 8, 8), pl.ds(c * 128, 128)],
                    blk_v.at[p, pl.ds(r * 8, 8)],
                    isem.at[p],
                ).wait()

        def fire_out(c, p):
            pltpu.async_copy(
                obuf_v.at[pl.ds(p * 8192, 8192)],
                out_hbm.at[pl.ds(c * 8192, 8192)], osem.at[p]
            )

        def wait_out(c, p):
            pltpu.make_async_copy(
                obuf_v.at[pl.ds(p * 8192, 8192)],
                out_hbm.at[pl.ds(c * 8192, 8192)], osem.at[p]
            ).wait()

        fire_in(col_of(0), 0)
        fire_in(col_of(1), 1)

        def body(kk, carry):
            p = kk & 1
            c = col_of(kk)
            wait_in(c, p)
            pl.when(kk >= 2)(lambda: wait_out(col_of(kk - 2), p))
            _transpose_block_flat(blk_v.at[p], obuf_v.at[pl.ds(p * 8192, 8192)], 128, D, rots, lanes0, wvs)
            fire_out(c, p)
            pl.when(kk <= 242)(lambda: fire_in(col_of(kk + 2), p))
            return carry

        lax.fori_loop(0, 245, body, 0)
        wait_out(col_of(243), 1)
        wait_out(col_of(244), 0)

        pltpu.sync_copy(tail_hbm, tail_v)

        def tail_sub(t, carry):
            si = t // 4
            svec = si * 16 + lanes0
            for dd in range(16):
                dvec = (t % 4) * 16 + rots[dd]
                x = plsc.load_gather(tail_v, [dvec, svec])
                plsc.store_scatter(
                    obuf_v.at[pl.ds(0, 8192)],
                    [si * 16 * D + (t % 4) * 16 + wvs[dd]],
                    x,
                )
            return carry

        lax.fori_loop(0, 16, tail_sub, 0)
        pltpu.sync_copy(
            obuf_v.at[pl.ds(0, D * D)],
            out_hbm.at[pl.ds(VMAIN * D, D * D)],
        )

    return k(wt, tail)


BATCH = 4096
SEQ = 200
B_PER_TILE = BATCH // NUM_WORKERS


@jax.jit
def _sc_gather_t(table, flat_idx):
    mesh = plsc.VectorSubcoreMesh(core_axis_name="c", subcore_axis_name="s")

    @functools.partial(
        pl.kernel,
        mesh=mesh,
        out_type=jax.ShapeDtypeStruct((SEQ * 8 * 32 * 8, 128), jnp.float32),
        scratch_types=[
            pltpu.VMEM((B_PER_TILE * SEQ,), jnp.int32),
            pltpu.VMEM((B_PER_TILE * SEQ,), jnp.int32),
            pltpu.VMEM((2 * 128, D), jnp.float32),
            pltpu.VMEM((2 * D, 128), jnp.float32),
            pltpu.SemaphoreType.DMA((2,)),
            pltpu.SemaphoreType.DMA((2,)),
        ],
        compiler_params=pltpu.CompilerParams(use_tc_tiling_on_sc=False, needs_layout_passes=False),
    )
    def k(table_hbm, idx_hbm, out_hbm, idx_v, idxt_v, rows_v, img_v,
          gsem, wsem):
        wid = lax.axis_index("s") * NUM_CORES + lax.axis_index("c")
        base = wid * (B_PER_TILE * SEQ)
        pltpu.sync_copy(idx_hbm.at[pl.ds(base, B_PER_TILE * SEQ)], idx_v)
        lanes = _iota16()
        rots = [(lanes + dd) & 15 for dd in range(16)]
        l200 = lanes * SEQ

        def idx_t(s, carry):
            for bl0 in range(0, 128, 16):
                x = plsc.load_gather(idx_v, [s + bl0 * SEQ + l200])
                plsc.store_scatter(idxt_v, [s * 128 + bl0 + lanes], x)
            return carry

        lax.fori_loop(0, SEQ, idx_t, 0)

        def fire_gather(s, p):
            pltpu.async_copy(
                table_hbm.at[idxt_v.at[pl.ds(s * 128, 128)]],
                rows_v.at[pl.ds(p * 128, 128)],
                gsem.at[p],
            )

        def wait_gather(s, p):
            pltpu.make_async_copy(
                table_hbm.at[idxt_v.at[pl.ds(s * 128, 128)]],
                rows_v.at[pl.ds(p * 128, 128)],
                gsem.at[p],
            ).wait()

        def fire_img(s, p):
            for r in range(8):
                row0 = ((s * 8 + r) * 32 + wid) * 8
                pltpu.async_copy(
                    img_v.at[pl.ds(p * D + r * 8, 8)],
                    out_hbm.at[pl.ds(row0, 8)],
                    wsem.at[p],
                )

        def wait_img(s, p):
            for r in range(8):
                row0 = ((s * 8 + r) * 32 + wid) * 8
                pltpu.make_async_copy(
                    img_v.at[pl.ds(p * D + r * 8, 8)],
                    out_hbm.at[pl.ds(row0, 8)],
                    wsem.at[p],
                ).wait()

        def transpose_slab(p):
            src = rows_v.at[pl.ds(p * 128, 128)]
            dst = img_v.at[pl.ds(p * D, D)]

            def blblock(bi, carry):
                blvec = bi * 16 + lanes
                for di in range(4):
                    xs = []
                    for dd in range(16):
                        xs.append(
                            plsc.load_gather(src, [blvec, di * 16 + rots[dd]])
                        )
                    for dd in range(16):
                        plsc.store_scatter(
                            dst, [di * 16 + rots[dd], blvec], xs[dd]
                        )
                return carry

            lax.fori_loop(0, 8, blblock, 0)

        fire_gather(0, 0)
        fire_gather(1, 1)

        def body(s, carry):
            p = s & 1
            wait_gather(s, p)
            pl.when(s >= 2)(lambda: wait_img(s - 2, p))
            transpose_slab(p)
            fire_img(s, p)
            pl.when(s <= SEQ - 3)(lambda: fire_gather(s + 2, p))
            return carry

        lax.fori_loop(0, SEQ, body, 0)
        wait_img(SEQ - 2, 0)
        wait_img(SEQ - 1, 1)

    return k(table, flat_idx)


def kernel(token_ids, weight):
    b = token_ids.size
    flat = token_ids.reshape((b,)).astype(jnp.int32)
    wt = weight.T
    tail = weight[VMAIN:].T
    table = _sc_transpose(wt, tail).reshape(V, D)
    y = _sc_gather_t(table, flat).reshape(SEQ, 8, 32, 8, 128)
    out = y.transpose(2, 4, 0, 1, 3).reshape(BATCH, SEQ, D)
    return out.reshape(token_ids.shape + (D,))

# --- scband reference (transcript-rebuilt; emitter-appended) ---
"""Pipeline reference for scband-embedding-910533066923 (READ-ONLY COPY).

The authoritative reference and input builder live on the scoring server;
editing this copy changes nothing except your own understanding.
"""

import jax, jax.numpy as jnp
import numpy as np

NUM_EMBEDDINGS = 1000000
EMBEDDING_DIM = 64
BATCH = 4096
SEQ_LEN = 200

def setup_inputs(seed: int = 0) -> dict:
    key = jax.random.key(seed)
    k_idx, k_w = jax.random.split(key)
    token_ids = jax.random.randint(k_idx, (BATCH, SEQ_LEN), 0, NUM_EMBEDDINGS, dtype=jnp.int64 if jax.config.read('jax_enable_x64') else jnp.int32)
    # trunc_normal_(mean=0, std=1, a=-3, b=3) equivalent
    weight = jax.random.truncated_normal(k_w, -3.0, 3.0, (NUM_EMBEDDINGS, EMBEDDING_DIM), dtype=jnp.float32)
    return {"token_ids": token_ids, "weight": weight}

def reference(token_ids, weight):
    # Faithful translation of: return self.weight[token_ids]
    return jnp.take(weight, token_ids, axis=0)

if __name__ == "__main__":
    import jax
    _d = setup_inputs()
    print(jax.jit(kernel)(*tuple(_d.values())))

</pallas_src>

<mosaic_0001>
#map = affine_map<(d0, d1) -> (0, 0)>
#map1 = affine_map<(d0, d1) -> (0)>
module attributes {stable_mosaic.version = 14 : i64} {
  func.func @k(%arg0: i32, %arg1: i32, %arg2: memref<64x1000000xf32, #tpu.memory_space<hbm>>, %arg3: memref<64x64xf32, #tpu.memory_space<hbm>>, %arg4: memref<64000000xf32, #tpu.memory_space<hbm>>, %arg5: memref<2x64x128xf32, #tpu.memory_space<vmem>>, %arg6: memref<16384xf32, #tpu.memory_space<vmem>>, %arg7: memref<64x64xf32, #tpu.memory_space<vmem>>, %arg8: memref<2x!tpu.dma_semaphore, #tpu.memory_space<semaphore_mem>>, %arg9: memref<2x!tpu.dma_semaphore, #tpu.memory_space<semaphore_mem>>) attributes {dimension_semantics = [#tpu.dimension_semantics<core_parallel>, #tpu.dimension_semantics<subcore_parallel>], iteration_bounds = array<i64: 2, 16>, scalar_prefetch = 0 : i64, scratch_operands = 5 : i64, tpu.core_type = #tpu.core_type<sc_vector_subcore>, window_params = [{transform_indices = #map}, {transform_indices = #map}, {transform_indices = #map1}]} {
    %mul3A = arith.constant 2 : i32
    %mul3A_0 = arith.muli %arg1, %mul3A : i32
    %add3A = arith.addi %mul3A_0, %arg0 : i32
    %iota3A = tpu.iota {dimensions = array<i32: 0>} : vector<16xi32>
    %add3A_1 = arith.constant 0 : i32
    %add3A_2 = vector.broadcast %add3A_1 : i32 to vector<16xi32>
    %add3A_3 = arith.addi %iota3A, %add3A_2 : vector<16xi32>
    %and3A = arith.constant 15 : i32
    %and3A_4 = vector.broadcast %and3A : i32 to vector<16xi32>
    %and3A_5 = arith.andi %add3A_3, %and3A_4 : vector<16xi32>
    %add3A_6 = arith.constant 1 : i32
    %add3A_7 = vector.broadcast %add3A_6 : i32 to vector<16xi32>
    %add3A_8 = arith.addi %iota3A, %add3A_7 : vector<16xi32>
    %and3A_9 = arith.constant 15 : i32
    %and3A_10 = vector.broadcast %and3A_9 : i32 to vector<16xi32>
    %and3A_11 = arith.andi %add3A_8, %and3A_10 : vector<16xi32>
    %add3A_12 = arith.constant 2 : i32
    %add3A_13 = vector.broadcast %add3A_12 : i32 to vector<16xi32>
    %add3A_14 = arith.addi %iota3A, %add3A_13 : vector<16xi32>
    %and3A_15 = arith.constant 15 : i32
    %and3A_16 = vector.broadcast %and3A_15 : i32 to vector<16xi32>
    %and3A_17 = arith.andi %add3A_14, %and3A_16 : vector<16xi32>
    %add3A_18 = arith.constant 3 : i32
    %add3A_19 = vector.broadcast %add3A_18 : i32 to vector<16xi32>
    %add3A_20 = arith.addi %iota3A, %add3A_19 : vector<16xi32>
    %and3A_21 = arith.constant 15 : i32
    %and3A_22 = vector.broadcast %and3A_21 : i32 to vector<16xi32>
    %and3A_23 = arith.andi %add3A_20, %and3A_22 : vector<16xi32>
    %add3A_24 = arith.constant 4 : i32
    %add3A_25 = vector.broadcast %add3A_24 : i32 to vector<16xi32>
    %add3A_26 = arith.addi %iota3A, %add3A_25 : vector<16xi32>
    %and3A_27 = arith.constant 15 : i32
    %and3A_28 = vector.broadcast %and3A_27 : i32 to vector<16xi32>
    %and3A_29 = arith.andi %add3A_26, %and3A_28 : vector<16xi32>
    %add3A_30 = arith.constant 5 : i32
    %add3A_31 = vector.broadcast %add3A_30 : i32 to vector<16xi32>
    %add3A_32 = arith.addi %iota3A, %add3A_31 : vector<16xi32>
    %and3A_33 = arith.constant 15 : i32
    %and3A_34 = vector.broadcast %and3A_33 : i32 to vector<16xi32>
    %and3A_35 = arith.andi %add3A_32, %and3A_34 : vector<16xi32>
    %add3A_36 = arith.constant 6 : i32
    %add3A_37 = vector.broadcast %add3A_36 : i32 to vector<16xi32>
    %add3A_38 = arith.addi %iota3A, %add3A_37 : vector<16xi32>
    %and3A_39 = arith.constant 15 : i32
    %and3A_40 = vector.broadcast %and3A_39 : i32 to vector<16xi32>
    %and3A_41 = arith.andi %add3A_38, %and3A_40 : vector<16xi32>
    %add3A_42 = arith.constant 7 : i32
    %add3A_43 = vector.broadcast %add3A_42 : i32 to vector<16xi32>
    %add3A_44 = arith.addi %iota3A, %add3A_43 : vector<16xi32>
    %and3A_45 = arith.constant 15 : i32
    %and3A_46 = vector.broadcast %and3A_45 : i32 to vector<16xi32>
    %and3A_47 = arith.andi %add3A_44, %and3A_46 : vector<16xi32>
    %add3A_48 = arith.constant 8 : i32
    %add3A_49 = vector.broadcast %add3A_48 : i32 to vector<16xi32>
    %add3A_50 = arith.addi %iota3A, %add3A_49 : vector<16xi32>
    %and3A_51 = arith.constant 15 : i32
    %and3A_52 = vector.broadcast %and3A_51 : i32 to vector<16xi32>
    %and3A_53 = arith.andi %add3A_50, %and3A_52 : vector<16xi32>
    %add3A_54 = arith.constant 9 : i32
    %add3A_55 = vector.broadcast %add3A_54 : i32 to vector<16xi32>
    %add3A_56 = arith.addi %iota3A, %add3A_55 : vector<16xi32>
    %and3A_57 = arith.constant 15 : i32
    %and3A_58 = vector.broadcast %and3A_57 : i32 to vector<16xi32>
    %and3A_59 = arith.andi %add3A_56, %and3A_58 : vector<16xi32>
    %add3A_60 = arith.constant 10 : i32
    %add3A_61 = vector.broadcast %add3A_60 : i32 to vector<16xi32>
    %add3A_62 = arith.addi %iota3A, %add3A_61 : vector<16xi32>
    %and3A_63 = arith.constant 15 : i32
    %and3A_64 = vector.broadcast %and3A_63 : i32 to vector<16xi32>
    %and3A_65 = arith.andi %add3A_62, %and3A_64 : vector<16xi32>
    %add3A_66 = arith.constant 11 : i32
    %add3A_67 = vector.broadcast %add3A_66 : i32 to vector<16xi32>
    %add3A_68 = arith.addi %iota3A, %add3A_67 : vector<16xi32>
    %and3A_69 = arith.constant 15 : i32
    %and3A_70 = vector.broadcast %and3A_69 : i32 to vector<16xi32>
    %and3A_71 = arith.andi %add3A_68, %and3A_70 : vector<16xi32>
    %add3A_72 = arith.constant 12 : i32
    %add3A_73 = vector.broadcast %add3A_72 : i32 to vector<16xi32>
    %add3A_74 = arith.addi %iota3A, %add3A_73 : vector<16xi32>
    %and3A_75 = arith.constant 15 : i32
    %and3A_76 = vector.broadcast %and3A_75 : i32 to vector<16xi32>
    %and3A_77 = arith.andi %add3A_74, %and3A_76 : vector<16xi32>
    %add3A_78 = arith.constant 13 : i32
    %add3A_79 = vector.broadcast %add3A_78 : i32 to vector<16xi32>
    %add3A_80 = arith.addi %iota3A, %add3A_79 : vector<16xi32>
    %and3A_81 = arith.constant 15 : i32
    %and3A_82 = vector.broadcast %and3A_81 : i32 to vector<16xi32>
    %and3A_83 = arith.andi %add3A_80, %and3A_82 : vector<16xi32>
    %add3A_84 = arith.constant 14 : i32
    %add3A_85 = vector.broadcast %add3A_84 : i32 to vector<16xi32>
    %add3A_86 = arith.addi %iota3A, %add3A_85 : vector<16xi32>
    %and3A_87 = arith.constant 15 : i32
    %and3A_88 = vector.broadcast %and3A_87 : i32 to vector<16xi32>
    %and3A_89 = arith.andi %add3A_86, %and3A_88 : vector<16xi32>
    %add3A_90 = arith.constant 15 : i32
    %add3A_91 = vector.broadcast %add3A_90 : i32 to vector<16xi32>
    %add3A_92 = arith.addi %iota3A, %add3A_91 : vector<16xi32>
    %and3A_93 = arith.constant 15 : i32
    %and3A_94 = vector.broadcast %and3A_93 : i32 to vector<16xi32>
    %and3A_95 = arith.andi %add3A_92, %and3A_94 : vector<16xi32>
    %mul3A_96 = arith.constant 64 : i32
    %mul3A_97 = vector.broadcast %mul3A_96 : i32 to vector<16xi32>
    %mul3A_98 = arith.muli %iota3A, %mul3A_97 : vector<16xi32>
    %add3A_99 = arith.addi %mul3A_98, %and3A_5 : vector<16xi32>
    %mul3A_100 = arith.constant 64 : i32
    %mul3A_101 = vector.broadcast %mul3A_100 : i32 to vector<16xi32>
    %mul3A_102 = arith.muli %iota3A, %mul3A_101 : vector<16xi32>
    %add3A_103 = arith.addi %mul3A_102, %and3A_11 : vector<16xi32>
    %mul3A_104 = arith.constant 64 : i32
    %mul3A_105 = vector.broadcast %mul3A_104 : i32 to vector<16xi32>
    %mul3A_106 = arith.muli %iota3A, %mul3A_105 : vector<16xi32>
    %add3A_107 = arith.addi %mul3A_106, %and3A_17 : vector<16xi32>
    %mul3A_108 = arith.constant 64 : i32
    %mul3A_109 = vector.broadcast %mul3A_108 : i32 to vector<16xi32>
    %mul3A_110 = arith.muli %iota3A, %mul3A_109 : vector<16xi32>
    %add3A_111 = arith.addi %mul3A_110, %and3A_23 : vector<16xi32>
    %mul3A_112 = arith.constant 64 : i32
    %mul3A_113 = vector.broadcast %mul3A_112 : i32 to vector<16xi32>
    %mul3A_114 = arith.muli %iota3A, %mul3A_113 : vector<16xi32>
    %add3A_115 = arith.addi %mul3A_114, %and3A_29 : vector<16xi32>
    %mul3A_116 = arith.constant 64 : i32
    %mul3A_117 = vector.broadcast %mul3A_116 : i32 to vector<16xi32>
    %mul3A_118 = arith.muli %iota3A, %mul3A_117 : vector<16xi32>
    %add3A_119 = arith.addi %mul3A_118, %and3A_35 : vector<16xi32>
    %mul3A_120 = arith.constant 64 : i32
    %mul3A_121 = vector.broadcast %mul3A_120 : i32 to vector<16xi32>
    %mul3A_122 = arith.muli %iota3A, %mul3A_121 : vector<16xi32>
    %add3A_123 = arith.addi %mul3A_122, %and3A_41 : vector<16xi32>
    %mul3A_124 = arith.constant 64 : i32
    %mul3A_125 = vector.broadcast %mul3A_124 : i32 to vector<16xi32>
    %mul3A_126 = arith.muli %iota3A, %mul3A_125 : vector<16xi32>
    %add3A_127 = arith.addi %mul3A_126, %and3A_47 : vector<16xi32>
    %mul3A_128 = arith.constant 64 : i32
    %mul3A_129 = vector.broadcast %mul3A_128 : i32 to vector<16xi32>
    %mul3A_130 = arith.muli %iota3A, %mul3A_129 : vector<16xi32>
    %add3A_131 = arith.addi %mul3A_130, %and3A_53 : vector<16xi32>
    %mul3A_132 = arith.constant 64 : i32
    %mul3A_133 = vector.broadcast %mul3A_132 : i32 to vector<16xi32>
    %mul3A_134 = arith.muli %iota3A, %mul3A_133 : vector<16xi32>
    %add3A_135 = arith.addi %mul3A_134, %and3A_59 : vector<16xi32>
    %mul3A_136 = arith.constant 64 : i32
    %mul3A_137 = vector.broadcast %mul3A_136 : i32 to vector<16xi32>
    %mul3A_138 = arith.muli %iota3A, %mul3A_137 : vector<16xi32>
    %add3A_139 = arith.addi %mul3A_138, %and3A_65 : vector<16xi32>
    %mul3A_140 = arith.constant 64 : i32
    %mul3A_141 = vector.broadcast %mul3A_140 : i32 to vector<16xi32>
    %mul3A_142 = arith.muli %iota3A, %mul3A_141 : vector<16xi32>
    %add3A_143 = arith.addi %mul3A_142, %and3A_71 : vector<16xi32>
    %mul3A_144 = arith.constant 64 : i32
    %mul3A_145 = vector.broadcast %mul3A_144 : i32 to vector<16xi32>
    %mul3A_146 = arith.muli %iota3A, %mul3A_145 : vector<16xi32>
    %add3A_147 = arith.addi %mul3A_146, %and3A_77 : vector<16xi32>
    %mul3A_148 = arith.constant 64 : i32
    %mul3A_149 = vector.broadcast %mul3A_148 : i32 to vector<16xi32>
    %mul3A_150 = arith.muli %iota3A, %mul3A_149 : vector<16xi32>
    %add3A_151 = arith.addi %mul3A_150, %and3A_83 : vector<16xi32>
    %mul3A_152 = arith.constant 64 : i32
    %mul3A_153 = vector.broadcast %mul3A_152 : i32 to vector<16xi32>
    %mul3A_154 = arith.muli %iota3A, %mul3A_153 : vector<16xi32>
    %add3A_155 = arith.addi %mul3A_154, %and3A_89 : vector<16xi32>
    %mul3A_156 = arith.constant 64 : i32
    %mul3A_157 = vector.broadcast %mul3A_156 : i32 to vector<16xi32>
    %mul3A_158 = arith.muli %iota3A, %mul3A_157 : vector<16xi32>
    %add3A_159 = arith.addi %mul3A_158, %and3A_95 : vector<16xi32>
    %add3A_160 = arith.constant 0 : i32
    %add3A_161 = arith.addi %add3A, %add3A_160 : i32
    %min3A = arith.constant 7811 : i32
    %min3A_162 = arith.minsi %add3A_161, %min3A : i32
    %mul3A_163 = arith.constant 128 : i32
    %mul3A_164 = arith.muli %min3A_162, %mul3A_163 : i32
    %dma_start3A = arith.constant 0 : i32
    %dma_start3A_165 = arith.constant 0 : i32
    %dma_start3A_166 = arith.constant 0 : i32
    %dma_start3A_167 = arith.constant 0 : i32
    %dma_start3A_168 = tpu.memref_slice %arg5[%dma_start3A, %dma_start3A_166, %dma_start3A_167] : memref<2x64x128xf32, #tpu.memory_space<vmem>> -> memref<1x8x128xf32, #tpu.memory_space<vmem>>
    %dma_start3A_169 = tpu.memref_squeeze %dma_start3A_168 : memref<1x8x128xf32, #tpu.memory_space<vmem>> -> memref<8x128xf32, #tpu.memory_space<vmem>>
    %dma_start3A_170 = arith.constant 0 : i32
    %dma_start3A_171 = tpu.memref_slice %arg2[%dma_start3A_170, %mul3A_164] : memref<64x1000000xf32, #tpu.memory_space<hbm>> -> memref<8x128xf32, #tpu.memory_space<hbm>>
    %dma_start3A_172 = tpu.memref_slice %arg8[%dma_start3A_165] : memref<2x!tpu.dma_semaphore, #tpu.memory_space<semaphore_mem>> -> memref<1x!tpu.dma_semaphore, #tpu.memory_space<semaphore_mem>>
    %dma_start3A_173 = tpu.memref_squeeze %dma_start3A_172 : memref<1x!tpu.dma_semaphore, #tpu.memory_space<semaphore_mem>> -> memref<!tpu.dma_semaphore, #tpu.memory_space<semaphore_mem>>
    %dma_start3A_174 = arith.constant 0 : i32
    %dma_start3A_175 = arith.constant 0 : i32
    %dma_start3A_176 = tpu.memref_slice %arg5[%dma_start3A, %dma_start3A_174, %dma_start3A_175] : memref<2x64x128xf32, #tpu.memory_space<vmem>> -> memref<1x8x128xf32, #tpu.memory_space<vmem>>
    %dma_start3A_177 = tpu.memref_squeeze %dma_start3A_176 : memref<1x8x128xf32, #tpu.memory_space<vmem>> -> memref<8x128xf32, #tpu.memory_space<vmem>>
    %dma_start3A_178 = arith.constant 0 : i32
    %dma_start3A_179 = tpu.memref_slice %arg2[%dma_start3A_178, %mul3A_164] : memref<64x1000000xf32, #tpu.memory_space<hbm>> -> memref<8x128xf32, #tpu.memory_space<hbm>>
    tpu.enqueue_dma source(%dma_start3A_179 : memref<8x128xf32, #tpu.memory_space<hbm>>) target(%dma_start3A_177 : memref<8x128xf32, #tpu.memory_space<vmem>>) target_semaphore(%dma_start3A_173 : memref<!tpu.dma_semaphore, #tpu.memory_space<semaphore_mem>>)
    %mul3A_180 = arith.constant 128 : i32
    %mul3A_181 = arith.muli %min3A_162, %mul3A_180 : i32
    %dma_start3A_182 = arith.constant 0 : i32
    %dma_start3A_183 = arith.constant 0 : i32
    %dma_start3A_184 = arith.constant 8 : i32
    %dma_start3A_185 = arith.constant 0 : i32
    %dma_start3A_186 = tpu.memref_slice %arg5[%dma_start3A_182, %dma_start3A_184, %dma_start3A_185] : memref<2x64x128xf32, #tpu.memory_space<vmem>> -> memref<1x8x128xf32, #tpu.memory_space<vmem>>
    %dma_start3A_187 = tpu.memref_squeeze %dma_start3A_186 : memref<1x8x128xf32, #tpu.memory_space<vmem>> -> memref<8x128xf32, #tpu.memory_space<vmem>>
    %dma_start3A_188 = arith.constant 8 : i32
    %dma_start3A_189 = tpu.memref_slice %arg2[%dma_start3A_188, %mul3A_181] : memref<64x1000000xf32, #tpu.memory_space<hbm>> -> memref<8x128xf32, #tpu.memory_space<hbm>>
    %dma_start3A_190 = tpu.memref_slice %arg8[%dma_start3A_183] : memref<2x!tpu.dma_semaphore, #tpu.memory_space<semaphore_mem>> -> memref<1x!tpu.dma_semaphore, #tpu.memory_space<semaphore_mem>>
    %dma_start3A_191 = tpu.memref_squeeze %dma_start3A_190 : memref<1x!tpu.dma_semaphore, #tpu.memory_space<semaphore_mem>> -> memref<!tpu.dma_semaphore, #tpu.memory_space<semaphore_mem>>
    %dma_start3A_192 = arith.constant 8 : i32
    %dma_start3A_193 = arith.constant 0 : i32
    %dma_start3A_194 = tpu.memref_slice %arg5[%dma_start3A_182, %dma_start3A_192, %dma_start3A_193] : memref<2x64x128xf32, #tpu.memory_space<vmem>> -> memref<1x8x128xf32, #tpu.memory_space<vmem>>
    %dma_start3A_195 = tpu.memref_squeeze %dma_start3A_194 : memref<1x8x128xf32, #tpu.memory_space<vmem>> -> memref<8x128xf32, #tpu.memory_space<vmem>>
    %dma_start3A_196 = arith.constant 8 : i32
    %dma_start3A_197 = tpu.memref_slice %arg2[%dma_start3A_196, %mul3A_181] : memref<64x1000000xf32, #tpu.memory_space<hbm>> -> memref<8x128xf32, #tpu.memory_space<hbm>>
    tpu.enqueue_dma source(%dma_start3A_197 : memref<8x128xf32, #tpu.memory_space<hbm>>) target(%dma_start3A_195 : memref<8x128xf32, #tpu.memory_space<vmem>>) target_semaphore(%dma_start3A_191 : memref<!tpu.dma_semaphore, #tpu.memory_space<semaphore_mem>>)
    %mul3A_198 = arith.constant 128 : i32
    %mul3A_199 = arith.muli %min3A_162, %mul3A_198 : i32
    %dma_start3A_200 = arith.constant 0 : i32
    %dma_start3A_201 = arith.constant 0 : i32
    %dma_start3A_202 = arith.constant 16 : i32
    %dma_start3A_203 = arith.constant 0 : i32
    %dma_start3A_204 = tpu.memref_slice %arg5[%dma_start3A_200, %dma_start3A_202, %dma_start3A_203] : memref<2x64x128xf32, #tpu.memory_space<vmem>> -> memref<1x8x128xf32, #tpu.memory_space<vmem>>
    %dma_start3A_205 = tpu.memref_squeeze %dma_start3A_204 : memref<1x8x128xf32, #tpu.memory_space<vmem>> -> memref<8x128xf32, #tpu.memory_space<vmem>>
    %dma_start3A_206 = arith.constant 16 : i32
    %dma_start3A_207 = tpu.memref_slice %arg2[%dma_start3A_206, %mul3A_199] : memref<64x1000000xf32, #tpu.memory_space<hbm>> -> memref<8x128xf32, #tpu.memory_space<hbm>>
    %dma_start3A_208 = tpu.memref_slice %arg8[%dma_start3A_201] : memref<2x!tpu.dma_semaphore, #tpu.memory_space<semaphore_mem>> -> memref<1x!tpu.dma_semaphore, #tpu.memory_space<semaphore_mem>>
    %dma_start3A_209 = tpu.memref_squeeze %dma_start3A_208 : memref<1x!tpu.dma_semaphore, #tpu.memory_space<semaphore_mem>> -> memref<!tpu.dma_semaphore, #tpu.memory_space<semaphore_mem>>
    %dma_start3A_210 = arith.constant 16 : i32
    %dma_start3A_211 = arith.constant 0 : i32
    %dma_start3A_212 = tpu.memref_slice %arg5[%dma_start3A_200, %dma_start3A_210, %dma_start3A_211] : memref<2x64x128xf32, #tpu.memory_space<vmem>> -> memref<1x8x128xf32, #tpu.memory_space<vmem>>
    %dma_start3A_213 = tpu.memref_squeeze %dma_start3A_212 : memref<1x8x128xf32, #tpu.memory_space<vmem>> -> memref<8x128xf32, #tpu.memory_space<vmem>>
    %dma_start3A_214 = arith.constant 16 : i32
    %dma_start3A_215 = tpu.memref_slice %arg2[%dma_start3A_214, %mul3A_199] : memref<64x1000000xf32, #tpu.memory_space<hbm>> -> memref<8x128xf32, #tpu.memory_space<hbm>>
    tpu.enqueue_dma source(%dma_start3A_215 : memref<8x128xf32, #tpu.memory_space<hbm>>) target(%dma_start3A_213 : memref<8x128xf32, #tpu.memory_space<vmem>>) target_semaphore(%dma_start3A_209 : memref<!tpu.dma_semaphore, #tpu.memory_space<semaphore_mem>>)
    %mul3A_216 = arith.constant 128 : i32
    %mul3A_217 = arith.muli %min3A_162, %mul3A_216 : i32
    %dma_start3A_218 = arith.constant 0 : i32
    %dma_start3A_219 = arith.constant 0 : i32
    %dma_start3A_220 = arith.constant 24 : i32
    %dma_start3A_221 = arith.constant 0 : i32
    %dma_start3A_222 = tpu.memref_slice %arg5[%dma_start3A_218, %dma_start3A_220, %dma_start3A_221] : memref<2x64x128xf32, #tpu.memory_space<vmem>> -> memref<1x8x128xf32, #tpu.memory_space<vmem>>
    %dma_start3A_223 = tpu.memref_squeeze %dma_start3A_222 : memref<1x8x128xf32, #tpu.memory_space<vmem>> -> memref<8x128xf32, #tpu.memory_space<vmem>>
    %dma_start3A_224 = arith.constant 24 : i32
    %dma_start3A_225 = tpu.memref_slice %arg2[%dma_start3A_224, %mul3A_217] : memref<64x1000000xf32, #tpu.memory_space<hbm>> -> memref<8x128xf32, #tpu.memory_space<hbm>>
    %dma_start3A_226 = tpu.memref_slice %arg8[%dma_start3A_219] : memref<2x!tpu.dma_semaphore, #tpu.memory_space<semaphore_mem>> -> memref<1x!tpu.dma_semaphore, #tpu.memory_space<semaphore_mem>>
    %dma_start3A_227 = tpu.memref_squeeze %dma_start3A_226 : memref<1x!tpu.dma_semaphore, #tpu.memory_space<semaphore_mem>> -> memref<!tpu.dma_semaphore, #tpu.memory_space<semaphore_mem>>
    %dma_start3A_228 = arith.constant 24 : i32
    %dma_start3A_229 = arith.constant 0 : i32
    %dma_start3A_230 = tpu.memref_slice %arg5[%dma_start3A_218, %dma_start3A_228, %dma_start3A_229] : memref<2x64x128xf32, #tpu.memory_space<vmem>> -> memref<1x8x128xf32, #tpu.memory_space<vmem>>
    %dma_start3A_231 = tpu.memref_squeeze %dma_start3A_230 : memref<1x8x128xf32, #tpu.memory_space<vmem>> -> memref<8x128xf32, #tpu.memory_space<vmem>>
    %dma_start3A_232 = arith.constant 24 : i32
    %dma_start3A_233 = tpu.memref_slice %arg2[%dma_start3A_232, %mul3A_217] : memref<64x1000000xf32, #tpu.memory_space<hbm>> -> memref<8x128xf32, #tpu.memory_space<hbm>>
    tpu.enqueue_dma source(%dma_start3A_233 : memref<8x128xf32, #tpu.memory_space<hbm>>) target(%dma_start3A_231 : memref<8x128xf32, #tpu.memory_space<vmem>>) target_semaphore(%dma_start3A_227 : memref<!tpu.dma_semaphore, #tpu.memory_space<semaphore_mem>>)
    %mul3A_234 = arith.constant 128 : i32
    %mul3A_235 = arith.muli %min3A_162, %mul3A_234 : i32
    %dma_start3A_236 = arith.constant 0 : i32
    %dma_start3A_237 = arith.constant 0 : i32
    %dma_start3A_238 = arith.constant 32 : i32
    %dma_start3A_239 = arith.constant 0 : i32
    %dma_start3A_240 = tpu.memref_slice %arg5[%dma_start3A_236, %dma_start3A_238, %dma_start3A_239] : memref<2x64x128xf32, #tpu.memory_space<vmem>> -> memref<1x8x128xf32, #tpu.memory_space<vmem>>
    %dma_start3A_241 = tpu.memref_squeeze %dma_start3A_240 : memref<1x8x128xf32, #tpu.memory_space<vmem>> -> memref<8x128xf32, #tpu.memory_space<vmem>>
    %dma_start3A_242 = arith.constant 32 : i32
    %dma_start3A_243 = tpu.memref_slice %arg2[%dma_start3A_242, %mul3A_235] : memref<64x1000000xf32, #tpu.memory_space<hbm>> -> memref<8x128xf32, #tpu.memory_space<hbm>>
    %dma_start3A_244 = tpu.memref_slice %arg8[%dma_start3A_237] : memref<2x!tpu.dma_semaphore, #tpu.memory_space<semaphore_mem>> -> memref<1x!tpu.dma_semaphore, #tpu.memory_space<semaphore_mem>>
    %dma_start3A_245 = tpu.memref_squeeze %dma_start3A_244 : memref<1x!tpu.dma_semaphore, #tpu.memory_space<semaphore_mem>> -> memref<!tpu.dma_semaphore, #tpu.memory_space<semaphore_mem>>
    %dma_start3A_246 = arith.constant 32 : i32
    %dma_start3A_247 = arith.constant 0 : i32
    %dma_start3A_248 = tpu.memref_slice %arg5[%dma_start3A_236, %dma_start3A_246, %dma_start3A_247] : memref<2x64x128xf32, #tpu.memory_space<vmem>> -> memref<1x8x128xf32, #tpu.memory_space<vmem>>
    %dma_start3A_249 = tpu.memref_squeeze %dma_start3A_248 : memref<1x8x128xf32, #tpu.memory_space<vmem>> -> memref<8x128xf32, #tpu.memory_space<vmem>>
    %dma_start3A_250 = arith.constant 32 : i32
    %dma_start3A_251 = tpu.memref_slice %arg2[%dma_start3A_250, %mul3A_235] : memref<64x1000000xf32, #tpu.memory_space<hbm>> -> memref<8x128xf32, #tpu.memory_space<hbm>>
    tpu.enqueue_dma source(%dma_start3A_251 : memref<8x128xf32, #tpu.memory_space<hbm>>) target(%dma_start3A_249 : memref<8x128xf32, #tpu.memory_space<vmem>>) target_semaphore(%dma_start3A_245 : memref<!tpu.dma_semaphore, #tpu.memory_space<semaphore_mem>>)
    %mul3A_252 = arith.constant 128 : i32
    %mul3A_253 = arith.muli %min3A_162, %mul3A_252 : i32
    %dma_start3A_254 = arith.constant 0 : i32
    %dma_start3A_255 = arith.constant 0 : i32
    %dma_start3A_256 = arith.constant 40 : i32
    %dma_start3A_257 = arith.constant 0 : i32
    %dma_start3A_258 = tpu.memref_slice %arg5[%dma_start3A_254, %dma_start3A_256, %dma_start3A_257] : memref<2x64x128xf32, #tpu.memory_space<vmem>> -> memref<1x8x128xf32, #tpu.memory_space<vmem>>
    %dma_start3A_259 = tpu.memref_squeeze %dma_start3A_258 : memref<1x8x128xf32, #tpu.memory_space<vmem>> -> memref<8x128xf32, #tpu.memory_space<vmem>>
    %dma_start3A_260 = arith.constant 40 : i32
    %dma_start3A_261 = tpu.memref_slice %arg2[%dma_start3A_260, %mul3A_253] : memref<64x1000000xf32, #tpu.memory_space<hbm>> -> memref<8x128xf32, #tpu.memory_space<hbm>>
    %dma_start3A_262 = tpu.memref_slice %arg8[%dma_start3A_255] : memref<2x!tpu.dma_semaphore, #tpu.memory_space<semaphore_mem>> -> memref<1x!tpu.dma_semaphore, #tpu.memory_space<semaphore_mem>>
    %dma_start3A_263 = tpu.memref_squeeze %dma_start3A_262 : memref<1x!tpu.dma_semaphore, #tpu.memory_space<semaphore_mem>> -> memref<!tpu.dma_semaphore, #tpu.memory_space<semaphore_mem>>
    %dma_start3A_264 = arith.constant 40 : i32
    %dma_start3A_265 = arith.constant 0 : i32
    %dma_start3A_266 = tpu.memref_slice %arg5[%dma_start3A_254, %dma_start3A_264, %dma_start3A_265] : memref<2x64x128xf32, #tpu.memory_space<vmem>> -> memref<1x8x128xf32, #tpu.memory_space<vmem>>
    %dma_start3A_267 = tpu.memref_squeeze %dma_start3A_266 : memref<1x8x128xf32, #tpu.memory_space<vmem>> -> memref<8x128xf32, #tpu.memory_space<vmem>>
    %dma_start3A_268 = arith.constant 40 : i32
    %dma_start3A_269 = tpu.memref_slice %arg2[%dma_start3A_268, %mul3A_253] : memref<64x1000000xf32, #tpu.memory_space<hbm>> -> memref<8x128xf32, #tpu.memory_space<hbm>>
    tpu.enqueue_dma source(%dma_start3A_269 : memref<8x128xf32, #tpu.memory_space<hbm>>) target(%dma_start3A_267 : memref<8x128xf32, #tpu.memory_space<vmem>>) target_semaphore(%dma_start3A_263 : memref<!tpu.dma_semaphore, #tpu.memory_space<semaphore_mem>>)
    %mul3A_270 = arith.constant 128 : i32
    %mul3A_271 = arith.muli %min3A_162, %mul3A_270 : i32
    %dma_start3A_272 = arith.constant 0 : i32
    %dma_start3A_273 = arith.constant 0 : i32
    %dma_start3A_274 = arith.constant 48 : i32
    %dma_start3A_275 = arith.constant 0 : i32
    %dma_start3A_276 = tpu.memref_slice %arg5[%dma_start3A_272, %dma_start3A_274, %dma_start3A_275] : memref<2x64x128xf32, #tpu.memory_space<vmem>> -> memref<1x8x128xf32, #tpu.memory_space<vmem>>
    %dma_start3A_277 = tpu.memref_squeeze %dma_start3A_276 : memref<1x8x128xf32, #tpu.memory_space<vmem>> -> memref<8x128xf32, #tpu.memory_space<vmem>>
    %dma_start3A_278 = arith.constant 48 : i32
    %dma_start3A_279 = tpu.memref_slice %arg2[%dma_start3A_278, %mul3A_271] : memref<64x1000000xf32, #tpu.memory_space<hbm>> -> memref<8x128xf32, #tpu.memory_space<hbm>>
    %dma_start3A_280 = tpu.memref_slice %arg8[%dma_start3A_273] : memref<2x!tpu.dma_semaphore, #tpu.memory_space<semaphore_mem>> -> memref<1x!tpu.dma_semaphore, #tpu.memory_space<semaphore_mem>>
    %dma_start3A_281 = tpu.memref_squeeze %dma_start3A_280 : memref<1x!tpu.dma_semaphore, #tpu.memory_space<semaphore_mem>> -> memref<!tpu.dma_semaphore, #tpu.memory_space<semaphore_mem>>
    %dma_start3A_282 = arith.constant 48 : i32
    %dma_start3A_283 = arith.constant 0 : i32
    %dma_start3A_284 = tpu.memref_slice %arg5[%dma_start3A_272, %dma_start3A_282, %dma_start3A_283] : memref<2x64x128xf32, #tpu.memory_space<vmem>> -> memref<1x8x128xf32, #tpu.memory_space<vmem>>
    %dma_start3A_285 = tpu.memref_squeeze %dma_start3A_284 : memref<1x8x128xf32, #tpu.memory_space<vmem>> -> memref<8x128xf32, #tpu.memory_space<vmem>>
    %dma_start3A_286 = arith.constant 48 : i32
    %dma_start3A_287 = tpu.memref_slice %arg2[%dma_start3A_286, %mul3A_271] : memref<64x1000000xf32, #tpu.memory_space<hbm>> -> memref<8x128xf32, #tpu.memory_space<hbm>>
    tpu.enqueue_dma source(%dma_start3A_287 : memref<8x128xf32, #tpu.memory_space<hbm>>) target(%dma_start3A_285 : memref<8x128xf32, #tpu.memory_space<vmem>>) target_semaphore(%dma_start3A_281 : memref<!tpu.dma_semaphore, #tpu.memory_space<semaphore_mem>>)
    %mul3A_288 = arith.constant 128 : i32
    %mul3A_289 = arith.muli %min3A_162, %mul3A_288 : i32
    %dma_start3A_290 = arith.constant 0 : i32
    %dma_start3A_291 = arith.constant 0 : i32
    %dma_start3A_292 = arith.constant 56 : i32
    %dma_start3A_293 = arith.constant 0 : i32
    %dma_start3A_294 = tpu.memref_slice %arg5[%dma_start3A_290, %dma_start3A_292, %dma_start3A_293] : memref<2x64x128xf32, #tpu.memory_space<vmem>> -> memref<1x8x128xf32, #tpu.memory_space<vmem>>
    %dma_start3A_295 = tpu.memref_squeeze %dma_start3A_294 : memref<1x8x128xf32, #tpu.memory_space<vmem>> -> memref<8x128xf32, #tpu.memory_space<vmem>>
    %dma_start3A_296 = arith.constant 56 : i32
    %dma_start3A_297 = tpu.memref_slice %arg2[%dma_start3A_296, %mul3A_289] : memref<64x1000000xf32, #tpu.memory_space<hbm>> -> memref<8x128xf32, #tpu.memory_space<hbm>>
    %dma_start3A_298 = tpu.memref_slice %arg8[%dma_start3A_291] : memref<2x!tpu.dma_semaphore, #tpu.memory_space<semaphore_mem>> -> memref<1x!tpu.dma_semaphore, #tpu.memory_space<semaphore_mem>>
    %dma_start3A_299 = tpu.memref_squeeze %dma_start3A_298 : memref<1x!tpu.dma_semaphore, #tpu.memory_space<semaphore_mem>> -> memref<!tpu.dma_semaphore, #tpu.memory_space<semaphore_mem>>
    %dma_start3A_300 = arith.constant 56 : i32
    %dma_start3A_301 = arith.constant 0 : i32
    %dma_start3A_302 = tpu.memref_slice %arg5[%dma_start3A_290, %dma_start3A_300, %dma_start3A_301] : memref<2x64x128xf32, #tpu.memory_space<vmem>> -> memref<1x8x128xf32, #tpu.memory_space<vmem>>
    %dma_start3A_303 = tpu.memref_squeeze %dma_start3A_302 : memref<1x8x128xf32, #tpu.memory_space<vmem>> -> memref<8x128xf32, #tpu.memory_space<vmem>>
    %dma_start3A_304 = arith.constant 56 : i32
    %dma_start3A_305 = tpu.memref_slice %arg2[%dma_start3A_304, %mul3A_289] : memref<64x1000000xf32, #tpu.memory_space<hbm>> -> memref<8x128xf32, #tpu.memory_space<hbm>>
    tpu.enqueue_dma source(%dma_start3A_305 : memref<8x128xf32, #tpu.memory_space<hbm>>) target(%dma_start3A_303 : memref<8x128xf32, #tpu.memory_space<vmem>>) target_semaphore(%dma_start3A_299 : memref<!tpu.dma_semaphore, #tpu.memory_space<semaphore_mem>>)
    %add3A_306 = arith.constant 32 : i32
    %add3A_307 = arith.addi %add3A, %add3A_306 : i32
    %min3A_308 = arith.constant 7811 : i32
    %min3A_309 = arith.minsi %add3A_307, %min3A_308 : i32
    %mul3A_310 = arith.constant 128 : i32
    %mul3A_311 = arith.muli %min3A_309, %mul3A_310 : i32
    %dma_start3A_312 = arith.constant 1 : i32
    %dma_start3A_313 = arith.constant 1 : i32
    %dma_start3A_314 = arith.constant 0 : i32
    %dma_start3A_315 = arith.constant 0 : i32
    %dma_start3A_316 = tpu.memref_slice %arg5[%dma_start3A_312, %dma_start3A_314, %dma_start3A_315] : memref<2x64x128xf32, #tpu.memory_space<vmem>> -> memref<1x8x128xf32, #tpu.memory_space<vmem>>
    %dma_start3A_317 = tpu.memref_squeeze %dma_start3A_316 : memref<1x8x128xf32, #tpu.memory_space<vmem>> -> memref<8x128xf32, #tpu.memory_space<vmem>>
    %dma_start3A_318 = arith.constant 0 : i32
    %dma_start3A_319 = tpu.memref_slice %arg2[%dma_start3A_318, %mul3A_311] : memref<64x1000000xf32, #tpu.memory_space<hbm>> -> memref<8x128xf32, #tpu.memory_space<hbm>>
    %dma_start3A_320 = tpu.memref_slice %arg8[%dma_start3A_313] : memref<2x!tpu.dma_semaphore, #tpu.memory_space<semaphore_mem>> -> memref<1x!tpu.dma_semaphore, #tpu.memory_space<semaphore_mem>>
    %dma_start3A_321 = tpu.memref_squeeze %dma_start3A_320 : memref<1x!tpu.dma_semaphore, #tpu.memory_space<semaphore_mem>> -> memref<!tpu.dma_semaphore, #tpu.memory_space<semaphore_mem>>
    %dma_start3A_322 = arith.constant 0 : i32
    %dma_start3A_323 = arith.constant 0 : i32
    %dma_start3A_324 = tpu.memref_slice %arg5[%dma_start3A_312, %dma_start3A_322, %dma_start3A_323] : memref<2x64x128xf32, #tpu.memory_space<vmem>> -> memref<1x8x128xf32, #tpu.memory_space<vmem>>
    %dma_start3A_325 = tpu.memref_squeeze %dma_start3A_324 : memref<1x8x128xf32, #tpu.memory_space<vmem>> -> memref<8x128xf32, #tpu.memory_space<vmem>>
    %dma_start3A_326 = arith.constant 0 : i32
    %dma_start3A_327 = tpu.memref_slice %arg2[%dma_start3A_326, %mul3A_311] : memref<64x1000000xf32, #tpu.memory_space<hbm>> -> memref<8x128xf32, #tpu.memory_space<hbm>>
    tpu.enqueue_dma source(%dma_start3A_327 : memref<8x128xf32, #tpu.memory_space<hbm>>) target(%dma_start3A_325 : memref<8x128xf32, #tpu.memory_space<vmem>>) target_semaphore(%dma_start3A_321 : memref<!tpu.dma_semaphore, #tpu.memory_space<semaphore_mem>>)
    %mul3A_328 = arith.constant 128 : i32
    %mul3A_329 = arith.muli %min3A_309, %mul3A_328 : i32
    %dma_start3A_330 = arith.constant 1 : i32
    %dma_start3A_331 = arith.constant 1 : i32
    %dma_start3A_332 = arith.constant 8 : i32
    %dma_start3A_333 = arith.constant 0 : i32
    %dma_start3A_334 = tpu.memref_slice %arg5[%dma_start3A_330, %dma_start3A_332, %dma_start3A_333] : memref<2x64x128xf32, #tpu.memory_space<vmem>> -> memref<1x8x128xf32, #tpu.memory_space<vmem>>
    %dma_start3A_335 = tpu.memref_squeeze %dma_start3A_334 : memref<1x8x128xf32, #tpu.memory_space<vmem>> -> memref<8x128xf32, #tpu.memory_space<vmem>>
    %dma_start3A_336 = arith.constant 8 : i32
    %dma_start3A_337 = tpu.memref_slice %arg2[%dma_start3A_336, %mul3A_329] : memref<64x1000000xf32, #tpu.memory_space<hbm>> -> memref<8x128xf32, #tpu.memory_space<hbm>>
    %dma_start3A_338 = tpu.memref_slice %arg8[%dma_start3A_331] : memref<2x!tpu.dma_semaphore, #tpu.memory_space<semaphore_mem>> -> memref<1x!tpu.dma_semaphore, #tpu.memory_space<semaphore_mem>>
    %dma_start3A_339 = tpu.memref_squeeze %dma_start3A_338 : memref<1x!tpu.dma_semaphore, #tpu.memory_space<semaphore_mem>> -> memref<!tpu.dma_semaphore, #tpu.memory_space<semaphore_mem>>
    %dma_start3A_340 = arith.constant 8 : i32
    %dma_start3A_341 = arith.constant 0 : i32
    %dma_start3A_342 = tpu.memref_slice %arg5[%dma_start3A_330, %dma_start3A_340, %dma_start3A_341] : memref<2x64x128xf32, #tpu.memory_space<vmem>> -> memref<1x8x128xf32, #tpu.memory_space<vmem>>
    %dma_start3A_343 = tpu.memref_squeeze %dma_start3A_342 : memref<1x8x128xf32, #tpu.memory_space<vmem>> -> memref<8x128xf32, #tpu.memory_space<vmem>>
    %dma_start3A_344 = arith.constant 8 : i32
    %dma_start3A_345 = tpu.memref_slice %arg2[%dma_start3A_344, %mul3A_329] : memref<64x1000000xf32, #tpu.memory_space<hbm>> -> memref<8x128xf32, #tpu.memory_space<hbm>>
    tpu.enqueue_dma source(%dma_start3A_345 : memref<8x128xf32, #tpu.memory_space<hbm>>) target(%dma_start3A_343 : memref<8x128xf32, #tpu.memory_space<vmem>>) target_semaphore(%dma_start3A_339 : memref<!tpu.dma_semaphore, #tpu.memory_space<semaphore_mem>>)
    %mul3A_346 = arith.constant 128 : i32
    %mul3A_347 = arith.muli %min3A_309, %mul3A_346 : i32
    %dma_start3A_348 = arith.constant 1 : i32
    %dma_start3A_349 = arith.constant 1 : i32
    %dma_start3A_350 = arith.constant 16 : i32
    %dma_start3A_351 = arith.constant 0 : i32
    %dma_start3A_352 = tpu.memref_slice %arg5[%dma_start3A_348, %dma_start3A_350, %dma_start3A_351] : memref<2x64x128xf32, #tpu.memory_space<vmem>> -> memref<1x8x128xf32, #tpu.memory_space<vmem>>
    %dma_start3A_353 = tpu.memref_squeeze %dma_start3A_352 : memref<1x8x128xf32, #tpu.memory_space<vmem>> -> memref<8x128xf32, #tpu.memory_space<vmem>>
    %dma_start3A_354 = arith.constant 16 : i32
    %dma_start3A_355 = tpu.memref_slice %arg2[%dma_start3A_354, %mul3A_347] : memref<64x1000000xf32, #tpu.memory_space<hbm>> -> memref<8x128xf32, #tpu.memory_space<hbm>>
    %dma_start3A_356 = tpu.memref_slice %arg8[%dma_start3A_349] : memref<2x!tpu.dma_semaphore, #tpu.memory_space<semaphore_mem>> -> memref<1x!tpu.dma_semaphore, #tpu.memory_space<semaphore_mem>>
    %dma_start3A_357 = tpu.memref_squeeze %dma_start3A_356 : memref<1x!tpu.dma_semaphore, #tpu.memory_space<semaphore_mem>> -> memref<!tpu.dma_semaphore, #tpu.memory_space<semaphore_mem>>
    %dma_start3A_358 = arith.constant 16 : i32
    %dma_start3A_359 = arith.constant 0 : i32
    %dma_start3A_360 = tpu.memref_slice %arg5[%dma_start3A_348, %dma_start3A_358, %dma_start3A_359] : memref<2x64x128xf32, #tpu.memory_space<vmem>> -> memref<1x8x128xf32, #tpu.memory_space<vmem>>
    %dma_start3A_361 = tpu.memref_squeeze %dma_start3A_360 : memref<1x8x128xf32, #tpu.memory_space<vmem>> -> memref<8x128xf32, #tpu.memory_space<vmem>>
    %dma_start3A_362 = arith.constant 16 : i32
    %dma_start3A_363 = tpu.memref_slice %arg2[%dma_start3A_362, %mul3A_347] : memref<64x1000000xf32, #tpu.memory_space<hbm>> -> memref<8x128xf32, #tpu.memory_space<hbm>>
    tpu.enqueue_dma source(%dma_start3A_363 : memref<8x128xf32, #tpu.memory_space<hbm>>) target(%dma_start3A_361 : memref<8x128xf32, #tpu.memory_space<vmem>>) target_semaphore(%dma_start3A_357 : memref<!tpu.dma_semaphore, #tpu.memory_space<semaphore_mem>>)
    %mul3A_364 = arith.constant 128 : i32
    %mul3A_365 = arith.muli %min3A_309, %mul3A_364 : i32
    %dma_start3A_366 = arith.constant 1 : i32
    %dma_start3A_367 = arith.constant 1 : i32
    %dma_start3A_368 = arith.constant 24 : i32
    %dma_start3A_369 = arith.constant 0 : i32
    %dma_start3A_370 = tpu.memref_slice %arg5[%dma_start3A_366, %dma_start3A_368, %dma_start3A_369] : memref<2x64x128xf32, #tpu.memory_space<vmem>> -> memref<1x8x128xf32, #tpu.memory_space<vmem>>
    %dma_start3A_371 = tpu.memref_squeeze %dma_start3A_370 : memref<1x8x128xf32, #tpu.memory_space<vmem>> -> memref<8x128xf32, #tpu.memory_space<vmem>>
    %dma_start3A_372 = arith.constant 24 : i32
    %dma_start3A_373 = tpu.memref_slice %arg2[%dma_start3A_372, %mul3A_365] : memref<64x1000000xf32, #tpu.memory_space<hbm>> -> memref<8x128xf32, #tpu.memory_space<hbm>>
    %dma_start3A_374 = tpu.memref_slice %arg8[%dma_start3A_367] : memref<2x!tpu.dma_semaphore, #tpu.memory_space<semaphore_mem>> -> memref<1x!tpu.dma_semaphore, #tpu.memory_space<semaphore_mem>>
    %dma_start3A_375 = tpu.memref_squeeze %dma_start3A_374 : memref<1x!tpu.dma_semaphore, #tpu.memory_space<semaphore_mem>> -> memref<!tpu.dma_semaphore, #tpu.memory_space<semaphore_mem>>
    %dma_start3A_376 = arith.constant 24 : i32
    %dma_start3A_377 = arith.constant 0 : i32
    %dma_start3A_378 = tpu.memref_slice %arg5[%dma_start3A_366, %dma_start3A_376, %dma_start3A_377] : memref<2x64x128xf32, #tpu.memory_space<vmem>> -> memref<1x8x128xf32, #tpu.memory_space<vmem>>
    %dma_start3A_379 = tpu.memref_squeeze %dma_start3A_378 : memref<1x8x128xf32, #tpu.memory_space<vmem>> -> memref<8x128xf32, #tpu.memory_space<vmem>>
    %dma_start3A_380 = arith.constant 24 : i32
    %dma_start3A_381 = tpu.memref_slice %arg2[%dma_start3A_380, %mul3A_365] : memref<64x1000000xf32, #tpu.memory_space<hbm>> -> memref<8x128xf32, #tpu.memory_space<hbm>>
    tpu.enqueue_dma source(%dma_start3A_381 : memref<8x128xf32, #tpu.memory_space<hbm>>) target(%dma_start3A_379 : memref<8x128xf32, #tpu.memory_space<vmem>>) target_semaphore(%dma_start3A_375 : memref<!tpu.dma_semaphore, #tpu.memory_space<semaphore_mem>>)
    %mul3A_382 = arith.constant 128 : i32
    %mul3A_383 = arith.muli %min3A_309, %mul3A_382 : i32
    %dma_start3A_384 = arith.constant 1 : i32
    %dma_start3A_385 = arith.constant 1 : i32
    %dma_start3A_386 = arith.constant 32 : i32
    %dma_start3A_387 = arith.constant 0 : i32
    %dma_start3A_388 = tpu.memref_slice %arg5[%dma_start3A_384, %dma_start3A_386, %dma_start3A_387] : memref<2x64x128xf32, #tpu.memory_space<vmem>> -> memref<1x8x128xf32, #tpu.memory_space<vmem>>
    %dma_start3A_389 = tpu.memref_squeeze %dma_start3A_388 : memref<1x8x128xf32, #tpu.memory_space<vmem>> -> memref<8x128xf32, #tpu.memory_space<vmem>>
    %dma_start3A_390 = arith.constant 32 : i32
    %dma_start3A_391 = tpu.memref_slice %arg2[%dma_start3A_390, %mul3A_383] : memref<64x1000000xf32, #tpu.memory_space<hbm>> -> memref<8x128xf32, #tpu.memory_space<hbm>>
    %dma_start3A_392 = tpu.memref_slice %arg8[%dma_start3A_385] : memref<2x!tpu.dma_semaphore, #tpu.memory_space<semaphore_mem>> -> memref<1x!tpu.dma_semaphore, #tpu.memory_space<semaphore_mem>>
    %dma_start3A_393 = tpu.memref_squeeze %dma_start3A_392 : memref<1x!tpu.dma_semaphore, #tpu.memory_space<semaphore_mem>> -> memref<!tpu.dma_semaphore, #tpu.memory_space<semaphore_mem>>
    %dma_start3A_394 = arith.constant 32 : i32
    %dma_start3A_395 = arith.constant 0 : i32
    %dma_start3A_396 = tpu.memref_slice %arg5[%dma_start3A_384, %dma_start3A_394, %dma_start3A_395] : memref<2x64x128xf32, #tpu.memory_space<vmem>> -> memref<1x8x128xf32, #tpu.memory_space<vmem>>
    %dma_start3A_397 = tpu.memref_squeeze %dma_start3A_396 : memref<1x8x128xf32, #tpu.memory_space<vmem>> -> memref<8x128xf32, #tpu.memory_space<vmem>>
    %dma_start3A_398 = arith.constant 32 : i32
    %dma_start3A_399 = tpu.memref_slice %arg2[%dma_start3A_398, %mul3A_383] : memref<64x1000000xf32, #tpu.memory_space<hbm>> -> memref<8x128xf32, #tpu.memory_space<hbm>>
    tpu.enqueue_dma source(%dma_start3A_399 : memref<8x128xf32, #tpu.memory_space<hbm>>) target(%dma_start3A_397 : memref<8x128xf32, #tpu.memory_space<vmem>>) target_semaphore(%dma_start3A_393 : memref<!tpu.dma_semaphore, #tpu.memory_space<semaphore_mem>>)
    %mul3A_400 = arith.constant 128 : i32
    %mul3A_401 = arith.muli %min3A_309, %mul3A_400 : i32
    %dma_start3A_402 = arith.constant 1 : i32
    %dma_start3A_403 = arith.constant 1 : i32
    %dma_start3A_404 = arith.constant 40 : i32
    %dma_start3A_405 = arith.constant 0 : i32
    %dma_start3A_406 = tpu.memref_slice %arg5[%dma_start3A_402, %dma_start3A_404, %dma_start3A_405] : memref<2x64x128xf32, #tpu.memory_space<vmem>> -> memref<1x8x128xf32, #tpu.memory_space<vmem>>
    %dma_start3A_407 = tpu.memref_squeeze %dma_start3A_406 : memref<1x8x128xf32, #tpu.memory_space<vmem>> -> memref<8x128xf32, #tpu.memory_space<vmem>>
    %dma_start3A_408 = arith.constant 40 : i32
    %dma_start3A_409 = tpu.memref_slice %arg2[%dma_start3A_408, %mul3A_401] : memref<64x1000000xf32, #tpu.memory_space<hbm>> -> memref<8x128xf32, #tpu.memory_space<hbm>>
    %dma_start3A_410 = tpu.memref_slice %arg8[%dma_start3A_403] : memref<2x!tpu.dma_semaphore, #tpu.memory_space<semaphore_mem>> -> memref<1x!tpu.dma_semaphore, #tpu.memory_space<semaphore_mem>>
    %dma_start3A_411 = tpu.memref_squeeze %dma_start3A_410 : memref<1x!tpu.dma_semaphore, #tpu.memory_space<semaphore_mem>> -> memref<!tpu.dma_semaphore, #tpu.memory_space<semaphore_mem>>
    %dma_start3A_412 = arith.constant 40 : i32
    %dma_start3A_413 = arith.constant 0 : i32
    %dma_start3A_414 = tpu.memref_slice %arg5[%dma_start3A_402, %dma_start3A_412, %dma_start3A_413] : memref<2x64x128xf32, #tpu.memory_space<vmem>> -> memref<1x8x128xf32, #tpu.memory_space<vmem>>
    %dma_start3A_415 = tpu.memref_squeeze %dma_start3A_414 : memref<1x8x128xf32, #tpu.memory_space<vmem>> -> memref<8x128xf32, #tpu.memory_space<vmem>>
    %dma_start3A_416 = arith.constant 40 : i32
    %dma_start3A_417 = tpu.memref_slice %arg2[%dma_start3A_416, %mul3A_401] : memref<64x1000000xf32, #tpu.memory_space<hbm>> -> memref<8x128xf32, #tpu.memory_space<hbm>>
    tpu.enqueue_dma source(%dma_start3A_417 : memref<8x128xf32, #tpu.memory_space<hbm>>) target(%dma_start3A_415 : memref<8x128xf32, #tpu.memory_space<vmem>>) target_semaphore(%dma_start3A_411 : memref<!tpu.dma_semaphore, #tpu.memory_space<semaphore_mem>>)
    %mul3A_418 = arith.constant 128 : i32
    %mul3A_419 = arith.muli %min3A_309, %mul3A_418 : i32
    %dma_start3A_420 = arith.constant 1 : i32
    %dma_start3A_421 = arith.constant 1 : i32
    %dma_start3A_422 = arith.constant 48 : i32
    %dma_start3A_423 = arith.constant 0 : i32
    %dma_start3A_424 = tpu.memref_slice %arg5[%dma_start3A_420, %dma_start3A_422, %dma_start3A_423] : memref<2x64x128xf32, #tpu.memory_space<vmem>> -> memref<1x8x128xf32, #tpu.memory_space<vmem>>
    %dma_start3A_425 = tpu.memref_squeeze %dma_start3A_424 : memref<1x8x128xf32, #tpu.memory_space<vmem>> -> memref<8x128xf32, #tpu.memory_space<vmem>>
    %dma_start3A_426 = arith.constant 48 : i32
    %dma_start3A_427 = tpu.memref_slice %arg2[%dma_start3A_426, %mul3A_419] : memref<64x1000000xf32, #tpu.memory_space<hbm>> -> memref<8x128xf32, #tpu.memory_space<hbm>>
    %dma_start3A_428 = tpu.memref_slice %arg8[%dma_start3A_421] : memref<2x!tpu.dma_semaphore, #tpu.memory_space<semaphore_mem>> -> memref<1x!tpu.dma_semaphore, #tpu.memory_space<semaphore_mem>>
    %dma_start3A_429 = tpu.memref_squeeze %dma_start3A_428 : memref<1x!tpu.dma_semaphore, #tpu.memory_space<semaphore_mem>> -> memref<!tpu.dma_semaphore, #tpu.memory_space<semaphore_mem>>
    %dma_start3A_430 = arith.constant 48 : i32
    %dma_start3A_431 = arith.constant 0 : i32
    %dma_start3A_432 = tpu.memref_slice %arg5[%dma_start3A_420, %dma_start3A_430, %dma_start3A_431] : memref<2x64x128xf32, #tpu.memory_space<vmem>> -> memref<1x8x128xf32, #tpu.memory_space<vmem>>
    %dma_start3A_433 = tpu.memref_squeeze %dma_start3A_432 : memref<1x8x128xf32, #tpu.memory_space<vmem>> -> memref<8x128xf32, #tpu.memory_space<vmem>>
    %dma_start3A_434 = arith.constant 48 : i32
    %dma_start3A_435 = tpu.memref_slice %arg2[%dma_start3A_434, %mul3A_419] : memref<64x1000000xf32, #tpu.memory_space<hbm>> -> memref<8x128xf32, #tpu.memory_space<hbm>>
    tpu.enqueue_dma source(%dma_start3A_435 : memref<8x128xf32, #tpu.memory_space<hbm>>) target(%dma_start3A_433 : memref<8x128xf32, #tpu.memory_space<vmem>>) target_semaphore(%dma_start3A_429 : memref<!tpu.dma_semaphore, #tpu.memory_space<semaphore_mem>>)
    %mul3A_436 = arith.constant 128 : i32
    %mul3A_437 = arith.muli %min3A_309, %mul3A_436 : i32
    %dma_start3A_438 = arith.constant 1 : i32
    %dma_start3A_439 = arith.constant 1 : i32
    %dma_start3A_440 = arith.constant 56 : i32
    %dma_start3A_441 = arith.constant 0 : i32
    %dma_start3A_442 = tpu.memref_slice %arg5[%dma_start3A_438, %dma_start3A_440, %dma_start3A_441] : memref<2x64x128xf32, #tpu.memory_space<vmem>> -> memref<1x8x128xf32, #tpu.memory_space<vmem>>
    %dma_start3A_443 = tpu.memref_squeeze %dma_start3A_442 : memref<1x8x128xf32, #tpu.memory_space<vmem>> -> memref<8x128xf32, #tpu.memory_space<vmem>>
    %dma_start3A_444 = arith.constant 56 : i32
    %dma_start3A_445 = tpu.memref_slice %arg2[%dma_start3A_444, %mul3A_437] : memref<64x1000000xf32, #tpu.memory_space<hbm>> -> memref<8x128xf32, #tpu.memory_space<hbm>>
    %dma_start3A_446 = tpu.memref_slice %arg8[%dma_start3A_439] : memref<2x!tpu.dma_semaphore, #tpu.memory_space<semaphore_mem>> -> memref<1x!tpu.dma_semaphore, #tpu.memory_space<semaphore_mem>>
    %dma_start3A_447 = tpu.memref_squeeze %dma_start3A_446 : memref<1x!tpu.dma_semaphore, #tpu.memory_space<semaphore_mem>> -> memref<!tpu.dma_semaphore, #tpu.memory_space<semaphore_mem>>
    %dma_start3A_448 = arith.constant 56 : i32
    %dma_start3A_449 = arith.constant 0 : i32
    %dma_start3A_450 = tpu.memref_slice %arg5[%dma_start3A_438, %dma_start3A_448, %dma_start3A_449] : memref<2x64x128xf32, #tpu.memory_space<vmem>> -> memref<1x8x128xf32, #tpu.memory_space<vmem>>
    %dma_start3A_451 = tpu.memref_squeeze %dma_start3A_450 : memref<1x8x128xf32, #tpu.memory_space<vmem>> -> memref<8x128xf32, #tpu.memory_space<vmem>>
    %dma_start3A_452 = arith.constant 56 : i32
    %dma_start3A_453 = tpu.memref_slice %arg2[%dma_start3A_452, %mul3A_437] : memref<64x1000000xf32, #tpu.memory_space<hbm>> -> memref<8x128xf32, #tpu.memory_space<hbm>>
    tpu.enqueue_dma source(%dma_start3A_453 : memref<8x128xf32, #tpu.memory_space<hbm>>) target(%dma_start3A_451 : memref<8x128xf32, #tpu.memory_space<vmem>>) target_semaphore(%dma_start3A_447 : memref<!tpu.dma_semaphore, #tpu.memory_space<semaphore_mem>>)
    %scan3A = arith.constant 0 : i32
    %scan3A_454 = arith.constant 0 : i32
    %scan3A_455 = arith.constant 245 : i32
    %scan3A_456 = arith.addi %scan3A_454, %scan3A_455 : i32
    %scan3A_457 = arith.constant 1 : i32
    scf.for %scan3A_494 = %scan3A_454 to %scan3A_456 step %scan3A_457  : i32 {
      %and3A_495 = arith.constant 1 : i32
      %and3A_496 = arith.andi %scan3A_494, %and3A_495 : i32
      %mul3A_497 = arith.constant 32 : i32
      %mul3A_498 = arith.muli %mul3A_497, %scan3A_494 : i32
      %add3A_499 = arith.addi %add3A, %mul3A_498 : i32
      %min3A_500 = arith.constant 7811 : i32
      %min3A_501 = arith.minsi %add3A_499, %min3A_500 : i32
      %mul3A_502 = arith.constant 128 : i32
      %mul3A_503 = arith.muli %min3A_501, %mul3A_502 : i32
      %dma_wait3A_504 = arith.constant 0 : i32
      %dma_wait3A_505 = arith.constant 0 : i32
      %dma_wait3A_506 = tpu.memref_slice %arg5[%and3A_496, %dma_wait3A_504, %dma_wait3A_505] : memref<2x64x128xf32, #tpu.memory_space<vmem>> -> memref<1x8x128xf32, #tpu.memory_space<vmem>>
      %dma_wait3A_507 = tpu.memref_squeeze %dma_wait3A_506 : memref<1x8x128xf32, #tpu.memory_space<vmem>> -> memref<8x128xf32, #tpu.memory_space<vmem>>
      %dma_wait3A_508 = arith.constant 0 : i32
      %dma_wait3A_509 = tpu.memref_slice %arg2[%dma_wait3A_508, %mul3A_503] : memref<64x1000000xf32, #tpu.memory_space<hbm>> -> memref<8x128xf32, #tpu.memory_space<hbm>>
      %dma_wait3A_510 = tpu.memref_slice %arg8[%and3A_496] : memref<2x!tpu.dma_semaphore, #tpu.memory_space<semaphore_mem>> -> memref<1x!tpu.dma_semaphore, #tpu.memory_space<semaphore_mem>>
      %dma_wait3A_511 = tpu.memref_squeeze %dma_wait3A_510 : memref<1x!tpu.dma_semaphore, #tpu.memory_space<semaphore_mem>> -> memref<!tpu.dma_semaphore, #tpu.memory_space<semaphore_mem>>
      %dma_wait3A_512 = arith.constant 0 : i32
      %dma_wait3A_513 = arith.constant 0 : i32
      %dma_wait3A_514 = tpu.memref_slice %arg5[%and3A_496, %dma_wait3A_512, %dma_wait3A_513] : memref<2x64x128xf32, #tpu.memory_space<vmem>> -> memref<1x8x128xf32, #tpu.memory_space<vmem>>
      %dma_wait3A_515 = tpu.memref_squeeze %dma_wait3A_514 : memref<1x8x128xf32, #tpu.memory_space<vmem>> -> memref<8x128xf32, #tpu.memory_space<vmem>>
      %dma_wait3A_516 = arith.constant 0 : i32
      %dma_wait3A_517 = tpu.memref_slice %arg2[%dma_wait3A_516, %mul3A_503] : memref<64x1000000xf32, #tpu.memory_space<hbm>> -> memref<8x128xf32, #tpu.memory_space<hbm>>
      tpu.wait_dma2 semaphore(%dma_wait3A_511 : memref<!tpu.dma_semaphore, #tpu.memory_space<semaphore_mem>>) src(%dma_wait3A_517 : memref<8x128xf32, #tpu.memory_space<hbm>>) dst(%dma_wait3A_515 : memref<8x128xf32, #tpu.memory_space<vmem>>)
      %mul3A_518 = arith.constant 128 : i32
      %mul3A_519 = arith.muli %min3A_501, %mul3A_518 : i32
      %dma_wait3A_520 = arith.constant 8 : i32
      %dma_wait3A_521 = arith.constant 0 : i32
      %dma_wait3A_522 = tpu.memref_slice %arg5[%and3A_496, %dma_wait3A_520, %dma_wait3A_521] : memref<2x64x128xf32, #tpu.memory_space<vmem>> -> memref<1x8x128xf32, #tpu.memory_space<vmem>>
      %dma_wait3A_523 = tpu.memref_squeeze %dma_wait3A_522 : memref<1x8x128xf32, #tpu.memory_space<vmem>> -> memref<8x128xf32, #tpu.memory_space<vmem>>
      %dma_wait3A_524 = arith.constant 8 : i32
      %dma_wait3A_525 = tpu.memref_slice %arg2[%dma_wait3A_524, %mul3A_519] : memref<64x1000000xf32, #tpu.memory_space<hbm>> -> memref<8x128xf32, #tpu.memory_space<hbm>>
      %dma_wait3A_526 = tpu.memref_slice %arg8[%and3A_496] : memref<2x!tpu.dma_semaphore, #tpu.memory_space<semaphore_mem>> -> memref<1x!tpu.dma_semaphore, #tpu.memory_space<semaphore_mem>>
      %dma_wait3A_527 = tpu.memref_squeeze %dma_wait3A_526 : memref<1x!tpu.dma_semaphore, #tpu.memory_space<semaphore_mem>> -> memref<!tpu.dma_semaphore, #tpu.memory_space<semaphore_mem>>
      %dma_wait3A_528 = arith.constant 8 : i32
      %dma_wait3A_529 = arith.constant 0 : i32
      %dma_wait3A_530 = tpu.memref_slice %arg5[%and3A_496, %dma_wait3A_528, %dma_wait3A_529] : memref<2x64x128xf32, #tpu.memory_space<vmem>> -> memref<1x8x128xf32, #tpu.memory_space<vmem>>
      %dma_wait3A_531 = tpu.memref_squeeze %dma_wait3A_530 : memref<1x8x128xf32, #tpu.memory_space<vmem>> -> memref<8x128xf32, #tpu.memory_space<vmem>>
      %dma_wait3A_532 = arith.constant 8 : i32
      %dma_wait3A_533 = tpu.memref_slice %arg2[%dma_wait3A_532, %mul3A_519] : memref<64x1000000xf32, #tpu.memory_space<hbm>> -> memref<8x128xf32, #tpu.memory_space<hbm>>
      tpu.wait_dma2 semaphore(%dma_wait3A_527 : memref<!tpu.dma_semaphore, #tpu.memory_space<semaphore_mem>>) src(%dma_wait3A_533 : memref<8x128xf32, #tpu.memory_space<hbm>>) dst(%dma_wait3A_531 : memref<8x128xf32, #tpu.memory_space<vmem>>)
      %mul3A_534 = arith.constant 128 : i32
      %mul3A_535 = arith.muli %min3A_501, %mul3A_534 : i32
      %dma_wait3A_536 = arith.constant 16 : i32
      %dma_wait3A_537 = arith.constant 0 : i32
      %dma_wait3A_538 = tpu.memref_slice %arg5[%and3A_496, %dma_wait3A_536, %dma_wait3A_537] : memref<2x64x128xf32, #tpu.memory_space<vmem>> -> memref<1x8x128xf32, #tpu.memory_space<vmem>>
      %dma_wait3A_539 = tpu.memref_squeeze %dma_wait3A_538 : memref<1x8x128xf32, #tpu.memory_space<vmem>> -> memref<8x128xf32, #tpu.memory_space<vmem>>
      %dma_wait3A_540 = arith.constant 16 : i32
      %dma_wait3A_541 = tpu.memref_slice %arg2[%dma_wait3A_540, %mul3A_535] : memref<64x1000000xf32, #tpu.memory_space<hbm>> -> memref<8x128xf32, #tpu.memory_space<hbm>>
      %dma_wait3A_542 = tpu.memref_slice %arg8[%and3A_496] : memref<2x!tpu.dma_semaphore, #tpu.memory_space<semaphore_mem>> -> memref<1x!tpu.dma_semaphore, #tpu.memory_space<semaphore_mem>>
      %dma_wait3A_543 = tpu.memref_squeeze %dma_wait3A_542 : memref<1x!tpu.dma_semaphore, #tpu.memory_space<semaphore_mem>> -> memref<!tpu.dma_semaphore, #tpu.memory_space<semaphore_mem>>
      %dma_wait3A_544 = arith.constant 16 : i32
      %dma_wait3A_545 = arith.constant 0 : i32
      %dma_wait3A_546 = tpu.memref_slice %arg5[%and3A_496, %dma_wait3A_544, %dma_wait3A_545] : memref<2x64x128xf32, #tpu.memory_space<vmem>> -> memref<1x8x128xf32, #tpu.memory_space<vmem>>
      %dma_wait3A_547 = tpu.memref_squeeze %dma_wait3A_546 : memref<1x8x128xf32, #tpu.memory_space<vmem>> -> memref<8x128xf32, #tpu.memory_space<vmem>>
      %dma_wait3A_548 = arith.constant 16 : i32
      %dma_wait3A_549 = tpu.memref_slice %arg2[%dma_wait3A_548, %mul3A_535] : memref<64x1000000xf32, #tpu.memory_space<hbm>> -> memref<8x128xf32, #tpu.memory_space<hbm>>
      tpu.wait_dma2 semaphore(%dma_wait3A_543 : memref<!tpu.dma_semaphore, #tpu.memory_space<semaphore_mem>>) src(%dma_wait3A_549 : memref<8x128xf32, #tpu.memory_space<hbm>>) dst(%dma_wait3A_547 : memref<8x128xf32, #tpu.memory_space<vmem>>)
      %mul3A_550 = arith.constant 128 : i32
      %mul3A_551 = arith.muli %min3A_501, %mul3A_550 : i32
      %dma_wait3A_552 = arith.constant 24 : i32
      %dma_wait3A_553 = arith.constant 0 : i32
      %dma_wait3A_554 = tpu.memref_slice %arg5[%and3A_496, %dma_wait3A_552, %dma_wait3A_553] : memref<2x64x128xf32, #tpu.memory_space<vmem>> -> memref<1x8x128xf32, #tpu.memory_space<vmem>>
      %dma_wait3A_555 = tpu.memref_squeeze %dma_wait3A_554 : memref<1x8x128xf32, #tpu.memory_space<vmem>> -> memref<8x128xf32, #tpu.memory_space<vmem>>
      %dma_wait3A_556 = arith.constant 24 : i32
      %dma_wait3A_557 = tpu.memref_slice %arg2[%dma_wait3A_556, %mul3A_551] : memref<64x1000000xf32, #tpu.memory_space<hbm>> -> memref<8x128xf32, #tpu.memory_space<hbm>>
      %dma_wait3A_558 = tpu.memref_slice %arg8[%and3A_496] : memref<2x!tpu.dma_semaphore, #tpu.memory_space<semaphore_mem>> -> memref<1x!tpu.dma_semaphore, #tpu.memory_space<semaphore_mem>>
      %dma_wait3A_559 = tpu.memref_squeeze %dma_wait3A_558 : memref<1x!tpu.dma_semaphore, #tpu.memory_space<semaphore_mem>> -> memref<!tpu.dma_semaphore, #tpu.memory_space<semaphore_mem>>
      %dma_wait3A_560 = arith.constant 24 : i32
      %dma_wait3A_561 = arith.constant 0 : i32
      %dma_wait3A_562 = tpu.memref_slice %arg5[%and3A_496, %dma_wait3A_560, %dma_wait3A_561] : memref<2x64x128xf32, #tpu.memory_space<vmem>> -> memref<1x8x128xf32, #tpu.memory_space<vmem>>
      %dma_wait3A_563 = tpu.memref_squeeze %dma_wait3A_562 : memref<1x8x128xf32, #tpu.memory_space<vmem>> -> memref<8x128xf32, #tpu.memory_space<vmem>>
      %dma_wait3A_564 = arith.constant 24 : i32
      %dma_wait3A_565 = tpu.memref_slice %arg2[%dma_wait3A_564, %mul3A_551] : memref<64x1000000xf32, #tpu.memory_space<hbm>> -> memref<8x128xf32, #tpu.memory_space<hbm>>
      tpu.wait_dma2 semaphore(%dma_wait3A_559 : memref<!tpu.dma_semaphore, #tpu.memory_space<semaphore_mem>>) src(%dma_wait3A_565 : memref<8x128xf32, #tpu.memory_space<hbm>>) dst(%dma_wait3A_563 : memref<8x128xf32, #tpu.memory_space<vmem>>)
      %mul3A_566 = arith.constant 128 : i32
      %mul3A_567 = arith.muli %min3A_501, %mul3A_566 : i32
      %dma_wait3A_568 = arith.constant 32 : i32
      %dma_wait3A_569 = arith.constant 0 : i32
      %dma_wait3A_570 = tpu.memref_slice %arg5[%and3A_496, %dma_wait3A_568, %dma_wait3A_569] : memref<2x64x128xf32, #tpu.memory_space<vmem>> -> memref<1x8x128xf32, #tpu.memory_space<vmem>>
      %dma_wait3A_571 = tpu.memref_squeeze %dma_wait3A_570 : memref<1x8x128xf32, #tpu.memory_space<vmem>> -> memref<8x128xf32, #tpu.memory_space<vmem>>
      %dma_wait3A_572 = arith.constant 32 : i32
      %dma_wait3A_573 = tpu.memref_slice %arg2[%dma_wait3A_572, %mul3A_567] : memref<64x1000000xf32, #tpu.memory_space<hbm>> -> memref<8x128xf32, #tpu.memory_space<hbm>>
      %dma_wait3A_574 = tpu.memref_slice %arg8[%and3A_496] : memref<2x!tpu.dma_semaphore, #tpu.memory_space<semaphore_mem>> -> memref<1x!tpu.dma_semaphore, #tpu.memory_space<semaphore_mem>>
      %dma_wait3A_575 = tpu.memref_squeeze %dma_wait3A_574 : memref<1x!tpu.dma_semaphore, #tpu.memory_space<semaphore_mem>> -> memref<!tpu.dma_semaphore, #tpu.memory_space<semaphore_mem>>
      %dma_wait3A_576 = arith.constant 32 : i32
      %dma_wait3A_577 = arith.constant 0 : i32
      %dma_wait3A_578 = tpu.memref_slice %arg5[%and3A_496, %dma_wait3A_576, %dma_wait3A_577] : memref<2x64x128xf32, #tpu.memory_space<vmem>> -> memref<1x8x128xf32, #tpu.memory_space<vmem>>
      %dma_wait3A_579 = tpu.memref_squeeze %dma_wait3A_578 : memref<1x8x128xf32, #tpu.memory_space<vmem>> -> memref<8x128xf32, #tpu.memory_space<vmem>>
      %dma_wait3A_580 = arith.constant 32 : i32
      %dma_wait3A_581 = tpu.memref_slice %arg2[%dma_wait3A_580, %mul3A_567] : memref<64x1000000xf32, #tpu.memory_space<hbm>> -> memref<8x128xf32, #tpu.memory_space<hbm>>
      tpu.wait_dma2 semaphore(%dma_wait3A_575 : memref<!tpu.dma_semaphore, #tpu.memory_space<semaphore_mem>>) src(%dma_wait3A_581 : memref<8x128xf32, #tpu.memory_space<hbm>>) dst(%dma_wait3A_579 : memref<8x128xf32, #tpu.memory_space<vmem>>)
      %mul3A_582 = arith.constant 128 : i32
      %mul3A_583 = arith.muli %min3A_501, %mul3A_582 : i32
      %dma_wait3A_584 = arith.constant 40 : i32
      %dma_wait3A_585 = arith.constant 0 : i32
      %dma_wait3A_586 = tpu.memref_slice %arg5[%and3A_496, %dma_wait3A_584, %dma_wait3A_585] : memref<2x64x128xf32, #tpu.memory_space<vmem>> -> memref<1x8x128xf32, #tpu.memory_space<vmem>>
      %dma_wait3A_587 = tpu.memref_squeeze %dma_wait3A_586 : memref<1x8x128xf32, #tpu.memory_space<vmem>> -> memref<8x128xf32, #tpu.memory_space<vmem>>
      %dma_wait3A_588 = arith.constant 40 : i32
      %dma_wait3A_589 = tpu.memref_slice %arg2[%dma_wait3A_588, %mul3A_583] : memref<64x1000000xf32, #tpu.memory_space<hbm>> -> memref<8x128xf32, #tpu.memory_space<hbm>>
      %dma_wait3A_590 = tpu.memref_slice %arg8[%and3A_496] : memref<2x!tpu.dma_semaphore, #tpu.memory_space<semaphore_mem>> -> memref<1x!tpu.dma_semaphore, #tpu.memory_space<semaphore_mem>>
      %dma_wait3A_591 = tpu.memref_squeeze %dma_wait3A_590 : memref<1x!tpu.dma_semaphore, #tpu.memory_space<semaphore_mem>> -> memref<!tpu.dma_semaphore, #tpu.memory_space<semaphore_mem>>
      %dma_wait3A_592 = arith.constant 40 : i32
      %dma_wait3A_593 = arith.constant 0 : i32
      %dma_wait3A_594 = tpu.memref_slice %arg5[%and3A_496, %dma_wait3A_592, %dma_wait3A_593] : memref<2x64x128xf32, #tpu.memory_space<vmem>> -> memref<1x8x128xf32, #tpu.memory_space<vmem>>
      %dma_wait3A_595 = tpu.memref_squeeze %dma_wait3A_594 : memref<1x8x128xf32, #tpu.memory_space<vmem>> -> memref<8x128xf32, #tpu.memory_space<vmem>>
      %dma_wait3A_596 = arith.constant 40 : i32
      %dma_wait3A_597 = tpu.memref_slice %arg2[%dma_wait3A_596, %mul3A_583] : memref<64x1000000xf32, #tpu.memory_space<hbm>> -> memref<8x128xf32, #tpu.memory_space<hbm>>
      tpu.wait_dma2 semaphore(%dma_wait3A_591 : memref<!tpu.dma_semaphore, #tpu.memory_space<semaphore_mem>>) src(%dma_wait3A_597 : memref<8x128xf32, #tpu.memory_space<hbm>>) dst(%dma_wait3A_595 : memref<8x128xf32, #tpu.memory_space<vmem>>)
      %mul3A_598 = arith.constant 128 : i32
      %mul3A_599 = arith.muli %min3A_501, %mul3A_598 : i32
      %dma_wait3A_600 = arith.constant 48 : i32
      %dma_wait3A_601 = arith.constant 0 : i32
      %dma_wait3A_602 = tpu.memref_slice %arg5[%and3A_496, %dma_wait3A_600, %dma_wait3A_601] : memref<2x64x128xf32, #tpu.memory_space<vmem>> -> memref<1x8x128xf32, #tpu.memory_space<vmem>>
      %dma_wait3A_603 = tpu.memref_squeeze %dma_wait3A_602 : memref<1x8x128xf32, #tpu.memory_space<vmem>> -> memref<8x128xf32, #tpu.memory_space<vmem>>
      %dma_wait3A_604 = arith.constant 48 : i32
      %dma_wait3A_605 = tpu.memref_slice %arg2[%dma_wait3A_604, %mul3A_599] : memref<64x1000000xf32, #tpu.memory_space<hbm>> -> memref<8x128xf32, #tpu.memory_space<hbm>>
      %dma_wait3A_606 = tpu.memref_slice %arg8[%and3A_496] : memref<2x!tpu.dma_semaphore, #tpu.memory_space<semaphore_mem>> -> memref<1x!tpu.dma_semaphore, #tpu.memory_space<semaphore_mem>>
      %dma_wait3A_607 = tpu.memref_squeeze %dma_wait3A_606 : memref<1x!tpu.dma_semaphore, #tpu.memory_space<semaphore_mem>> -> memref<!tpu.dma_semaphore, #tpu.memory_space<semaphore_mem>>
      %dma_wait3A_608 = arith.constant 48 : i32
      %dma_wait3A_609 = arith.constant 0 : i32
      %dma_wait3A_610 = tpu.memref_slice %arg5[%and3A_496, %dma_wait3A_608, %dma_wait3A_609] : memref<2x64x128xf32, #tpu.memory_space<vmem>> -> memref<1x8x128xf32, #tpu.memory_space<vmem>>
      %dma_wait3A_611 = tpu.memref_squeeze %dma_wait3A_610 : memref<1x8x128xf32, #tpu.memory_space<vmem>> -> memref<8x128xf32, #tpu.memory_space<vmem>>
      %dma_wait3A_612 = arith.constant 48 : i32
      %dma_wait3A_613 = tpu.memref_slice %arg2[%dma_wait3A_612, %mul3A_599] : memref<64x1000000xf32, #tpu.memory_space<hbm>> -> memref<8x128xf32, #tpu.memory_space<hbm>>
      tpu.wait_dma2 semaphore(%dma_wait3A_607 : memref<!tpu.dma_semaphore, #tpu.memory_space<semaphore_mem>>) src(%dma_wait3A_613 : memref<8x128xf32, #tpu.memory_space<hbm>>) dst(%dma_wait3A_611 : memref<8x128xf32, #tpu.memory_space<vmem>>)
      %mul3A_614 = arith.constant 128 : i32
      %mul3A_615 = arith.muli %min3A_501, %mul3A_614 : i32
      %dma_wait3A_616 = arith.constant 56 : i32
      %dma_wait3A_617 = arith.constant 0 : i32
      %dma_wait3A_618 = tpu.memref_slice %arg5[%and3A_496, %dma_wait3A_616, %dma_wait3A_617] : memref<2x64x128xf32, #tpu.memory_space<vmem>> -> memref<1x8x128xf32, #tpu.memory_space<vmem>>
      %dma_wait3A_619 = tpu.memref_squeeze %dma_wait3A_618 : memref<1x8x128xf32, #tpu.memory_space<vmem>> -> memref<8x128xf32, #tpu.memory_space<vmem>>
      %dma_wait3A_620 = arith.constant 56 : i32
      %dma_wait3A_621 = tpu.memref_slice %arg2[%dma_wait3A_620, %mul3A_615] : memref<64x1000000xf32, #tpu.memory_space<hbm>> -> memref<8x128xf32, #tpu.memory_space<hbm>>
      %dma_wait3A_622 = tpu.memref_slice %arg8[%and3A_496] : memref<2x!tpu.dma_semaphore, #tpu.memory_space<semaphore_mem>> -> memref<1x!tpu.dma_semaphore, #tpu.memory_space<semaphore_mem>>
      %dma_wait3A_623 = tpu.memref_squeeze %dma_wait3A_622 : memref<1x!tpu.dma_semaphore, #tpu.memory_space<semaphore_mem>> -> memref<!tpu.dma_semaphore, #tpu.memory_space<semaphore_mem>>
      %dma_wait3A_624 = arith.constant 56 : i32
      %dma_wait3A_625 = arith.constant 0 : i32
      %dma_wait3A_626 = tpu.memref_slice %arg5[%and3A_496, %dma_wait3A_624, %dma_wait3A_625] : memref<2x64x128xf32, #tpu.memory_space<vmem>> -> memref<1x8x128xf32, #tpu.memory_space<vmem>>
      %dma_wait3A_627 = tpu.memref_squeeze %dma_wait3A_626 : memref<1x8x128xf32, #tpu.memory_space<vmem>> -> memref<8x128xf32, #tpu.memory_space<vmem>>
      %dma_wait3A_628 = arith.constant 56 : i32
      %dma_wait3A_629 = tpu.memref_slice %arg2[%dma_wait3A_628, %mul3A_615] : memref<64x1000000xf32, #tpu.memory_space<hbm>> -> memref<8x128xf32, #tpu.memory_space<hbm>>
      tpu.wait_dma2 semaphore(%dma_wait3A_623 : memref<!tpu.dma_semaphore, #tpu.memory_space<semaphore_mem>>) src(%dma_wait3A_629 : memref<8x128xf32, #tpu.memory_space<hbm>>) dst(%dma_wait3A_627 : memref<8x128xf32, #tpu.memory_space<vmem>>)
      %ge3A = arith.constant 2 : i32
      %ge3A_630 = arith.cmpi sge, %scan3A_494, %ge3A : i32
      %convert_element_type3A = arith.extui %ge3A_630 : i1 to i32
      %cond3A = arith.constant 0 : i32
      %cond3A_631 = arith.cmpi ne, %convert_element_type3A, %cond3A : i32
      scf.if %cond3A_631 {
        %sub3A = arith.constant 2 : i32
        %sub3A_654 = arith.subi %scan3A_494, %sub3A : i32
        %mul3A_655 = arith.constant 32 : i32
        %mul3A_656 = arith.muli %mul3A_655, %sub3A_654 : i32
        %add3A_657 = arith.addi %add3A, %mul3A_656 : i32
        %min3A_658 = arith.constant 7811 : i32
        %min3A_659 = arith.minsi %add3A_657, %min3A_658 : i32
        %mul3A_660 = arith.constant 8192 : i32
        %mul3A_661 = arith.muli %and3A_496, %mul3A_660 : i32
        %mul3A_662 = arith.constant 8192 : i32
        %mul3A_663 = arith.muli %min3A_659, %mul3A_662 : i32
        %dma_wait3A_664 = tpu.memref_slice %arg6[%mul3A_661] : memref<16384xf32, #tpu.memory_space<vmem>> -> memref<8192xf32, #tpu.memory_space<vmem>>
        %dma_wait3A_665 = tpu.memref_slice %arg4[%mul3A_663] : memref<64000000xf32, #tpu.memory_space<hbm>> -> memref<8192xf32, #tpu.memory_space<hbm>>
        %dma_wait3A_666 = tpu.memref_slice %arg9[%and3A_496] : memref<2x!tpu.dma_semaphore, #tpu.memory_space<semaphore_mem>> -> memref<1x!tpu.dma_semaphore, #tpu.memory_space<semaphore_mem>>
        %dma_wait3A_667 = tpu.memref_squeeze %dma_wait3A_666 : memref<1x!tpu.dma_semaphore, #tpu.memory_space<semaphore_mem>> -> memref<!tpu.dma_semaphore, #tpu.memory_space<semaphore_mem>>
        %dma_wait3A_668 = tpu.memref_slice %arg4[%mul3A_663] : memref<64000000xf32, #tpu.memory_space<hbm>> -> memref<8192xf32, #tpu.memory_space<hbm>>
        %dma_wait3A_669 = tpu.memref_slice %arg6[%mul3A_661] : memref<16384xf32, #tpu.memory_space<vmem>> -> memref<8192xf32, #tpu.memory_space<vmem>>
        tpu.wait_dma2 semaphore(%dma_wait3A_667 : memref<!tpu.dma_semaphore, #tpu.memory_space<semaphore_mem>>) src(%dma_wait3A_669 : memref<8192xf32, #tpu.memory_space<vmem>>) dst(%dma_wait3A_668 : memref<8192xf32, #tpu.memory_space<hbm>>)
      } else {
      }
      %mul3A_632 = arith.constant 8192 : i32
      %mul3A_633 = arith.muli %and3A_496, %mul3A_632 : i32
      %scan3A_634 = arith.constant 0 : i32
      %scan3A_635 = arith.constant 0 : i32
      %scan3A_636 = arith.constant 8 : i32
      %scan3A_637 = arith.addi %scan3A_635, %scan3A_636 : i32
      %scan3A_638 = arith.constant 1 : i32
      scf.for %scan3A_654 = %scan3A_635 to %scan3A_637 step %scan3A_638  : i32 {
        %mul3A_655 = arith.constant 16 : i32
        %mul3A_656 = arith.muli %scan3A_654, %mul3A_655 : i32
        %add3A_657 = vector.broadcast %mul3A_656 : i32 to vector<16xi32>
        %add3A_658 = arith.addi %add3A_657, %iota3A : vector<16xi32>
        %mul3A_659 = arith.constant 16 : i32
        %mul3A_660 = arith.muli %scan3A_654, %mul3A_659 : i32
        %mul3A_661 = arith.constant 64 : i32
        %mul3A_662 = arith.muli %mul3A_660, %mul3A_661 : i32
        %add3A_663 = arith.constant 0 : i32
        %add3A_664 = arith.addi %mul3A_662, %add3A_663 : i32
        %add3A_665 = arith.constant 0 : i32
        %add3A_666 = vector.broadcast %add3A_665 : i32 to vector<16xi32>
        %add3A_667 = arith.addi %add3A_666, %and3A_5 : vector<16xi32>
        %gather3A = arith.constant 0 : i32
        %gather3A_668 = arith.constant 0 : i32
        %gather3A_669 = tpu.memref_slice %arg5[%and3A_496, %gather3A, %gather3A_668] : memref<2x64x128xf32, #tpu.memory_space<vmem>> -> memref<1x64x128xf32, #tpu.memory_space<vmem>>
        %gather3A_670 = tpu.memref_squeeze %gather3A_669 : memref<1x64x128xf32, #tpu.memory_space<vmem>> -> memref<64x128xf32, #tpu.memory_space<vmem>>
        %gather3A_671 = tpu.vector_load_idx %gather3A_670[%add3A_667, %add3A_658] : memref<64x128xf32, #tpu.memory_space<vmem>>[vector<16xi32>, vector<16xi32>], vector<16xf32>,
        %add3A_672 = arith.constant 0 : i32
        %add3A_673 = vector.broadcast %add3A_672 : i32 to vector<16xi32>
        %add3A_674 = arith.addi %add3A_673, %and3A_11 : vector<16xi32>
        %gather3A_675 = arith.constant 0 : i32
        %gather3A_676 = arith.constant 0 : i32
        %gather3A_677 = tpu.memref_slice %arg5[%and3A_496, %gather3A_675, %gather3A_676] : memref<2x64x128xf32, #tpu.memory_space<vmem>> -> memref<1x64x128xf32, #tpu.memory_space<vmem>>
        %gather3A_678 = tpu.memref_squeeze %gather3A_677 : memref<1x64x128xf32, #tpu.memory_space<vmem>> -> memref<64x128xf32, #tpu.memory_space<vmem>>
        %gather3A_679 = tpu.vector_load_idx %gather3A_678[%add3A_674, %add3A_658] : memref<64x128xf32, #tpu.memory_space<vmem>>[vector<16xi32>, vector<16xi32>], vector<16xf32>,
        %add3A_680 = arith.constant 0 : i32
        %add3A_681 = vector.broadcast %add3A_680 : i32 to vector<16xi32>
        %add3A_682 = arith.addi %add3A_681, %and3A_17 : vector<16xi32>
        %gather3A_683 = arith.constant 0 : i32
        %gather3A_684 = arith.constant 0 : i32
        %gather3A_685 = tpu.memref_slice %arg5[%and3A_496, %gather3A_683, %gather3A_684] : memref<2x64x128xf32, #tpu.memory_space<vmem>> -> memref<1x64x128xf32, #tpu.memory_space<vmem>>
        %gather3A_686 = tpu.memref_squeeze %gather3A_685 : memref<1x64x128xf32, #tpu.memory_space<vmem>> -> memref<64x128xf32, #tpu.memory_space<vmem>>
        %gather3A_687 = tpu.vector_load_idx %gather3A_686[%add3A_682, %add3A_658] : memref<64x128xf32, #tpu.memory_space<vmem>>[vector<16xi32>, vector<16xi32>], vector<16xf32>,
        %add3A_688 = arith.constant 0 : i32
        %add3A_689 = vector.broadcast %add3A_688 : i32 to vector<16xi32>
        %add3A_690 = arith.addi %add3A_689, %and3A_23 : vector<16xi32>
        %gather3A_691 = arith.constant 0 : i32
        %gather3A_692 = arith.constant 0 : i32
        %gather3A_693 = tpu.memref_slice %arg5[%and3A_496, %gather3A_691, %gather3A_692] : memref<2x64x128xf32, #tpu.memory_space<vmem>> -> memref<1x64x128xf32, #tpu.memory_space<vmem>>
        %gather3A_694 = tpu.memref_squeeze %gather3A_693 : memref<1x64x128xf32, #tpu.memory_space<vmem>> -> memref<64x128xf32, #tpu.memory_space<vmem>>
        %gather3A_695 = tpu.vector_load_idx %gather3A_694[%add3A_690, %add3A_658] : memref<64x128xf32, #tpu.memory_space<vmem>>[vector<16xi32>, vector<16xi32>], vector<16xf32>,
        %add3A_696 = arith.constant 0 : i32
        %add3A_697 = vector.broadcast %add3A_696 : i32 to vector<16xi32>
        %add3A_698 = arith.addi %add3A_697, %and3A_29 : vector<16xi32>
        %gather3A_699 = arith.constant 0 : i32
        %gather3A_700 = arith.constant 0 : i32
        %gather3A_701 = tpu.memref_slice %arg5[%and3A_496, %gather3A_699, %gather3A_700] : memref<2x64x128xf32, #tpu.memory_space<vmem>> -> memref<1x64x128xf32, #tpu.memory_space<vmem>>
        %gather3A_702 = tpu.memref_squeeze %gather3A_701 : memref<1x64x128xf32, #tpu.memory_space<vmem>> -> memref<64x128xf32, #tpu.memory_space<vmem>>
        %gather3A_703 = tpu.vector_load_idx %gather3A_702[%add3A_698, %add3A_658] : memref<64x128xf32, #tpu.memory_space<vmem>>[vector<16xi32>, vector<16xi32>], vector<16xf32>,
        %add3A_704 = arith.constant 0 : i32
        %add3A_705 = vector.broadcast %add3A_704 : i32 to vector<16xi32>
        %add3A_706 = arith.addi %add3A_705, %and3A_35 : vector<16xi32>
        %gather3A_707 = arith.constant 0 : i32
        %gather3A_708 = arith.constant 0 : i32
        %gather3A_709 = tpu.memref_slice %arg5[%and3A_496, %gather3A_707, %gather3A_708] : memref<2x64x128xf32, #tpu.memory_space<vmem>> -> memref<1x64x128xf32, #tpu.memory_space<vmem>>
        %gather3A_710 = tpu.memref_squeeze %gather3A_709 : memref<1x64x128xf32, #tpu.memory_space<vmem>> -> memref<64x128xf32, #tpu.memory_space<vmem>>
        %gather3A_711 = tpu.vector_load_idx %gather3A_710[%add3A_706, %add3A_658] : memref<64x128xf32, #tpu.memory_space<vmem>>[vector<16xi32>, vector<16xi32>], vector<16xf32>,
        %add3A_712 = arith.constant 0 : i32
        %add3A_713 = vector.broadcast %add3A_712 : i32 to vector<16xi32>
        %add3A_714 = arith.addi %add3A_713, %and3A_41 : vector<16xi32>
        %gather3A_715 = arith.constant 0 : i32
        %gather3A_716 = arith.constant 0 : i32
        %gather3A_717 = tpu.memref_slice %arg5[%and3A_496, %gather3A_715, %gather3A_716] : memref<2x64x128xf32, #tpu.memory_space<vmem>> -> memref<1x64x128xf32, #tpu.memory_space<vmem>>
        %gather3A_718 = tpu.memref_squeeze %gather3A_717 : memref<1x64x128xf32, #tpu.memory_space<vmem>> -> memref<64x128xf32, #tpu.memory_space<vmem>>
        %gather3A_719 = tpu.vector_load_idx %gather3A_718[%add3A_714, %add3A_658] : memref<64x128xf32, #tpu.memory_space<vmem>>[vector<16xi32>, vector<16xi32>], vector<16xf32>,
        %add3A_720 = arith.constant 0 : i32
        %add3A_721 = vector.broadcast %add3A_720 : i32 to vector<16xi32>
        %add3A_722 = arith.addi %add3A_721, %and3A_47 : vector<16xi32>
        %gather3A_723 = arith.constant 0 : i32
        %gather3A_724 = arith.constant 0 : i32
        %gather3A_725 = tpu.memref_slice %arg5[%and3A_496, %gather3A_723, %gather3A_724] : memref<2x64x128xf32, #tpu.memory_space<vmem>> -> memref<1x64x128xf32, #tpu.memory_space<vmem>>
        %gather3A_726 = tpu.memref_squeeze %gather3A_725 : memref<1x64x128xf32, #tpu.memory_space<vmem>> -> memref<64x128xf32, #tpu.memory_space<vmem>>
        %gather3A_727 = tpu.vector_load_idx %gather3A_726[%add3A_722, %add3A_658] : memref<64x128xf32, #tpu.memory_space<vmem>>[vector<16xi32>, vector<16xi32>], vector<16xf32>,
        %add3A_728 = arith.constant 0 : i32
        %add3A_729 = vector.broadcast %add3A_728 : i32 to vector<16xi32>
        %add3A_730 = arith.addi %add3A_729, %and3A_53 : vector<16xi32>
        %gather3A_731 = arith.constant 0 : i32
        %gather3A_732 = arith.constant 0 : i32
        %gather3A_733 = tpu.memref_slice %arg5[%and3A_496, %gather3A_731, %gather3A_732] : memref<2x64x128xf32, #tpu.memory_space<vmem>> -> memref<1x64x128xf32, #tpu.memory_space<vmem>>
        %gather3A_734 = tpu.memref_squeeze %gather3A_733 : memref<1x64x128xf32, #tpu.memory_space<vmem>> -> memref<64x128xf32, #tpu.memory_space<vmem>>
        %gather3A_735 = tpu.vector_load_idx %gather3A_734[%add3A_730, %add3A_658] : memref<64x128xf32, #tpu.memory_space<vmem>>[vector<16xi32>, vector<16xi32>], vector<16xf32>,
        %add3A_736 = arith.constant 0 : i32
        %add3A_737 = vector.broadcast %add3A_736 : i32 to vector<16xi32>
        %add3A_738 = arith.addi %add3A_737, %and3A_59 : vector<16xi32>
        %gather3A_739 = arith.constant 0 : i32
        %gather3A_740 = arith.constant 0 : i32
        %gather3A_741 = tpu.memref_slice %arg5[%and3A_496, %gather3A_739, %gather3A_740] : memref<2x64x128xf32, #tpu.memory_space<vmem>> -> memref<1x64x128xf32, #tpu.memory_space<vmem>>
        %gather3A_742 = tpu.memref_squeeze %gather3A_741 : memref<1x64x128xf32, #tpu.memory_space<vmem>> -> memref<64x128xf32, #tpu.memory_space<vmem>>
        %gather3A_743 = tpu.vector_load_idx %gather3A_742[%add3A_738, %add3A_658] : memref<64x128xf32, #tpu.memory_space<vmem>>[vector<16xi32>, vector<16xi32>], vector<16xf32>,
        %add3A_744 = arith.constant 0 : i32
        %add3A_745 = vector.broadcast %add3A_744 : i32 to vector<16xi32>
        %add3A_746 = arith.addi %add3A_745, %and3A_65 : vector<16xi32>
        %gather3A_747 = arith.constant 0 : i32
        %gather3A_748 = arith.constant 0 : i32
        %gather3A_749 = tpu.memref_slice %arg5[%and3A_496, %gather3A_747, %gather3A_748] : memref<2x64x128xf32, #tpu.memory_space<vmem>> -> memref<1x64x128xf32, #tpu.memory_space<vmem>>
        %gather3A_750 = tpu.memref_squeeze %gather3A_749 : memref<1x64x128xf32, #tpu.memory_space<vmem>> -> memref<64x128xf32, #tpu.memory_space<vmem>>
        %gather3A_751 = tpu.vector_load_idx %gather3A_750[%add3A_746, %add3A_658] : memref<64x128xf32, #tpu.memory_space<vmem>>[vector<16xi32>, vector<16xi32>], vector<16xf32>,
        %add3A_752 = arith.constant 0 : i32
        %add3A_753 = vector.broadcast %add3A_752 : i32 to vector<16xi32>
        %add3A_754 = arith.addi %add3A_753, %and3A_71 : vector<16xi32>
        %gather3A_755 = arith.constant 0 : i32
        %gather3A_756 = arith.constant 0 : i32
        %gather3A_757 = tpu.memref_slice %arg5[%and3A_496, %gather3A_755, %gather3A_756] : memref<2x64x128xf32, #tpu.memory_space<vmem>> -> memref<1x64x128xf32, #tpu.memory_space<vmem>>
        %gather3A_758 = tpu.memref_squeeze %gather3A_757 : memref<1x64x128xf32, #tpu.memory_space<vmem>> -> memref<64x128xf32, #tpu.memory_space<vmem>>
        %gather3A_759 = tpu.vector_load_idx %gather3A_758[%add3A_754, %add3A_658] : memref<64x128xf32, #tpu.memory_space<vmem>>[vector<16xi32>, vector<16xi32>], vector<16xf32>,
        %add3A_760 = arith.constant 0 : i32
        %add3A_761 = vector.broadcast %add3A_760 : i32 to vector<16xi32>
        %add3A_762 = arith.addi %add3A_761, %and3A_77 : vector<16xi32>
        %gather3A_763 = arith.constant 0 : i32
        %gather3A_764 = arith.constant 0 : i32
        %gather3A_765 = tpu.memref_slice %arg5[%and3A_496, %gather3A_763, %gather3A_764] : memref<2x64x128xf32, #tpu.memory_space<vmem>> -> memref<1x64x128xf32, #tpu.memory_space<vmem>>
        %gather3A_766 = tpu.memref_squeeze %gather3A_765 : memref<1x64x128xf32, #tpu.memory_space<vmem>> -> memref<64x128xf32, #tpu.memory_space<vmem>>
        %gather3A_767 = tpu.vector_load_idx %gather3A_766[%add3A_762, %add3A_658] : memref<64x128xf32, #tpu.memory_space<vmem>>[vector<16xi32>, vector<16xi32>], vector<16xf32>,
        %add3A_768 = arith.constant 0 : i32
        %add3A_769 = vector.broadcast %add3A_768 : i32 to vector<16xi32>
        %add3A_770 = arith.addi %add3A_769, %and3A_83 : vector<16xi32>
        %gather3A_771 = arith.constant 0 : i32
        %gather3A_772 = arith.constant 0 : i32
        %gather3A_773 = tpu.memref_slice %arg5[%and3A_496, %gather3A_771, %gather3A_772] : memref<2x64x128xf32, #tpu.memory_space<vmem>> -> memref<1x64x128xf32, #tpu.memory_space<vmem>>
        %gather3A_774 = tpu.memref_squeeze %gather3A_773 : memref<1x64x128xf32, #tpu.memory_space<vmem>> -> memref<64x128xf32, #tpu.memory_space<vmem>>
        %gather3A_775 = tpu.vector_load_idx %gather3A_774[%add3A_770, %add3A_658] : memref<64x128xf32, #tpu.memory_space<vmem>>[vector<16xi32>, vector<16xi32>], vector<16xf32>,
        %add3A_776 = arith.constant 0 : i32
        %add3A_777 = vector.broadcast %add3A_776 : i32 to vector<16xi32>
        %add3A_778 = arith.addi %add3A_777, %and3A_89 : vector<16xi32>
        %gather3A_779 = arith.constant 0 : i32
        %gather3A_780 = arith.constant 0 : i32
        %gather3A_781 = tpu.memref_slice %arg5[%and3A_496, %gather3A_779, %gather3A_780] : memref<2x64x128xf32, #tpu.memory_space<vmem>> -> memref<1x64x128xf32, #tpu.memory_space<vmem>>
        %gather3A_782 = tpu.memref_squeeze %gather3A_781 : memref<1x64x128xf32, #tpu.memory_space<vmem>> -> memref<64x128xf32, #tpu.memory_space<vmem>>
        %gather3A_783 = tpu.vector_load_idx %gather3A_782[%add3A_778, %add3A_658] : memref<64x128xf32, #tpu.memory_space<vmem>>[vector<16xi32>, vector<16xi32>], vector<16xf32>,
        %add3A_784 = arith.constant 0 : i32
        %add3A_785 = vector.broadcast %add3A_784 : i32 to vector<16xi32>
        %add3A_786 = arith.addi %add3A_785, %and3A_95 : vector<16xi32>
        %gather3A_787 = arith.constant 0 : i32
        %gather3A_788 = arith.constant 0 : i32
        %gather3A_789 = tpu.memref_slice %arg5[%and3A_496, %gather3A_787, %gather3A_788] : memref<2x64x128xf32, #tpu.memory_space<vmem>> -> memref<1x64x128xf32, #tpu.memory_space<vmem>>
        %gather3A_790 = tpu.memref_squeeze %gather3A_789 : memref<1x64x128xf32, #tpu.memory_space<vmem>> -> memref<64x128xf32, #tpu.memory_space<vmem>>
        %gather3A_791 = tpu.vector_load_idx %gather3A_790[%add3A_786, %add3A_658] : memref<64x128xf32, #tpu.memory_space<vmem>>[vector<16xi32>, vector<16xi32>], vector<16xf32>,
        %add3A_792 = vector.broadcast %add3A_664 : i32 to vector<16xi32>
        %add3A_793 = arith.addi %add3A_792, %add3A_99 : vector<16xi32>
        %scatter3A = tpu.memref_slice %arg6[%mul3A_633] : memref<16384xf32, #tpu.memory_space<vmem>> -> memref<8192xf32, #tpu.memory_space<vmem>>
        tpu.vector_store_idx %scatter3A[%add3A_793], %gather3A_671 : memref<8192xf32, #tpu.memory_space<vmem>>[vector<16xi32>], vector<16xf32>,
        %add3A_794 = vector.broadcast %add3A_664 : i32 to vector<16xi32>
        %add3A_795 = arith.addi %add3A_794, %add3A_103 : vector<16xi32>
        %scatter3A_796 = tpu.memref_slice %arg6[%mul3A_633] : memref<16384xf32, #tpu.memory_space<vmem>> -> memref<8192xf32, #tpu.memory_space<vmem>>
        tpu.vector_store_idx %scatter3A_796[%add3A_795], %gather3A_679 : memref<8192xf32, #tpu.memory_space<vmem>>[vector<16xi32>], vector<16xf32>,
        %add3A_797 = vector.broadcast %add3A_664 : i32 to vector<16xi32>
        %add3A_798 = arith.addi %add3A_797, %add3A_107 : vector<16xi32>
        %scatter3A_799 = tpu.memref_slice %arg6[%mul3A_633] : memref<16384xf32, #tpu.memory_space<vmem>> -> memref<8192xf32, #tpu.memory_space<vmem>>
        tpu.vector_store_idx %scatter3A_799[%add3A_798], %gather3A_687 : memref<8192xf32, #tpu.memory_space<vmem>>[vector<16xi32>], vector<16xf32>,
        %add3A_800 = vector.broadcast %add3A_664 : i32 to vector<16xi32>
        %add3A_801 = arith.addi %add3A_800, %add3A_111 : vector<16xi32>
        %scatter3A_802 = tpu.memref_slice %arg6[%mul3A_633] : memref<16384xf32, #tpu.memory_space<vmem>> -> memref<8192xf32, #tpu.memory_space<vmem>>
        tpu.vector_store_idx %scatter3A_802[%add3A_801], %gather3A_695 : memref<8192xf32, #tpu.memory_space<vmem>>[vector<16xi32>], vector<16xf32>,
        %add3A_803 = vector.broadcast %add3A_664 : i32 to vector<16xi32>
        %add3A_804 = arith.addi %add3A_803, %add3A_115 : vector<16xi32>
        %scatter3A_805 = tpu.memref_slice %arg6[%mul3A_633] : memref<16384xf32, #tpu.memory_space<vmem>> -> memref<8192xf32, #tpu.memory_space<vmem>>
        tpu.vector_store_idx %scatter3A_805[%add3A_804], %gather3A_703 : memref<8192xf32, #tpu.memory_space<vmem>>[vector<16xi32>], vector<16xf32>,
        %add3A_806 = vector.broadcast %add3A_664 : i32 to vector<16xi32>
        %add3A_807 = arith.addi %add3A_806, %add3A_119 : vector<16xi32>
        %scatter3A_808 = tpu.memref_slice %arg6[%mul3A_633] : memref<16384xf32, #tpu.memory_space<vmem>> -> memref<8192xf32, #tpu.memory_space<vmem>>
        tpu.vector_store_idx %scatter3A_808[%add3A_807], %gather3A_711 : memref<8192xf32, #tpu.memory_space<vmem>>[vector<16xi32>], vector<16xf32>,
        %add3A_809 = vector.broadcast %add3A_664 : i32 to vector<16xi32>
        %add3A_810 = arith.addi %add3A_809, %add3A_123 : vector<16xi32>
        %scatter3A_811 = tpu.memref_slice %arg6[%mul3A_633] : memref<16384xf32, #tpu.memory_space<vmem>> -> memref<8192xf32, #tpu.memory_space<vmem>>
        tpu.vector_store_idx %scatter3A_811[%add3A_810], %gather3A_719 : memref<8192xf32, #tpu.memory_space<vmem>>[vector<16xi32>], vector<16xf32>,
        %add3A_812 = vector.broadcast %add3A_664 : i32 to vector<16xi32>
        %add3A_813 = arith.addi %add3A_812, %add3A_127 : vector<16xi32>
        %scatter3A_814 = tpu.memref_slice %arg6[%mul3A_633] : memref<16384xf32, #tpu.memory_space<vmem>> -> memref<8192xf32, #tpu.memory_space<vmem>>
        tpu.vector_store_idx %scatter3A_814[%add3A_813], %gather3A_727 : memref<8192xf32, #tpu.memory_space<vmem>>[vector<16xi32>], vector<16xf32>,
        %add3A_815 = vector.broadcast %add3A_664 : i32 to vector<16xi32>
        %add3A_816 = arith.addi %add3A_815, %add3A_131 : vector<16xi32>
        %scatter3A_817 = tpu.memref_slice %arg6[%mul3A_633] : memref<16384xf32, #tpu.memory_space<vmem>> -> memref<8192xf32, #tpu.memory_space<vmem>>
        tpu.vector_store_idx %scatter3A_817[%add3A_816], %gather3A_735 : memref<8192xf32, #tpu.memory_space<vmem>>[vector<16xi32>], vector<16xf32>,
        %add3A_818 = vector.broadcast %add3A_664 : i32 to vector<16xi32>
        %add3A_819 = arith.addi %add3A_818, %add3A_135 : vector<16xi32>
        %scatter3A_820 = tpu.memref_slice %arg6[%mul3A_633] : memref<16384xf32, #tpu.memory_space<vmem>> -> memref<8192xf32, #tpu.memory_space<vmem>>
        tpu.vector_store_idx %scatter3A_820[%add3A_819], %gather3A_743 : memref<8192xf32, #tpu.memory_space<vmem>>[vector<16xi32>], vector<16xf32>,
        %add3A_821 = vector.broadcast %add3A_664 : i32 to vector<16xi32>
        %add3A_822 = arith.addi %add3A_821, %add3A_139 : vector<16xi32>
        %scatter3A_823 = tpu.memref_slice %arg6[%mul3A_633] : memref<16384xf32, #tpu.memory_space<vmem>> -> memref<8192xf32, #tpu.memory_space<vmem>>
        tpu.vector_store_idx %scatter3A_823[%add3A_822], %gather3A_751 : memref<8192xf32, #tpu.memory_space<vmem>>[vector<16xi32>], vector<16xf32>,
        %add3A_824 = vector.broadcast %add3A_664 : i32 to vector<16xi32>
        %add3A_825 = arith.addi %add3A_824, %add3A_143 : vector<16xi32>
        %scatter3A_826 = tpu.memref_slice %arg6[%mul3A_633] : memref<16384xf32, #tpu.memory_space<vmem>> -> memref<8192xf32, #tpu.memory_space<vmem>>
        tpu.vector_store_idx %scatter3A_826[%add3A_825], %gather3A_759 : memref<8192xf32, #tpu.memory_space<vmem>>[vector<16xi32>], vector<16xf32>,
        %add3A_827 = vector.broadcast %add3A_664 : i32 to vector<16xi32>
        %add3A_828 = arith.addi %add3A_827, %add3A_147 : vector<16xi32>
        %scatter3A_829 = tpu.memref_slice %arg6[%mul3A_633] : memref<16384xf32, #tpu.memory_space<vmem>> -> memref<8192xf32, #tpu.memory_space<vmem>>
        tpu.vector_store_idx %scatter3A_829[%add3A_828], %gather3A_767 : memref<8192xf32, #tpu.memory_space<vmem>>[vector<16xi32>], vector<16xf32>,
        %add3A_830 = vector.broadcast %add3A_664 : i32 to vector<16xi32>
        %add3A_831 = arith.addi %add3A_830, %add3A_151 : vector<16xi32>
        %scatter3A_832 = tpu.memref_slice %arg6[%mul3A_633] : memref<16384xf32, #tpu.memory_space<vmem>> -> memref<8192xf32, #tpu.memory_space<vmem>>
        tpu.vector_store_idx %scatter3A_832[%add3A_831], %gather3A_775 : memref<8192xf32, #tpu.memory_space<vmem>>[vector<16xi32>], vector<16xf32>,
        %add3A_833 = vector.broadcast %add3A_664 : i32 to vector<16xi32>
        %add3A_834 = arith.addi %add3A_833, %add3A_155 : vector<16xi32>
        %scatter3A_835 = tpu.memref_slice %arg6[%mul3A_633] : memref<16384xf32, #tpu.memory_space<vmem>> -> memref<8192xf32, #tpu.memory_space<vmem>>
        tpu.vector_store_idx %scatter3A_835[%add3A_834], %gather3A_783 : memref<8192xf32, #tpu.memory_space<vmem>>[vector<16xi32>], vector<16xf32>,
        %add3A_836 = vector.broadcast %add3A_664 : i32 to vector<16xi32>
        %add3A_837 = arith.addi %add3A_836, %add3A_159 : vector<16xi32>
        %scatter3A_838 = tpu.memref_slice %arg6[%mul3A_633] : memref<16384xf32, #tpu.memory_space<vmem>> -> memref<8192xf32, #tpu.memory_space<vmem>>
        tpu.vector_store_idx %scatter3A_838[%add3A_837], %gather3A_791 : memref<8192xf32, #tpu.memory_space<vmem>>[vector<16xi32>], vector<16xf32>,
        %mul3A_839 = arith.constant 16 : i32
        %mul3A_840 = arith.muli %scan3A_654, %mul3A_839 : i32
        %mul3A_841 = arith.constant 64 : i32
        %mul3A_842 = arith.muli %mul3A_840, %mul3A_841 : i32
        %add3A_843 = arith.constant 16 : i32
        %add3A_844 = arith.addi %mul3A_842, %add3A_843 : i32
        %add3A_845 = arith.constant 16 : i32
        %add3A_846 = vector.broadcast %add3A_845 : i32 to vector<16xi32>
        %add3A_847 = arith.addi %add3A_846, %and3A_5 : vector<16xi32>
        %gather3A_848 = arith.constant 0 : i32
        %gather3A_849 = arith.constant 0 : i32
        %gather3A_850 = tpu.memref_slice %arg5[%and3A_496, %gather3A_848, %gather3A_849] : memref<2x64x128xf32, #tpu.memory_space<vmem>> -> memref<1x64x128xf32, #tpu.memory_space<vmem>>
        %gather3A_851 = tpu.memref_squeeze %gather3A_850 : memref<1x64x128xf32, #tpu.memory_space<vmem>> -> memref<64x128xf32, #tpu.memory_space<vmem>>
        %gather3A_852 = tpu.vector_load_idx %gather3A_851[%add3A_847, %add3A_658] : memref<64x128xf32, #tpu.memory_space<vmem>>[vector<16xi32>, vector<16xi32>], vector<16xf32>,
        %add3A_853 = arith.constant 16 : i32
        %add3A_854 = vector.broadcast %add3A_853 : i32 to vector<16xi32>
        %add3A_855 = arith.addi %add3A_854, %and3A_11 : vector<16xi32>
        %gather3A_856 = arith.constant 0 : i32
        %gather3A_857 = arith.constant 0 : i32
        %gather3A_858 = tpu.memref_slice %arg5[%and3A_496, %gather3A_856, %gather3A_857] : memref<2x64x128xf32, #tpu.memory_space<vmem>> -> memref<1x64x128xf32, #tpu.memory_space<vmem>>
        %gather3A_859 = tpu.memref_squeeze %gather3A_858 : memref<1x64x128xf32, #tpu.memory_space<vmem>> -> memref<64x128xf32, #tpu.memory_space<vmem>>
        %gather3A_860 = tpu.vector_load_idx %gather3A_859[%add3A_855, %add3A_658] : memref<64x128xf32, #tpu.memory_space<vmem>>[vector<16xi32>, vector<16xi32>], vector<16xf32>,
        %add3A_861 = arith.constant 16 : i32
        %add3A_862 = vector.broadcast %add3A_861 : i32 to vector<16xi32>
        %add3A_863 = arith.addi %add3A_862, %and3A_17 : vector<16xi32>
        %gather3A_864 = arith.constant 0 : i32
        %gather3A_865 = arith.constant 0 : i32
        %gather3A_866 = tpu.memref_slice %arg5[%and3A_496, %gather3A_864, %gather3A_865] : memref<2x64x128xf32, #tpu.memory_space<vmem>> -> memref<1x64x128xf32, #tpu.memory_space<vmem>>
        %gather3A_867 = tpu.memref_squeeze %gather3A_866 : memref<1x64x128xf32, #tpu.memory_space<vmem>> -> memref<64x128xf32, #tpu.memory_space<vmem>>
        %gather3A_868 = tpu.vector_load_idx %gather3A_867[%add3A_863, %add3A_658] : memref<64x128xf32, #tpu.memory_space<vmem>>[vector<16xi32>, vector<16xi32>], vector<16xf32>,
        %add3A_869 = arith.constant 16 : i32
        %add3A_870 = vector.broadcast %add3A_869 : i32 to vector<16xi32>
        %add3A_871 = arith.addi %add3A_870, %and3A_23 : vector<16xi32>
        %gather3A_872 = arith.constant 0 : i32
        %gather3A_873 = arith.constant 0 : i32
        %gather3A_874 = tpu.memref_slice %arg5[%and3A_496, %gather3A_872, %gather3A_873] : memref<2x64x128xf32, #tpu.memory_space<vmem>> -> memref<1x64x128xf32, #tpu.memory_space<vmem>>
        %gather3A_875 = tpu.memref_squeeze %gather3A_874 : memref<1x64x128xf32, #tpu.memory_space<vmem>> -> memref<64x128xf32, #tpu.memory_space<vmem>>
        %gather3A_876 = tpu.vector_load_idx %gather3A_875[%add3A_871, %add3A_658] : memref<64x128xf32, #tpu.memory_space<vmem>>[vector<16xi32>, vector<16xi32>], vector<16xf32>,
        %add3A_877 = arith.constant 16 : i32
        %add3A_878 = vector.broadcast %add3A_877 : i32 to vector<16xi32>
        %add3A_879 = arith.addi %add3A_878, %and3A_29 : vector<16xi32>
        %gather3A_880 = arith.constant 0 : i32
        %gather3A_881 = arith.constant 0 : i32
        %gather3A_882 = tpu.memref_slice %arg5[%and3A_496, %gather3A_880, %gather3A_881] : memref<2x64x128xf32, #tpu.memory_space<vmem>> -> memref<1x64x128xf32, #tpu.memory_space<vmem>>
        %gather3A_883 = tpu.memref_squeeze %gather3A_882 : memref<1x64x128xf32, #tpu.memory_space<vmem>> -> memref<64x128xf32, #tpu.memory_space<vmem>>
        %gather3A_884 = tpu.vector_load_idx %gather3A_883[%add3A_879, %add3A_658] : memref<64x128xf32, #tpu.memory_space<vmem>>[vector<16xi32>, vector<16xi32>], vector<16xf32>,
        %add3A_885 = arith.constant 16 : i32
        %add3A_886 = vector.broadcast %add3A_885 : i32 to vector<16xi32>
        %add3A_887 = arith.addi %add3A_886, %and3A_35 : vector<16xi32>
        %gather3A_888 = arith.constant 0 : i32
        %gather3A_889 = arith.constant 0 : i32
        %gather3A_890 = tpu.memref_slice %arg5[%and3A_496, %gather3A_888, %gather3A_889] : memref<2x64x128xf32, #tpu.memory_space<vmem>> -> memref<1x64x128xf32, #tpu.memory_space<vmem>>
        %gather3A_891 = tpu.memref_squeeze %gather3A_890 : memref<1x64x128xf32, #tpu.memory_space<vmem>> -> memref<64x128xf32, #tpu.memory_space<vmem>>
        %gather3A_892 = tpu.vector_load_idx %gather3A_891[%add3A_887, %add3A_658] : memref<64x128xf32, #tpu.memory_space<vmem>>[vector<16xi32>, vector<16xi32>], vector<16xf32>,
        %add3A_893 = arith.constant 16 : i32
        %add3A_894 = vector.broadcast %add3A_893 : i32 to vector<16xi32>
        %add3A_895 = arith.addi %add3A_894, %and3A_41 : vector<16xi32>
        %gather3A_896 = arith.constant 0 : i32
        %gather3A_897 = arith.constant 0 : i32
        %gather3A_898 = tpu.memref_slice %arg5[%and3A_496, %gather3A_896, %gather3A_897] : memref<2x64x128xf32, #tpu.memory_space<vmem>> -> memref<1x64x128xf32, #tpu.memory_space<vmem>>
        %gather3A_899 = tpu.memref_squeeze %gather3A_898 : memref<1x64x128xf32, #tpu.memory_space<vmem>> -> memref<64x128xf32, #tpu.memory_space<vmem>>
        %gather3A_900 = tpu.vector_load_idx %gather3A_899[%add3A_895, %add3A_658] : memref<64x128xf32, #tpu.memory_space<vmem>>[vector<16xi32>, vector<16xi32>], vector<16xf32>,
        %add3A_901 = arith.constant 16 : i32
        %add3A_902 = vector.broadcast %add3A_901 : i32 to vector<16xi32>
        %add3A_903 = arith.addi %add3A_902, %and3A_47 : vector<16xi32>
        %gather3A_904 = arith.constant 0 : i32
        %gather3A_905 = arith.constant 0 : i32
        %gather3A_906 = tpu.memref_slice %arg5[%and3A_496, %gather3A_904, %gather3A_905] : memref<2x64x128xf32, #tpu.memory_space<vmem>> -> memref<1x64x128xf32, #tpu.memory_space<vmem>>
        %gather3A_907 = tpu.memref_squeeze %gather3A_906 : memref<1x64x128xf32, #tpu.memory_space<vmem>> -> memref<64x128xf32, #tpu.memory_space<vmem>>
        %gather3A_908 = tpu.vector_load_idx %gather3A_907[%add3A_903, %add3A_658] : memref<64x128xf32, #tpu.memory_space<vmem>>[vector<16xi32>, vector<16xi32>], vector<16xf32>,
        %add3A_909 = arith.constant 16 : i32
        %add3A_910 = vector.broadcast %add3A_909 : i32 to vector<16xi32>
        %add3A_911 = arith.addi %add3A_910, %and3A_53 : vector<16xi32>
        %gather3A_912 = arith.constant 0 : i32
        %gather3A_913 = arith.constant 0 : i32
        %gather3A_914 = tpu.memref_slice %arg5[%and3A_496, %gather3A_912, %gather3A_913] : memref<2x64x128xf32, #tpu.memory_space<vmem>> -> memref<1x64x128xf32, #tpu.memory_space<vmem>>
        %gather3A_915 = tpu.memref_squeeze %gather3A_914 : memref<1x64x128xf32, #tpu.memory_space<vmem>> -> memref<64x128xf32, #tpu.memory_space<vmem>>
        %gather3A_916 = tpu.vector_load_idx %gather3A_915[%add3A_911, %add3A_658] : memref<64x128xf32, #tpu.memory_space<vmem>>[vector<16xi32>, vector<16xi32>], vector<16xf32>,
        %add3A_917 = arith.constant 16 : i32
        %add3A_918 = vector.broadcast %add3A_917 : i32 to vector<16xi32>
        %add3A_919 = arith.addi %add3A_918, %and3A_59 : vector<16xi32>
        %gather3A_920 = arith.constant 0 : i32
        %gather3A_921 = arith.constant 0 : i32
        %gather3A_922 = tpu.memref_slice %arg5[%and3A_496, %gather3A_920, %gather3A_921] : memref<2x64x128xf32, #tpu.memory_space<vmem>> -> memref<1x64x128xf32, #tpu.memory_space<vmem>>
        %gather3A_923 = tpu.memref_squeeze %gather3A_922 : memref<1x64x128xf32, #tpu.memory_space<vmem>> -> memref<64x128xf32, #tpu.memory_space<vmem>>
        %gather3A_924 = tpu.vector_load_idx %gather3A_923[%add3A_919, %add3A_658] : memref<64x128xf32, #tpu.memory_space<vmem>>[vector<16xi32>, vector<16xi32>], vector<16xf32>,
        %add3A_925 = arith.constant 16 : i32
        %add3A_926 = vector.broadcast %add3A_925 : i32 to vector<16xi32>
        %add3A_927 = arith.addi %add3A_926, %and3A_65 : vector<16xi32>
        %gather3A_928 = arith.constant 0 : i32
        %gather3A_929 = arith.constant 0 : i32
        %gather3A_930 = tpu.memref_slice %arg5[%and3A_496, %gather3A_928, %gather3A_929] : memref<2x64x128xf32, #tpu.memory_space<vmem>> -> memref<1x64x128xf32, #tpu.memory_space<vmem>>
        %gather3A_931 = tpu.memref_squeeze %gather3A_930 : memref<1x64x128xf32, #tpu.memory_space<vmem>> -> memref<64x128xf32, #tpu.memory_space<vmem>>
        %gather3A_932 = tpu.vector_load_idx %gather3A_931[%add3A_927, %add3A_658] : memref<64x128xf32, #tpu.memory_space<vmem>>[vector<16xi32>, vector<16xi32>], vector<16xf32>,
        %add3A_933 = arith.constant 16 : i32
        %add3A_934 = vector.broadcast %add3A_933 : i32 to vector<16xi32>
        %add3A_935 = arith.addi %add3A_934, %and3A_71 : vector<16xi32>
        %gather3A_936 = arith.constant 0 : i32
        %gather3A_937 = arith.constant 0 : i32
        %gather3A_938 = tpu.memref_slice %arg5[%and3A_496, %gather3A_936, %gather3A_937] : memref<2x64x128xf32, #tpu.memory_space<vmem>> -> memref<1x64x128xf32, #tpu.memory_space<vmem>>
        %gather3A_939 = tpu.memref_squeeze %gather3A_938 : memref<1x64x128xf32, #tpu.memory_space<vmem>> -> memref<64x128xf32, #tpu.memory_space<vmem>>
        %gather3A_940 = tpu.vector_load_idx %gather3A_939[%add3A_935, %add3A_658] : memref<64x128xf32, #tpu.memory_space<vmem>>[vector<16xi32>, vector<16xi32>], vector<16xf32>,
        %add3A_941 = arith.constant 16 : i32
        %add3A_942 = vector.broadcast %add3A_941 : i32 to vector<16xi32>
        %add3A_943 = arith.addi %add3A_942, %and3A_77 : vector<16xi32>
        %gather3A_944 = arith.constant 0 : i32
        %gather3A_945 = arith.constant 0 : i32
        %gather3A_946 = tpu.memref_slice %arg5[%and3A_496, %gather3A_944, %gather3A_945] : memref<2x64x128xf32, #tpu.memory_space<vmem>> -> memref<1x64x128xf32, #tpu.memory_space<vmem>>
        %gather3A_947 = tpu.memref_squeeze %gather3A_946 : memref<1x64x128xf32, #tpu.memory_space<vmem>> -> memref<64x128xf32, #tpu.memory_space<vmem>>
        %gather3A_948 = tpu.vector_load_idx %gather3A_947[%add3A_943, %add3A_658] : memref<64x128xf32, #tpu.memory_space<vmem>>[vector<16xi32>, vector<16xi32>], vector<16xf32>,
        %add3A_949 = arith.constant 16 : i32
        %add3A_950 = vector.broadcast %add3A_949 : i32 to vector<16xi32>
        %add3A_951 = arith.addi %add3A_950, %and3A_83 : vector<16xi32>
        %gather3A_952 = arith.constant 0 : i32
        %gather3A_953 = arith.constant 0 : i32
        %gather3A_954 = tpu.memref_slice %arg5[%and3A_496, %gather3A_952, %gather3A_953] : memref<2x64x128xf32, #tpu.memory_space<vmem>> -> memref<1x64x128xf32, #tpu.memory_space<vmem>>
        %gather3A_955 = tpu.memref_squeeze %gather3A_954 : memref<1x64x128xf32, #tpu.memory_space<vmem>> -> memref<64x128xf32, #tpu.memory_space<vmem>>
        %gather3A_956 = tpu.vector_load_idx %gather3A_955[%add3A_951, %add3A_658] : memref<64x128xf32, #tpu.memory_space<vmem>>[vector<16xi32>, vector<16xi32>], vector<16xf32>,
        %add3A_957 = arith.constant 16 : i32
        %add3A_958 = vector.broadcast %add3A_957 : i32 to vector<16xi32>
        %add3A_959 = arith.addi %add3A_958, %and3A_89 : vector<16xi32>
        %gather3A_960 = arith.constant 0 : i32
        %gather3A_961 = arith.constant 0 : i32
        %gather3A_962 = tpu.memref_slice %arg5[%and3A_496, %gather3A_960, %gather3A_961] : memref<2x64x128xf32, #tpu.memory_space<vmem>> -> memref<1x64x128xf32, #tpu.memory_space<vmem>>
        %gather3A_963 = tpu.memref_squeeze %gather3A_962 : memref<1x64x128xf32, #tpu.memory_space<vmem>> -> memref<64x128xf32, #tpu.memory_space<vmem>>
        %gather3A_964 = tpu.vector_load_idx %gather3A_963[%add3A_959, %add3A_658] : memref<64x128xf32, #tpu.memory_space<vmem>>[vector<16xi32>, vector<16xi32>], vector<16xf32>,
        %add3A_965 = arith.constant 16 : i32
        %add3A_966 = vector.broadcast %add3A_965 : i32 to vector<16xi32>
        %add3A_967 = arith.addi %add3A_966, %and3A_95 : vector<16xi32>
        %gather3A_968 = arith.constant 0 : i32
        %gather3A_969 = arith.constant 0 : i32
        %gather3A_970 = tpu.memref_slice %arg5[%and3A_496, %gather3A_968, %gather3A_969] : memref<2x64x128xf32, #tpu.memory_space<vmem>> -> memref<1x64x128xf32, #tpu.memory_space<vmem>>
        %gather3A_971 = tpu.memref_squeeze %gather3A_970 : memref<1x64x128xf32, #tpu.memory_space<vmem>> -> memref<64x128xf32, #tpu.memory_space<vmem>>
        %gather3A_972 = tpu.vector_load_idx %gather3A_971[%add3A_967, %add3A_658] : memref<64x128xf32, #tpu.memory_space<vmem>>[vector<16xi32>, vector<16xi32>], vector<16xf32>,
        %add3A_973 = vector.broadcast %add3A_844 : i32 to vector<16xi32>
        %add3A_974 = arith.addi %add3A_973, %add3A_99 : vector<16xi32>
        %scatter3A_975 = tpu.memref_slice %arg6[%mul3A_633] : memref<16384xf32, #tpu.memory_space<vmem>> -> memref<8192xf32, #tpu.memory_space<vmem>>
        tpu.vector_store_idx %scatter3A_975[%add3A_974], %gather3A_852 : memref<8192xf32, #tpu.memory_space<vmem>>[vector<16xi32>], vector<16xf32>,
        %add3A_976 = vector.broadcast %add3A_844 : i32 to vector<16xi32>
        %add3A_977 = arith.addi %add3A_976, %add3A_103 : vector<16xi32>
        %scatter3A_978 = tpu.memref_slice %arg6[%mul3A_633] : memref<16384xf32, #tpu.memory_space<vmem>> -> memref<8192xf32, #tpu.memory_space<vmem>>
        tpu.vector_store_idx %scatter3A_978[%add3A_977], %gather3A_860 : memref<8192xf32, #tpu.memory_space<vmem>>[vector<16xi32>], vector<16xf32>,
        %add3A_979 = vector.broadcast %add3A_844 : i32 to vector<16xi32>
        %add3A_980 = arith.addi %add3A_979, %add3A_107 : vector<16xi32>
        %scatter3A_981 = tpu.memref_slice %arg6[%mul3A_633] : memref<16384xf32, #tpu.memory_space<vmem>> -> memref<8192xf32, #tpu.memory_space<vmem>>
        tpu.vector_store_idx %scatter3A_981[%add3A_980], %gather3A_868 : memref<8192xf32, #tpu.memory_space<vmem>>[vector<16xi32>], vector<16xf32>,
        %add3A_982 = vector.broadcast %add3A_844 : i32 to vector<16xi32>
        %add3A_983 = arith.addi %add3A_982, %add3A_111 : vector<16xi32>
        %scatter3A_984 = tpu.memref_slice %arg6[%mul3A_633] : memref<16384xf32, #tpu.memory_space<vmem>> -> memref<8192xf32, #tpu.memory_space<vmem>>
        tpu.vector_store_idx %scatter3A_984[%add3A_983], %gather3A_876 : memref<8192xf32, #tpu.memory_space<vmem>>[vector<16xi32>], vector<16xf32>,
        %add3A_985 = vector.broadcast %add3A_844 : i32 to vector<16xi32>
        %add3A_986 = arith.addi %add3A_985, %add3A_115 : vector<16xi32>
        %scatter3A_987 = tpu.memref_slice %arg6[%mul3A_633] : memref<16384xf32, #tpu.memory_space<vmem>> -> memref<8192xf32, #tpu.memory_space<vmem>>
        tpu.vector_store_idx %scatter3A_987[%add3A_986], %gather3A_884 : memref<8192xf32, #tpu.memory_space<vmem>>[vector<16xi32>], vector<16xf32>,
        %add3A_988 = vector.broadcast %add3A_844 : i32 to vector<16xi32>
        %add3A_989 = arith.addi %add3A_988, %add3A_119 : vector<16xi32>
        %scatter3A_990 = tpu.memref_slice %arg6[%mul3A_633] : memref<16384xf32, #tpu.memory_space<vmem>> -> memref<8192xf32, #tpu.memory_space<vmem>>
        tpu.vector_store_idx %scatter3A_990[%add3A_989], %gather3A_892 : memref<8192xf32, #tpu.memory_space<vmem>>[vector<16xi32>], vector<16xf32>,
        %add3A_991 = vector.broadcast %add3A_844 : i32 to vector<16xi32>
        %add3A_992 = arith.addi %add3A_991, %add3A_123 : vector<16xi32>
        %scatter3A_993 = tpu.memref_slice %arg6[%mul3A_633] : memref<16384xf32, #tpu.memory_space<vmem>> -> memref<8192xf32, #tpu.memory_space<vmem>>
        tpu.vector_store_idx %scatter3A_993[%add3A_992], %gather3A_900 : memref<8192xf32, #tpu.memory_space<vmem>>[vector<16xi32>], vector<16xf32>,
        %add3A_994 = vector.broadcast %add3A_844 : i32 to vector<16xi32>
        %add3A_995 = arith.addi %add3A_994, %add3A_127 : vector<16xi32>
        %scatter3A_996 = tpu.memref_slice %arg6[%mul3A_633] : memref<16384xf32, #tpu.memory_space<vmem>> -> memref<8192xf32, #tpu.memory_space<vmem>>
        tpu.vector_store_idx %scatter3A_996[%add3A_995], %gather3A_908 : memref<8192xf32, #tpu.memory_space<vmem>>[vector<16xi32>], vector<16xf32>,
        %add3A_997 = vector.broadcast %add3A_844 : i32 to vector<16xi32>
        %add3A_998 = arith.addi %add3A_997, %add3A_131 : vector<16xi32>
        %scatter3A_999 = tpu.memref_slice %arg6[%mul3A_633] : memref<16384xf32, #tpu.memory_space<vmem>> -> memref<8192xf32, #tpu.memory_space<vmem>>
        tpu.vector_store_idx %scatter3A_999[%add3A_998], %gather3A_916 : memref<8192xf32, #tpu.memory_space<vmem>>[vector<16xi32>], vector<16xf32>,
        %add3A_1000 = vector.broadcast %add3A_844 : i32 to vector<16xi32>
        %add3A_1001 = arith.addi %add3A_1000, %add3A_135 : vector<16xi32>
        %scatter3A_1002 = tpu.memref_slice %arg6[%mul3A_633] : memref<16384xf32, #tpu.memory_space<vmem>> -> memref<8192xf32, #tpu.memory_space<vmem>>
        tpu.vector_store_idx %scatter3A_1002[%add3A_1001], %gather3A_924 : memref<8192xf32, #tpu.memory_space<vmem>>[vector<16xi32>], vector<16xf32>,
        %add3A_1003 = vector.broadcast %add3A_844 : i32 to vector<16xi32>
        %add3A_1004 = arith.addi %add3A_1003, %add3A_139 : vector<16xi32>
        %scatter3A_1005 = tpu.memref_slice %arg6[%mul3A_633] : memref<16384xf32, #tpu.memory_space<vmem>> -> memref<8192xf32, #tpu.memory_space<vmem>>
        tpu.vector_store_idx %scatter3A_1005[%add3A_1004], %gather3A_932 : memref<8192xf32, #tpu.memory_space<vmem>>[vector<16xi32>], vector<16xf32>,
        %add3A_1006 = vector.broadcast %add3A_844 : i32 to vector<16xi32>
        %add3A_1007 = arith.addi %add3A_1006, %add3A_143 : vector<16xi32>
        %scatter3A_1008 = tpu.memref_slice %arg6[%mul3A_633] : memref<16384xf32, #tpu.memory_space<vmem>> -> memref<8192xf32, #tpu.memory_space<vmem>>
        tpu.vector_store_idx %scatter3A_1008[%add3A_1007], %gather3A_940 : memref<8192xf32, #tpu.memory_space<vmem>>[vector<16xi32>], vector<16xf32>,
        %add3A_1009 = vector.broadcast %add3A_844 : i32 to vector<16xi32>
        %add3A_1010 = arith.addi %add3A_1009, %add3A_147 : vector<16xi32>
        %scatter3A_1011 = tpu.memref_slice %arg6[%mul3A_633] : memref<16384xf32, #tpu.memory_space<vmem>> -> memref<8192xf32, #tpu.memory_space<vmem>>
        tpu.vector_store_idx %scatter3A_1011[%add3A_1010], %gather3A_948 : memref<8192xf32, #tpu.memory_space<vmem>>[vector<16xi32>], vector<16xf32>,
        %add3A_1012 = vector.broadcast %add3A_844 : i32 to vector<16xi32>
        %add3A_1013 = arith.addi %add3A_1012, %add3A_151 : vector<16xi32>
        %scatter3A_1014 = tpu.memref_slice %arg6[%mul3A_633] : memref<16384xf32, #tpu.memory_space<vmem>> -> memref<8192xf32, #tpu.memory_space<vmem>>
        tpu.vector_store_idx %scatter3A_1014[%add3A_1013], %gather3A_956 : memref<8192xf32, #tpu.memory_space<vmem>>[vector<16xi32>], vector<16xf32>,
        %add3A_1015 = vector.broadcast %add3A_844 : i32 to vector<16xi32>
        %add3A_1016 = arith.addi %add3A_1015, %add3A_155 : vector<16xi32>
        %scatter3A_1017 = tpu.memref_slice %arg6[%mul3A_633] : memref<16384xf32, #tpu.memory_space<vmem>> -> memref<8192xf32, #tpu.memory_space<vmem>>
        tpu.vector_store_idx %scatter3A_1017[%add3A_1016], %gather3A_964 : memref<8192xf32, #tpu.memory_space<vmem>>[vector<16xi32>], vector<16xf32>,
        %add3A_1018 = vector.broadcast %add3A_844 : i32 to vector<16xi32>
        %add3A_1019 = arith.addi %add3A_1018, %add3A_159 : vector<16xi32>
        %scatter3A_1020 = tpu.memref_slice %arg6[%mul3A_633] : memref<16384xf32, #tpu.memory_space<vmem>> -> memref<8192xf32, #tpu.memory_space<vmem>>
        tpu.vector_store_idx %scatter3A_1020[%add3A_1019], %gather3A_972 : memref<8192xf32, #tpu.memory_space<vmem>>[vector<16xi32>], vector<16xf32>,
        %mul3A_1021 = arith.constant 16 : i32
        %mul3A_1022 = arith.muli %scan3A_654, %mul3A_1021 : i32
        %mul3A_1023 = arith.constant 64 : i32
        %mul3A_1024 = arith.muli %mul3A_1022, %mul3A_1023 : i32
        %add3A_1025 = arith.constant 32 : i32
        %add3A_1026 = arith.addi %mul3A_1024, %add3A_1025 : i32
        %add3A_1027 = arith.constant 32 : i32
        %add3A_1028 = vector.broadcast %add3A_1027 : i32 to vector<16xi32>
        %add3A_1029 = arith.addi %add3A_1028, %and3A_5 : vector<16xi32>
        %gather3A_1030 = arith.constant 0 : i32
        %gather3A_1031 = arith.constant 0 : i32
        %gather3A_1032 = tpu.memref_slice %arg5[%and3A_496, %gather3A_1030, %gather3A_1031] : memref<2x64x128xf32, #tpu.memory_space<vmem>> -> memref<1x64x128xf32, #tpu.memory_space<vmem>>
        %gather3A_1033 = tpu.memref_squeeze %gather3A_1032 : memref<1x64x128xf32, #tpu.memory_space<vmem>> -> memref<64x128xf32, #tpu.memory_space<vmem>>
        %gather3A_1034 = tpu.vector_load_idx %gather3A_1033[%add3A_1029, %add3A_658] : memref<64x128xf32, #tpu.memory_space<vmem>>[vector<16xi32>, vector<16xi32>], vector<16xf32>,
        %add3A_1035 = arith.constant 32 : i32
        %add3A_1036 = vector.broadcast %add3A_1035 : i32 to vector<16xi32>
        %add3A_1037 = arith.addi %add3A_1036, %and3A_11 : vector<16xi32>
        %gather3A_1038 = arith.constant 0 : i32
        %gather3A_1039 = arith.constant 0 : i32
        %gather3A_1040 = tpu.memref_slice %arg5[%and3A_496, %gather3A_1038, %gather3A_1039] : memref<2x64x128xf32, #tpu.memory_space<vmem>> -> memref<1x64x128xf32, #tpu.memory_space<vmem>>
        %gather3A_1041 = tpu.memref_squeeze %gather3A_1040 : memref<1x64x128xf32, #tpu.memory_space<vmem>> -> memref<64x128xf32, #tpu.memory_space<vmem>>
        %gather3A_1042 = tpu.vector_load_idx %gather3A_1041[%add3A_1037, %add3A_658] : memref<64x128xf32, #tpu.memory_space<vmem>>[vector<16xi32>, vector<16xi32>], vector<16xf32>,
        %add3A_1043 = arith.constant 32 : i32
        %add3A_1044 = vector.broadcast %add3A_1043 : i32 to vector<16xi32>
        %add3A_1045 = arith.addi %add3A_1044, %and3A_17 : vector<16xi32>
        %gather3A_1046 = arith.constant 0 : i32
        %gather3A_1047 = arith.constant 0 : i32
        %gather3A_1048 = tpu.memref_slice %arg5[%and3A_496, %gather3A_1046, %gather3A_1047] : memref<2x64x128xf32, #tpu.memory_space<vmem>> -> memref<1x64x128xf32, #tpu.memory_space<vmem>>
        %gather3A_1049 = tpu.memref_squeeze %gather3A_1048 : memref<1x64x128xf32, #tpu.memory_space<vmem>> -> memref<64x128xf32, #tpu.memory_space<vmem>>
        %gather3A_1050 = tpu.vector_load_idx %gather3A_1049[%add3A_1045, %add3A_658] : memref<64x128xf32, #tpu.memory_space<vmem>>[vector<16xi32>, vector<16xi32>], vector<16xf32>,
        %add3A_1051 = arith.constant 32 : i32
        %add3A_1052 = vector.broadcast %add3A_1051 : i32 to vector<16xi32>
        %add3A_1053 = arith.addi %add3A_1052, %and3A_23 : vector<16xi32>
        %gather3A_1054 = arith.constant 0 : i32
        %gather3A_1055 = arith.constant 0 : i32
        %gather3A_1056 = tpu.memref_slice %arg5[%and3A_496, %gather3A_1054, %gather3A_1055] : memref<2x64x128xf32, #tpu.memory_space<vmem>> -> memref<1x64x128xf32, #tpu.memory_space<vmem>>
        %gather3A_1057 = tpu.memref_squeeze %gather3A_1056 : memref<1x64x128xf32, #tpu.memory_space<vmem>> -> memref<64x128xf32, #tpu.memory_space<vmem>>
        %gather3A_1058 = tpu.vector_load_idx %gather3A_1057[%add3A_1053, %add3A_658] : memref<64x128xf32, #tpu.memory_space<vmem>>[vector<16xi32>, vector<16xi32>], vector<16xf32>,
        %add3A_1059 = arith.constant 32 : i32
        %add3A_1060 = vector.broadcast %add3A_1059 : i32 to vector<16xi32>
        %add3A_1061 = arith.addi %add3A_1060, %and3A_29 : vector<16xi32>
        %gather3A_1062 = arith.constant 0 : i32
        %gather3A_1063 = arith.constant 0 : i32
        %gather3A_1064 = tpu.memref_slice %arg5[%and3A_496, %gather3A_1062, %gather3A_1063] : memref<2x64x128xf32, #tpu.memory_space<vmem>> -> memref<1x64x128xf32, #tpu.memory_space<vmem>>
        %gather3A_1065 = tpu.memref_squeeze %gather3A_1064 : memref<1x64x128xf32, #tpu.memory_space<vmem>> -> memref<64x128xf32, #tpu.memory_space<vmem>>
        %gather3A_1066 = tpu.vector_load_idx %gather3A_1065[%add3A_1061, %add3A_658] : memref<64x128xf32, #tpu.memory_space<vmem>>[vector<16xi32>, vector<16xi32>], vector<16xf32>,
        %add3A_1067 = arith.constant 32 : i32
        %add3A_1068 = vector.broadcast %add3A_1067 : i32 to vector<16xi32>
        %add3A_1069 = arith.addi %add3A_1068, %and3A_35 : vector<16xi32>
        %gather3A_1070 = arith.constant 0 : i32
        %gather3A_1071 = arith.constant 0 : i32
        %gather3A_1072 = tpu.memref_slice %arg5[%and3A_496, %gather3A_1070, %gather3A_1071] : memref<2x64x128xf32, #tpu.memory_space<vmem>> -> memref<1x64x128xf32, #tpu.memory_space<vmem>>
        %gather3A_1073 = tpu.memref_squeeze %gather3A_1072 : memref<1x64x128xf32, #tpu.memory_space<vmem>> -> memref<64x128xf32, #tpu.memory_space<vmem>>
        %gather3A_1074 = tpu.vector_load_idx %gather3A_1073[%add3A_1069, %add3A_658] : memref<64x128xf32, #tpu.memory_space<vmem>>[vector<16xi32>, vector<16xi32>], vector<16xf32>,
        %add3A_1075 = arith.constant 32 : i32
        %add3A_1076 = vector.broadcast %add3A_1075 : i32 to vector<16xi32>
        %add3A_1077 = arith.addi %add3A_1076, %and3A_41 : vector<16xi32>
        %gather3A_1078 = arith.constant 0 : i32
        %gather3A_1079 = arith.constant 0 : i32
        %gather3A_1080 = tpu.memref_slice %arg5[%and3A_496, %gather3A_1078, %gather3A_1079] : memref<2x64x128xf32, #tpu.memory_space<vmem>> -> memref<1x64x128xf32, #tpu.memory_space<vmem>>
        %gather3A_1081 = tpu.memref_squeeze %gather3A_1080 : memref<1x64x128xf32, #tpu.memory_space<vmem>> -> memref<64x128xf32, #tpu.memory_space<vmem>>
        %gather3A_1082 = tpu.vector_load_idx %gather3A_1081[%add3A_1077, %add3A_658] : memref<64x128xf32, #tpu.memory_space<vmem>>[vector<16xi32>, vector<16xi32>], vector<16xf32>,
        %add3A_1083 = arith.constant 32 : i32
        %add3A_1084 = vector.broadcast %add3A_1083 : i32 to vector<16xi32>
        %add3A_1085 = arith.addi %add3A_1084, %and3A_47 : vector<16xi32>
        %gather3A_1086 = arith.constant 0 : i32
        %gather3A_1087 = arith.constant 0 : i32
        %gather3A_1088 = tpu.memref_slice %arg5[%and3A_496, %gather3A_1086, %gather3A_1087] : memref<2x64x128xf32, #tpu.memory_space<vmem>> -> memref<1x64x128xf32, #tpu.memory_space<vmem>>
        %gather3A_1089 = tpu.memref_squeeze %gather3A_1088 : memref<1x64x128xf32, #tpu.memory_space<vmem>> -> memref<64x128xf32, #tpu.memory_space<vmem>>
        %gather3A_1090 = tpu.vector_load_idx %gather3A_1089[%add3A_1085, %add3A_658] : memref<64x128xf32, #tpu.memory_space<vmem>>[vector<16xi32>, vector<16xi32>], vector<16xf32>,
        %add3A_1091 = arith.constant 32 : i32
        %add3A_1092 = vector.broadcast %add3A_1091 : i32 to vector<16xi32>
        %add3A_1093 = arith.addi %add3A_1092, %and3A_53 : vector<16xi32>
        %gather3A_1094 = arith.constant 0 : i32
        %gather3A_1095 = arith.constant 0 : i32
        %gather3A_1096 = tpu.memref_slice %arg5[%and3A_496, %gather3A_1094, %gather3A_1095] : memref<2x64x128xf32, #tpu.memory_space<vmem>> -> memref<1x64x128xf32, #tpu.memory_space<vmem>>
        %gather3A_1097 = tpu.memref_squeeze %gather3A_1096 : memref<1x64x128xf32, #tpu.memory_space<vmem>> -> memref<64x128xf32, #tpu.memory_space<vmem>>
        %gather3A_1098 = tpu.vector_load_idx %gather3A_1097[%add3A_1093, %add3A_658] : memref<64x128xf32, #tpu.memory_space<vmem>>[vector<16xi32>, vector<16xi32>], vector<16xf32>,
        %add3A_1099 = arith.constant 32 : i32
        %add3A_1100 = vector.broadcast %add3A_1099 : i32 to vector<16xi32>
        %add3A_1101 = arith.addi %add3A_1100, %and3A_59 : vector<16xi32>
        %gather3A_1102 = arith.constant 0 : i32
        %gather3A_1103 = arith.constant 0 : i32
        %gather3A_1104 = tpu.memref_slice %arg5[%and3A_496, %gather3A_1102, %gather3A_1103] : memref<2x64x128xf32, #tpu.memory_space<vmem>> -> memref<1x64x128xf32, #tpu.memory_space<vmem>>
        %gather3A_1105 = tpu.memref_squeeze %gather3A_1104 : memref<1x64x128xf32, #tpu.memory_space<vmem>> -> memref<64x128xf32, #tpu.memory_space<vmem>>
        %gather3A_1106 = tpu.vector_load_idx %gather3A_1105[%add3A_1101, %add3A_658] : memref<64x128xf32, #tpu.memory_space<vmem>>[vector<16xi32>, vector<16xi32>], vector<16xf32>,
        %add3A_1107 = arith.constant 32 : i32
        %add3A_1108 = vector.broadcast %add3A_1107 : i32 to vector<16xi32>
        %add3A_1109 = arith.addi %add3A_1108, %and3A_65 : vector<16xi32>
        %gather3A_1110 = arith.constant 0 : i32
        %gather3A_1111 = arith.constant 0 : i32
        %gather3A_1112 = tpu.memref_slice %arg5[%and3A_496, %gather3A_1110, %gather3A_1111] : memref<2x64x128xf32, #tpu.memory_space<vmem>> -> memref<1x64x128xf32, #tpu.memory_space<vmem>>
        %gather3A_1113 = tpu.memref_squeeze %gather3A_1112 : memref<1x64x128xf32, #tpu.memory_space<vmem>> -> memref<64x128xf32, #tpu.memory_space<vmem>>
        %gather3A_1114 = tpu.vector_load_idx %gather3A_1113[%add3A_1109, %add3A_658] : memref<64x128xf32, #tpu.memory_space<vmem>>[vector<16xi32>, vector<16xi32>], vector<16xf32>,
        %add3A_1115 = arith.constant 32 : i32
        %add3A_1116 = vector.broadcast %add3A_1115 : i32 to vector<16xi32>
        %add3A_1117 = arith.addi %add3A_1116, %and3A_71 : vector<16xi32>
        %gather3A_1118 = arith.constant 0 : i32
        %gather3A_1119 = arith.constant 0 : i32
        %gather3A_1120 = tpu.memref_slice %arg5[%and3A_496, %gather3A_1118, %gather3A_1119] : memref<2x64x128xf32, #tpu.memory_space<vmem>> -> memref<1x64x128xf32, #tpu.memory_space<vmem>>
        %gather3A_1121 = tpu.memref_squeeze %gather3A_1120 : memref<1x64x128xf32, #tpu.memory_space<vmem>> -> memref<64x128xf32, #tpu.memory_space<vmem>>
        %gather3A_1122 = tpu.vector_load_idx %gather3A_1121[%add3A_1117, %add3A_658] : memref<64x128xf32, #tpu.memory_space<vmem>>[vector<16xi32>, vector<16xi32>], vector<16xf32>,
        %add3A_1123 = arith.constant 32 : i32
        %add3A_1124 = vector.broadcast %add3A_1123 : i32 to vector<16xi32>
        %add3A_1125 = arith.addi %add3A_1124, %and3A_77 : vector<16xi32>
        %gather3A_1126 = arith.constant 0 : i32
        %gather3A_1127 = arith.constant 0 : i32
        %gather3A_1128 = tpu.memref_slice %arg5[%and3A_496, %gather3A_1126, %gather3A_1127] : memref<2x64x128xf32, #tpu.memory_space<vmem>> -> memref<1x64x128xf32, #tpu.memory_space<vmem>>
        %gather3A_1129 = tpu.memref_squeeze %gather3A_1128 : memref<1x64x128xf32, #tpu.memory_space<vmem>> -> memref<64x128xf32, #tpu.memory_space<vmem>>
        %gather3A_1130 = tpu.vector_load_idx %gather3A_1129[%add3A_1125, %add3A_658] : memref<64x128xf32, #tpu.memory_space<vmem>>[vector<16xi32>, vector<16xi32>], vector<16xf32>,
        %add3A_1131 = arith.constant 32 : i32
        %add3A_1132 = vector.broadcast %add3A_1131 : i32 to vector<16xi32>
        %add3A_1133 = arith.addi %add3A_1132, %and3A_83 : vector<16xi32>
        %gather3A_1134 = arith.constant 0 : i32
        %gather3A_1135 = arith.constant 0 : i32
        %gather3A_1136 = tpu.memref_slice %arg5[%and3A_496, %gather3A_1134, %gather3A_1135] : memref<2x64x128xf32, #tpu.memory_space<vmem>> -> memref<1x64x128xf32, #tpu.memory_space<vmem>>
        %gather3A_1137 = tpu.memref_squeeze %gather3A_1136 : memref<1x64x128xf32, #tpu.memory_space<vmem>> -> memref<64x128xf32, #tpu.memory_space<vmem>>
        %gather3A_1138 = tpu.vector_load_idx %gather3A_1137[%add3A_1133, %add3A_658] : memref<64x128xf32, #tpu.memory_space<vmem>>[vector<16xi32>, vector<16xi32>], vector<16xf32>,
        %add3A_1139 = arith.constant 32 : i32
        %add3A_1140 = vector.broadcast %add3A_1139 : i32 to vector<16xi32>
        %add3A_1141 = arith.addi %add3A_1140, %and3A_89 : vector<16xi32>
        %gather3A_1142 = arith.constant 0 : i32
        %gather3A_1143 = arith.constant 0 : i32
        %gather3A_1144 = tpu.memref_slice %arg5[%and3A_496, %gather3A_1142, %gather3A_1143] : memref<2x64x128xf32, #tpu.memory_space<vmem>> -> memref<1x64x128xf32, #tpu.memory_space<vmem>>
        %gather3A_1145 = tpu.memref_squeeze %gather3A_1144 : memref<1x64x128xf32, #tpu.memory_space<vmem>> -> memref<64x128xf32, #tpu.memory_space<vmem>>
        %gather3A_1146 = tpu.vector_load_idx %gather3A_1145[%add3A_1141, %add3A_658] : memref<64x128xf32, #tpu.memory_space<vmem>>[vector<16xi32>, vector<16xi32>], vector<16xf32>,
        %add3A_1147 = arith.constant 32 : i32
        %add3A_1148 = vector.broadcast %add3A_1147 : i32 to vector<16xi32>
        %add3A_1149 = arith.addi %add3A_1148, %and3A_95 : vector<16xi32>
        %gather3A_1150 = arith.constant 0 : i32
        %gather3A_1151 = arith.constant 0 : i32
        %gather3A_1152 = tpu.memref_slice %arg5[%and3A_496, %gather3A_1150, %gather3A_1151] : memref<2x64x128xf32, #tpu.memory_space<vmem>> -> memref<1x64x128xf32, #tpu.memory_space<vmem>>
        %gather3A_1153 = tpu.memref_squeeze %gather3A_1152 : memref<1x64x128xf32, #tpu.memory_space<vmem>> -> memref<64x128xf32, #tpu.memory_space<vmem>>
        %gather3A_1154 = tpu.vector_load_idx %gather3A_1153[%add3A_1149, %add3A_658] : memref<64x128xf32, #tpu.memory_space<vmem>>[vector<16xi32>, vector<16xi32>], vector<16xf32>,
        %add3A_1155 = vector.broadcast %add3A_1026 : i32 to vector<16xi32>
        %add3A_1156 = arith.addi %add3A_1155, %add3A_99 : vector<16xi32>
        %scatter3A_1157 = tpu.memref_slice %arg6[%mul3A_633] : memref<16384xf32, #tpu.memory_space<vmem>> -> memref<8192xf32, #tpu.memory_space<vmem>>
        tpu.vector_store_idx %scatter3A_1157[%add3A_1156], %gather3A_1034 : memref<8192xf32, #tpu.memory_space<vmem>>[vector<16xi32>], vector<16xf32>,
        %add3A_1158 = vector.broadcast %add3A_1026 : i32 to vector<16xi32>
        %add3A_1159 = arith.addi %add3A_1158, %add3A_103 : vector<16xi32>
        %scatter3A_1160 = tpu.memref_slice %arg6[%mul3A_633] : memref<16384xf32, #tpu.memory_space<vmem>> -> memref<8192xf32, #tpu.memory_space<vmem>>
        tpu.vector_store_idx %scatter3A_1160[%add3A_1159], %gather3A_1042 : memref<8192xf32, #tpu.memory_space<vmem>>[vector<16xi32>], vector<16xf32>,
        %add3A_1161 = vector.broadcast %add3A_1026 : i32 to vector<16xi32>
        %add3A_1162 = arith.addi %add3A_1161, %add3A_107 : vector<16xi32>
        %scatter3A_1163 = tpu.memref_slice %arg6[%mul3A_633] : memref<16384xf32, #tpu.memory_space<vmem>> -> memref<8192xf32, #tpu.memory_space<vmem>>
        tpu.vector_store_idx %scatter3A_1163[%add3A_1162], %gather3A_1050 : memref<8192xf32, #tpu.memory_space<vmem>>[vector<16xi32>], vector<16xf32>,
        %add3A_1164 = vector.broadcast %add3A_1026 : i32 to vector<16xi32>
        %add3A_1165 = arith.addi %add3A_1164, %add3A_111 : vector<16xi32>
        %scatter3A_1166 = tpu.memref_slice %arg6[%mul3A_633] : memref<16384xf32, #tpu.memory_space<vmem>> -> memref<8192xf32, #tpu.memory_space<vmem>>
        tpu.vector_store_idx %scatter3A_1166[%add3A_1165], %gather3A_1058 : memref<8192xf32, #tpu.memory_space<vmem>>[vector<16xi32>], vector<16xf32>,
        %add3A_1167 = vector.broadcast %add3A_1026 : i32 to vector<16xi32>
        %add3A_1168 = arith.addi %add3A_1167, %add3A_115 : vector<16xi32>
        %scatter3A_1169 = tpu.memref_slice %arg6[%mul3A_633] : memref<16384xf32, #tpu.memory_space<vmem>> -> memref<8192xf32, #tpu.memory_space<vmem>>
        tpu.vector_store_idx %scatter3A_1169[%add3A_1168], %gather3A_1066 : memref<8192xf32, #tpu.memory_space<vmem>>[vector<16xi32>], vector<16xf32>,
        %add3A_1170 = vector.broadcast %add3A_1026 : i32 to vector<16xi32>
        %add3A_1171 = arith.addi %add3A_1170, %add3A_119 : vector<16xi32>
        %scatter3A_1172 = tpu.memref_slice %arg6[%mul3A_633] : memref<16384xf32, #tpu.memory_space<vmem>> -> memref<8192xf32, #tpu.memory_space<vmem>>
        tpu.vector_store_idx %scatter3A_1172[%add3A_1171], %gather3A_1074 : memref<8192xf32, #tpu.memory_space<vmem>>[vector<16xi32>], vector<16xf32>,
        %add3A_1173 = vector.broadcast %add3A_1026 : i32 to vector<16xi32>
        %add3A_1174 = arith.addi %add3A_1173, %add3A_123 : vector<16xi32>
        %scatter3A_1175 = tpu.memref_slice %arg6[%mul3A_633] : memref<16384xf32, #tpu.memory_space<vmem>> -> memref<8192xf32, #tpu.memory_space<vmem>>
        tpu.vector_store_idx %scatter3A_1175[%add3A_1174], %gather3A_1082 : memref<8192xf32, #tpu.memory_space<vmem>>[vector<16xi32>], vector<16xf32>,
        %add3A_1176 = vector.broadcast %add3A_1026 : i32 to vector<16xi32>
        %add3A_1177 = arith.addi %add3A_1176, %add3A_127 : vector<16xi32>
        %scatter3A_1178 = tpu.memref_slice %arg6[%mul3A_633] : memref<16384xf32, #tpu.memory_space<vmem>> -> memref<8192xf32, #tpu.memory_space<vmem>>
        tpu.vector_store_idx %scatter3A_1178[%add3A_1177], %gather3A_1090 : memref<8192xf32, #tpu.memory_space<vmem>>[vector<16xi32>], vector<16xf32>,
        %add3A_1179 = vector.broadcast %add3A_1026 : i32 to vector<16xi32>
        %add3A_1180 = arith.addi %add3A_1179, %add3A_131 : vector<16xi32>
        %scatter3A_1181 = tpu.memref_slice %arg6[%mul3A_633] : memref<16384xf32, #tpu.memory_space<vmem>> -> memref<8192xf32, #tpu.memory_space<vmem>>
        tpu.vector_store_idx %scatter3A_1181[%add3A_1180], %gather3A_1098 : memref<8192xf32, #tpu.memory_space<vmem>>[vector<16xi32>], vector<16xf32>,
        %add3A_1182 = vector.broadcast %add3A_1026 : i32 to vector<16xi32>
        %add3A_1183 = arith.addi %add3A_1182, %add3A_135 : vector<16xi32>
        %scatter3A_1184 = tpu.memref_slice %arg6[%mul3A_633] : memref<16384xf32, #tpu.memory_space<vmem>> -> memref<8192xf32, #tpu.memory_space<vmem>>
        tpu.vector_store_idx %scatter3A_1184[%add3A_1183], %gather3A_1106 : memref<8192xf32, #tpu.memory_space<vmem>>[vector<16xi32>], vector<16xf32>,
        %add3A_1185 = vector.broadcast %add3A_1026 : i32 to vector<16xi32>
        %add3A_1186 = arith.addi %add3A_1185, %add3A_139 : vector<16xi32>
        %scatter3A_1187 = tpu.memref_slice %arg6[%mul3A_633] : memref<16384xf32, #tpu.memory_space<vmem>> -> memref<8192xf32, #tpu.memory_space<vmem>>
        tpu.vector_store_idx %scatter3A_1187[%add3A_1186], %gather3A_1114 : memref<8192xf32, #tpu.memory_space<vmem>>[vector<16xi32>], vector<16xf32>,
        %add3A_1188 = vector.broadcast %add3A_1026 : i32 to vector<16xi32>
        %add3A_1189 = arith.addi %add3A_1188, %add3A_143 : vector<16xi32>
        %scatter3A_1190 = tpu.memref_slice %arg6[%mul3A_633] : memref<16384xf32, #tpu.memory_space<vmem>> -> memref<8192xf32, #tpu.memory_space<vmem>>
        tpu.vector_store_idx %scatter3A_1190[%add3A_1189], %gather3A_1122 : memref<8192xf32, #tpu.memory_space<vmem>>[vector<16xi32>], vector<16xf32>,
        %add3A_1191 = vector.broadcast %add3A_1026 : i32 to vector<16xi32>
        %add3A_1192 = arith.addi %add3A_1191, %add3A_147 : vector<16xi32>
        %scatter3A_1193 = tpu.memref_slice %arg6[%mul3A_633] : memref<16384xf32, #tpu.memory_space<vmem>> -> memref<8192xf32, #tpu.memory_space<vmem>>
        tpu.vector_store_idx %scatter3A_1193[%add3A_1192], %gather3A_1130 : memref<8192xf32, #tpu.memory_space<vmem>>[vector<16xi32>], vector<16xf32>,
        %add3A_1194 = vector.broadcast %add3A_1026 : i32 to vector<16xi32>
        %add3A_1195 = arith.addi %add3A_1194, %add3A_151 : vector<16xi32>
        %scatter3A_1196 = tpu.memref_slice %arg6[%mul3A_633] : memref<16384xf32, #tpu.memory_space<vmem>> -> memref<8192xf32, #tpu.memory_space<vmem>>
        tpu.vector_store_idx %scatter3A_1196[%add3A_1195], %gather3A_1138 : memref<8192xf32, #tpu.memory_space<vmem>>[vector<16xi32>], vector<16xf32>,
        %add3A_1197 = vector.broadcast %add3A_1026 : i32 to vector<16xi32>
        %add3A_1198 = arith.addi %add3A_1197, %add3A_155 : vector<16xi32>
        %scatter3A_1199 = tpu.memref_slice %arg6[%mul3A_633] : memref<16384xf32, #tpu.memory_space<vmem>> -> memref<8192xf32, #tpu.memory_space<vmem>>
        tpu.vector_store_idx %scatter3A_1199[%add3A_1198], %gather3A_1146 : memref<8192xf32, #tpu.memory_space<vmem>>[vector<16xi32>], vector<16xf32>,
        %add3A_1200 = vector.broadcast %add3A_1026 : i32 to vector<16xi32>
        %add3A_1201 = arith.addi %add3A_1200, %add3A_159 : vector<16xi32>
        %scatter3A_1202 = tpu.memref_slice %arg6[%mul3A_633] : memref<16384xf32, #tpu.memory_space<vmem>> -> memref<8192xf32, #tpu.memory_space<vmem>>
        tpu.vector_store_idx %scatter3A_1202[%add3A_1201], %gather3A_1154 : memref<8192xf32, #tpu.memory_space<vmem>>[vector<16xi32>], vector<16xf32>,
        %mul3A_1203 = arith.constant 16 : i32
        %mul3A_1204 = arith.muli %scan3A_654, %mul3A_1203 : i32
        %mul3A_1205 = arith.constant 64 : i32
        %mul3A_1206 = arith.muli %mul3A_1204, %mul3A_1205 : i32
        %add3A_1207 = arith.constant 48 : i32
        %add3A_1208 = arith.addi %mul3A_1206, %add3A_1207 : i32
        %add3A_1209 = arith.constant 48 : i32
        %add3A_1210 = vector.broadcast %add3A_1209 : i32 to vector<16xi32>
        %add3A_1211 = arith.addi %add3A_1210, %and3A_5 : vector<16xi32>
        %gather3A_1212 = arith.constant 0 : i32
        %gather3A_1213 = arith.constant 0 : i32
        %gather3A_1214 = tpu.memref_slice %arg5[%and3A_496, %gather3A_1212, %gather3A_1213] : memref<2x64x128xf32, #tpu.memory_space<vmem>> -> memref<1x64x128xf32, #tpu.memory_space<vmem>>
        %gather3A_1215 = tpu.memref_squeeze %gather3A_1214 : memref<1x64x128xf32, #tpu.memory_space<vmem>> -> memref<64x128xf32, #tpu.memory_space<vmem>>
        %gather3A_1216 = tpu.vector_load_idx %gather3A_1215[%add3A_1211, %add3A_658] : memref<64x128xf32, #tpu.memory_space<vmem>>[vector<16xi32>, vector<16xi32>], vector<16xf32>,
        %add3A_1217 = arith.constant 48 : i32
        %add3A_1218 = vector.broadcast %add3A_1217 : i32 to vector<16xi32>
        %add3A_1219 = arith.addi %add3A_1218, %and3A_11 : vector<16xi32>
        %gather3A_1220 = arith.constant 0 : i32
        %gather3A_1221 = arith.constant 0 : i32
        %gather3A_1222 = tpu.memref_slice %arg5[%and3A_496, %gather3A_1220, %gather3A_1221] : memref<2x64x128xf32, #tpu.memory_space<vmem>> -> memref<1x64x128xf32, #tpu.memory_space<vmem>>
        %gather3A_1223 = tpu.memref_squeeze %gather3A_1222 : memref<1x64x128xf32, #tpu.memory_space<vmem>> -> memref<64x128xf32, #tpu.memory_space<vmem>>
        %gather3A_1224 = tpu.vector_load_idx %gather3A_1223[%add3A_1219, %add3A_658] : memref<64x128xf32, #tpu.memory_space<vmem>>[vector<16xi32>, vector<16xi32>], vector<16xf32>,
        %add3A_1225 = arith.constant 48 : i32
        %add3A_1226 = vector.broadcast %add3A_1225 : i32 to vector<16xi32>
        %add3A_1227 = arith.addi %add3A_1226, %and3A_17 : vector<16xi32>
        %gather3A_1228 = arith.constant 0 : i32
        %gather3A_1229 = arith.constant 0 : i32
        %gather3A_1230 = tpu.memref_slice %arg5[%and3A_496, %gather3A_1228, %gather3A_1229] : memref<2x64x128xf32, #tpu.memory_space<vmem>> -> memref<1x64x128xf32, #tpu.memory_space<vmem>>
        %gather3A_1231 = tpu.memref_squeeze %gather3A_1230 : memref<1x64x128xf32, #tpu.memory_space<vmem>> -> memref<64x128xf32, #tpu.memory_space<vmem>>
        %gather3A_1232 = tpu.vector_load_idx %gather3A_1231[%add3A_1227, %add3A_658] : memref<64x128xf32, #tpu.memory_space<vmem>>[vector<16xi32>, vector<16xi32>], vector<16xf32>,
        %add3A_1233 = arith.constant 48 : i32
        %add3A_1234 = vector.broadcast %add3A_1233 : i32 to vector<16xi32>
        %add3A_1235 = arith.addi %add3A_1234, %and3A_23 : vector<16xi32>
        %gather3A_1236 = arith.constant 0 : i32
        %gather3A_1237 = arith.constant 0 : i32
        %gather3A_1238 = tpu.memref_slice %arg5[%and3A_496, %gather3A_1236, %gather3A_1237] : memref<2x64x128xf32, #tpu.memory_space<vmem>> -> memref<1x64x128xf32, #tpu.memory_space<vmem>>
        %gather3A_1239 = tpu.memref_squeeze %gather3A_1238 : memref<1x64x128xf32, #tpu.memory_space<vmem>> -> memref<64x128xf32, #tpu.memory_space<vmem>>
        %gather3A_1240 = tpu.vector_load_idx %gather3A_1239[%add3A_1235, %add3A_658] : memref<64x128xf32, #tpu.memory_space<vmem>>[vector<16xi32>, vector<16xi32>], vector<16xf32>,
        %add3A_1241 = arith.constant 48 : i32
        %add3A_1242 = vector.broadcast %add3A_1241 : i32 to vector<16xi32>
        %add3A_1243 = arith.addi %add3A_1242, %and3A_29 : vector<16xi32>
        %gather3A_1244 = arith.constant 0 : i32
        %gather3A_1245 = arith.constant 0 : i32
        %gather3A_1246 = tpu.memref_slice %arg5[%and3A_496, %gather3A_1244, %gather3A_1245] : memref<2x64x128xf32, #tpu.memory_space<vmem>> -> memref<1x64x128xf32, #tpu.memory_space<vmem>>
        %gather3A_1247 = tpu.memref_squeeze %gather3A_1246 : memref<1x64x128xf32, #tpu.memory_space<vmem>> -> memref<64x128xf32, #tpu.memory_space<vmem>>
        %gather3A_1248 = tpu.vector_load_idx %gather3A_1247[%add3A_1243, %add3A_658] : memref<64x128xf32, #tpu.memory_space<vmem>>[vector<16xi32>, vector<16xi32>], vector<16xf32>,
        %add3A_1249 = arith.constant 48 : i32
        %add3A_1250 = vector.broadcast %add3A_1249 : i32 to vector<16xi32>
        %add3A_1251 = arith.addi %add3A_1250, %and3A_35 : vector<16xi32>
        %gather3A_1252 = arith.constant 0 : i32
        %gather3A_1253 = arith.constant 0 : i32
        %gather3A_1254 = tpu.memref_slice %arg5[%and3A_496, %gather3A_1252, %gather3A_1253] : memref<2x64x128xf32, #tpu.memory_space<vmem>> -> memref<1x64x128xf32, #tpu.memory_space<vmem>>
        %gather3A_1255 = tpu.memref_squeeze %gather3A_1254 : memref<1x64x128xf32, #tpu.memory_space<vmem>> -> memref<64x128xf32, #tpu.memory_space<vmem>>
        %gather3A_1256 = tpu.vector_load_idx %gather3A_1255[%add3A_1251, %add3A_658] : memref<64x128xf32, #tpu.memory_space<vmem>>[vector<16xi32>, vector<16xi32>], vector<16xf32>,
        %add3A_1257 = arith.constant 48 : i32
        %add3A_1258 = vector.broadcast %add3A_1257 : i32 to vector<16xi32>
        %add3A_1259 = arith.addi %add3A_1258, %and3A_41 : vector<16xi32>
        %gather3A_1260 = arith.constant 0 : i32
        %gather3A_1261 = arith.constant 0 : i32
        %gather3A_1262 = tpu.memref_slice %arg5[%and3A_496, %gather3A_1260, %gather3A_1261] : memref<2x64x128xf32, #tpu.memory_space<vmem>> -> memref<1x64x128xf32, #tpu.memory_space<vmem>>
        %gather3A_1263 = tpu.memref_squeeze %gather3A_1262 : memref<1x64x128xf32, #tpu.memory_space<vmem>> -> memref<64x128xf32, #tpu.memory_space<vmem>>
        %gather3A_1264 = tpu.vector_load_idx %gather3A_1263[%add3A_1259, %add3A_658] : memref<64x128xf32, #tpu.memory_space<vmem>>[vector<16xi32>, vector<16xi32>], vector<16xf32>,
        %add3A_1265 = arith.constant 48 : i32
        %add3A_1266 = vector.broadcast %add3A_1265 : i32 to vector<16xi32>
        %add3A_1267 = arith.addi %add3A_1266, %and3A_47 : vector<16xi32>
        %gather3A_1268 = arith.constant 0 : i32
        %gather3A_1269 = arith.constant 0 : i32
        %gather3A_1270 = tpu.memref_slice %arg5[%and3A_496, %gather3A_1268, %gather3A_1269] : memref<2x64x128xf32, #tpu.memory_space<vmem>> -> memref<1x64x128xf32, #tpu.memory_space<vmem>>
        %gather3A_1271 = tpu.memref_squeeze %gather3A_1270 : memref<1x64x128xf32, #tpu.memory_space<vmem>> -> memref<64x128xf32, #tpu.memory_space<vmem>>
        %gather3A_1272 = tpu.vector_load_idx %gather3A_1271[%add3A_1267, %add3A_658] : memref<64x128xf32, #tpu.memory_space<vmem>>[vector<16xi32>, vector<16xi32>], vector<16xf32>,
        %add3A_1273 = arith.constant 48 : i32
        %add3A_1274 = vector.broadcast %add3A_1273 : i32 to vector<16xi32>
        %add3A_1275 = arith.addi %add3A_1274, %and3A_53 : vector<16xi32>
        %gather3A_1276 = arith.constant 0 : i32
        %gather3A_1277 = arith.constant 0 : i32
        %gather3A_1278 = tpu.memref_slice %arg5[%and3A_496, %gather3A_1276, %gather3A_1277] : memref<2x64x128xf32, #tpu.memory_space<vmem>> -> memref<1x64x128xf32, #tpu.memory_space<vmem>>
        %gather3A_1279 = tpu.memref_squeeze %gather3A_1278 : memref<1x64x128xf32, #tpu.memory_space<vmem>> -> memref<64x128xf32, #tpu.memory_space<vmem>>
        %gather3A_1280 = tpu.vector_load_idx %gather3A_1279[%add3A_1275, %add3A_658] : memref<64x128xf32, #tpu.memory_space<vmem>>[vector<16xi32>, vector<16xi32>], vector<16xf32>,
        %add3A_1281 = arith.constant 48 : i32
        %add3A_1282 = vector.broadcast %add3A_1281 : i32 to vector<16xi32>
        %add3A_1283 = arith.addi %add3A_1282, %and3A_59 : vector<16xi32>
        %gather3A_1284 = arith.constant 0 : i32
        %gather3A_1285 = arith.constant 0 : i32
        %gather3A_1286 = tpu.memref_slice %arg5[%and3A_496, %gather3A_1284, %gather3A_1285] : memref<2x64x128xf32, #tpu.memory_space<vmem>> -> memref<1x64x128xf32, #tpu.memory_space<vmem>>
        %gather3A_1287 = tpu.memref_squeeze %gather3A_1286 : memref<1x64x128xf32, #tpu.memory_space<vmem>> -> memref<64x128xf32, #tpu.memory_space<vmem>>
        %gather3A_1288 = tpu.vector_load_idx %gather3A_1287[%add3A_1283, %add3A_658] : memref<64x128xf32, #tpu.memory_space<vmem>>[vector<16xi32>, vector<16xi32>], vector<16xf32>,
        %add3A_1289 = arith.constant 48 : i32
        %add3A_1290 = vector.broadcast %add3A_1289 : i32 to vector<16xi32>
        %add3A_1291 = arith.addi %add3A_1290, %and3A_65 : vector<16xi32>
        %gather3A_1292 = arith.constant 0 : i32
        %gather3A_1293 = arith.constant 0 : i32
        %gather3A_1294 = tpu.memref_slice %arg5[%and3A_496, %gather3A_1292, %gather3A_1293] : memref<2x64x128xf32, #tpu.memory_space<vmem>> -> memref<1x64x128xf32, #tpu.memory_space<vmem>>
        %gather3A_1295 = tpu.memref_squeeze %gather3A_1294 : memref<1x64x128xf32, #tpu.memory_space<vmem>> -> memref<64x128xf32, #tpu.memory_space<vmem>>
        %gather3A_1296 = tpu.vector_load_idx %gather3A_1295[%add3A_1291, %add3A_658] : memref<64x128xf32, #tpu.memory_space<vmem>>[vector<16xi32>, vector<16xi32>], vector<16xf32>,
        %add3A_1297 = arith.constant 48 : i32
        %add3A_1298 = vector.broadcast %add3A_1297 : i32 to vector<16xi32>
        %add3A_1299 = arith.addi %add3A_1298, %and3A_71 : vector<16xi32>
        %gather3A_1300 = arith.constant 0 : i32
        %gather3A_1301 = arith.constant 0 : i32
        %gather3A_1302 = tpu.memref_slice %arg5[%and3A_496, %gather3A_1300, %gather3A_1301] : memref<2x64x128xf32, #tpu.memory_space<vmem>> -> memref<1x64x128xf32, #tpu.memory_space<vmem>>
        %gather3A_1303 = tpu.memref_squeeze %gather3A_1302 : memref<1x64x128xf32, #tpu.memory_space<vmem>> -> memref<64x128xf32, #tpu.memory_space<vmem>>
        %gather3A_1304 = tpu.vector_load_idx %gather3A_1303[%add3A_1299, %add3A_658] : memref<64x128xf32, #tpu.memory_space<vmem>>[vector<16xi32>, vector<16xi32>], vector<16xf32>,
        %add3A_1305 = arith.constant 48 : i32
        %add3A_1306 = vector.broadcast %add3A_1305 : i32 to vector<16xi32>
        %add3A_1307 = arith.addi %add3A_1306, %and3A_77 : vector<16xi32>
        %gather3A_1308 = arith.constant 0 : i32
        %gather3A_1309 = arith.constant 0 : i32
        %gather3A_1310 = tpu.memref_slice %arg5[%and3A_496, %gather3A_1308, %gather3A_1309] : memref<2x64x128xf32, #tpu.memory_space<vmem>> -> memref<1x64x128xf32, #tpu.memory_space<vmem>>
        %gather3A_1311 = tpu.memref_squeeze %gather3A_1310 : memref<1x64x128xf32, #tpu.memory_space<vmem>> -> memref<64x128xf32, #tpu.memory_space<vmem>>
        %gather3A_1312 = tpu.vector_load_idx %gather3A_1311[%add3A_1307, %add3A_658] : memref<64x128xf32, #tpu.memory_space<vmem>>[vector<16xi32>, vector<16xi32>], vector<16xf32>,
        %add3A_1313 = arith.constant 48 : i32
        %add3A_1314 = vector.broadcast %add3A_1313 : i32 to vector<16xi32>
        %add3A_1315 = arith.addi %add3A_1314, %and3A_83 : vector<16xi32>
        %gather3A_1316 = arith.constant 0 : i32
        %gather3A_1317 = arith.constant 0 : i32
        %gather3A_1318 = tpu.memref_slice %arg5[%and3A_496, %gather3A_1316, %gather3A_1317] : memref<2x64x128xf32, #tpu.memory_space<vmem>> -> memref<1x64x128xf32, #tpu.memory_space<vmem>>
        %gather3A_1319 = tpu.memref_squeeze %gather3A_1318 : memref<1x64x128xf32, #tpu.memory_space<vmem>> -> memref<64x128xf32, #tpu.memory_space<vmem>>
        %gather3A_1320 = tpu.vector_load_idx %gather3A_1319[%add3A_1315, %add3A_658] : memref<64x128xf32, #tpu.memory_space<vmem>>[vector<16xi32>, vector<16xi32>], vector<16xf32>,
        %add3A_1321 = arith.constant 48 : i32
        %add3A_1322 = vector.broadcast %add3A_1321 : i32 to vector<16xi32>
        %add3A_1323 = arith.addi %add3A_1322, %and3A_89 : vector<16xi32>
        %gather3A_1324 = arith.constant 0 : i32
        %gather3A_1325 = arith.constant 0 : i32
        %gather3A_1326 = tpu.memref_slice %arg5[%and3A_496, %gather3A_1324, %gather3A_1325] : memref<2x64x128xf32, #tpu.memory_space<vmem>> -> memref<1x64x128xf32, #tpu.memory_space<vmem>>
        %gather3A_1327 = tpu.memref_squeeze %gather3A_1326 : memref<1x64x128xf32, #tpu.memory_space<vmem>> -> memref<64x128xf32, #tpu.memory_space<vmem>>
        %gather3A_1328 = tpu.vector_load_idx %gather3A_1327[%add3A_1323, %add3A_658] : memref<64x128xf32, #tpu.memory_space<vmem>>[vector<16xi32>, vector<16xi32>], vector<16xf32>,
        %add3A_1329 = arith.constant 48 : i32
        %add3A_1330 = vector.broadcast %add3A_1329 : i32 to vector<16xi32>
        %add3A_1331 = arith.addi %add3A_1330, %and3A_95 : vector<16xi32>
        %gather3A_1332 = arith.constant 0 : i32
        %gather3A_1333 = arith.constant 0 : i32
        %gather3A_1334 = tpu.memref_slice %arg5[%and3A_496, %gather3A_1332, %gather3A_1333] : memref<2x64x128xf32, #tpu.memory_space<vmem>> -> memref<1x64x128xf32, #tpu.memory_space<vmem>>
        %gather3A_1335 = tpu.memref_squeeze %gather3A_1334 : memref<1x64x128xf32, #tpu.memory_space<vmem>> -> memref<64x128xf32, #tpu.memory_space<vmem>>
        %gather3A_1336 = tpu.vector_load_idx %gather3A_1335[%add3A_1331, %add3A_658] : memref<64x128xf32, #tpu.memory_space<vmem>>[vector<16xi32>, vector<16xi32>], vector<16xf32>,
        %add3A_1337 = vector.broadcast %add3A_1208 : i32 to vector<16xi32>
        %add3A_1338 = arith.addi %add3A_1337, %add3A_99 : vector<16xi32>
        %scatter3A_1339 = tpu.memref_slice %arg6[%mul3A_633] : memref<16384xf32, #tpu.memory_space<vmem>> -> memref<8192xf32, #tpu.memory_space<vmem>>
        tpu.vector_store_idx %scatter3A_1339[%add3A_1338], %gather3A_1216 : memref<8192xf32, #tpu.memory_space<vmem>>[vector<16xi32>], vector<16xf32>,
        %add3A_1340 = vector.broadcast %add3A_1208 : i32 to vector<16xi32>
        %add3A_1341 = arith.addi %add3A_1340, %add3A_103 : vector<16xi32>
        %scatter3A_1342 = tpu.memref_slice %arg6[%mul3A_633] : memref<16384xf32, #tpu.memory_space<vmem>> -> memref<8192xf32, #tpu.memory_space<vmem>>
        tpu.vector_store_idx %scatter3A_1342[%add3A_1341], %gather3A_1224 : memref<8192xf32, #tpu.memory_space<vmem>>[vector<16xi32>], vector<16xf32>,
        %add3A_1343 = vector.broadcast %add3A_1208 : i32 to vector<16xi32>
        %add3A_1344 = arith.addi %add3A_1343, %add3A_107 : vector<16xi32>
        %scatter3A_1345 = tpu.memref_slice %arg6[%mul3A_633] : memref<16384xf32, #tpu.memory_space<vmem>> -> memref<8192xf32, #tpu.memory_space<vmem>>
        tpu.vector_store_idx %scatter3A_1345[%add3A_1344], %gather3A_1232 : memref<8192xf32, #tpu.memory_space<vmem>>[vector<16xi32>], vector<16xf32>,
        %add3A_1346 = vector.broadcast %add3A_1208 : i32 to vector<16xi32>
        %add3A_1347 = arith.addi %add3A_1346, %add3A_111 : vector<16xi32>
        %scatter3A_1348 = tpu.memref_slice %arg6[%mul3A_633] : memref<16384xf32, #tpu.memory_space<vmem>> -> memref<8192xf32, #tpu.memory_space<vmem>>
        tpu.vector_store_idx %scatter3A_1348[%add3A_1347], %gather3A_1240 : memref<8192xf32, #tpu.memory_space<vmem>>[vector<16xi32>], vector<16xf32>,
        %add3A_1349 = vector.broadcast %add3A_1208 : i32 to vector<16xi32>
        %add3A_1350 = arith.addi %add3A_1349, %add3A_115 : vector<16xi32>
        %scatter3A_1351 = tpu.memref_slice %arg6[%mul3A_633] : memref<16384xf32, #tpu.memory_space<vmem>> -> memref<8192xf32, #tpu.memory_space<vmem>>
        tpu.vector_store_idx %scatter3A_1351[%add3A_1350], %gather3A_1248 : memref<8192xf32, #tpu.memory_space<vmem>>[vector<16xi32>], vector<16xf32>,
        %add3A_1352 = vector.broadcast %add3A_1208 : i32 to vector<16xi32>
        %add3A_1353 = arith.addi %add3A_1352, %add3A_119 : vector<16xi32>
        %scatter3A_1354 = tpu.memref_slice %arg6[%mul3A_633] : memref<16384xf32, #tpu.memory_space<vmem>> -> memref<8192xf32, #tpu.memory_space<vmem>>
        tpu.vector_store_idx %scatter3A_1354[%add3A_1353], %gather3A_1256 : memref<8192xf32, #tpu.memory_space<vmem>>[vector<16xi32>], vector<16xf32>,
        %add3A_1355 = vector.broadcast %add3A_1208 : i32 to vector<16xi32>
        %add3A_1356 = arith.addi %add3A_1355, %add3A_123 : vector<16xi32>
        %scatter3A_1357 = tpu.memref_slice %arg6[%mul3A_633] : memref<16384xf32, #tpu.memory_space<vmem>> -> memref<8192xf32, #tpu.memory_space<vmem>>
        tpu.vector_store_idx %scatter3A_1357[%add3A_1356], %gather3A_1264 : memref<8192xf32, #tpu.memory_space<vmem>>[vector<16xi32>], vector<16xf32>,
        %add3A_1358 = vector.broadcast %add3A_1208 : i32 to vector<16xi32>
        %add3A_1359 = arith.addi %add3A_1358, %add3A_127 : vector<16xi32>
        %scatter3A_1360 = tpu.memref_slice %arg6[%mul3A_633] : memref<16384xf32, #tpu.memory_space<vmem>> -> memref<8192xf32, #tpu.memory_space<vmem>>
        tpu.vector_store_idx %scatter3A_1360[%add3A_1359], %gather3A_1272 : memref<8192xf32, #tpu.memory_space<vmem>>[vector<16xi32>], vector<16xf32>,
        %add3A_1361 = vector.broadcast %add3A_1208 : i32 to vector<16xi32>
        %add3A_1362 = arith.addi %add3A_1361, %add3A_131 : vector<16xi32>
        %scatter3A_1363 = tpu.memref_slice %arg6[%mul3A_633] : memref<16384xf32, #tpu.memory_space<vmem>> -> memref<8192xf32, #tpu.memory_space<vmem>>
        tpu.vector_store_idx %scatter3A_1363[%add3A_1362], %gather3A_1280 : memref<8192xf32, #tpu.memory_space<vmem>>[vector<16xi32>], vector<16xf32>,
        %add3A_1364 = vector.broadcast %add3A_1208 : i32 to vector<16xi32>
        %add3A_1365 = arith.addi %add3A_1364, %add3A_135 : vector<16xi32>
        %scatter3A_1366 = tpu.memref_slice %arg6[%mul3A_633] : memref<16384xf32, #tpu.memory_space<vmem>> -> memref<8192xf32, #tpu.memory_space<vmem>>
        tpu.vector_store_idx %scatter3A_1366[%add3A_1365], %gather3A_1288 : memref<8192xf32, #tpu.memory_space<vmem>>[vector<16xi32>], vector<16xf32>,
        %add3A_1367 = vector.broadcast %add3A_1208 : i32 to vector<16xi32>
        %add3A_1368 = arith.addi %add3A_1367, %add3A_139 : vector<16xi32>
        %scatter3A_1369 = tpu.memref_slice %arg6[%mul3A_633] : memref<16384xf32, #tpu.memory_space<vmem>> -> memref<8192xf32, #tpu.memory_space<vmem>>
        tpu.vector_store_idx %scatter3A_1369[%add3A_1368], %gather3A_1296 : memref<8192xf32, #tpu.memory_space<vmem>>[vector<16xi32>], vector<16xf32>,
        %add3A_1370 = vector.broadcast %add3A_1208 : i32 to vector<16xi32>
        %add3A_1371 = arith.addi %add3A_1370, %add3A_143 : vector<16xi32>
        %scatter3A_1372 = tpu.memref_slice %arg6[%mul3A_633] : memref<16384xf32, #tpu.memory_space<vmem>> -> memref<8192xf32, #tpu.memory_space<vmem>>
        tpu.vector_store_idx %scatter3A_1372[%add3A_1371], %gather3A_1304 : memref<8192xf32, #tpu.memory_space<vmem>>[vector<16xi32>], vector<16xf32>,
        %add3A_1373 = vector.broadcast %add3A_1208 : i32 to vector<16xi32>
        %add3A_1374 = arith.addi %add3A_1373, %add3A_147 : vector<16xi32>
        %scatter3A_1375 = tpu.memref_slice %arg6[%mul3A_633] : memref<16384xf32, #tpu.memory_space<vmem>> -> memref<8192xf32, #tpu.memory_space<vmem>>
        tpu.vector_store_idx %scatter3A_1375[%add3A_1374], %gather3A_1312 : memref<8192xf32, #tpu.memory_space<vmem>>[vector<16xi32>], vector<16xf32>,
        %add3A_1376 = vector.broadcast %add3A_1208 : i32 to vector<16xi32>
        %add3A_1377 = arith.addi %add3A_1376, %add3A_151 : vector<16xi32>
        %scatter3A_1378 = tpu.memref_slice %arg6[%mul3A_633] : memref<16384xf32, #tpu.memory_space<vmem>> -> memref<8192xf32, #tpu.memory_space<vmem>>
        tpu.vector_store_idx %scatter3A_1378[%add3A_1377], %gather3A_1320 : memref<8192xf32, #tpu.memory_space<vmem>>[vector<16xi32>], vector<16xf32>,
        %add3A_1379 = vector.broadcast %add3A_1208 : i32 to vector<16xi32>
        %add3A_1380 = arith.addi %add3A_1379, %add3A_155 : vector<16xi32>
        %scatter3A_1381 = tpu.memref_slice %arg6[%mul3A_633] : memref<16384xf32, #tpu.memory_space<vmem>> -> memref<8192xf32, #tpu.memory_space<vmem>>
        tpu.vector_store_idx %scatter3A_1381[%add3A_1380], %gather3A_1328 : memref<8192xf32, #tpu.memory_space<vmem>>[vector<16xi32>], vector<16xf32>,
        %add3A_1382 = vector.broadcast %add3A_1208 : i32 to vector<16xi32>
        %add3A_1383 = arith.addi %add3A_1382, %add3A_159 : vector<16xi32>
        %scatter3A_1384 = tpu.memref_slice %arg6[%mul3A_633] : memref<16384xf32, #tpu.memory_space<vmem>> -> memref<8192xf32, #tpu.memory_space<vmem>>
        tpu.vector_store_idx %scatter3A_1384[%add3A_1383], %gather3A_1336 : memref<8192xf32, #tpu.memory_space<vmem>>[vector<16xi32>], vector<16xf32>,
      }
      %scan3A_639 = arith.constant 8 : i32
      %mul3A_640 = arith.constant 8192 : i32
      %mul3A_641 = arith.muli %and3A_496, %mul3A_640 : i32
      %mul3A_642 = arith.constant 8192 : i32
      %mul3A_643 = arith.muli %min3A_501, %mul3A_642 : i32
      %dma_start3A_644 = tpu.memref_slice %arg6[%mul3A_641] : memref<16384xf32, #tpu.memory_space<vmem>> -> memref<8192xf32, #tpu.memory_space<vmem>>
      %dma_start3A_645 = tpu.memref_slice %arg4[%mul3A_643] : memref<64000000xf32, #tpu.memory_space<hbm>> -> memref<8192xf32, #tpu.memory_space<hbm>>
      %dma_start3A_646 = tpu.memref_slice %arg9[%and3A_496] : memref<2x!tpu.dma_semaphore, #tpu.memory_space<semaphore_mem>> -> memref<1x!tpu.dma_semaphore, #tpu.memory_space<semaphore_mem>>
      %dma_start3A_647 = tpu.memref_squeeze %dma_start3A_646 : memref<1x!tpu.dma_semaphore, #tpu.memory_space<semaphore_mem>> -> memref<!tpu.dma_semaphore, #tpu.memory_space<semaphore_mem>>
      %dma_start3A_648 = tpu.memref_slice %arg4[%mul3A_643] : memref<64000000xf32, #tpu.memory_space<hbm>> -> memref<8192xf32, #tpu.memory_space<hbm>>
      %dma_start3A_649 = tpu.memref_slice %arg6[%mul3A_641] : memref<16384xf32, #tpu.memory_space<vmem>> -> memref<8192xf32, #tpu.memory_space<vmem>>
      tpu.enqueue_dma source(%dma_start3A_649 : memref<8192xf32, #tpu.memory_space<vmem>>) target(%dma_start3A_648 : memref<8192xf32, #tpu.memory_space<hbm>>) target_semaphore(%dma_start3A_647 : memref<!tpu.dma_semaphore, #tpu.memory_space<semaphore_mem>>)
      %le3A = arith.constant 242 : i32
      %le3A_650 = arith.cmpi sle, %scan3A_494, %le3A : i32
      %convert_element_type3A_651 = arith.extui %le3A_650 : i1 to i32
      %cond3A_652 = arith.constant 0 : i32
      %cond3A_653 = arith.cmpi ne, %convert_element_type3A_651, %cond3A_652 : i32
      scf.if %cond3A_653 {
        %add3A_654 = arith.constant 2 : i32
        %add3A_655 = arith.addi %scan3A_494, %add3A_654 : i32
        %mul3A_656 = arith.constant 32 : i32
        %mul3A_657 = arith.muli %mul3A_656, %add3A_655 : i32
        %add3A_658 = arith.addi %add3A, %mul3A_657 : i32
        %min3A_659 = arith.constant 7811 : i32
        %min3A_660 = arith.minsi %add3A_658, %min3A_659 : i32
        %mul3A_661 = arith.constant 128 : i32
        %mul3A_662 = arith.muli %min3A_660, %mul3A_661 : i32
        %dma_start3A_663 = arith.constant 0 : i32
        %dma_start3A_664 = arith.constant 0 : i32
        %dma_start3A_665 = tpu.memref_slice %arg5[%and3A_496, %dma_start3A_663, %dma_start3A_664] : memref<2x64x128xf32, #tpu.memory_space<vmem>> -> memref<1x8x128xf32, #tpu.memory_space<vmem>>
        %dma_start3A_666 = tpu.memref_squeeze %dma_start3A_665 : memref<1x8x128xf32, #tpu.memory_space<vmem>> -> memref<8x128xf32, #tpu.memory_space<vmem>>
        %dma_start3A_667 = arith.constant 0 : i32
        %dma_start3A_668 = tpu.memref_slice %arg2[%dma_start3A_667, %mul3A_662] : memref<64x1000000xf32, #tpu.memory_space<hbm>> -> memref<8x128xf32, #tpu.memory_space<hbm>>
        %dma_start3A_669 = tpu.memref_slice %arg8[%and3A_496] : memref<2x!tpu.dma_semaphore, #tpu.memory_space<semaphore_mem>> -> memref<1x!tpu.dma_semaphore, #tpu.memory_space<semaphore_mem>>
        %dma_start3A_670 = tpu.memref_squeeze %dma_start3A_669 : memref<1x!tpu.dma_semaphore, #tpu.memory_space<semaphore_mem>> -> memref<!tpu.dma_semaphore, #tpu.memory_space<semaphore_mem>>
        %dma_start3A_671 = arith.constant 0 : i32
        %dma_start3A_672 = arith.constant 0 : i32
        %dma_start3A_673 = tpu.memref_slice %arg5[%and3A_496, %dma_start3A_671, %dma_start3A_672] : memref<2x64x128xf32, #tpu.memory_space<vmem>> -> memref<1x8x128xf32, #tpu.memory_space<vmem>>
        %dma_start3A_674 = tpu.memref_squeeze %dma_start3A_673 : memref<1x8x128xf32, #tpu.memory_space<vmem>> -> memref<8x128xf32, #tpu.memory_space<vmem>>
        %dma_start3A_675 = arith.constant 0 : i32
        %dma_start3A_676 = tpu.memref_slice %arg2[%dma_start3A_675, %mul3A_662] : memref<64x1000000xf32, #tpu.memory_space<hbm>> -> memref<8x128xf32, #tpu.memory_space<hbm>>
        tpu.enqueue_dma source(%dma_start3A_676 : memref<8x128xf32, #tpu.memory_space<hbm>>) target(%dma_start3A_674 : memref<8x128xf32, #tpu.memory_space<vmem>>) target_semaphore(%dma_start3A_670 : memref<!tpu.dma_semaphore, #tpu.memory_space<semaphore_mem>>)
        %mul3A_677 = arith.constant 128 : i32
        %mul3A_678 = arith.muli %min3A_660, %mul3A_677 : i32
        %dma_start3A_679 = arith.constant 8 : i32
        %dma_start3A_680 = arith.constant 0 : i32
        %dma_start3A_681 = tpu.memref_slice %arg5[%and3A_496, %dma_start3A_679, %dma_start3A_680] : memref<2x64x128xf32, #tpu.memory_space<vmem>> -> memref<1x8x128xf32, #tpu.memory_space<vmem>>
        %dma_start3A_682 = tpu.memref_squeeze %dma_start3A_681 : memref<1x8x128xf32, #tpu.memory_space<vmem>> -> memref<8x128xf32, #tpu.memory_space<vmem>>
        %dma_start3A_683 = arith.constant 8 : i32
        %dma_start3A_684 = tpu.memref_slice %arg2[%dma_start3A_683, %mul3A_678] : memref<64x1000000xf32, #tpu.memory_space<hbm>> -> memref<8x128xf32, #tpu.memory_space<hbm>>
        %dma_start3A_685 = tpu.memref_slice %arg8[%and3A_496] : memref<2x!tpu.dma_semaphore, #tpu.memory_space<semaphore_mem>> -> memref<1x!tpu.dma_semaphore, #tpu.memory_space<semaphore_mem>>
        %dma_start3A_686 = tpu.memref_squeeze %dma_start3A_685 : memref<1x!tpu.dma_semaphore, #tpu.memory_space<semaphore_mem>> -> memref<!tpu.dma_semaphore, #tpu.memory_space<semaphore_mem>>
        %dma_start3A_687 = arith.constant 8 : i32
        %dma_start3A_688 = arith.constant 0 : i32
        %dma_start3A_689 = tpu.memref_slice %arg5[%and3A_496, %dma_start3A_687, %dma_start3A_688] : memref<2x64x128xf32, #tpu.memory_space<vmem>> -> memref<1x8x128xf32, #tpu.memory_space<vmem>>
        %dma_start3A_690 = tpu.memref_squeeze %dma_start3A_689 : memref<1x8x128xf32, #tpu.memory_space<vmem>> -> memref<8x128xf32, #tpu.memory_space<vmem>>
        %dma_start3A_691 = arith.constant 8 : i32
        %dma_start3A_692 = tpu.memref_slice %arg2[%dma_start3A_691, %mul3A_678] : memref<64x1000000xf32, #tpu.memory_space<hbm>> -> memref<8x128xf32, #tpu.memory_space<hbm>>
        tpu.enqueue_dma source(%dma_start3A_692 : memref<8x128xf32, #tpu.memory_space<hbm>>) target(%dma_start3A_690 : memref<8x128xf32, #tpu.memory_space<vmem>>) target_semaphore(%dma_start3A_686 : memref<!tpu.dma_semaphore, #tpu.memory_space<semaphore_mem>>)
        %mul3A_693 = arith.constant 128 : i32
        %mul3A_694 = arith.muli %min3A_660, %mul3A_693 : i32
        %dma_start3A_695 = arith.constant 16 : i32
        %dma_start3A_696 = arith.constant 0 : i32
        %dma_start3A_697 = tpu.memref_slice %arg5[%and3A_496, %dma_start3A_695, %dma_start3A_696] : memref<2x64x128xf32, #tpu.memory_space<vmem>> -> memref<1x8x128xf32, #tpu.memory_space<vmem>>
        %dma_start3A_698 = tpu.memref_squeeze %dma_start3A_697 : memref<1x8x128xf32, #tpu.memory_space<vmem>> -> memref<8x128xf32, #tpu.memory_space<vmem>>
        %dma_start3A_699 = arith.constant 16 : i32
        %dma_start3A_700 = tpu.memref_slice %arg2[%dma_start3A_699, %mul3A_694] : memref<64x1000000xf32, #tpu.memory_space<hbm>> -> memref<8x128xf32, #tpu.memory_space<hbm>>
        %dma_start3A_701 = tpu.memref_slice %arg8[%and3A_496] : memref<2x!tpu.dma_semaphore, #tpu.memory_space<semaphore_mem>> -> memref<1x!tpu.dma_semaphore, #tpu.memory_space<semaphore_mem>>
        %dma_start3A_702 = tpu.memref_squeeze %dma_start3A_701 : memref<1x!tpu.dma_semaphore, #tpu.memory_space<semaphore_mem>> -> memref<!tpu.dma_semaphore, #tpu.memory_space<semaphore_mem>>
        %dma_start3A_703 = arith.constant 16 : i32
        %dma_start3A_704 = arith.constant 0 : i32
        %dma_start3A_705 = tpu.memref_slice %arg5[%and3A_496, %dma_start3A_703, %dma_start3A_704] : memref<2x64x128xf32, #tpu.memory_space<vmem>> -> memref<1x8x128xf32, #tpu.memory_space<vmem>>
        %dma_start3A_706 = tpu.memref_squeeze %dma_start3A_705 : memref<1x8x128xf32, #tpu.memory_space<vmem>> -> memref<8x128xf32, #tpu.memory_space<vmem>>
        %dma_start3A_707 = arith.constant 16 : i32
        %dma_start3A_708 = tpu.memref_slice %arg2[%dma_start3A_707, %mul3A_694] : memref<64x1000000xf32, #tpu.memory_space<hbm>> -> memref<8x128xf32, #tpu.memory_space<hbm>>
        tpu.enqueue_dma source(%dma_start3A_708 : memref<8x128xf32, #tpu.memory_space<hbm>>) target(%dma_start3A_706 : memref<8x128xf32, #tpu.memory_space<vmem>>) target_semaphore(%dma_start3A_702 : memref<!tpu.dma_semaphore, #tpu.memory_space<semaphore_mem>>)
        %mul3A_709 = arith.constant 128 : i32
        %mul3A_710 = arith.muli %min3A_660, %mul3A_709 : i32
        %dma_start3A_711 = arith.constant 24 : i32
        %dma_start3A_712 = arith.constant 0 : i32
        %dma_start3A_713 = tpu.memref_slice %arg5[%and3A_496, %dma_start3A_711, %dma_start3A_712] : memref<2x64x128xf32, #tpu.memory_space<vmem>> -> memref<1x8x128xf32, #tpu.memory_space<vmem>>
        %dma_start3A_714 = tpu.memref_squeeze %dma_start3A_713 : memref<1x8x128xf32, #tpu.memory_space<vmem>> -> memref<8x128xf32, #tpu.memory_space<vmem>>
        %dma_start3A_715 = arith.constant 24 : i32
        %dma_start3A_716 = tpu.memref_slice %arg2[%dma_start3A_715, %mul3A_710] : memref<64x1000000xf32, #tpu.memory_space<hbm>> -> memref<8x128xf32, #tpu.memory_space<hbm>>
        %dma_start3A_717 = tpu.memref_slice %arg8[%and3A_496] : memref<2x!tpu.dma_semaphore, #tpu.memory_space<semaphore_mem>> -> memref<1x!tpu.dma_semaphore, #tpu.memory_space<semaphore_mem>>
        %dma_start3A_718 = tpu.memref_squeeze %dma_start3A_717 : memref<1x!tpu.dma_semaphore, #tpu.memory_space<semaphore_mem>> -> memref<!tpu.dma_semaphore, #tpu.memory_space<semaphore_mem>>
        %dma_start3A_719 = arith.constant 24 : i32
        %dma_start3A_720 = arith.constant 0 : i32
        %dma_start3A_721 = tpu.memref_slice %arg5[%and3A_496, %dma_start3A_719, %dma_start3A_720] : memref<2x64x128xf32, #tpu.memory_space<vmem>> -> memref<1x8x128xf32, #tpu.memory_space<vmem>>
        %dma_start3A_722 = tpu.memref_squeeze %dma_start3A_721 : memref<1x8x128xf32, #tpu.memory_space<vmem>> -> memref<8x128xf32, #tpu.memory_space<vmem>>
        %dma_start3A_723 = arith.constant 24 : i32
        %dma_start3A_724 = tpu.memref_slice %arg2[%dma_start3A_723, %mul3A_710] : memref<64x1000000xf32, #tpu.memory_space<hbm>> -> memref<8x128xf32, #tpu.memory_space<hbm>>
        tpu.enqueue_dma source(%dma_start3A_724 : memref<8x128xf32, #tpu.memory_space<hbm>>) target(%dma_start3A_722 : memref<8x128xf32, #tpu.memory_space<vmem>>) target_semaphore(%dma_start3A_718 : memref<!tpu.dma_semaphore, #tpu.memory_space<semaphore_mem>>)
        %mul3A_725 = arith.constant 128 : i32
        %mul3A_726 = arith.muli %min3A_660, %mul3A_725 : i32
        %dma_start3A_727 = arith.constant 32 : i32
        %dma_start3A_728 = arith.constant 0 : i32
        %dma_start3A_729 = tpu.memref_slice %arg5[%and3A_496, %dma_start3A_727, %dma_start3A_728] : memref<2x64x128xf32, #tpu.memory_space<vmem>> -> memref<1x8x128xf32, #tpu.memory_space<vmem>>
        %dma_start3A_730 = tpu.memref_squeeze %dma_start3A_729 : memref<1x8x128xf32, #tpu.memory_space<vmem>> -> memref<8x128xf32, #tpu.memory_space<vmem>>
        %dma_start3A_731 = arith.constant 32 : i32
        %dma_start3A_732 = tpu.memref_slice %arg2[%dma_start3A_731, %mul3A_726] : memref<64x1000000xf32, #tpu.memory_space<hbm>> -> memref<8x128xf32, #tpu.memory_space<hbm>>
        %dma_start3A_733 = tpu.memref_slice %arg8[%and3A_496] : memref<2x!tpu.dma_semaphore, #tpu.memory_space<semaphore_mem>> -> memref<1x!tpu.dma_semaphore, #tpu.memory_space<semaphore_mem>>
        %dma_start3A_734 = tpu.memref_squeeze %dma_start3A_733 : memref<1x!tpu.dma_semaphore, #tpu.memory_space<semaphore_mem>> -> memref<!tpu.dma_semaphore, #tpu.memory_space<semaphore_mem>>
        %dma_start3A_735 = arith.constant 32 : i32
        %dma_start3A_736 = arith.constant 0 : i32
        %dma_start3A_737 = tpu.memref_slice %arg5[%and3A_496, %dma_start3A_735, %dma_start3A_736] : memref<2x64x128xf32, #tpu.memory_space<vmem>> -> memref<1x8x128xf32, #tpu.memory_space<vmem>>
        %dma_start3A_738 = tpu.memref_squeeze %dma_start3A_737 : memref<1x8x128xf32, #tpu.memory_space<vmem>> -> memref<8x128xf32, #tpu.memory_space<vmem>>
        %dma_start3A_739 = arith.constant 32 : i32
        %dma_start3A_740 = tpu.memref_slice %arg2[%dma_start3A_739, %mul3A_726] : memref<64x1000000xf32, #tpu.memory_space<hbm>> -> memref<8x128xf32, #tpu.memory_space<hbm>>
        tpu.enqueue_dma source(%dma_start3A_740 : memref<8x128xf32, #tpu.memory_space<hbm>>) target(%dma_start3A_738 : memref<8x128xf32, #tpu.memory_space<vmem>>) target_semaphore(%dma_start3A_734 : memref<!tpu.dma_semaphore, #tpu.memory_space<semaphore_mem>>)
        %mul3A_741 = arith.constant 128 : i32
        %mul3A_742 = arith.muli %min3A_660, %mul3A_741 : i32
        %dma_start3A_743 = arith.constant 40 : i32
        %dma_start3A_744 = arith.constant 0 : i32
        %dma_start3A_745 = tpu.memref_slice %arg5[%and3A_496, %dma_start3A_743, %dma_start3A_744] : memref<2x64x128xf32, #tpu.memory_space<vmem>> -> memref<1x8x128xf32, #tpu.memory_space<vmem>>
        %dma_start3A_746 = tpu.memref_squeeze %dma_start3A_745 : memref<1x8x128xf32, #tpu.memory_space<vmem>> -> memref<8x128xf32, #tpu.memory_space<vmem>>
        %dma_start3A_747 = arith.constant 40 : i32
        %dma_start3A_748 = tpu.memref_slice %arg2[%dma_start3A_747, %mul3A_742] : memref<64x1000000xf32, #tpu.memory_space<hbm>> -> memref<8x128xf32, #tpu.memory_space<hbm>>
        %dma_start3A_749 = tpu.memref_slice %arg8[%and3A_496] : memref<2x!tpu.dma_semaphore, #tpu.memory_space<semaphore_mem>> -> memref<1x!tpu.dma_semaphore, #tpu.memory_space<semaphore_mem>>
        %dma_start3A_750 = tpu.memref_squeeze %dma_start3A_749 : memref<1x!tpu.dma_semaphore, #tpu.memory_space<semaphore_mem>> -> memref<!tpu.dma_semaphore, #tpu.memory_space<semaphore_mem>>
        %dma_start3A_751 = arith.constant 40 : i32
        %dma_start3A_752 = arith.constant 0 : i32
        %dma_start3A_753 = tpu.memref_slice %arg5[%and3A_496, %dma_start3A_751, %dma_start3A_752] : memref<2x64x128xf32, #tpu.memory_space<vmem>> -> memref<1x8x128xf32, #tpu.memory_space<vmem>>
        %dma_start3A_754 = tpu.memref_squeeze %dma_start3A_753 : memref<1x8x128xf32, #tpu.memory_space<vmem>> -> memref<8x128xf32, #tpu.memory_space<vmem>>
        %dma_start3A_755 = arith.constant 40 : i32
        %dma_start3A_756 = tpu.memref_slice %arg2[%dma_start3A_755, %mul3A_742] : memref<64x1000000xf32, #tpu.memory_space<hbm>> -> memref<8x128xf32, #tpu.memory_space<hbm>>
        tpu.enqueue_dma source(%dma_start3A_756 : memref<8x128xf32, #tpu.memory_space<hbm>>) target(%dma_start3A_754 : memref<8x128xf32, #tpu.memory_space<vmem>>) target_semaphore(%dma_start3A_750 : memref<!tpu.dma_semaphore, #tpu.memory_space<semaphore_mem>>)
        %mul3A_757 = arith.constant 128 : i32
        %mul3A_758 = arith.muli %min3A_660, %mul3A_757 : i32
        %dma_start3A_759 = arith.constant 48 : i32
        %dma_start3A_760 = arith.constant 0 : i32
        %dma_start3A_761 = tpu.memref_slice %arg5[%and3A_496, %dma_start3A_759, %dma_start3A_760] : memref<2x64x128xf32, #tpu.memory_space<vmem>> -> memref<1x8x128xf32, #tpu.memory_space<vmem>>
        %dma_start3A_762 = tpu.memref_squeeze %dma_start3A_761 : memref<1x8x128xf32, #tpu.memory_space<vmem>> -> memref<8x128xf32, #tpu.memory_space<vmem>>
        %dma_start3A_763 = arith.constant 48 : i32
        %dma_start3A_764 = tpu.memref_slice %arg2[%dma_start3A_763, %mul3A_758] : memref<64x1000000xf32, #tpu.memory_space<hbm>> -> memref<8x128xf32, #tpu.memory_space<hbm>>
        %dma_start3A_765 = tpu.memref_slice %arg8[%and3A_496] : memref<2x!tpu.dma_semaphore, #tpu.memory_space<semaphore_mem>> -> memref<1x!tpu.dma_semaphore, #tpu.memory_space<semaphore_mem>>
        %dma_start3A_766 = tpu.memref_squeeze %dma_start3A_765 : memref<1x!tpu.dma_semaphore, #tpu.memory_space<semaphore_mem>> -> memref<!tpu.dma_semaphore, #tpu.memory_space<semaphore_mem>>
        %dma_start3A_767 = arith.constant 48 : i32
        %dma_start3A_768 = arith.constant 0 : i32
        %dma_start3A_769 = tpu.memref_slice %arg5[%and3A_496, %dma_start3A_767, %dma_start3A_768] : memref<2x64x128xf32, #tpu.memory_space<vmem>> -> memref<1x8x128xf32, #tpu.memory_space<vmem>>
        %dma_start3A_770 = tpu.memref_squeeze %dma_start3A_769 : memref<1x8x128xf32, #tpu.memory_space<vmem>> -> memref<8x128xf32, #tpu.memory_space<vmem>>
        %dma_start3A_771 = arith.constant 48 : i32
        %dma_start3A_772 = tpu.memref_slice %arg2[%dma_start3A_771, %mul3A_758] : memref<64x1000000xf32, #tpu.memory_space<hbm>> -> memref<8x128xf32, #tpu.memory_space<hbm>>
        tpu.enqueue_dma source(%dma_start3A_772 : memref<8x128xf32, #tpu.memory_space<hbm>>) target(%dma_start3A_770 : memref<8x128xf32, #tpu.memory_space<vmem>>) target_semaphore(%dma_start3A_766 : memref<!tpu.dma_semaphore, #tpu.memory_space<semaphore_mem>>)
        %mul3A_773 = arith.constant 128 : i32
        %mul3A_774 = arith.muli %min3A_660, %mul3A_773 : i32
        %dma_start3A_775 = arith.constant 56 : i32
        %dma_start3A_776 = arith.constant 0 : i32
        %dma_start3A_777 = tpu.memref_slice %arg5[%and3A_496, %dma_start3A_775, %dma_start3A_776] : memref<2x64x128xf32, #tpu.memory_space<vmem>> -> memref<1x8x128xf32, #tpu.memory_space<vmem>>
        %dma_start3A_778 = tpu.memref_squeeze %dma_start3A_777 : memref<1x8x128xf32, #tpu.memory_space<vmem>> -> memref<8x128xf32, #tpu.memory_space<vmem>>
        %dma_start3A_779 = arith.constant 56 : i32
        %dma_start3A_780 = tpu.memref_slice %arg2[%dma_start3A_779, %mul3A_774] : memref<64x1000000xf32, #tpu.memory_space<hbm>> -> memref<8x128xf32, #tpu.memory_space<hbm>>
        %dma_start3A_781 = tpu.memref_slice %arg8[%and3A_496] : memref<2x!tpu.dma_semaphore, #tpu.memory_space<semaphore_mem>> -> memref<1x!tpu.dma_semaphore, #tpu.memory_space<semaphore_mem>>
        %dma_start3A_782 = tpu.memref_squeeze %dma_start3A_781 : memref<1x!tpu.dma_semaphore, #tpu.memory_space<semaphore_mem>> -> memref<!tpu.dma_semaphore, #tpu.memory_space<semaphore_mem>>
        %dma_start3A_783 = arith.constant 56 : i32
        %dma_start3A_784 = arith.constant 0 : i32
        %dma_start3A_785 = tpu.memref_slice %arg5[%and3A_496, %dma_start3A_783, %dma_start3A_784] : memref<2x64x128xf32, #tpu.memory_space<vmem>> -> memref<1x8x128xf32, #tpu.memory_space<vmem>>
        %dma_start3A_786 = tpu.memref_squeeze %dma_start3A_785 : memref<1x8x128xf32, #tpu.memory_space<vmem>> -> memref<8x128xf32, #tpu.memory_space<vmem>>
        %dma_start3A_787 = arith.constant 56 : i32
        %dma_start3A_788 = tpu.memref_slice %arg2[%dma_start3A_787, %mul3A_774] : memref<64x1000000xf32, #tpu.memory_space<hbm>> -> memref<8x128xf32, #tpu.memory_space<hbm>>
        tpu.enqueue_dma source(%dma_start3A_788 : memref<8x128xf32, #tpu.memory_space<hbm>>) target(%dma_start3A_786 : memref<8x128xf32, #tpu.memory_space<vmem>>) target_semaphore(%dma_start3A_782 : memref<!tpu.dma_semaphore, #tpu.memory_space<semaphore_mem>>)
      } else {
      }
    }
    %scan3A_458 = arith.constant 245 : i32
    %add3A_459 = arith.constant 7776 : i32
    %add3A_460 = arith.addi %add3A, %add3A_459 : i32
    %min3A_461 = arith.constant 7811 : i32
    %min3A_462 = arith.minsi %add3A_460, %min3A_461 : i32
    %mul3A_463 = arith.constant 8192 : i32
    %mul3A_464 = arith.muli %min3A_462, %mul3A_463 : i32
    %dma_wait3A = arith.constant 1 : i32
    %dma_wait3A_465 = arith.constant 8192 : i32
    %dma_wait3A_466 = tpu.memref_slice %arg6[%dma_wait3A_465] : memref<16384xf32, #tpu.memory_space<vmem>> -> memref<8192xf32, #tpu.memory_space<vmem>>
    %dma_wait3A_467 = tpu.memref_slice %arg4[%mul3A_464] : memref<64000000xf32, #tpu.memory_space<hbm>> -> memref<8192xf32, #tpu.memory_space<hbm>>
    %dma_wait3A_468 = tpu.memref_slice %arg9[%dma_wait3A] : memref<2x!tpu.dma_semaphore, #tpu.memory_space<semaphore_mem>> -> memref<1x!tpu.dma_semaphore, #tpu.memory_space<semaphore_mem>>
    %dma_wait3A_469 = tpu.memref_squeeze %dma_wait3A_468 : memref<1x!tpu.dma_semaphore, #tpu.memory_space<semaphore_mem>> -> memref<!tpu.dma_semaphore, #tpu.memory_space<semaphore_mem>>
    %dma_wait3A_470 = tpu.memref_slice %arg4[%mul3A_464] : memref<64000000xf32, #tpu.memory_space<hbm>> -> memref<8192xf32, #tpu.memory_space<hbm>>
    %dma_wait3A_471 = arith.constant 8192 : i32
    %dma_wait3A_472 = tpu.memref_slice %arg6[%dma_wait3A_471] : memref<16384xf32, #tpu.memory_space<vmem>> -> memref<8192xf32, #tpu.memory_space<vmem>>
    tpu.wait_dma2 semaphore(%dma_wait3A_469 : memref<!tpu.dma_semaphore, #tpu.memory_space<semaphore_mem>>) src(%dma_wait3A_472 : memref<8192xf32, #tpu.memory_space<vmem>>) dst(%dma_wait3A_470 : memref<8192xf32, #tpu.memory_space<hbm>>)
    %add3A_473 = arith.constant 7808 : i32
    %add3A_474 = arith.addi %add3A, %add3A_473 : i32
    %min3A_475 = arith.constant 7811 : i32
    %min3A_476 = arith.minsi %add3A_474, %min3A_475 : i32
    %mul3A_477 = arith.constant 8192 : i32
    %mul3A_478 = arith.muli %min3A_476, %mul3A_477 : i32
    %dma_wait3A_479 = arith.constant 0 : i32
    %dma_wait3A_480 = arith.constant 0 : i32
    %dma_wait3A_481 = tpu.memref_slice %arg6[%dma_wait3A_480] : memref<16384xf32, #tpu.memory_space<vmem>> -> memref<8192xf32, #tpu.memory_space<vmem>>
    %dma_wait3A_482 = tpu.memref_slice %arg4[%mul3A_478] : memref<64000000xf32, #tpu.memory_space<hbm>> -> memref<8192xf32, #tpu.memory_space<hbm>>
    %dma_wait3A_483 = tpu.memref_slice %arg9[%dma_wait3A_479] : memref<2x!tpu.dma_semaphore, #tpu.memory_space<semaphore_mem>> -> memref<1x!tpu.dma_semaphore, #tpu.memory_space<semaphore_mem>>
    %dma_wait3A_484 = tpu.memref_squeeze %dma_wait3A_483 : memref<1x!tpu.dma_semaphore, #tpu.memory_space<semaphore_mem>> -> memref<!tpu.dma_semaphore, #tpu.memory_space<semaphore_mem>>
    %dma_wait3A_485 = tpu.memref_slice %arg4[%mul3A_478] : memref<64000000xf32, #tpu.memory_space<hbm>> -> memref<8192xf32, #tpu.memory_space<hbm>>
    %dma_wait3A_486 = arith.constant 0 : i32
    %dma_wait3A_487 = tpu.memref_slice %arg6[%dma_wait3A_486] : memref<16384xf32, #tpu.memory_space<vmem>> -> memref<8192xf32, #tpu.memory_space<vmem>>
    tpu.wait_dma2 semaphore(%dma_wait3A_484 : memref<!tpu.dma_semaphore, #tpu.memory_space<semaphore_mem>>) src(%dma_wait3A_487 : memref<8192xf32, #tpu.memory_space<vmem>>) dst(%dma_wait3A_485 : memref<8192xf32, #tpu.memory_space<hbm>>)
    "tpu.region"() ({
      %run_scoped3A = tpu.sem_alloc : memref<!tpu.dma_semaphore, #tpu.memory_space<semaphore_mem>>
      tpu.enqueue_dma source(%arg3 : memref<64x64xf32, #tpu.memory_space<hbm>>) target(%arg7 : memref<64x64xf32, #tpu.memory_space<vmem>>) target_semaphore(%run_scoped3A : memref<!tpu.dma_semaphore, #tpu.memory_space<semaphore_mem>>)
      tpu.wait_dma2 semaphore(%run_scoped3A : memref<!tpu.dma_semaphore, #tpu.memory_space<semaphore_mem>>) src(%arg3 : memref<64x64xf32, #tpu.memory_space<hbm>>) dst(%arg7 : memref<64x64xf32, #tpu.memory_space<vmem>>)
      tpu.yield
    }) : () -> ()
    %scan3A_488 = arith.constant 0 : i32
    %scan3A_489 = arith.constant 0 : i32
    %scan3A_490 = arith.constant 16 : i32
    %scan3A_491 = arith.addi %scan3A_489, %scan3A_490 : i32
    %scan3A_492 = arith.constant 1 : i32
    scf.for %scan3A_494 = %scan3A_489 to %scan3A_491 step %scan3A_492  : i32 {
      %jit3A = arith.constant 4 : i32
      %div3A = arith.divsi %scan3A_494, %jit3A : i32
      %sign3A = arith.constant 0 : i32
      %sign3A_495 = arith.cmpi sgt, %scan3A_494, %sign3A : i32
      %sign3A_496 = arith.extui %sign3A_495 : i1 to i32
      %sign3A_497 = arith.constant 0 : i32
      %sign3A_498 = arith.cmpi slt, %scan3A_494, %sign3A_497 : i32
      %sign3A_499 = arith.extui %sign3A_498 : i1 to i32
      %sign3A_500 = arith.subi %sign3A_496, %sign3A_499 : i32
      %sign3A_501 = arith.constant 0 : i32
      %sign3A_502 = arith.cmpi sgt, %jit3A, %sign3A_501 : i32
      %sign3A_503 = arith.extui %sign3A_502 : i1 to i32
      %sign3A_504 = arith.constant 0 : i32
      %sign3A_505 = arith.cmpi slt, %jit3A, %sign3A_504 : i32
      %sign3A_506 = arith.extui %sign3A_505 : i1 to i32
      %sign3A_507 = arith.subi %sign3A_503, %sign3A_506 : i32
      %ne3A = arith.cmpi ne, %sign3A_500, %sign3A_507 : i32
      %rem3A = arith.remsi %scan3A_494, %jit3A : i32
      %ne3A_508 = arith.constant 0 : i32
      %ne3A_509 = arith.cmpi ne, %rem3A, %ne3A_508 : i32
      %and3A_510 = arith.andi %ne3A, %ne3A_509 : i1
      %sub3A = arith.constant 1 : i32
      %sub3A_511 = arith.subi %div3A, %sub3A : i32
      %select_n3A = arith.select %and3A_510, %sub3A_511, %div3A : i32
      %mul3A_512 = arith.constant 16 : i32
      %mul3A_513 = arith.muli %select_n3A, %mul3A_512 : i32
      %add3A_514 = vector.broadcast %mul3A_513 : i32 to vector<16xi32>
      %add3A_515 = arith.addi %add3A_514, %iota3A : vector<16xi32>
      %jit3A_516 = arith.constant 4 : i32
      %eq3A = arith.constant 0 : i32
      %eq3A_517 = arith.cmpi eq, %jit3A_516, %eq3A : i32
      %jit3A_518 = arith.constant 1 : i32
      %select_n3A_519 = arith.select %eq3A_517, %jit3A_518, %jit3A_516 : i32
      %rem3A_520 = arith.remsi %scan3A_494, %select_n3A_519 : i32
      %ne3A_521 = arith.constant 0 : i32
      %ne3A_522 = arith.cmpi ne, %rem3A_520, %ne3A_521 : i32
      %lt3A = arith.constant 0 : i32
      %lt3A_523 = arith.cmpi slt, %rem3A_520, %lt3A : i32
      %lt3A_524 = arith.constant 0 : i32
      %lt3A_525 = arith.cmpi slt, %select_n3A_519, %lt3A_524 : i32
      %ne3A_526 = arith.xori %lt3A_523, %lt3A_525 : i1
      %and3A_527 = arith.andi %ne3A_526, %ne3A_522 : i1
      %add3A_528 = arith.addi %rem3A_520, %select_n3A_519 : i32
      %select_n3A_529 = arith.select %and3A_527, %add3A_528, %rem3A_520 : i32
      %mul3A_530 = arith.constant 16 : i32
      %mul3A_531 = arith.muli %select_n3A_529, %mul3A_530 : i32
      %add3A_532 = vector.broadcast %mul3A_531 : i32 to vector<16xi32>
      %add3A_533 = arith.addi %add3A_532, %and3A_5 : vector<16xi32>
      %gather3A = tpu.vector_load_idx %arg7[%add3A_533, %add3A_515] : memref<64x64xf32, #tpu.memory_space<vmem>>[vector<16xi32>, vector<16xi32>], vector<16xf32>,
      %mul3A_534 = arith.constant 16 : i32
      %mul3A_535 = arith.muli %select_n3A, %mul3A_534 : i32
      %mul3A_536 = arith.constant 64 : i32
      %mul3A_537 = arith.muli %mul3A_535, %mul3A_536 : i32
      %jit3A_538 = arith.constant 4 : i32
      %eq3A_539 = arith.constant 0 : i32
      %eq3A_540 = arith.cmpi eq, %jit3A_538, %eq3A_539 : i32
      %jit3A_541 = arith.constant 1 : i32
      %select_n3A_542 = arith.select %eq3A_540, %jit3A_541, %jit3A_538 : i32
      %rem3A_543 = arith.remsi %scan3A_494, %select_n3A_542 : i32
      %ne3A_544 = arith.constant 0 : i32
      %ne3A_545 = arith.cmpi ne, %rem3A_543, %ne3A_544 : i32
      %lt3A_546 = arith.constant 0 : i32
      %lt3A_547 = arith.cmpi slt, %rem3A_543, %lt3A_546 : i32
      %lt3A_548 = arith.constant 0 : i32
      %lt3A_549 = arith.cmpi slt, %select_n3A_542, %lt3A_548 : i32
      %ne3A_550 = arith.xori %lt3A_547, %lt3A_549 : i1
      %and3A_551 = arith.andi %ne3A_550, %ne3A_545 : i1
      %add3A_552 = arith.addi %rem3A_543, %select_n3A_542 : i32
      %select_n3A_553 = arith.select %and3A_551, %add3A_552, %rem3A_543 : i32
      %mul3A_554 = arith.constant 16 : i32
      %mul3A_555 = arith.muli %select_n3A_553, %mul3A_554 : i32
      %add3A_556 = arith.addi %mul3A_537, %mul3A_555 : i32
      %add3A_557 = vector.broadcast %add3A_556 : i32 to vector<16xi32>
      %add3A_558 = arith.addi %add3A_557, %add3A_99 : vector<16xi32>
      %scatter3A = arith.constant 0 : i32
      %scatter3A_559 = tpu.memref_slice %arg6[%scatter3A] : memref<16384xf32, #tpu.memory_space<vmem>> -> memref<8192xf32, #tpu.memory_space<vmem>>
      tpu.vector_store_idx %scatter3A_559[%add3A_558], %gather3A : memref<8192xf32, #tpu.memory_space<vmem>>[vector<16xi32>], vector<16xf32>,
      %jit3A_560 = arith.constant 4 : i32
      %eq3A_561 = arith.constant 0 : i32
      %eq3A_562 = arith.cmpi eq, %jit3A_560, %eq3A_561 : i32
      %jit3A_563 = arith.constant 1 : i32
      %select_n3A_564 = arith.select %eq3A_562, %jit3A_563, %jit3A_560 : i32
      %rem3A_565 = arith.remsi %scan3A_494, %select_n3A_564 : i32
      %ne3A_566 = arith.constant 0 : i32
      %ne3A_567 = arith.cmpi ne, %rem3A_565, %ne3A_566 : i32
      %lt3A_568 = arith.constant 0 : i32
      %lt3A_569 = arith.cmpi slt, %rem3A_565, %lt3A_568 : i32
      %lt3A_570 = arith.constant 0 : i32
      %lt3A_571 = arith.cmpi slt, %select_n3A_564, %lt3A_570 : i32
      %ne3A_572 = arith.xori %lt3A_569, %lt3A_571 : i1
      %and3A_573 = arith.andi %ne3A_572, %ne3A_567 : i1
      %add3A_574 = arith.addi %rem3A_565, %select_n3A_564 : i32
      %select_n3A_575 = arith.select %and3A_573, %add3A_574, %rem3A_565 : i32
      %mul3A_576 = arith.constant 16 : i32
      %mul3A_577 = arith.muli %select_n3A_575, %mul3A_576 : i32
      %add3A_578 = vector.broadcast %mul3A_577 : i32 to vector<16xi32>
      %add3A_579 = arith.addi %add3A_578, %and3A_11 : vector<16xi32>
      %gather3A_580 = tpu.vector_load_idx %arg7[%add3A_579, %add3A_515] : memref<64x64xf32, #tpu.memory_space<vmem>>[vector<16xi32>, vector<16xi32>], vector<16xf32>,
      %mul3A_581 = arith.constant 16 : i32
      %mul3A_582 = arith.muli %select_n3A, %mul3A_581 : i32
      %mul3A_583 = arith.constant 64 : i32
      %mul3A_584 = arith.muli %mul3A_582, %mul3A_583 : i32
      %jit3A_585 = arith.constant 4 : i32
      %eq3A_586 = arith.constant 0 : i32
      %eq3A_587 = arith.cmpi eq, %jit3A_585, %eq3A_586 : i32
      %jit3A_588 = arith.constant 1 : i32
      %select_n3A_589 = arith.select %eq3A_587, %jit3A_588, %jit3A_585 : i32
      %rem3A_590 = arith.remsi %scan3A_494, %select_n3A_589 : i32
      %ne3A_591 = arith.constant 0 : i32
      %ne3A_592 = arith.cmpi ne, %rem3A_590, %ne3A_591 : i32
      %lt3A_593 = arith.constant 0 : i32
      %lt3A_594 = arith.cmpi slt, %rem3A_590, %lt3A_593 : i32
      %lt3A_595 = arith.constant 0 : i32
      %lt3A_596 = arith.cmpi slt, %select_n3A_589, %lt3A_595 : i32
      %ne3A_597 = arith.xori %lt3A_594, %lt3A_596 : i1
      %and3A_598 = arith.andi %ne3A_597, %ne3A_592 : i1
      %add3A_599 = arith.addi %rem3A_590, %select_n3A_589 : i32
      %select_n3A_600 = arith.select %and3A_598, %add3A_599, %rem3A_590 : i32
      %mul3A_601 = arith.constant 16 : i32
      %mul3A_602 = arith.muli %select_n3A_600, %mul3A_601 : i32
      %add3A_603 = arith.addi %mul3A_584, %mul3A_602 : i32
      %add3A_604 = vector.broadcast %add3A_603 : i32 to vector<16xi32>
      %add3A_605 = arith.addi %add3A_604, %add3A_103 : vector<16xi32>
      %scatter3A_606 = arith.constant 0 : i32
      %scatter3A_607 = tpu.memref_slice %arg6[%scatter3A_606] : memref<16384xf32, #tpu.memory_space<vmem>> -> memref<8192xf32, #tpu.memory_space<vmem>>
      tpu.vector_store_idx %scatter3A_607[%add3A_605], %gather3A_580 : memref<8192xf32, #tpu.memory_space<vmem>>[vector<16xi32>], vector<16xf32>,
      %jit3A_608 = arith.constant 4 : i32
      %eq3A_609 = arith.constant 0 : i32
      %eq3A_610 = arith.cmpi eq, %jit3A_608, %eq3A_609 : i32
      %jit3A_611 = arith.constant 1 : i32
      %select_n3A_612 = arith.select %eq3A_610, %jit3A_611, %jit3A_608 : i32
      %rem3A_613 = arith.remsi %scan3A_494, %select_n3A_612 : i32
      %ne3A_614 = arith.constant 0 : i32
      %ne3A_615 = arith.cmpi ne, %rem3A_613, %ne3A_614 : i32
      %lt3A_616 = arith.constant 0 : i32
      %lt3A_617 = arith.cmpi slt, %rem3A_613, %lt3A_616 : i32
      %lt3A_618 = arith.constant 0 : i32
      %lt3A_619 = arith.cmpi slt, %select_n3A_612, %lt3A_618 : i32
      %ne3A_620 = arith.xori %lt3A_617, %lt3A_619 : i1
      %and3A_621 = arith.andi %ne3A_620, %ne3A_615 : i1
      %add3A_622 = arith.addi %rem3A_613, %select_n3A_612 : i32
      %select_n3A_623 = arith.select %and3A_621, %add3A_622, %rem3A_613 : i32
      %mul3A_624 = arith.constant 16 : i32
      %mul3A_625 = arith.muli %select_n3A_623, %mul3A_624 : i32
      %add3A_626 = vector.broadcast %mul3A_625 : i32 to vector<16xi32>
      %add3A_627 = arith.addi %add3A_626, %and3A_17 : vector<16xi32>
      %gather3A_628 = tpu.vector_load_idx %arg7[%add3A_627, %add3A_515] : memref<64x64xf32, #tpu.memory_space<vmem>>[vector<16xi32>, vector<16xi32>], vector<16xf32>,
      %mul3A_629 = arith.constant 16 : i32
      %mul3A_630 = arith.muli %select_n3A, %mul3A_629 : i32
      %mul3A_631 = arith.constant 64 : i32
      %mul3A_632 = arith.muli %mul3A_630, %mul3A_631 : i32
      %jit3A_633 = arith.constant 4 : i32
      %eq3A_634 = arith.constant 0 : i32
      %eq3A_635 = arith.cmpi eq, %jit3A_633, %eq3A_634 : i32
      %jit3A_636 = arith.constant 1 : i32
      %select_n3A_637 = arith.select %eq3A_635, %jit3A_636, %jit3A_633 : i32
      %rem3A_638 = arith.remsi %scan3A_494, %select_n3A_637 : i32
      %ne3A_639 = arith.constant 0 : i32
      %ne3A_640 = arith.cmpi ne, %rem3A_638, %ne3A_639 : i32
      %lt3A_641 = arith.constant 0 : i32
      %lt3A_642 = arith.cmpi slt, %rem3A_638, %lt3A_641 : i32
      %lt3A_643 = arith.constant 0 : i32
      %lt3A_644 = arith.cmpi slt, %select_n3A_637, %lt3A_643 : i32
      %ne3A_645 = arith.xori %lt3A_642, %lt3A_644 : i1
      %and3A_646 = arith.andi %ne3A_645, %ne3A_640 : i1
      %add3A_647 = arith.addi %rem3A_638, %select_n3A_637 : i32
      %select_n3A_648 = arith.select %and3A_646, %add3A_647, %rem3A_638 : i32
      %mul3A_649 = arith.constant 16 : i32
      %mul3A_650 = arith.muli %select_n3A_648, %mul3A_649 : i32
      %add3A_651 = arith.addi %mul3A_632, %mul3A_650 : i32
      %add3A_652 = vector.broadcast %add3A_651 : i32 to vector<16xi32>
      %add3A_653 = arith.addi %add3A_652, %add3A_107 : vector<16xi32>
      %scatter3A_654 = arith.constant 0 : i32
      %scatter3A_655 = tpu.memref_slice %arg6[%scatter3A_654] : memref<16384xf32, #tpu.memory_space<vmem>> -> memref<8192xf32, #tpu.memory_space<vmem>>
      tpu.vector_store_idx %scatter3A_655[%add3A_653], %gather3A_628 : memref<8192xf32, #tpu.memory_space<vmem>>[vector<16xi32>], vector<16xf32>,
      %jit3A_656 = arith.constant 4 : i32
      %eq3A_657 = arith.constant 0 : i32
      %eq3A_658 = arith.cmpi eq, %jit3A_656, %eq3A_657 : i32
      %jit3A_659 = arith.constant 1 : i32
      %select_n3A_660 = arith.select %eq3A_658, %jit3A_659, %jit3A_656 : i32
      %rem3A_661 = arith.remsi %scan3A_494, %select_n3A_660 : i32
      %ne3A_662 = arith.constant 0 : i32
      %ne3A_663 = arith.cmpi ne, %rem3A_661, %ne3A_662 : i32
      %lt3A_664 = arith.constant 0 : i32
      %lt3A_665 = arith.cmpi slt, %rem3A_661, %lt3A_664 : i32
      %lt3A_666 = arith.constant 0 : i32
      %lt3A_667 = arith.cmpi slt, %select_n3A_660, %lt3A_666 : i32
      %ne3A_668 = arith.xori %lt3A_665, %lt3A_667 : i1
      %and3A_669 = arith.andi %ne3A_668, %ne3A_663 : i1
      %add3A_670 = arith.addi %rem3A_661, %select_n3A_660 : i32
      %select_n3A_671 = arith.select %and3A_669, %add3A_670, %rem3A_661 : i32
      %mul3A_672 = arith.constant 16 : i32
      %mul3A_673 = arith.muli %select_n3A_671, %mul3A_672 : i32
      %add3A_674 = vector.broadcast %mul3A_673 : i32 to vector<16xi32>
      %add3A_675 = arith.addi %add3A_674, %and3A_23 : vector<16xi32>
      %gather3A_676 = tpu.vector_load_idx %arg7[%add3A_675, %add3A_515] : memref<64x64xf32, #tpu.memory_space<vmem>>[vector<16xi32>, vector<16xi32>], vector<16xf32>,
      %mul3A_677 = arith.constant 16 : i32
      %mul3A_678 = arith.muli %select_n3A, %mul3A_677 : i32
      %mul3A_679 = arith.constant 64 : i32
      %mul3A_680 = arith.muli %mul3A_678, %mul3A_679 : i32
      %jit3A_681 = arith.constant 4 : i32
      %eq3A_682 = arith.constant 0 : i32
      %eq3A_683 = arith.cmpi eq, %jit3A_681, %eq3A_682 : i32
      %jit3A_684 = arith.constant 1 : i32
      %select_n3A_685 = arith.select %eq3A_683, %jit3A_684, %jit3A_681 : i32
      %rem3A_686 = arith.remsi %scan3A_494, %select_n3A_685 : i32
      %ne3A_687 = arith.constant 0 : i32
      %ne3A_688 = arith.cmpi ne, %rem3A_686, %ne3A_687 : i32
      %lt3A_689 = arith.constant 0 : i32
      %lt3A_690 = arith.cmpi slt, %rem3A_686, %lt3A_689 : i32
      %lt3A_691 = arith.constant 0 : i32
      %lt3A_692 = arith.cmpi slt, %select_n3A_685, %lt3A_691 : i32
      %ne3A_693 = arith.xori %lt3A_690, %lt3A_692 : i1
      %and3A_694 = arith.andi %ne3A_693, %ne3A_688 : i1
      %add3A_695 = arith.addi %rem3A_686, %select_n3A_685 : i32
      %select_n3A_696 = arith.select %and3A_694, %add3A_695, %rem3A_686 : i32
      %mul3A_697 = arith.constant 16 : i32
      %mul3A_698 = arith.muli %select_n3A_696, %mul3A_697 : i32
      %add3A_699 = arith.addi %mul3A_680, %mul3A_698 : i32
      %add3A_700 = vector.broadcast %add3A_699 : i32 to vector<16xi32>
      %add3A_701 = arith.addi %add3A_700, %add3A_111 : vector<16xi32>
      %scatter3A_702 = arith.constant 0 : i32
      %scatter3A_703 = tpu.memref_slice %arg6[%scatter3A_702] : memref<16384xf32, #tpu.memory_space<vmem>> -> memref<8192xf32, #tpu.memory_space<vmem>>
      tpu.vector_store_idx %scatter3A_703[%add3A_701], %gather3A_676 : memref<8192xf32, #tpu.memory_space<vmem>>[vector<16xi32>], vector<16xf32>,
      %jit3A_704 = arith.constant 4 : i32
      %eq3A_705 = arith.constant 0 : i32
      %eq3A_706 = arith.cmpi eq, %jit3A_704, %eq3A_705 : i32
      %jit3A_707 = arith.constant 1 : i32
      %select_n3A_708 = arith.select %eq3A_706, %jit3A_707, %jit3A_704 : i32
      %rem3A_709 = arith.remsi %scan3A_494, %select_n3A_708 : i32
      %ne3A_710 = arith.constant 0 : i32
      %ne3A_711 = arith.cmpi ne, %rem3A_709, %ne3A_710 : i32
      %lt3A_712 = arith.constant 0 : i32
      %lt3A_713 = arith.cmpi slt, %rem3A_709, %lt3A_712 : i32
      %lt3A_714 = arith.constant 0 : i32
      %lt3A_715 = arith.cmpi slt, %select_n3A_708, %lt3A_714 : i32
      %ne3A_716 = arith.xori %lt3A_713, %lt3A_715 : i1
      %and3A_717 = arith.andi %ne3A_716, %ne3A_711 : i1
      %add3A_718 = arith.addi %rem3A_709, %select_n3A_708 : i32
      %select_n3A_719 = arith.select %and3A_717, %add3A_718, %rem3A_709 : i32
      %mul3A_720 = arith.constant 16 : i32
      %mul3A_721 = arith.muli %select_n3A_719, %mul3A_720 : i32
      %add3A_722 = vector.broadcast %mul3A_721 : i32 to vector<16xi32>
      %add3A_723 = arith.addi %add3A_722, %and3A_29 : vector<16xi32>
      %gather3A_724 = tpu.vector_load_idx %arg7[%add3A_723, %add3A_515] : memref<64x64xf32, #tpu.memory_space<vmem>>[vector<16xi32>, vector<16xi32>], vector<16xf32>,
      %mul3A_725 = arith.constant 16 : i32
      %mul3A_726 = arith.muli %select_n3A, %mul3A_725 : i32
      %mul3A_727 = arith.constant 64 : i32
      %mul3A_728 = arith.muli %mul3A_726, %mul3A_727 : i32
      %jit3A_729 = arith.constant 4 : i32
      %eq3A_730 = arith.constant 0 : i32
      %eq3A_731 = arith.cmpi eq, %jit3A_729, %eq3A_730 : i32
      %jit3A_732 = arith.constant 1 : i32
      %select_n3A_733 = arith.select %eq3A_731, %jit3A_732, %jit3A_729 : i32
      %rem3A_734 = arith.remsi %scan3A_494, %select_n3A_733 : i32
      %ne3A_735 = arith.constant 0 : i32
      %ne3A_736 = arith.cmpi ne, %rem3A_734, %ne3A_735 : i32
      %lt3A_737 = arith.constant 0 : i32
      %lt3A_738 = arith.cmpi slt, %rem3A_734, %lt3A_737 : i32
      %lt3A_739 = arith.constant 0 : i32
      %lt3A_740 = arith.cmpi slt, %select_n3A_733, %lt3A_739 : i32
      %ne3A_741 = arith.xori %lt3A_738, %lt3A_740 : i1
      %and3A_742 = arith.andi %ne3A_741, %ne3A_736 : i1
      %add3A_743 = arith.addi %rem3A_734, %select_n3A_733 : i32
      %select_n3A_744 = arith.select %and3A_742, %add3A_743, %rem3A_734 : i32
      %mul3A_745 = arith.constant 16 : i32
      %mul3A_746 = arith.muli %select_n3A_744, %mul3A_745 : i32
      %add3A_747 = arith.addi %mul3A_728, %mul3A_746 : i32
      %add3A_748 = vector.broadcast %add3A_747 : i32 to vector<16xi32>
      %add3A_749 = arith.addi %add3A_748, %add3A_115 : vector<16xi32>
      %scatter3A_750 = arith.constant 0 : i32
      %scatter3A_751 = tpu.memref_slice %arg6[%scatter3A_750] : memref<16384xf32, #tpu.memory_space<vmem>> -> memref<8192xf32, #tpu.memory_space<vmem>>
      tpu.vector_store_idx %scatter3A_751[%add3A_749], %gather3A_724 : memref<8192xf32, #tpu.memory_space<vmem>>[vector<16xi32>], vector<16xf32>,
      %jit3A_752 = arith.constant 4 : i32
      %eq3A_753 = arith.constant 0 : i32
      %eq3A_754 = arith.cmpi eq, %jit3A_752, %eq3A_753 : i32
      %jit3A_755 = arith.constant 1 : i32
      %select_n3A_756 = arith.select %eq3A_754, %jit3A_755, %jit3A_752 : i32
      %rem3A_757 = arith.remsi %scan3A_494, %select_n3A_756 : i32
      %ne3A_758 = arith.constant 0 : i32
      %ne3A_759 = arith.cmpi ne, %rem3A_757, %ne3A_758 : i32
      %lt3A_760 = arith.constant 0 : i32
      %lt3A_761 = arith.cmpi slt, %rem3A_757, %lt3A_760 : i32
      %lt3A_762 = arith.constant 0 : i32
      %lt3A_763 = arith.cmpi slt, %select_n3A_756, %lt3A_762 : i32
      %ne3A_764 = arith.xori %lt3A_761, %lt3A_763 : i1
      %and3A_765 = arith.andi %ne3A_764, %ne3A_759 : i1
      %add3A_766 = arith.addi %rem3A_757, %select_n3A_756 : i32
      %select_n3A_767 = arith.select %and3A_765, %add3A_766, %rem3A_757 : i32
      %mul3A_768 = arith.constant 16 : i32
      %mul3A_769 = arith.muli %select_n3A_767, %mul3A_768 : i32
      %add3A_770 = vector.broadcast %mul3A_769 : i32 to vector<16xi32>
      %add3A_771 = arith.addi %add3A_770, %and3A_35 : vector<16xi32>
      %gather3A_772 = tpu.vector_load_idx %arg7[%add3A_771, %add3A_515] : memref<64x64xf32, #tpu.memory_space<vmem>>[vector<16xi32>, vector<16xi32>], vector<16xf32>,
      %mul3A_773 = arith.constant 16 : i32
      %mul3A_774 = arith.muli %select_n3A, %mul3A_773 : i32
      %mul3A_775 = arith.constant 64 : i32
      %mul3A_776 = arith.muli %mul3A_774, %mul3A_775 : i32
      %jit3A_777 = arith.constant 4 : i32
      %eq3A_778 = arith.constant 0 : i32
      %eq3A_779 = arith.cmpi eq, %jit3A_777, %eq3A_778 : i32
      %jit3A_780 = arith.constant 1 : i32
      %select_n3A_781 = arith.select %eq3A_779, %jit3A_780, %jit3A_777 : i32
      %rem3A_782 = arith.remsi %scan3A_494, %select_n3A_781 : i32
      %ne3A_783 = arith.constant 0 : i32
      %ne3A_784 = arith.cmpi ne, %rem3A_782, %ne3A_783 : i32
      %lt3A_785 = arith.constant 0 : i32
      %lt3A_786 = arith.cmpi slt, %rem3A_782, %lt3A_785 : i32
      %lt3A_787 = arith.constant 0 : i32
      %lt3A_788 = arith.cmpi slt, %select_n3A_781, %lt3A_787 : i32
      %ne3A_789 = arith.xori %lt3A_786, %lt3A_788 : i1
      %and3A_790 = arith.andi %ne3A_789, %ne3A_784 : i1
      %add3A_791 = arith.addi %rem3A_782, %select_n3A_781 : i32
      %select_n3A_792 = arith.select %and3A_790, %add3A_791, %rem3A_782 : i32
      %mul3A_793 = arith.constant 16 : i32
      %mul3A_794 = arith.muli %select_n3A_792, %mul3A_793 : i32
      %add3A_795 = arith.addi %mul3A_776, %mul3A_794 : i32
      %add3A_796 = vector.broadcast %add3A_795 : i32 to vector<16xi32>
      %add3A_797 = arith.addi %add3A_796, %add3A_119 : vector<16xi32>
      %scatter3A_798 = arith.constant 0 : i32
      %scatter3A_799 = tpu.memref_slice %arg6[%scatter3A_798] : memref<16384xf32, #tpu.memory_space<vmem>> -> memref<8192xf32, #tpu.memory_space<vmem>>
      tpu.vector_store_idx %scatter3A_799[%add3A_797], %gather3A_772 : memref<8192xf32, #tpu.memory_space<vmem>>[vector<16xi32>], vector<16xf32>,
      %jit3A_800 = arith.constant 4 : i32
      %eq3A_801 = arith.constant 0 : i32
      %eq3A_802 = arith.cmpi eq, %jit3A_800, %eq3A_801 : i32
      %jit3A_803 = arith.constant 1 : i32
      %select_n3A_804 = arith.select %eq3A_802, %jit3A_803, %jit3A_800 : i32
      %rem3A_805 = arith.remsi %scan3A_494, %select_n3A_804 : i32
      %ne3A_806 = arith.constant 0 : i32
      %ne3A_807 = arith.cmpi ne, %rem3A_805, %ne3A_806 : i32
      %lt3A_808 = arith.constant 0 : i32
      %lt3A_809 = arith.cmpi slt, %rem3A_805, %lt3A_808 : i32
      %lt3A_810 = arith.constant 0 : i32
      %lt3A_811 = arith.cmpi slt, %select_n3A_804, %lt3A_810 : i32
      %ne3A_812 = arith.xori %lt3A_809, %lt3A_811 : i1
      %and3A_813 = arith.andi %ne3A_812, %ne3A_807 : i1
      %add3A_814 = arith.addi %rem3A_805, %select_n3A_804 : i32
      %select_n3A_815 = arith.select %and3A_813, %add3A_814, %rem3A_805 : i32
      %mul3A_816 = arith.constant 16 : i32
      %mul3A_817 = arith.muli %select_n3A_815, %mul3A_816 : i32
      %add3A_818 = vector.broadcast %mul3A_817 : i32 to vector<16xi32>
      %add3A_819 = arith.addi %add3A_818, %and3A_41 : vector<16xi32>
      %gather3A_820 = tpu.vector_load_idx %arg7[%add3A_819, %add3A_515] : memref<64x64xf32, #tpu.memory_space<vmem>>[vector<16xi32>, vector<16xi32>], vector<16xf32>,
      %mul3A_821 = arith.constant 16 : i32
      %mul3A_822 = arith.muli %select_n3A, %mul3A_821 : i32
      %mul3A_823 = arith.constant 64 : i32
      %mul3A_824 = arith.muli %mul3A_822, %mul3A_823 : i32
      %jit3A_825 = arith.constant 4 : i32
      %eq3A_826 = arith.constant 0 : i32
      %eq3A_827 = arith.cmpi eq, %jit3A_825, %eq3A_826 : i32
      %jit3A_828 = arith.constant 1 : i32
      %select_n3A_829 = arith.select %eq3A_827, %jit3A_828, %jit3A_825 : i32
      %rem3A_830 = arith.remsi %scan3A_494, %select_n3A_829 : i32
      %ne3A_831 = arith.constant 0 : i32
      %ne3A_832 = arith.cmpi ne, %rem3A_830, %ne3A_831 : i32
      %lt3A_833 = arith.constant 0 : i32
      %lt3A_834 = arith.cmpi slt, %rem3A_830, %lt3A_833 : i32
      %lt3A_835 = arith.constant 0 : i32
      %lt3A_836 = arith.cmpi slt, %select_n3A_829, %lt3A_835 : i32
      %ne3A_837 = arith.xori %lt3A_834, %lt3A_836 : i1
      %and3A_838 = arith.andi %ne3A_837, %ne3A_832 : i1
      %add3A_839 = arith.addi %rem3A_830, %select_n3A_829 : i32
      %select_n3A_840 = arith.select %and3A_838, %add3A_839, %rem3A_830 : i32
      %mul3A_841 = arith.constant 16 : i32
      %mul3A_842 = arith.muli %select_n3A_840, %mul3A_841 : i32
      %add3A_843 = arith.addi %mul3A_824, %mul3A_842 : i32
      %add3A_844 = vector.broadcast %add3A_843 : i32 to vector<16xi32>
      %add3A_845 = arith.addi %add3A_844, %add3A_123 : vector<16xi32>
      %scatter3A_846 = arith.constant 0 : i32
      %scatter3A_847 = tpu.memref_slice %arg6[%scatter3A_846] : memref<16384xf32, #tpu.memory_space<vmem>> -> memref<8192xf32, #tpu.memory_space<vmem>>
      tpu.vector_store_idx %scatter3A_847[%add3A_845], %gather3A_820 : memref<8192xf32, #tpu.memory_space<vmem>>[vector<16xi32>], vector<16xf32>,
      %jit3A_848 = arith.constant 4 : i32
      %eq3A_849 = arith.constant 0 : i32
      %eq3A_850 = arith.cmpi eq, %jit3A_848, %eq3A_849 : i32
      %jit3A_851 = arith.constant 1 : i32
      %select_n3A_852 = arith.select %eq3A_850, %jit3A_851, %jit3A_848 : i32
      %rem3A_853 = arith.remsi %scan3A_494, %select_n3A_852 : i32
      %ne3A_854 = arith.constant 0 : i32
      %ne3A_855 = arith.cmpi ne, %rem3A_853, %ne3A_854 : i32
      %lt3A_856 = arith.constant 0 : i32
      %lt3A_857 = arith.cmpi slt, %rem3A_853, %lt3A_856 : i32
      %lt3A_858 = arith.constant 0 : i32
      %lt3A_859 = arith.cmpi slt, %select_n3A_852, %lt3A_858 : i32
      %ne3A_860 = arith.xori %lt3A_857, %lt3A_859 : i1
      %and3A_861 = arith.andi %ne3A_860, %ne3A_855 : i1
      %add3A_862 = arith.addi %rem3A_853, %select_n3A_852 : i32
      %select_n3A_863 = arith.select %and3A_861, %add3A_862, %rem3A_853 : i32
      %mul3A_864 = arith.constant 16 : i32
      %mul3A_865 = arith.muli %select_n3A_863, %mul3A_864 : i32
      %add3A_866 = vector.broadcast %mul3A_865 : i32 to vector<16xi32>
      %add3A_867 = arith.addi %add3A_866, %and3A_47 : vector<16xi32>
      %gather3A_868 = tpu.vector_load_idx %arg7[%add3A_867, %add3A_515] : memref<64x64xf32, #tpu.memory_space<vmem>>[vector<16xi32>, vector<16xi32>], vector<16xf32>,
      %mul3A_869 = arith.constant 16 : i32
      %mul3A_870 = arith.muli %select_n3A, %mul3A_869 : i32
      %mul3A_871 = arith.constant 64 : i32
      %mul3A_872 = arith.muli %mul3A_870, %mul3A_871 : i32
      %jit3A_873 = arith.constant 4 : i32
      %eq3A_874 = arith.constant 0 : i32
      %eq3A_875 = arith.cmpi eq, %jit3A_873, %eq3A_874 : i32
      %jit3A_876 = arith.constant 1 : i32
      %select_n3A_877 = arith.select %eq3A_875, %jit3A_876, %jit3A_873 : i32
      %rem3A_878 = arith.remsi %scan3A_494, %select_n3A_877 : i32
      %ne3A_879 = arith.constant 0 : i32
      %ne3A_880 = arith.cmpi ne, %rem3A_878, %ne3A_879 : i32
      %lt3A_881 = arith.constant 0 : i32
      %lt3A_882 = arith.cmpi slt, %rem3A_878, %lt3A_881 : i32
      %lt3A_883 = arith.constant 0 : i32
      %lt3A_884 = arith.cmpi slt, %select_n3A_877, %lt3A_883 : i32
      %ne3A_885 = arith.xori %lt3A_882, %lt3A_884 : i1
      %and3A_886 = arith.andi %ne3A_885, %ne3A_880 : i1
      %add3A_887 = arith.addi %rem3A_878, %select_n3A_877 : i32
      %select_n3A_888 = arith.select %and3A_886, %add3A_887, %rem3A_878 : i32
      %mul3A_889 = arith.constant 16 : i32
      %mul3A_890 = arith.muli %select_n3A_888, %mul3A_889 : i32
      %add3A_891 = arith.addi %mul3A_872, %mul3A_890 : i32
      %add3A_892 = vector.broadcast %add3A_891 : i32 to vector<16xi32>
      %add3A_893 = arith.addi %add3A_892, %add3A_127 : vector<16xi32>
      %scatter3A_894 = arith.constant 0 : i32
      %scatter3A_895 = tpu.memref_slice %arg6[%scatter3A_894] : memref<16384xf32, #tpu.memory_space<vmem>> -> memref<8192xf32, #tpu.memory_space<vmem>>
      tpu.vector_store_idx %scatter3A_895[%add3A_893], %gather3A_868 : memref<8192xf32, #tpu.memory_space<vmem>>[vector<16xi32>], vector<16xf32>,
      %jit3A_896 = arith.constant 4 : i32
      %eq3A_897 = arith.constant 0 : i32
      %eq3A_898 = arith.cmpi eq, %jit3A_896, %eq3A_897 : i32
      %jit3A_899 = arith.constant 1 : i32
      %select_n3A_900 = arith.select %eq3A_898, %jit3A_899, %jit3A_896 : i32
      %rem3A_901 = arith.remsi %scan3A_494, %select_n3A_900 : i32
      %ne3A_902 = arith.constant 0 : i32
      %ne3A_903 = arith.cmpi ne, %rem3A_901, %ne3A_902 : i32
      %lt3A_904 = arith.constant 0 : i32
      %lt3A_905 = arith.cmpi slt, %rem3A_901, %lt3A_904 : i32
      %lt3A_906 = arith.constant 0 : i32
      %lt3A_907 = arith.cmpi slt, %select_n3A_900, %lt3A_906 : i32
      %ne3A_908 = arith.xori %lt3A_905, %lt3A_907 : i1
      %and3A_909 = arith.andi %ne3A_908, %ne3A_903 : i1
      %add3A_910 = arith.addi %rem3A_901, %select_n3A_900 : i32
      %select_n3A_911 = arith.select %and3A_909, %add3A_910, %rem3A_901 : i32
      %mul3A_912 = arith.constant 16 : i32
      %mul3A_913 = arith.muli %select_n3A_911, %mul3A_912 : i32
      %add3A_914 = vector.broadcast %mul3A_913 : i32 to vector<16xi32>
      %add3A_915 = arith.addi %add3A_914, %and3A_53 : vector<16xi32>
      %gather3A_916 = tpu.vector_load_idx %arg7[%add3A_915, %add3A_515] : memref<64x64xf32, #tpu.memory_space<vmem>>[vector<16xi32>, vector<16xi32>], vector<16xf32>,
      %mul3A_917 = arith.constant 16 : i32
      %mul3A_918 = arith.muli %select_n3A, %mul3A_917 : i32
      %mul3A_919 = arith.constant 64 : i32
      %mul3A_920 = arith.muli %mul3A_918, %mul3A_919 : i32
      %jit3A_921 = arith.constant 4 : i32
      %eq3A_922 = arith.constant 0 : i32
      %eq3A_923 = arith.cmpi eq, %jit3A_921, %eq3A_922 : i32
      %jit3A_924 = arith.constant 1 : i32
      %select_n3A_925 = arith.select %eq3A_923, %jit3A_924, %jit3A_921 : i32
      %rem3A_926 = arith.remsi %scan3A_494, %select_n3A_925 : i32
      %ne3A_927 = arith.constant 0 : i32
      %ne3A_928 = arith.cmpi ne, %rem3A_926, %ne3A_927 : i32
      %lt3A_929 = arith.constant 0 : i32
      %lt3A_930 = arith.cmpi slt, %rem3A_926, %lt3A_929 : i32
      %lt3A_931 = arith.constant 0 : i32
      %lt3A_932 = arith.cmpi slt, %select_n3A_925, %lt3A_931 : i32
      %ne3A_933 = arith.xori %lt3A_930, %lt3A_932 : i1
      %and3A_934 = arith.andi %ne3A_933, %ne3A_928 : i1
      %add3A_935 = arith.addi %rem3A_926, %select_n3A_925 : i32
      %select_n3A_936 = arith.select %and3A_934, %add3A_935, %rem3A_926 : i32
      %mul3A_937 = arith.constant 16 : i32
      %mul3A_938 = arith.muli %select_n3A_936, %mul3A_937 : i32
      %add3A_939 = arith.addi %mul3A_920, %mul3A_938 : i32
      %add3A_940 = vector.broadcast %add3A_939 : i32 to vector<16xi32>
      %add3A_941 = arith.addi %add3A_940, %add3A_131 : vector<16xi32>
      %scatter3A_942 = arith.constant 0 : i32
      %scatter3A_943 = tpu.memref_slice %arg6[%scatter3A_942] : memref<16384xf32, #tpu.memory_space<vmem>> -> memref<8192xf32, #tpu.memory_space<vmem>>
      tpu.vector_store_idx %scatter3A_943[%add3A_941], %gather3A_916 : memref<8192xf32, #tpu.memory_space<vmem>>[vector<16xi32>], vector<16xf32>,
      %jit3A_944 = arith.constant 4 : i32
      %eq3A_945 = arith.constant 0 : i32
      %eq3A_946 = arith.cmpi eq, %jit3A_944, %eq3A_945 : i32
      %jit3A_947 = arith.constant 1 : i32
      %select_n3A_948 = arith.select %eq3A_946, %jit3A_947, %jit3A_944 : i32
      %rem3A_949 = arith.remsi %scan3A_494, %select_n3A_948 : i32
      %ne3A_950 = arith.constant 0 : i32
      %ne3A_951 = arith.cmpi ne, %rem3A_949, %ne3A_950 : i32
      %lt3A_952 = arith.constant 0 : i32
      %lt3A_953 = arith.cmpi slt, %rem3A_949, %lt3A_952 : i32
      %lt3A_954 = arith.constant 0 : i32
      %lt3A_955 = arith.cmpi slt, %select_n3A_948, %lt3A_954 : i32
      %ne3A_956 = arith.xori %lt3A_953, %lt3A_955 : i1
      %and3A_957 = arith.andi %ne3A_956, %ne3A_951 : i1
      %add3A_958 = arith.addi %rem3A_949, %select_n3A_948 : i32
      %select_n3A_959 = arith.select %and3A_957, %add3A_958, %rem3A_949 : i32
      %mul3A_960 = arith.constant 16 : i32
      %mul3A_961 = arith.muli %select_n3A_959, %mul3A_960 : i32
      %add3A_962 = vector.broadcast %mul3A_961 : i32 to vector<16xi32>
      %add3A_963 = arith.addi %add3A_962, %and3A_59 : vector<16xi32>
      %gather3A_964 = tpu.vector_load_idx %arg7[%add3A_963, %add3A_515] : memref<64x64xf32, #tpu.memory_space<vmem>>[vector<16xi32>, vector<16xi32>], vector<16xf32>,
      %mul3A_965 = arith.constant 16 : i32
      %mul3A_966 = arith.muli %select_n3A, %mul3A_965 : i32
      %mul3A_967 = arith.constant 64 : i32
      %mul3A_968 = arith.muli %mul3A_966, %mul3A_967 : i32
      %jit3A_969 = arith.constant 4 : i32
      %eq3A_970 = arith.constant 0 : i32
      %eq3A_971 = arith.cmpi eq, %jit3A_969, %eq3A_970 : i32
      %jit3A_972 = arith.constant 1 : i32
      %select_n3A_973 = arith.select %eq3A_971, %jit3A_972, %jit3A_969 : i32
      %rem3A_974 = arith.remsi %scan3A_494, %select_n3A_973 : i32
      %ne3A_975 = arith.constant 0 : i32
      %ne3A_976 = arith.cmpi ne, %rem3A_974, %ne3A_975 : i32
      %lt3A_977 = arith.constant 0 : i32
      %lt3A_978 = arith.cmpi slt, %rem3A_974, %lt3A_977 : i32
      %lt3A_979 = arith.constant 0 : i32
      %lt3A_980 = arith.cmpi slt, %select_n3A_973, %lt3A_979 : i32
      %ne3A_981 = arith.xori %lt3A_978, %lt3A_980 : i1
      %and3A_982 = arith.andi %ne3A_981, %ne3A_976 : i1
      %add3A_983 = arith.addi %rem3A_974, %select_n3A_973 : i32
      %select_n3A_984 = arith.select %and3A_982, %add3A_983, %rem3A_974 : i32
      %mul3A_985 = arith.constant 16 : i32
      %mul3A_986 = arith.muli %select_n3A_984, %mul3A_985 : i32
      %add3A_987 = arith.addi %mul3A_968, %mul3A_986 : i32
      %add3A_988 = vector.broadcast %add3A_987 : i32 to vector<16xi32>
      %add3A_989 = arith.addi %add3A_988, %add3A_135 : vector<16xi32>
      %scatter3A_990 = arith.constant 0 : i32
      %scatter3A_991 = tpu.memref_slice %arg6[%scatter3A_990] : memref<16384xf32, #tpu.memory_space<vmem>> -> memref<8192xf32, #tpu.memory_space<vmem>>
      tpu.vector_store_idx %scatter3A_991[%add3A_989], %gather3A_964 : memref<8192xf32, #tpu.memory_space<vmem>>[vector<16xi32>], vector<16xf32>,
      %jit3A_992 = arith.constant 4 : i32
      %eq3A_993 = arith.constant 0 : i32
      %eq3A_994 = arith.cmpi eq, %jit3A_992, %eq3A_993 : i32
      %jit3A_995 = arith.constant 1 : i32
      %select_n3A_996 = arith.select %eq3A_994, %jit3A_995, %jit3A_992 : i32
      %rem3A_997 = arith.remsi %scan3A_494, %select_n3A_996 : i32
      %ne3A_998 = arith.constant 0 : i32
      %ne3A_999 = arith.cmpi ne, %rem3A_997, %ne3A_998 : i32
      %lt3A_1000 = arith.constant 0 : i32
      %lt3A_1001 = arith.cmpi slt, %rem3A_997, %lt3A_1000 : i32
      %lt3A_1002 = arith.constant 0 : i32
      %lt3A_1003 = arith.cmpi slt, %select_n3A_996, %lt3A_1002 : i32
      %ne3A_1004 = arith.xori %lt3A_1001, %lt3A_1003 : i1
      %and3A_1005 = arith.andi %ne3A_1004, %ne3A_999 : i1
      %add3A_1006 = arith.addi %rem3A_997, %select_n3A_996 : i32
      %select_n3A_1007 = arith.select %and3A_1005, %add3A_1006, %rem3A_997 : i32
      %mul3A_1008 = arith.constant 16 : i32
      %mul3A_1009 = arith.muli %select_n3A_1007, %mul3A_1008 : i32
      %add3A_1010 = vector.broadcast %mul3A_1009 : i32 to vector<16xi32>
      %add3A_1011 = arith.addi %add3A_1010, %and3A_65 : vector<16xi32>
      %gather3A_1012 = tpu.vector_load_idx %arg7[%add3A_1011, %add3A_515] : memref<64x64xf32, #tpu.memory_space<vmem>>[vector<16xi32>, vector<16xi32>], vector<16xf32>,
      %mul3A_1013 = arith.constant 16 : i32
      %mul3A_1014 = arith.muli %select_n3A, %mul3A_1013 : i32
      %mul3A_1015 = arith.constant 64 : i32
      %mul3A_1016 = arith.muli %mul3A_1014, %mul3A_1015 : i32
      %jit3A_1017 = arith.constant 4 : i32
      %eq3A_1018 = arith.constant 0 : i32
      %eq3A_1019 = arith.cmpi eq, %jit3A_1017, %eq3A_1018 : i32
      %jit3A_1020 = arith.constant 1 : i32
      %select_n3A_1021 = arith.select %eq3A_1019, %jit3A_1020, %jit3A_1017 : i32
      %rem3A_1022 = arith.remsi %scan3A_494, %select_n3A_1021 : i32
      %ne3A_1023 = arith.constant 0 : i32
      %ne3A_1024 = arith.cmpi ne, %rem3A_1022, %ne3A_1023 : i32
      %lt3A_1025 = arith.constant 0 : i32
      %lt3A_1026 = arith.cmpi slt, %rem3A_1022, %lt3A_1025 : i32
      %lt3A_1027 = arith.constant 0 : i32
      %lt3A_1028 = arith.cmpi slt, %select_n3A_1021, %lt3A_1027 : i32
      %ne3A_1029 = arith.xori %lt3A_1026, %lt3A_1028 : i1
      %and3A_1030 = arith.andi %ne3A_1029, %ne3A_1024 : i1
      %add3A_1031 = arith.addi %rem3A_1022, %select_n3A_1021 : i32
      %select_n3A_1032 = arith.select %and3A_1030, %add3A_1031, %rem3A_1022 : i32
      %mul3A_1033 = arith.constant 16 : i32
      %mul3A_1034 = arith.muli %select_n3A_1032, %mul3A_1033 : i32
      %add3A_1035 = arith.addi %mul3A_1016, %mul3A_1034 : i32
      %add3A_1036 = vector.broadcast %add3A_1035 : i32 to vector<16xi32>
      %add3A_1037 = arith.addi %add3A_1036, %add3A_139 : vector<16xi32>
      %scatter3A_1038 = arith.constant 0 : i32
      %scatter3A_1039 = tpu.memref_slice %arg6[%scatter3A_1038] : memref<16384xf32, #tpu.memory_space<vmem>> -> memref<8192xf32, #tpu.memory_space<vmem>>
      tpu.vector_store_idx %scatter3A_1039[%add3A_1037], %gather3A_1012 : memref<8192xf32, #tpu.memory_space<vmem>>[vector<16xi32>], vector<16xf32>,
      %jit3A_1040 = arith.constant 4 : i32
      %eq3A_1041 = arith.constant 0 : i32
      %eq3A_1042 = arith.cmpi eq, %jit3A_1040, %eq3A_1041 : i32
      %jit3A_1043 = arith.constant 1 : i32
      %select_n3A_1044 = arith.select %eq3A_1042, %jit3A_1043, %jit3A_1040 : i32
      %rem3A_1045 = arith.remsi %scan3A_494, %select_n3A_1044 : i32
      %ne3A_1046 = arith.constant 0 : i32
      %ne3A_1047 = arith.cmpi ne, %rem3A_1045, %ne3A_1046 : i32
      %lt3A_1048 = arith.constant 0 : i32
      %lt3A_1049 = arith.cmpi slt, %rem3A_1045, %lt3A_1048 : i32
      %lt3A_1050 = arith.constant 0 : i32
      %lt3A_1051 = arith.cmpi slt, %select_n3A_1044, %lt3A_1050 : i32
      %ne3A_1052 = arith.xori %lt3A_1049, %lt3A_1051 : i1
      %and3A_1053 = arith.andi %ne3A_1052, %ne3A_1047 : i1
      %add3A_1054 = arith.addi %rem3A_1045, %select_n3A_1044 : i32
      %select_n3A_1055 = arith.select %and3A_1053, %add3A_1054, %rem3A_1045 : i32
      %mul3A_1056 = arith.constant 16 : i32
      %mul3A_1057 = arith.muli %select_n3A_1055, %mul3A_1056 : i32
      %add3A_1058 = vector.broadcast %mul3A_1057 : i32 to vector<16xi32>
      %add3A_1059 = arith.addi %add3A_1058, %and3A_71 : vector<16xi32>
      %gather3A_1060 = tpu.vector_load_idx %arg7[%add3A_1059, %add3A_515] : memref<64x64xf32, #tpu.memory_space<vmem>>[vector<16xi32>, vector<16xi32>], vector<16xf32>,
      %mul3A_1061 = arith.constant 16 : i32
      %mul3A_1062 = arith.muli %select_n3A, %mul3A_1061 : i32
      %mul3A_1063 = arith.constant 64 : i32
      %mul3A_1064 = arith.muli %mul3A_1062, %mul3A_1063 : i32
      %jit3A_1065 = arith.constant 4 : i32
      %eq3A_1066 = arith.constant 0 : i32
      %eq3A_1067 = arith.cmpi eq, %jit3A_1065, %eq3A_1066 : i32
      %jit3A_1068 = arith.constant 1 : i32
      %select_n3A_1069 = arith.select %eq3A_1067, %jit3A_1068, %jit3A_1065 : i32
      %rem3A_1070 = arith.remsi %scan3A_494, %select_n3A_1069 : i32
      %ne3A_1071 = arith.constant 0 : i32
      %ne3A_1072 = arith.cmpi ne, %rem3A_1070, %ne3A_1071 : i32
      %lt3A_1073 = arith.constant 0 : i32
      %lt3A_1074 = arith.cmpi slt, %rem3A_1070, %lt3A_1073 : i32
      %lt3A_1075 = arith.constant 0 : i32
      %lt3A_1076 = arith.cmpi slt, %select_n3A_1069, %lt3A_1075 : i32
      %ne3A_1077 = arith.xori %lt3A_1074, %lt3A_1076 : i1
      %and3A_1078 = arith.andi %ne3A_1077, %ne3A_1072 : i1
      %add3A_1079 = arith.addi %rem3A_1070, %select_n3A_1069 : i32
      %select_n3A_1080 = arith.select %and3A_1078, %add3A_1079, %rem3A_1070 : i32
      %mul3A_1081 = arith.constant 16 : i32
      %mul3A_1082 = arith.muli %select_n3A_1080, %mul3A_1081 : i32
      %add3A_1083 = arith.addi %mul3A_1064, %mul3A_1082 : i32
      %add3A_1084 = vector.broadcast %add3A_1083 : i32 to vector<16xi32>
      %add3A_1085 = arith.addi %add3A_1084, %add3A_143 : vector<16xi32>
      %scatter3A_1086 = arith.constant 0 : i32
      %scatter3A_1087 = tpu.memref_slice %arg6[%scatter3A_1086] : memref<16384xf32, #tpu.memory_space<vmem>> -> memref<8192xf32, #tpu.memory_space<vmem>>
      tpu.vector_store_idx %scatter3A_1087[%add3A_1085], %gather3A_1060 : memref<8192xf32, #tpu.memory_space<vmem>>[vector<16xi32>], vector<16xf32>,
      %jit3A_1088 = arith.constant 4 : i32
      %eq3A_1089 = arith.constant 0 : i32
      %eq3A_1090 = arith.cmpi eq, %jit3A_1088, %eq3A_1089 : i32
      %jit3A_1091 = arith.constant 1 : i32
      %select_n3A_1092 = arith.select %eq3A_1090, %jit3A_1091, %jit3A_1088 : i32
      %rem3A_1093 = arith.remsi %scan3A_494, %select_n3A_1092 : i32
      %ne3A_1094 = arith.constant 0 : i32
      %ne3A_1095 = arith.cmpi ne, %rem3A_1093, %ne3A_1094 : i32
      %lt3A_1096 = arith.constant 0 : i32
      %lt3A_1097 = arith.cmpi slt, %rem3A_1093, %lt3A_1096 : i32
      %lt3A_1098 = arith.constant 0 : i32
      %lt3A_1099 = arith.cmpi slt, %select_n3A_1092, %lt3A_1098 : i32
      %ne3A_1100 = arith.xori %lt3A_1097, %lt3A_1099 : i1
      %and3A_1101 = arith.andi %ne3A_1100, %ne3A_1095 : i1
      %add3A_1102 = arith.addi %rem3A_1093, %select_n3A_1092 : i32
      %select_n3A_1103 = arith.select %and3A_1101, %add3A_1102, %rem3A_1093 : i32
      %mul3A_1104 = arith.constant 16 : i32
      %mul3A_1105 = arith.muli %select_n3A_1103, %mul3A_1104 : i32
      %add3A_1106 = vector.broadcast %mul3A_1105 : i32 to vector<16xi32>
      %add3A_1107 = arith.addi %add3A_1106, %and3A_77 : vector<16xi32>
      %gather3A_1108 = tpu.vector_load_idx %arg7[%add3A_1107, %add3A_515] : memref<64x64xf32, #tpu.memory_space<vmem>>[vector<16xi32>, vector<16xi32>], vector<16xf32>,
      %mul3A_1109 = arith.constant 16 : i32
      %mul3A_1110 = arith.muli %select_n3A, %mul3A_1109 : i32
      %mul3A_1111 = arith.constant 64 : i32
      %mul3A_1112 = arith.muli %mul3A_1110, %mul3A_1111 : i32
      %jit3A_1113 = arith.constant 4 : i32
      %eq3A_1114 = arith.constant 0 : i32
      %eq3A_1115 = arith.cmpi eq, %jit3A_1113, %eq3A_1114 : i32
      %jit3A_1116 = arith.constant 1 : i32
      %select_n3A_1117 = arith.select %eq3A_1115, %jit3A_1116, %jit3A_1113 : i32
      %rem3A_1118 = arith.remsi %scan3A_494, %select_n3A_1117 : i32
      %ne3A_1119 = arith.constant 0 : i32
      %ne3A_1120 = arith.cmpi ne, %rem3A_1118, %ne3A_1119 : i32
      %lt3A_1121 = arith.constant 0 : i32
      %lt3A_1122 = arith.cmpi slt, %rem3A_1118, %lt3A_1121 : i32
      %lt3A_1123 = arith.constant 0 : i32
      %lt3A_1124 = arith.cmpi slt, %select_n3A_1117, %lt3A_1123 : i32
      %ne3A_1125 = arith.xori %lt3A_1122, %lt3A_1124 : i1
      %and3A_1126 = arith.andi %ne3A_1125, %ne3A_1120 : i1
      %add3A_1127 = arith.addi %rem3A_1118, %select_n3A_1117 : i32
      %select_n3A_1128 = arith.select %and3A_1126, %add3A_1127, %rem3A_1118 : i32
      %mul3A_1129 = arith.constant 16 : i32
      %mul3A_1130 = arith.muli %select_n3A_1128, %mul3A_1129 : i32
      %add3A_1131 = arith.addi %mul3A_1112, %mul3A_1130 : i32
      %add3A_1132 = vector.broadcast %add3A_1131 : i32 to vector<16xi32>
      %add3A_1133 = arith.addi %add3A_1132, %add3A_147 : vector<16xi32>
      %scatter3A_1134 = arith.constant 0 : i32
      %scatter3A_1135 = tpu.memref_slice %arg6[%scatter3A_1134] : memref<16384xf32, #tpu.memory_space<vmem>> -> memref<8192xf32, #tpu.memory_space<vmem>>
      tpu.vector_store_idx %scatter3A_1135[%add3A_1133], %gather3A_1108 : memref<8192xf32, #tpu.memory_space<vmem>>[vector<16xi32>], vector<16xf32>,
      %jit3A_1136 = arith.constant 4 : i32
      %eq3A_1137 = arith.constant 0 : i32
      %eq3A_1138 = arith.cmpi eq, %jit3A_1136, %eq3A_1137 : i32
      %jit3A_1139 = arith.constant 1 : i32
      %select_n3A_1140 = arith.select %eq3A_1138, %jit3A_1139, %jit3A_1136 : i32
      %rem3A_1141 = arith.remsi %scan3A_494, %select_n3A_1140 : i32
      %ne3A_1142 = arith.constant 0 : i32
      %ne3A_1143 = arith.cmpi ne, %rem3A_1141, %ne3A_1142 : i32
      %lt3A_1144 = arith.constant 0 : i32
      %lt3A_1145 = arith.cmpi slt, %rem3A_1141, %lt3A_1144 : i32
      %lt3A_1146 = arith.constant 0 : i32
      %lt3A_1147 = arith.cmpi slt, %select_n3A_1140, %lt3A_1146 : i32
      %ne3A_1148 = arith.xori %lt3A_1145, %lt3A_1147 : i1
      %and3A_1149 = arith.andi %ne3A_1148, %ne3A_1143 : i1
      %add3A_1150 = arith.addi %rem3A_1141, %select_n3A_1140 : i32
      %select_n3A_1151 = arith.select %and3A_1149, %add3A_1150, %rem3A_1141 : i32
      %mul3A_1152 = arith.constant 16 : i32
      %mul3A_1153 = arith.muli %select_n3A_1151, %mul3A_1152 : i32
      %add3A_1154 = vector.broadcast %mul3A_1153 : i32 to vector<16xi32>
      %add3A_1155 = arith.addi %add3A_1154, %and3A_83 : vector<16xi32>
      %gather3A_1156 = tpu.vector_load_idx %arg7[%add3A_1155, %add3A_515] : memref<64x64xf32, #tpu.memory_space<vmem>>[vector<16xi32>, vector<16xi32>], vector<16xf32>,
      %mul3A_1157 = arith.constant 16 : i32
      %mul3A_1158 = arith.muli %select_n3A, %mul3A_1157 : i32
      %mul3A_1159 = arith.constant 64 : i32
      %mul3A_1160 = arith.muli %mul3A_1158, %mul3A_1159 : i32
      %jit3A_1161 = arith.constant 4 : i32
      %eq3A_1162 = arith.constant 0 : i32
      %eq3A_1163 = arith.cmpi eq, %jit3A_1161, %eq3A_1162 : i32
      %jit3A_1164 = arith.constant 1 : i32
      %select_n3A_1165 = arith.select %eq3A_1163, %jit3A_1164, %jit3A_1161 : i32
      %rem3A_1166 = arith.remsi %scan3A_494, %select_n3A_1165 : i32
      %ne3A_1167 = arith.constant 0 : i32
      %ne3A_1168 = arith.cmpi ne, %rem3A_1166, %ne3A_1167 : i32
      %lt3A_1169 = arith.constant 0 : i32
      %lt3A_1170 = arith.cmpi slt, %rem3A_1166, %lt3A_1169 : i32
      %lt3A_1171 = arith.constant 0 : i32
      %lt3A_1172 = arith.cmpi slt, %select_n3A_1165, %lt3A_1171 : i32
      %ne3A_1173 = arith.xori %lt3A_1170, %lt3A_1172 : i1
      %and3A_1174 = arith.andi %ne3A_1173, %ne3A_1168 : i1
      %add3A_1175 = arith.addi %rem3A_1166, %select_n3A_1165 : i32
      %select_n3A_1176 = arith.select %and3A_1174, %add3A_1175, %rem3A_1166 : i32
      %mul3A_1177 = arith.constant 16 : i32
      %mul3A_1178 = arith.muli %select_n3A_1176, %mul3A_1177 : i32
      %add3A_1179 = arith.addi %mul3A_1160, %mul3A_1178 : i32
      %add3A_1180 = vector.broadcast %add3A_1179 : i32 to vector<16xi32>
      %add3A_1181 = arith.addi %add3A_1180, %add3A_151 : vector<16xi32>
      %scatter3A_1182 = arith.constant 0 : i32
      %scatter3A_1183 = tpu.memref_slice %arg6[%scatter3A_1182] : memref<16384xf32, #tpu.memory_space<vmem>> -> memref<8192xf32, #tpu.memory_space<vmem>>
      tpu.vector_store_idx %scatter3A_1183[%add3A_1181], %gather3A_1156 : memref<8192xf32, #tpu.memory_space<vmem>>[vector<16xi32>], vector<16xf32>,
      %jit3A_1184 = arith.constant 4 : i32
      %eq3A_1185 = arith.constant 0 : i32
      %eq3A_1186 = arith.cmpi eq, %jit3A_1184, %eq3A_1185 : i32
      %jit3A_1187 = arith.constant 1 : i32
      %select_n3A_1188 = arith.select %eq3A_1186, %jit3A_1187, %jit3A_1184 : i32
      %rem3A_1189 = arith.remsi %scan3A_494, %select_n3A_1188 : i32
      %ne3A_1190 = arith.constant 0 : i32
      %ne3A_1191 = arith.cmpi ne, %rem3A_1189, %ne3A_1190 : i32
      %lt3A_1192 = arith.constant 0 : i32
      %lt3A_1193 = arith.cmpi slt, %rem3A_1189, %lt3A_1192 : i32
      %lt3A_1194 = arith.constant 0 : i32
      %lt3A_1195 = arith.cmpi slt, %select_n3A_1188, %lt3A_1194 : i32
      %ne3A_1196 = arith.xori %lt3A_1193, %lt3A_1195 : i1
      %and3A_1197 = arith.andi %ne3A_1196, %ne3A_1191 : i1
      %add3A_1198 = arith.addi %rem3A_1189, %select_n3A_1188 : i32
      %select_n3A_1199 = arith.select %and3A_1197, %add3A_1198, %rem3A_1189 : i32
      %mul3A_1200 = arith.constant 16 : i32
      %mul3A_1201 = arith.muli %select_n3A_1199, %mul3A_1200 : i32
      %add3A_1202 = vector.broadcast %mul3A_1201 : i32 to vector<16xi32>
      %add3A_1203 = arith.addi %add3A_1202, %and3A_89 : vector<16xi32>
      %gather3A_1204 = tpu.vector_load_idx %arg7[%add3A_1203, %add3A_515] : memref<64x64xf32, #tpu.memory_space<vmem>>[vector<16xi32>, vector<16xi32>], vector<16xf32>,
      %mul3A_1205 = arith.constant 16 : i32
      %mul3A_1206 = arith.muli %select_n3A, %mul3A_1205 : i32
      %mul3A_1207 = arith.constant 64 : i32
      %mul3A_1208 = arith.muli %mul3A_1206, %mul3A_1207 : i32
      %jit3A_1209 = arith.constant 4 : i32
      %eq3A_1210 = arith.constant 0 : i32
      %eq3A_1211 = arith.cmpi eq, %jit3A_1209, %eq3A_1210 : i32
      %jit3A_1212 = arith.constant 1 : i32
      %select_n3A_1213 = arith.select %eq3A_1211, %jit3A_1212, %jit3A_1209 : i32
      %rem3A_1214 = arith.remsi %scan3A_494, %select_n3A_1213 : i32
      %ne3A_1215 = arith.constant 0 : i32
      %ne3A_1216 = arith.cmpi ne, %rem3A_1214, %ne3A_1215 : i32
      %lt3A_1217 = arith.constant 0 : i32
      %lt3A_1218 = arith.cmpi slt, %rem3A_1214, %lt3A_1217 : i32
      %lt3A_1219 = arith.constant 0 : i32
      %lt3A_1220 = arith.cmpi slt, %select_n3A_1213, %lt3A_1219 : i32
      %ne3A_1221 = arith.xori %lt3A_1218, %lt3A_1220 : i1
      %and3A_1222 = arith.andi %ne3A_1221, %ne3A_1216 : i1
      %add3A_1223 = arith.addi %rem3A_1214, %select_n3A_1213 : i32
      %select_n3A_1224 = arith.select %and3A_1222, %add3A_1223, %rem3A_1214 : i32
      %mul3A_1225 = arith.constant 16 : i32
      %mul3A_1226 = arith.muli %select_n3A_1224, %mul3A_1225 : i32
      %add3A_1227 = arith.addi %mul3A_1208, %mul3A_1226 : i32
      %add3A_1228 = vector.broadcast %add3A_1227 : i32 to vector<16xi32>
      %add3A_1229 = arith.addi %add3A_1228, %add3A_155 : vector<16xi32>
      %scatter3A_1230 = arith.constant 0 : i32
      %scatter3A_1231 = tpu.memref_slice %arg6[%scatter3A_1230] : memref<16384xf32, #tpu.memory_space<vmem>> -> memref<8192xf32, #tpu.memory_space<vmem>>
      tpu.vector_store_idx %scatter3A_1231[%add3A_1229], %gather3A_1204 : memref<8192xf32, #tpu.memory_space<vmem>>[vector<16xi32>], vector<16xf32>,
      %jit3A_1232 = arith.constant 4 : i32
      %eq3A_1233 = arith.constant 0 : i32
      %eq3A_1234 = arith.cmpi eq, %jit3A_1232, %eq3A_1233 : i32
      %jit3A_1235 = arith.constant 1 : i32
      %select_n3A_1236 = arith.select %eq3A_1234, %jit3A_1235, %jit3A_1232 : i32
      %rem3A_1237 = arith.remsi %scan3A_494, %select_n3A_1236 : i32
      %ne3A_1238 = arith.constant 0 : i32
      %ne3A_1239 = arith.cmpi ne, %rem3A_1237, %ne3A_1238 : i32
      %lt3A_1240 = arith.constant 0 : i32
      %lt3A_1241 = arith.cmpi slt, %rem3A_1237, %lt3A_1240 : i32
      %lt3A_1242 = arith.constant 0 : i32
      %lt3A_1243 = arith.cmpi slt, %select_n3A_1236, %lt3A_1242 : i32
      %ne3A_1244 = arith.xori %lt3A_1241, %lt3A_1243 : i1
      %and3A_1245 = arith.andi %ne3A_1244, %ne3A_1239 : i1
      %add3A_1246 = arith.addi %rem3A_1237, %select_n3A_1236 : i32
      %select_n3A_1247 = arith.select %and3A_1245, %add3A_1246, %rem3A_1237 : i32
      %mul3A_1248 = arith.constant 16 : i32
      %mul3A_1249 = arith.muli %select_n3A_1247, %mul3A_1248 : i32
      %add3A_1250 = vector.broadcast %mul3A_1249 : i32 to vector<16xi32>
      %add3A_1251 = arith.addi %add3A_1250, %and3A_95 : vector<16xi32>
      %gather3A_1252 = tpu.vector_load_idx %arg7[%add3A_1251, %add3A_515] : memref<64x64xf32, #tpu.memory_space<vmem>>[vector<16xi32>, vector<16xi32>], vector<16xf32>,
      %mul3A_1253 = arith.constant 16 : i32
      %mul3A_1254 = arith.muli %select_n3A, %mul3A_1253 : i32
      %mul3A_1255 = arith.constant 64 : i32
      %mul3A_1256 = arith.muli %mul3A_1254, %mul3A_1255 : i32
      %jit3A_1257 = arith.constant 4 : i32
      %eq3A_1258 = arith.constant 0 : i32
      %eq3A_1259 = arith.cmpi eq, %jit3A_1257, %eq3A_1258 : i32
      %jit3A_1260 = arith.constant 1 : i32
      %select_n3A_1261 = arith.select %eq3A_1259, %jit3A_1260, %jit3A_1257 : i32
      %rem3A_1262 = arith.remsi %scan3A_494, %select_n3A_1261 : i32
      %ne3A_1263 = arith.constant 0 : i32
      %ne3A_1264 = arith.cmpi ne, %rem3A_1262, %ne3A_1263 : i32
      %lt3A_1265 = arith.constant 0 : i32
      %lt3A_1266 = arith.cmpi slt, %rem3A_1262, %lt3A_1265 : i32
      %lt3A_1267 = arith.constant 0 : i32
      %lt3A_1268 = arith.cmpi slt, %select_n3A_1261, %lt3A_1267 : i32
      %ne3A_1269 = arith.xori %lt3A_1266, %lt3A_1268 : i1
      %and3A_1270 = arith.andi %ne3A_1269, %ne3A_1264 : i1
      %add3A_1271 = arith.addi %rem3A_1262, %select_n3A_1261 : i32
      %select_n3A_1272 = arith.select %and3A_1270, %add3A_1271, %rem3A_1262 : i32
      %mul3A_1273 = arith.constant 16 : i32
      %mul3A_1274 = arith.muli %select_n3A_1272, %mul3A_1273 : i32
      %add3A_1275 = arith.addi %mul3A_1256, %mul3A_1274 : i32
      %add3A_1276 = vector.broadcast %add3A_1275 : i32 to vector<16xi32>
      %add3A_1277 = arith.addi %add3A_1276, %add3A_159 : vector<16xi32>
      %scatter3A_1278 = arith.constant 0 : i32
      %scatter3A_1279 = tpu.memref_slice %arg6[%scatter3A_1278] : memref<16384xf32, #tpu.memory_space<vmem>> -> memref<8192xf32, #tpu.memory_space<vmem>>
      tpu.vector_store_idx %scatter3A_1279[%add3A_1277], %gather3A_1252 : memref<8192xf32, #tpu.memory_space<vmem>>[vector<16xi32>], vector<16xf32>,
    }
    %scan3A_493 = arith.constant 16 : i32
    "tpu.region"() ({
      %run_scoped3A = tpu.sem_alloc : memref<!tpu.dma_semaphore, #tpu.memory_space<semaphore_mem>>
      %dma_start3A_494 = arith.constant 0 : i32
      %dma_start3A_495 = tpu.memref_slice %arg6[%dma_start3A_494] : memref<16384xf32, #tpu.memory_space<vmem>> -> memref<4096xf32, #tpu.memory_space<vmem>>
      %dma_start3A_496 = arith.constant 63995904 : i32
      %dma_start3A_497 = tpu.memref_slice %arg4[%dma_start3A_496] : memref<64000000xf32, #tpu.memory_space<hbm>> -> memref<4096xf32, #tpu.memory_space<hbm>>
      %dma_start3A_498 = arith.constant 63995904 : i32
      %dma_start3A_499 = tpu.memref_slice %arg4[%dma_start3A_498] : memref<64000000xf32, #tpu.memory_space<hbm>> -> memref<4096xf32, #tpu.memory_space<hbm>>
      %dma_start3A_500 = arith.constant 0 : i32
      %dma_start3A_501 = tpu.memref_slice %arg6[%dma_start3A_500] : memref<16384xf32, #tpu.memory_space<vmem>> -> memref<4096xf32, #tpu.memory_space<vmem>>
      tpu.enqueue_dma source(%dma_start3A_501 : memref<4096xf32, #tpu.memory_space<vmem>>) target(%dma_start3A_499 : memref<4096xf32, #tpu.memory_space<hbm>>) target_semaphore(%run_scoped3A : memref<!tpu.dma_semaphore, #tpu.memory_space<semaphore_mem>>)
      %dma_wait3A_502 = arith.constant 0 : i32
      %dma_wait3A_503 = tpu.memref_slice %arg6[%dma_wait3A_502] : memref<16384xf32, #tpu.memory_space<vmem>> -> memref<4096xf32, #tpu.memory_space<vmem>>
      %dma_wait3A_504 = arith.constant 63995904 : i32
      %dma_wait3A_505 = tpu.memref_slice %arg4[%dma_wait3A_504] : memref<64000000xf32, #tpu.memory_space<hbm>> -> memref<4096xf32, #tpu.memory_space<hbm>>
      %dma_wait3A_506 = arith.constant 63995904 : i32
      %dma_wait3A_507 = tpu.memref_slice %arg4[%dma_wait3A_506] : memref<64000000xf32, #tpu.memory_space<hbm>> -> memref<4096xf32, #tpu.memory_space<hbm>>
      %dma_wait3A_508 = arith.constant 0 : i32
      %dma_wait3A_509 = tpu.memref_slice %arg6[%dma_wait3A_508] : memref<16384xf32, #tpu.memory_space<vmem>> -> memref<4096xf32, #tpu.memory_space<vmem>>
      tpu.wait_dma2 semaphore(%run_scoped3A : memref<!tpu.dma_semaphore, #tpu.memory_space<semaphore_mem>>) src(%dma_wait3A_509 : memref<4096xf32, #tpu.memory_space<vmem>>) dst(%dma_wait3A_507 : memref<4096xf32, #tpu.memory_space<hbm>>)
      tpu.yield
    }) : () -> ()
    return
  }
}

</mosaic_0001>

<sc_bundles>
// kernel: _sc_transpose.3.cloned.1.call-start
scs
__scs_entry_jumppad:
0x0: {  	(pc) =	sbr.rel $0x88, $3  }
0x1: {  	(tag) =	ssettag $0x0;
	lr =	simm.s32 $0x1  }
0x2: {  	[smem:$0x3F9F] =	sst lr;
	_ =	strace $0xD0000000  }
0x3: {  	_ = 	snop  }
0x4: {  	_ = 	snop  }
0x5: {  	_ = 	snop  }
0x6: {  	_ = 	snop  }
0x7: {  	_ = 	snop  }
__scs_overlays_trampoline_lowered:
0x8: {  	[smem:$0x3FAE] =	sst s0  }
0x9: {  	[smem:$0x3FAF] =	sst s1  }
0xa: {  	[smem:$0x3FB0] =	sst s2  }
0xb: {  	[smem:$0x3FB1] =	sst s3  }
0xc: {  	[smem:$0x3FB2] =	sst s4  }
0xd: {  	[smem:$0x3FB3] =	sst s5  }
0xe: {  	[smem:$0x3FB4] =	sst s6  }
0xf: {  	[smem:$0x3FB5] =	sst s7  }
0x10: {  	[smem:$0x3FB6] =	sst s8  }
0x11: {  	[smem:$0x3FB7] =	sst s9;
	s0 =	simm.s32 @!p0 $0x0  }
0x12: {  	s1 =	sld [smem:$0x3F9D];
	s0 =	simm.s32 @p0 $0x1  }
0x13: {  	[smem:$0x3FB8] =	sst s0;
	s0 =	simm.s32 @!p1 $0x0  }
0x14: {  	s2 =	sld [smem:$0x3F9C];
	s0 =	simm.s32 @p1 $0x1  }
0x15: {  	[smem:$0x3FB9] =	sst s0;
	s0 =	simm.s32 @!p2 $0x0  }
0x16: {  	s3 =	sld [smem:$0x3FDB];
	s0 =	simm.s32 @p2 $0x1  }
0x17: {  	s4 =	simm.s32 $0x1BF5;
	[smem:$0x3FBB] =	sst s0  }
0x18: {  	s0 =	sld [smem:$0x3F9E];
	_ =	swait.ge [sflag:s4], $0x0  }
0x19: {  	s7 =	sld [smem:$0x3F9F]  }
0x1a: {  	s8 =	sadd.s32 $0xFFFFE003, lr  }
0x1b: {  	s9 =	sadd.s32 $0xFFFFFEF7, lr;
	s5 =	simm.s32 $0xFFFFFFFF;
	p2 =	slt.u32 s8, $0xFFFFF086  }
0x1c: {  	p1 =	slt.u32 s9, $0xF7A;
	s5 =	simm.s32 @!p2 $0x0  }
0x1d: {  	s5 =	simm.s32 @p1 $0x1;
	p0 =	seq.s32 s7, s2  }
0x1e: {  	s7 =	smul.u32 @!p0 $0xF7A, s2;
	p2 =	seq.s32 @!p0 s5, $0x0  }
0x1f: {  	s9 =	smul.u32 $0xF7A, s1;
	s8 =	simm.s32 @!p0 $0x1BF5;
	p2 =	por !p2, p0  }
0x20: {  	[sflag:s8] =	ssyncset.s32 @!p0 $0xFFFFF086;
	s6 =	sadd.s32 @!p0 s3, s7;
	s7 =	simm.s32 @!p0 $0x108  }
0x21: {  	s3 =	sadd.s32 s3, s9;
	s6 =	sadd.s32 @!p0 $0x88, s6;
	s7 =	simm.s32 @p2 $0x1082  }
0x22: {  	[simem:s7], [sflag:s8] =	dma.local @!p0 [hbm:s6], $0xF7A  }
0x23: {  	s9 =	sor.u32 $0xD0000000, s2;
	s6 =	simm.s32 $0x108;
	_ =	swait.ge @!p0 [sflag:s8], $0x0  }
0x24: {  	s3 =	sadd.s32 $0x88, s3;
	s6 =	simm.s32 @!p1 $0x1082;
	[sflag:s4] =	ssyncset.s32 $0xFFFFF086  }
0x25: {  	[simem:s6], [sflag:s4] =	dma.local [hbm:s3], $0xF7A  }
0x26: {  	[smem:$0x3F9F] =	sst s1;
	(tag) =	ssettag s2;
	_ =	strace s9  }
0x27: {  	s1 =	sld [smem:$0x3FAF]  }
0x28: {  	s2 =	sld [smem:$0x3FB0]  }
0x29: {  	s4 =	sld [smem:$0x3FB2]  }
0x2a: {  	p0 =	seq.s32 s5, $0x0;
	s5 =	sld [smem:$0x3FB3]  }
0x2b: {  	s6 =	sld [smem:$0x3FB4]  }
0x2c: {  	s7 =	sld [smem:$0x3FB5]  }
0x2d: {  	s3 =	simm.s32 $0x108;
	s8 =	sld [smem:$0x3FB6]  }
0x2e: {  	s3 =	simm.s32 @!p0 $0x1082;
	s9 =	sld [smem:$0x3FB7]  }
0x2f: {  	lr =	sadd.s32 s0, s3;
	s0 =	sld [smem:$0x3FAE]  }
0x30: {  	s3 =	sld [smem:$0x3FB1]  }
0x31: {  	[smem:$0x3FBA] =	sst s10  }
0x32: {  	s10 =	sld [smem:$0x3FB8];
	_ =	sdelay $0x3  }
0x33: {  	p0 =	seq.s32 s10, $0x1;
	s10 =	sld [smem:$0x3FBA];
	_ =	sdelay $0x3  }
0x34: {  	[smem:$0x3FBA] =	sst s10  }
0x35: {  	s10 =	sld [smem:$0x3FB9];
	_ =	sdelay $0x3  }
0x36: {  	p1 =	seq.s32 s10, $0x1;
	s10 =	sld [smem:$0x3FBA];
	_ =	sdelay $0x3  }
0x37: {  	[smem:$0x3FBA] =	sst s10  }
0x38: {  	s10 =	sld [smem:$0x3FBB]  }
0x39: {  	_ = 	snop;
	(pc) =	sbr.ind lr, $3  }
0x3a: {  	_ = 	snop  }
0x3b: {  	_ = 	snop  }
0x3c: {  	p2 =	seq.s32 s10, $0x1;
	s10 =	sld [smem:$0x3FBA]  }
0x3d: {  	_ =	shalt  }
0x3e: {  	_ =	shalt  }
0x3f: {  	_ =	shalt  }
0x40: {  	_ =	shalt  }
0x41: {  	_ =	shalt  }
0x42: {  	_ =	shalt  }
0x43: {  	_ =	shalt  }
0x44: {  	_ =	shalt  }
0x45: {  	_ =	shalt  }
0x46: {  	_ =	shalt  }
0x47: {  	_ =	shalt  }
0x48: {  	_ =	shalt  }
0x49: {  	_ =	shalt  }
0x4a: {  	_ =	shalt  }
0x4b: {  	_ =	shalt  }
0x4c: {  	_ =	shalt  }
0x4d: {  	_ =	shalt  }
0x4e: {  	_ =	shalt  }
0x4f: {  	_ =	shalt  }
0x50: {  	_ =	shalt  }
0x51: {  	_ =	shalt  }
0x52: {  	_ =	shalt  }
0x53: {  	_ =	shalt  }
0x54: {  	_ =	shalt  }
0x55: {  	_ =	shalt  }
0x56: {  	_ =	shalt  }
0x57: {  	_ =	shalt  }
0x58: {  	_ =	shalt  }
0x59: {  	_ =	shalt  }
0x5a: {  	_ =	shalt  }
0x5b: {  	_ =	shalt  }
0x5c: {  	_ =	shalt  }
0x5d: {  	_ =	shalt  }
0x5e: {  	_ =	shalt  }
0x5f: {  	_ =	shalt  }
0x60: {  	_ =	shalt  }
0x61: {  	_ =	shalt  }
0x62: {  	_ =	shalt  }
0x63: {  	_ =	shalt  }
0x64: {  	_ =	shalt  }
0x65: {  	_ =	shalt  }
0x66: {  	_ =	shalt  }
0x67: {  	_ =	shalt  }
0x68: {  	_ =	shalt  }
0x69: {  	_ =	shalt  }
0x6a: {  	_ =	shalt  }
0x6b: {  	_ =	shalt  }
0x6c: {  	_ =	shalt  }
0x6d: {  	_ =	shalt  }
0x6e: {  	_ =	shalt  }
0x6f: {  	_ =	shalt  }
0x70: {  	_ =	shalt  }
0x71: {  	_ =	shalt  }
0x72: {  	_ =	shalt  }
0x73: {  	_ =	shalt  }
0x74: {  	_ =	shalt  }
0x75: {  	_ =	shalt  }
0x76: {  	_ =	shalt  }
0x77: {  	_ =	shalt  }
0x78: {  	_ =	shalt  }
0x79: {  	_ =	shalt  }
0x7a: {  	_ =	shalt  }
0x7b: {  	_ =	shalt  }
0x7c: {  	_ =	shalt  }
0x7d: {  	_ =	shalt  }
0x7e: {  	_ =	shalt  }
0x7f: {  	_ =	shalt  }
0x80: {  	_ =	shalt  }
0x81: {  	_ =	shalt  }
0x82: {  	_ =	shalt  }
0x83: {  	_ =	shalt  }
0x84: {  	_ =	shalt  }
0x85: {  	_ =	shalt  }
0x86: {  	_ =	shalt  }
0x87: {  	_ =	shalt  }
.Lfunc_end0:
.L_simem_size_0:
called_computation_lowered:
.L_overlay_start_0:
0x88: {  	s2 =	sld [smem:$0x3FD9]  }
0x89: {  	s3 =	sld [smem:$0x3FFE];
	_ =	sdelay $0x1  }
0x8a: {  	s1 =	srdreg.scid  }
0x8b: {  	s0 =	sand.u32 $0x1, s1  }
0x8c: {  	s18 =	sshll.u32 s0, $0xA;
	s2 =	sadd.s32 s3, s2  }
0x8d: {  	s2 =	sadd.s32 s2, s18  }
0x8e: {  	[smem:$0x3FC6] =	sst s2  }
0x8f: {  	_ = 	snop  }
0x90: {  	s2 =	sld [smem:$0x3FC9]  }
0x91: {  	s19 =	sld [smem:$0x3FC8]  }
0x92: {  	s4 =	sld [smem:$0x3FD0];
	(tm) =	ssettm $0x1  }
0x93: {  	s5 =	sld [smem:$0x3FFB];
	_ =	sdelay $0x3  }
0x94: {  	_ =	strace s5  }
0x95: {  	s5 =	sld [smem:$0x3FFC];
	_ =	sdelay $0x3  }
0x96: {  	_ =	strace s5  }
0x97: {  	s5 =	sld [smem:$0x3FFD];
	_ =	sdelay $0x3  }
0x98: {  	_ =	strace s5  }
0x99: {  	_ =	strace $0x8FFFFFFF  }
0x9a: {  	s20 =	sld [smem:$0x3FDB];
	_ =	sdelay $0x1  }
0x9b: {  	s6 =	simm.s32 $_scs_section_size  }
0x9c: {  	s7 =	simm.s32 $_size__tile_overlayer_lowered;
	s8 =	simm.s32 $_tile_overlayer_lowered  }
0x9d: {  	s23 =	simm.s32 $0x1BFF;
	s22 =	sshll.u32 s8, $0x1;
	s5 =	sadd.s32 s6, s20  }
0x9e: {  	s9 =	simm.s32 $0x0;
	s21 =	sshll.u32 s7, $0x1;
	s7 =	sadd.s32 s22, s5  }
0x9f: {  	[timem:s9], [sflag:s23] =	dma.local [hbm:s7], s21  }
0xa0: {  	_ =	swait.ge [sflag:s23], s21  }
0xa1: {  	s6 =	ssub.s32 $0x0, s21;
	[sflag:s23] =	ssyncset.done $0x0  }
0xa2: {  	[sflag:s23] =	ssyncadd.s32 s6;
	_ =	sdelay $0x1  }
0xa3: {  	s24 =	simm.s32 $0x1B8B  }
0xa4: {  	_ =	swait.ge [sflag:s24], $0x1  }
0xa5: {  	[sflag:s24] =	ssyncset.done $0x0  }
0xa6: {  	s25 =	simm.s32 $0x1B8E;
	[sflag:s24] =	ssyncadd.s32 $0xFFFFFFFF  }
0xa7: {  	s26 =	simm.s32 $execute0_lowered;
	[smem:$0x3FD2] =	sst s25  }
0xa8: {  	s6 =	sshll.u32 s26, $0x1;
	_ =	strace $0x80000046;
	[dreg:$0x1] =	wrdreg $0xFFFFFFFF  }
0xa9: {  	s28 =	simm.s32 $_size_execute0_lowered;
	s5 =	sadd.s32 s5, s6;
	[dreg:$0x0] =	wrdreg $0x0  }
0xaa: {  	s6 =	sshll.u32 s28, $0x1;
	[dreg:$0x2] =	wrdreg s5  }
0xab: {  	[dreg:$0x3] =	wrdreg s6  }
0xac: {  	[dreg:$0x4] =	wrdreg $0xC0  }
0xad: {  	_ =	task [dreg:s9], $0x5FFFF  }
0xae: {  	[dreg:$0x1] =	wrdreg $0xFFFFFFFF  }
0xaf: {  	[dreg:$0x0] =	wrdreg $0x60  }
0xb0: {  	[dreg:$0x2] =	wrdreg s2  }
0xb1: {  	[dreg:$0x3] =	wrdreg s19  }
0xb2: {  	[dreg:$0x4] =	wrdreg s4  }
0xb3: {  	[dreg:$0x5] =	wrdreg $0x9  }
0xb4: {  	_ =	task.clear_ibuf [dreg:s9], $0x6FFFF;
	_ =	strace $0x90000046  }
0xb5: {  	s29 =	simm.s32 $0x9;
	_ =	strace $0x80000048  }
0xb6: {  	_ =	swait.ge [sflag:s29], $0x1  }
0xb7: {  	[sflag:s29] =	ssyncadd.s32 $0xFFFFFFFF  }
0xb8: {  	_ =	strace $0x90000048  }
0xb9: {  	_ =	sfence  }
0xba: {  	s30 =	sld [smem:$0x0];
	_ =	sdelay $0x2  }
0xbb: {  	s31 =	sshll.u32 s1, $0xD;
	s1 =	sshrl.u32 s1, $0x2  }
0xbc: {  	s3 =	sand.u32 $0x4000, s31;
	s1 =	sadd.s32 s1, s30  }
0xbd: {  	s0 =	sor.u32 s3, s0;
	s1 =	sshll.u32 s1, $0x11  }
0xbe: {  	s0 =	sor.u32 s1, s0  }
0xbf: {  	s0 =	sadd.s32 $0x8F2B, s0  }
0xc0: {  	[sflag:s0] =	ssyncadd.remote.s32 $0x1  }
0xc1: {  	_ =	sfence.sel $0xFFFF  }
0xc2: {  	[dreg:$0x0] =	wrdreg $0xFFFFFFFF;
	(pc) =	sbr.abs _section_cstart, $3  }
0xc3: {  	[dreg:$0x1] =	wrdreg $0xFFFFFFFF  }
0xc4: {  	_ =	task.clear_ibuf [dreg:s9], $0x2FFFF;
	_ =	strace $0x9FFFFFFF  }
0xc5: {  	(tm) =	ssettm $0x7FFFFFFF  }
tec
execute0_lowered:
.L_overlay_start_1:
0x0: {  	(tag) =	ssettag $0x1  }
0x1: {  	v0 =	vimm.s32 $0xF;
	vm6 =	vcmask $0x300  }
0x2: {  	vm5 =	vcmask $0x704;
	v0 =	vsel vm6, $0x80, v0  }
0x3: {  	vm4 =	vcmask $0xB08;
	vm0 =	vcmask $0xF0C;
	v0 =	vsel vm5, $0x101, v0  }
0x4: {  	vm3 =	vcmask $0x1310;
	vm1 =	vcmask $0x1714;
	v0 =	vsel vm4, $0x182, v0  }
0x5: {  	v1 =	vimm.s32 $0x18F;
	v2 =	vimm.s32 $0xC5844302;
	v0 =	vsel vm0, $0x203, v0  }
0x6: {  	vm7 =	vcmask $0xF00;
	v3 =	vimm.s32 $0xC7864504;
	v0 =	vsel vm3, $0x284, v0  }
0x7: {  	v4 =	vimm.s32 $0xC8874605;
	v15 =	vsel vm1, $0x305, v0;
	v0 =	vimm.s32 $0x8F  }
0x8: {  	v5 =	vimm.s32 $0xC9884706;
	v17 =	vsel vm6, $0x100, v0;
	v0 =	vimm.s32 $0x10F  }
0x9: {  	v6 =	vimm.s32 $0xCA894807;
	v18 =	vsel vm6, $0x180, v0;
	v0 =	vimm.s32 $0x20F  }
0xa: {  	v7 =	vimm.s32 $0xCB8A4908;
	v21 =	vsel vm6, $0x280, v0;
	v0 =	vimm.s32 $0x28F  }
0xb: {  	v20 =	vsel vm6, $0x200, v1;
	v23 =	vsel vm6, $0x300, v0;
	v0 =	vimm.s32 $0x38F  }
0xc: {  	v1 =	vimm.s32 $0x30F;
	v26 =	vsel vm6, $0x400, v0;
	v0 =	vimm.s32 $0x40F  }
0xd: {  	v24 =	vsel vm6, $0x380, v1;
	v27 =	vsel vm6, $0x480, v0;
	v0 =	vimm.s32 $0x50F  }
0xe: {  	v1 =	vimm.s32 $0x48F;
	v29 =	vsel vm6, $0x580, v0;
	v0 =	vimm.s32 $0x58F  }
0xf: {  	v28 =	vsel vm6, $0x500, v1;
	v1 =	vimm.s32 $0x60F;
	v0 =	vsel vm6, $0x600, v0  }
0x10: {  	v8 =	vimm.s32 $0xCC8B4A09;
	[tilespmem:$0x1EA50] =	vst v0;
	v0 =	vsel vm6, $0x680, v1;
	v1 =	vimm.s32 $0x68F  }
0x11: {  	v9 =	vimm.s32 $0xCD8C4B0A;
	v10 =	vimm.s32 $0xCE8D4C0B;
	[tilespmem:$0x1EA60] =	vst v0;
	v1 =	vsel vm6, $0x700, v1  }
0x12: {  	v2 =	vunpack.c.0.s8.s32 v2;
	v0 =	vimm.s32 $0xC4834201;
	[tilespmem:$0x1EA70] =	vst v1;
	v1 =	vimm.s32 $0x70F  }
0x13: {  	v11 =	vimm.s32 $0xCF8E4D0C;
	v0 =	vunpack.c.0.s8.s32 v0;
	v1 =	vsel vm6, $0x780, v1  }
0x14: {  	v12 =	vimm.s32 $0xC08F4E0D;
	[tilespmem:$0x1EA80] =	vst v1;
	v1 =	vand.u32 $0xFF, v2;
	v2 =	vimm.s32 $0xC6854403  }
0x15: {  	v13 =	vimm.s32 $0xC1804F0E;
	v0 =	vand.u32 $0xFF, v0;
	v2 =	vunpack.c.0.s8.s32 v2  }
0x16: {  	v14 =	vimm.s32 $0xC281400F;
	v3 =	vunpack.c.0.s8.s32 v3;
	v0 =	vnsel vm7, $0x3C0, v0  }
0x17: {  	v4 =	vunpack.c.0.s8.s32 v4;
	[tilespmem:$0x1ED90] =	vst v0;
	v0 =	vnsel vm7, $0x3C1, v1;
	v2 =	vand.u32 $0xFF, v2  }
0x18: {  	v5 =	vunpack.c.0.s8.s32 v5;
	v3 =	vand.u32 $0xFF, v3;
	[tilespmem:$0x1EDA0] =	vst v0;
	v0 =	vnsel vm7, $0x3C2, v2  }
0x19: {  	v6 =	vunpack.c.0.s8.s32 v6;
	v4 =	vand.u32 $0xFF, v4;
	[tilespmem:$0x1EDB0] =	vst v0;
	v0 =	vnsel vm7, $0x3C3, v3  }
0x1a: {  	v7 =	vunpack.c.0.s8.s32 v7;
	v5 =	vand.u32 $0xFF, v5;
	[tilespmem:$0x1EDC0] =	vst v0;
	v0 =	vnsel vm7, $0x3C4, v4  }
0x1b: {  	v8 =	vunpack.c.0.s8.s32 v8;
	v6 =	vand.u32 $0xFF, v6;
	[tilespmem:$0x1EDD0] =	vst v0;
	v0 =	vnsel vm7, $0x3C5, v5  }
0x1c: {  	v9 =	vunpack.c.0.s8.s32 v9;
	v7 =	vand.u32 $0xFF, v7;
	[tilespmem:$0x1EDE0] =	vst v0;
	v0 =	vnsel vm7, $0x3C6, v6  }
0x1d: {  	v10 =	vunpack.c.0.s8.s32 v10;
	v8 =	vand.u32 $0xFF, v8;
	[tilespmem:$0x1EDF0] =	vst v0;
	v0 =	vnsel vm7, $0x3C7, v7  }
0x1e: {  	v11 =	vunpack.c.0.s8.s32 v11;
	v9 =	vand.u32 $0xFF, v9;
	[tilespmem:$0x1EE00] =	vst v0;
	v0 =	vnsel vm7, $0x3C8, v8  }
0x1f: {  	v12 =	vunpack.c.0.s8.s32 v12;
	v10 =	vand.u32 $0xFF, v10;
	[tilespmem:$0x1EE10] =	vst v0;
	v0 =	vnsel vm7, $0x3C9, v9  }
0x20: {  	v13 =	vunpack.c.0.s8.s32 v13;
	v11 =	vand.u32 $0xFF, v11;
	[tilespmem:$0x1EE20] =	vst v0;
	v0 =	vnsel vm7, $0x3CA, v10  }
0x21: {  	v14 =	vunpack.c.0.s8.s32 v14;
	v12 =	vand.u32 $0xFF, v12;
	[tilespmem:$0x1EE30] =	vst v0;
	v0 =	vnsel vm7, $0x3CB, v11  }
0x22: {  	v13 =	vand.u32 $0xFF, v13;
	[tilespmem:$0x1EE40] =	vst v0;
	v0 =	vnsel vm7, $0x3CC, v12  }
0x23: {  	v14 =	vand.u32 $0xFF, v14;
	[tilespmem:$0x1EE50] =	vst v0;
	v0 =	vnsel vm7, $0x3CD, v13  }
0x24: {  	[tilespmem:$0x1EE60] =	vst v0;
	v0 =	vnsel vm7, $0x3CE, v14  }
0x25: {  	[tilespmem:$0x1EE70] =	vst v0;
	v0 =	vimm.s32 $0x1A0F  }
0x26: {  	v1 =	vimm.s32 $0x1A8F;
	v0 =	vsel vm6, $0x1A80, v0  }
0x27: {  	[tilespmem:$0x1EA90] =	vst v0;
	v0 =	vsel vm6, $0x1B00, v1  }
0x28: {  	[tilespmem:$0x1EAA0] =	vst v0;
	v0 =	vimm.s32 $0x1B0F  }
0x29: {  	v1 =	vimm.s32 $0x1B8F;
	v0 =	vsel vm6, $0x1B80, v0  }
0x2a: {  	v4 =	vimm.s32 $0x1C0F;
	[tilespmem:$0x1EAB0] =	vst v0;
	v0 =	vsel vm6, $0x1C00, v1  }
0x2b: {  	[tilespmem:$0x1EAC0] =	vst v0;
	v0 =	vsel vm6, $0x1C80, v4  }
0x2c: {  	[tilespmem:$0x1EAD0] =	vst v0;
	v0 =	vimm.s32 $0x1C8F  }
0x2d: {  	v1 =	vimm.s32 $0x1D0F;
	v0 =	vsel vm6, $0x1D00, v0  }
0x2e: {  	v7 =	vimm.s32 $0x1D8F;
	[tilespmem:$0x1EAE0] =	vst v0;
	v0 =	vsel vm6, $0x1D80, v1  }
0x2f: {  	[tilespmem:$0x1EAF0] =	vst v0;
	v0 =	vsel vm6, $0x1E00, v7  }
0x30: {  	[tilespmem:$0x1EB00] =	vst v0;
	v0 =	vimm.s32 $0x1E0F  }
0x31: {  	v1 =	vimm.s32 $0x1E8F;
	v0 =	vsel vm6, $0x1E80, v0  }
0x32: {  	v10 =	vimm.s32 $0x1F0F;
	[tilespmem:$0x1EB10] =	vst v0;
	v0 =	vsel vm6, $0x1F00, v1  }
0x33: {  	[tilespmem:$0x1EB20] =	vst v0;
	v0 =	vsel vm6, $0x1F80, v10  }
0x34: {  	[tilespmem:$0x1EB30] =	vst v0;
	v0 =	vimm.s32 $0x700  }
0x35: {  	v1 =	vimm.s32 $0x680;
	v0 =	vsel vm6, $0x780, v0  }
0x36: {  	v13 =	vimm.s32 $0x600;
	[tilespmem:$0x1EB40] =	vst v0;
	v0 =	vsel vm6, $0x700, v1  }
0x37: {  	[tilespmem:$0x1EB50] =	vst v0;
	v0 =	vsel vm6, $0x680, v13  }
0x38: {  	[tilespmem:$0x1EB60] =	vst v0;
	v0 =	vimm.s32 $0x580  }
0x39: {  	v1 =	vimm.s32 $0x500;
	v0 =	vsel vm6, $0x600, v0  }
0x3a: {  	v16 =	vimm.s32 $0x480;
	[tilespmem:$0x1EB70] =	vst v0;
	v0 =	vsel vm6, $0x580, v1  }
0x3b: {  	[tilespmem:$0x1EB80] =	vst v0;
	v0 =	vsel vm6, $0x500, v16  }
0x3c: {  	[tilespmem:$0x1EB90] =	vst v0;
	v0 =	vimm.s32 $0x400  }
0x3d: {  	v1 =	vimm.s32 $0x380;
	v0 =	vsel vm6, $0x480, v0  }
0x3e: {  	v19 =	vimm.s32 $0x300;
	[tilespmem:$0x1EBA0] =	vst v0;
	v0 =	vsel vm6, $0x400, v1  }
0x3f: {  	[tilespmem:$0x1EBB0] =	vst v0;
	v0 =	vsel vm6, $0x380, v19  }
0x40: {  	[tilespmem:$0x1EBC0] =	vst v0;
	v0 =	vimm.s32 $0x280  }
0x41: {  	v1 =	vimm.s32 $0x200;
	v0 =	vsel vm6, $0x300, v0  }
0x42: {  	v22 =	vimm.s32 $0x180;
	[tilespmem:$0x1EBD0] =	vst v0;
	v0 =	vsel vm6, $0x280, v1  }
0x43: {  	[tilespmem:$0x1EBE0] =	vst v0;
	v0 =	vsel vm6, $0x200, v22  }
0x44: {  	[tilespmem:$0x1EBF0] =	vst v0;
	v0 =	vimm.s32 $0x100  }
0x45: {  	v1 =	vimm.s32 $0x80;
	v0 =	vsel vm6, $0x180, v0  }
0x46: {  	[tilespmem:$0x1EC00] =	vst v0;
	v0 =	vsel vm6, $0x100, v1  }
0x47: {  	[tilespmem:$0x1EC10] =	vst v0;
	v0 =	vld [tilespmem:$0x1EB60];
	_ =	sdelay $0x4  }
0x48: {  	v0 =	vsel vm5, $0x700, v0  }
0x49: {  	[tilespmem:$0x1EC20] =	vst v0;
	v0 =	vld [tilespmem:$0x1EB70];
	_ =	sdelay $0x4  }
0x4a: {  	v0 =	vsel vm5, $0x680, v0  }
0x4b: {  	[tilespmem:$0x1EC30] =	vst v0;
	v0 =	vld [tilespmem:$0x1EB80];
	_ =	sdelay $0x4  }
0x4c: {  	v0 =	vsel vm5, $0x600, v0  }
0x4d: {  	[tilespmem:$0x1EC40] =	vst v0;
	v0 =	vld [tilespmem:$0x1EB90];
	_ =	sdelay $0x4  }
0x4e: {  	v0 =	vsel vm5, $0x580, v0  }
0x4f: {  	[tilespmem:$0x1EC50] =	vst v0;
	v0 =	vld [tilespmem:$0x1EBA0];
	_ =	sdelay $0x4  }
0x50: {  	v0 =	vsel vm5, $0x500, v0  }
0x51: {  	[tilespmem:$0x1EC60] =	vst v0;
	v0 =	vld [tilespmem:$0x1EBB0];
	_ =	sdelay $0x4  }
0x52: {  	v0 =	vsel vm5, $0x480, v0  }
0x53: {  	[tilespmem:$0x1EC70] =	vst v0;
	v0 =	vld [tilespmem:$0x1EBC0];
	_ =	sdelay $0x4  }
0x54: {  	v0 =	vsel vm5, $0x400, v0  }
0x55: {  	[tilespmem:$0x1EC80] =	vst v0;
	v0 =	vld [tilespmem:$0x1EBD0];
	_ =	sdelay $0x4  }
0x56: {  	v0 =	vsel vm5, $0x380, v0  }
0x57: {  	[tilespmem:$0x1EC90] =	vst v0;
	v0 =	vld [tilespmem:$0x1EBE0];
	_ =	sdelay $0x4  }
0x58: {  	v0 =	vsel vm5, $0x300, v0  }
0x59: {  	[tilespmem:$0x1ECA0] =	vst v0;
	v0 =	vld [tilespmem:$0x1EBF0];
	_ =	sdelay $0x4  }
0x5a: {  	v0 =	vsel vm5, $0x280, v0  }
0x5b: {  	[tilespmem:$0x1ECB0] =	vst v0;
	v0 =	vld [tilespmem:$0x1EC00];
	_ =	sdelay $0x4  }
0x5c: {  	v0 =	vsel vm5, $0x200, v0  }
0x5d: {  	[tilespmem:$0x1ECC0] =	vst v0;
	v0 =	vld [tilespmem:$0x1EC10];
	_ =	sdelay $0x4  }
0x5e: {  	v0 =	vsel vm5, $0x180, v0  }
0x5f: {  	v0 =	vsel vm4, $0x200, v0  }
0x60: {  	v0 =	vsel vm0, $0x280, v0  }
0x61: {  	[tilespmem:$0x1EF40] =	vst v0;
	v0 =	vld [tilespmem:$0x1ED90];
	_ =	sdelay $0x4  }
0x62: {  	v0 =	vsel vm3, $0x105, v0  }
0x63: {  	[tilespmem:$0x1EF50] =	vst v0;
	v0 =	vld [tilespmem:$0x1EDA0]  }
0x64: {  	vm2 =	vcmask $0x1B18  }
0x65: {  	vm15 =	vcmask $0x1F1C;
	v1 =	vsel vm2, $0x386, v15  }
0x66: {  	v1 =	vsel vm15, $0x407, v1  }
0x67: {  	[tilespmem:$0x1ECD0] =	vst v1;
	v1 =	vld [tilespmem:$0x1EC20]  }
0x68: {  	v0 =	vsel vm3, $0x106, v0  }
0x69: {  	v30 =	vimm.s32 $0x80F;
	[tilespmem:$0x1EF60] =	vst v0;
	v0 =	vld [tilespmem:$0x1EDB0]  }
0x6a: {  	v30 =	vsel vm6, $0x880, v30  }
0x6b: {  	v16 =	vsel vm5, $0x901, v30  }
0x6c: {  	v16 =	vsel vm4, $0x982, v16;
	v1 =	vsel vm4, $0x780, v1  }
0x6d: {  	v16 =	vsel vm0, $0xA03, v16;
	[tilespmem:$0x1ECE0] =	vst v1;
	v1 =	vld [tilespmem:$0x1EC30]  }
0x6e: {  	[tilespmem:$0x1EE80] =	vst v16;
	v16 =	vld [tilespmem:$0x1ECE0];
	v0 =	vsel vm3, $0x107, v0  }
0x6f: {  	[tilespmem:$0x1EF70] =	vst v0;
	v0 =	vld [tilespmem:$0x1EDC0];
	_ =	sdelay $0x2  }
0x70: {  	v1 =	vsel vm4, $0x700, v1  }
0x71: {  	[tilespmem:$0x1ECF0] =	vst v1;
	v1 =	vld [tilespmem:$0x1EC40];
	v16 =	vsel vm0, $0x0, v16  }
0x72: {  	[tilespmem:$0x1EE90] =	vst v16;
	v16 =	vld [tilespmem:$0x1ECF0];
	v0 =	vsel vm3, $0x108, v0  }
0x73: {  	[tilespmem:$0x1EF80] =	vst v0;
	v0 =	vld [tilespmem:$0x1EDD0];
	_ =	sdelay $0x2  }
0x74: {  	v1 =	vsel vm4, $0x680, v1  }
0x75: {  	[tilespmem:$0x1ED00] =	vst v1;
	v1 =	vld [tilespmem:$0x1EC50];
	v16 =	vsel vm0, $0x780, v16  }
0x76: {  	[tilespmem:$0x1EEA0] =	vst v16;
	v16 =	vld [tilespmem:$0x1ED00];
	v0 =	vsel vm3, $0x109, v0  }
0x77: {  	[tilespmem:$0x1EF90] =	vst v0;
	v0 =	vld [tilespmem:$0x1EDE0];
	_ =	sdelay $0x2  }
0x78: {  	v1 =	vsel vm4, $0x600, v1  }
0x79: {  	[tilespmem:$0x1ED10] =	vst v1;
	v1 =	vld [tilespmem:$0x1EC60];
	v16 =	vsel vm0, $0x700, v16  }
0x7a: {  	[tilespmem:$0x1EEB0] =	vst v16;
	v16 =	vld [tilespmem:$0x1ED10];
	v0 =	vsel vm3, $0x10A, v0  }
0x7b: {  	[tilespmem:$0x1EFA0] =	vst v0;
	v0 =	vld [tilespmem:$0x1EDF0]  }
0x7c: {  	v31 =	vimm.s32 $0x88F;
	v32 =	vimm.s32 $0x90F;
	v33 =	vimm.s32 $0x98F  }
0x7d: {  	v34 =	vimm.s32 $0xA0F;
	v35 =	vimm.s32 $0xA8F;
	v36 =	vimm.s32 $0xB0F  }
0x7e: {  	v37 =	vimm.s32 $0xB8F;
	v38 =	vimm.s32 $0xC0F;
	v1 =	vsel vm4, $0x580, v1  }
0x7f: {  	v39 =	vimm.s32 $0xC8F;
	v40 =	vimm.s32 $0xD0F;
	[tilespmem:$0x1ED20] =	vst v1;
	v1 =	vld [tilespmem:$0x1EC70];
	v16 =	vsel vm0, $0x680, v16  }
0x80: {  	v41 =	vimm.s32 $0xD8F;
	v42 =	vimm.s32 $0xE0F;
	[tilespmem:$0x1EEC0] =	vst v16;
	v16 =	vld [tilespmem:$0x1ED20];
	v0 =	vsel vm3, $0x10B, v0  }
0x81: {  	v43 =	vimm.s32 $0xE8F;
	v44 =	vimm.s32 $0xF0F;
	v45 =	vimm.s32 $0x100F;
	[tilespmem:$0x1EFB0] =	vst v0;
	v0 =	vld [tilespmem:$0x1EE00]  }
0x82: {  	v46 =	vimm.s32 $0x108F;
	v47 =	vimm.s32 $0x110F;
	v48 =	vimm.s32 $0x118F  }
0x83: {  	v49 =	vimm.s32 $0x120F;
	v50 =	vimm.s32 $0x128F;
	v51 =	vimm.s32 $0x130F  }
0x84: {  	v52 =	vimm.s32 $0x138F;
	v53 =	vimm.s32 $0x140F;
	v1 =	vsel vm4, $0x500, v1  }
0x85: {  	v54 =	vimm.s32 $0x148F;
	v55 =	vimm.s32 $0x150F;
	[tilespmem:$0x1ED30] =	vst v1;
	v1 =	vld [tilespmem:$0x1EC80];
	v16 =	vsel vm0, $0x600, v16  }
0x86: {  	v56 =	vimm.s32 $0x158F;
	v57 =	vimm.s32 $0x160F;
	[tilespmem:$0x1EED0] =	vst v16;
	v16 =	vld [tilespmem:$0x1ED30];
	v0 =	vsel vm3, $0x10C, v0  }
0x87: {  	v58 =	vimm.s32 $0x168F;
	v59 =	vimm.s32 $0x170F;
	v60 =	vimm.s32 $0x180F;
	[tilespmem:$0x1EFC0] =	vst v0;
	v0 =	vld [tilespmem:$0x1EE10]  }
0x88: {  	v61 =	vimm.s32 $0x188F;
	v62 =	vimm.s32 $0x190F;
	v63 =	vimm.s32 $0x198F  }
0x89: {  	v31 =	vsel vm6, $0x900, v31;
	v32 =	vsel vm6, $0x980, v32;
	v33 =	vsel vm6, $0xA00, v33  }
0x8a: {  	v34 =	vsel vm6, $0xA80, v34;
	v35 =	vsel vm6, $0xB00, v35;
	v1 =	vsel vm4, $0x480, v1  }
0x8b: {  	v36 =	vsel vm6, $0xB80, v36;
	v37 =	vsel vm6, $0xC00, v37;
	[tilespmem:$0x1ED40] =	vst v1;
	v1 =	vld [tilespmem:$0x1EC90];
	v16 =	vsel vm0, $0x580, v16  }
0x8c: {  	v38 =	vsel vm6, $0xC80, v38;
	v39 =	vsel vm6, $0xD00, v39;
	[tilespmem:$0x1EEE0] =	vst v16;
	v16 =	vld [tilespmem:$0x1ED40];
	v0 =	vsel vm3, $0x10D, v0  }
0x8d: {  	v40 =	vsel vm6, $0xD80, v40;
	v41 =	vsel vm6, $0xE00, v41;
	v42 =	vsel vm6, $0xE80, v42;
	[tilespmem:$0x1EFD0] =	vst v0;
	v0 =	vld [tilespmem:$0x1EE20]  }
0x8e: {  	v43 =	vsel vm6, $0xF00, v43;
	v44 =	vsel vm6, $0xF80, v44;
	v45 =	vsel vm6, $0x1080, v45  }
0x8f: {  	v46 =	vsel vm6, $0x1100, v46;
	v47 =	vsel vm6, $0x1180, v47;
	v48 =	vsel vm6, $0x1200, v48;
	v12 =	vld [tilespmem:$0x1EA50]  }
0x90: {  	v49 =	vsel vm6, $0x1280, v49;
	v50 =	vsel vm6, $0x1300, v50;
	v14 =	vld [tilespmem:$0x1EA70];
	v1 =	vsel vm4, $0x400, v1  }
0x91: {  	v51 =	vsel vm6, $0x1380, v51;
	v55 =	vsel vm6, $0x1580, v55;
	[tilespmem:$0x1ED50] =	vst v1;
	v1 =	vld [tilespmem:$0x1ECA0];
	v16 =	vsel vm0, $0x500, v16  }
0x92: {  	v57 =	vsel vm6, $0x1680, v57;
	v58 =	vsel vm6, $0x1700, v58;
	[tilespmem:$0x1EEF0] =	vst v16;
	v16 =	vld [tilespmem:$0x1ED50];
	v0 =	vsel vm3, $0x10E, v0  }
0x93: {  	v2 =	vsel vm5, $0x181, v17;
	v17 =	vsel vm5, $0x981, v31;
	v31 =	vsel vm5, $0x801, v44;
	[tilespmem:$0x1EFE0] =	vst v0;
	v0 =	vld [tilespmem:$0x1EE30]  }
0x94: {  	v11 =	vsel vm5, $0x601, v29;
	v29 =	vsel vm5, $0xF01, v42;
	v42 =	vsel vm5, $0x1601, v55;
	v55 =	vld [tilespmem:$0x1EA90]  }
0x95: {  	v44 =	vsel vm5, $0x1701, v57;
	v3 =	vsel vm5, $0x201, v18;
	v18 =	vsel vm5, $0xA01, v32;
	v57 =	vld [tilespmem:$0x1EAB0]  }
0x96: {  	v32 =	vsel vm5, $0x1101, v45;
	v45 =	vsel vm5, $0x1781, v58;
	v58 =	vld [tilespmem:$0x1EAC0];
	v1 =	vsel vm4, $0x380, v1  }
0x97: {  	v60 =	vsel vm6, $0x1880, v60;
	v61 =	vsel vm6, $0x1900, v61;
	[tilespmem:$0x1ED60] =	vst v1;
	v1 =	vld [tilespmem:$0x1ECB0];
	v16 =	vsel vm0, $0x480, v16  }
0x98: {  	v63 =	vsel vm6, $0x1A00, v63;
	v5 =	vsel vm5, $0x301, v21;
	[tilespmem:$0x1EF00] =	vst v16;
	v16 =	vld [tilespmem:$0x1ED60];
	v0 =	vsel vm3, $0x10F, v0  }
0x99: {  	v21 =	vsel vm5, $0xB81, v35;
	v35 =	vsel vm5, $0x1281, v48;
	v4 =	vsel vm5, $0x281, v20;
	[tilespmem:$0x1EFF0] =	vst v0;
	v0 =	vld [tilespmem:$0x1EE40]  }
0x9a: {  	v20 =	vsel vm5, $0xB01, v34;
	v34 =	vsel vm5, $0x1201, v47;
	v47 =	vsel vm5, $0x1901, v60;
	v60 =	vld [tilespmem:$0x1EAE0]  }
0x9b: {  	v48 =	vsel vm5, $0x1981, v61;
	v6 =	vsel vm5, $0x381, v23;
	v23 =	vsel vm5, $0xC81, v37;
	v61 =	vld [tilespmem:$0x1EAF0]  }
0x9c: {  	v37 =	vsel vm5, $0x1381, v50;
	v50 =	vsel vm5, $0x1A81, v63;
	v63 =	vld [tilespmem:$0x1EB10];
	v1 =	vsel vm4, $0x300, v1  }
0x9d: {  	v53 =	vsel vm6, $0x1480, v53;
	v56 =	vsel vm6, $0x1600, v56;
	[tilespmem:$0x1ED70] =	vst v1;
	v1 =	vld [tilespmem:$0x1ECC0];
	v16 =	vsel vm0, $0x400, v16  }
0x9e: {  	v59 =	vsel vm6, $0x1780, v59;
	v62 =	vsel vm6, $0x1980, v62;
	[tilespmem:$0x1EF10] =	vst v16;
	v16 =	vld [tilespmem:$0x1ED70];
	v0 =	vsel vm3, $0x100, v0  }
0x9f: {  	v9 =	vsel vm5, $0x501, v27;
	v27 =	vsel vm5, $0xE01, v40;
	v40 =	vsel vm5, $0x1501, v53;
	[tilespmem:$0x1F000] =	vst v0;
	v0 =	vld [tilespmem:$0x1EE50]  }
0xa0: {  	v53 =	vsel vm5, $0x1C01, v57;
	v57 =	vsel vm5, $0x1E01, v61;
	v61 =	vld [tilespmem:$0x1EB30];
	v30 =	vsel vm5, $0xF81, v43  }
0xa1: {  	v43 =	vsel vm5, $0x1681, v56;
	v56 =	vld [tilespmem:$0x1EAA0];
	v19 =	vsel vm5, $0xA81, v33;
	v33 =	vsel vm5, $0x1181, v46  }
0xa2: {  	v46 =	vsel vm5, $0x1001, v59;
	v59 =	vld [tilespmem:$0x1EAD0];
	v22 =	vsel vm5, $0xC01, v36;
	v1 =	vsel vm4, $0x280, v1  }
0xa3: {  	v36 =	vsel vm5, $0x1301, v49;
	v49 =	vsel vm5, $0x1A01, v62;
	v62 =	vld [tilespmem:$0x1EB00];
	[tilespmem:$0x1ED80] =	vst v1;
	v16 =	vsel vm0, $0x380, v16  }
0xa4: {  	v52 =	vsel vm6, $0x1400, v52;
	v54 =	vsel vm6, $0x1500, v54;
	[tilespmem:$0x1EF20] =	vst v16;
	v16 =	vld [tilespmem:$0x1ED80];
	v0 =	vsel vm3, $0x101, v0  }
0xa5: {  	v8 =	vsel vm5, $0x481, v26;
	v26 =	vsel vm5, $0xD81, v39;
	v39 =	vsel vm5, $0x1481, v52;
	[tilespmem:$0x1F010] =	vst v0;
	v0 =	vld [tilespmem:$0x1EE60]  }
0xa6: {  	v7 =	vsel vm5, $0x401, v24;
	v24 =	vsel vm5, $0xD01, v38;
	v38 =	vsel vm5, $0x1401, v51;
	v13 =	vld [tilespmem:$0x1EA60]  }
0xa7: {  	v51 =	vsel vm5, $0x1B01, v55;
	v52 =	vsel vm5, $0x1B81, v56;
	v56 =	vsel vm5, $0x1D81, v60;
	v60 =	vld [tilespmem:$0x1EB20]  }
0xa8: {  	v10 =	vsel vm5, $0x581, v28;
	v55 =	vsel vm5, $0x1D01, v59;
	v59 =	vsel vm5, $0x1F01, v63;
	v63 =	vld [tilespmem:$0x1EB50]  }
0xa9: {  	v28 =	vsel vm5, $0xE81, v41;
	v41 =	vsel vm5, $0x1581, v54;
	v15 =	vld [tilespmem:$0x1EA80];
	v16 =	vsel vm0, $0x300, v16  }
0xaa: {  	v54 =	vsel vm5, $0x1C81, v58;
	v58 =	vsel vm5, $0x1E81, v62;
	v62 =	vld [tilespmem:$0x1EB40];
	[tilespmem:$0x1EF30] =	vst v16;
	v0 =	vsel vm3, $0x102, v0  }
0xab: {  	v1 =	vld [tilespmem:$0x1ECD0];
	[tilespmem:$0x1F020] =	vst v0  }
0xac: {  	v0 =	vld [tilespmem:$0x1EE70];
	_ =	sdelay $0x4  }
0xad: {  	v0 =	vsel vm3, $0x103, v0  }
0xae: {  	[tilespmem:$0x1F030] =	vst v0;
	v0 =	vld [tilespmem:$0x1EE80];
	_ =	sdelay $0x2  }
0xaf: {  	v17 =	vsel vm4, $0xA02, v17;
	v31 =	vsel vm4, $0x882, v31  }
0xb0: {  	v44 =	vsel vm4, $0x1782, v44;
	v18 =	vsel vm4, $0xA82, v18;
	v32 =	vsel vm4, $0x1182, v32  }
0xb1: {  	v45 =	vsel vm4, $0x1002, v45;
	v17 =	vsel vm0, $0xA83, v17;
	v0 =	vsel vm3, $0xA84, v0  }
0xb2: {  	v18 =	vsel vm0, $0xB03, v18;
	v19 =	vsel vm4, $0xB02, v19;
	[tilespmem:$0x1F040] =	vst v0;
	v0 =	vsel vm3, $0xB04, v17  }
0xb3: {  	v20 =	vsel vm4, $0xB82, v20;
	v19 =	vsel vm0, $0xB83, v19;
	[tilespmem:$0x1F050] =	vst v0;
	v0 =	vsel vm3, $0xB84, v18  }
0xb4: {  	v21 =	vsel vm4, $0xC02, v21;
	v20 =	vsel vm0, $0xC03, v20;
	[tilespmem:$0x1F060] =	vst v0;
	v0 =	vsel vm3, $0xC04, v19  }
0xb5: {  	v21 =	vsel vm0, $0xC83, v21;
	v22 =	vsel vm4, $0xC82, v22;
	[tilespmem:$0x1F070] =	vst v0;
	v0 =	vsel vm3, $0xC84, v20  }
0xb6: {  	v23 =	vsel vm4, $0xD02, v23;
	v22 =	vsel vm0, $0xD03, v22;
	[tilespmem:$0x1F080] =	vst v0;
	v0 =	vsel vm3, $0xD04, v21  }
0xb7: {  	v23 =	vsel vm0, $0xD83, v23;
	v24 =	vsel vm4, $0xD82, v24;
	[tilespmem:$0x1F090] =	vst v0;
	v0 =	vsel vm3, $0xD84, v22  }
0xb8: {  	v26 =	vsel vm4, $0xE02, v26;
	v24 =	vsel vm0, $0xE03, v24;
	[tilespmem:$0x1F0A0] =	vst v0;
	v0 =	vsel vm3, $0xE04, v23  }
0xb9: {  	v27 =	vsel vm4, $0xE82, v27;
	v26 =	vsel vm0, $0xE83, v26;
	[tilespmem:$0x1F0B0] =	vst v0;
	v0 =	vsel vm3, $0xE84, v24  }
0xba: {  	v27 =	vsel vm0, $0xF03, v27;
	v28 =	vsel vm4, $0xF02, v28;
	[tilespmem:$0x1F0C0] =	vst v0;
	v0 =	vsel vm3, $0xF04, v26  }
0xbb: {  	v29 =	vsel vm4, $0xF82, v29;
	v28 =	vsel vm0, $0xF83, v28;
	[tilespmem:$0x1F0D0] =	vst v0;
	v0 =	vsel vm3, $0xF84, v27  }
0xbc: {  	v29 =	vsel vm0, $0x803, v29;
	v30 =	vsel vm4, $0x802, v30;
	[tilespmem:$0x1F0E0] =	vst v0;
	v0 =	vsel vm3, $0x804, v28  }
0xbd: {  	v31 =	vsel vm0, $0x903, v31;
	v30 =	vsel vm0, $0x883, v30;
	[tilespmem:$0x1F0F0] =	vst v0;
	v0 =	vsel vm3, $0x884, v29  }
0xbe: {  	v44 =	vsel vm0, $0x1003, v44;
	v32 =	vsel vm0, $0x1203, v32;
	[tilespmem:$0x1F100] =	vst v0;
	v0 =	vsel vm3, $0x904, v30  }
0xbf: {  	v45 =	vsel vm0, $0x1083, v45;
	v33 =	vsel vm4, $0x1202, v33;
	[tilespmem:$0x1F110] =	vst v0;
	v0 =	vsel vm3, $0x984, v31  }
0xc0: {  	v34 =	vsel vm4, $0x1282, v34;
	v33 =	vsel vm0, $0x1283, v33;
	[tilespmem:$0x1F120] =	vst v0;
	v0 =	vsel vm3, $0x1284, v32  }
0xc1: {  	v35 =	vsel vm4, $0x1302, v35;
	v34 =	vsel vm0, $0x1303, v34;
	[tilespmem:$0x1F130] =	vst v0;
	v0 =	vsel vm3, $0x1304, v33  }
0xc2: {  	v35 =	vsel vm0, $0x1383, v35;
	v36 =	vsel vm4, $0x1382, v36;
	[tilespmem:$0x1F140] =	vst v0;
	v0 =	vsel vm3, $0x1384, v34  }
0xc3: {  	v37 =	vsel vm4, $0x1402, v37;
	v36 =	vsel vm0, $0x1403, v36;
	[tilespmem:$0x1F150] =	vst v0;
	v0 =	vsel vm3, $0x1404, v35  }
0xc4: {  	v37 =	vsel vm0, $0x1483, v37;
	v38 =	vsel vm4, $0x1482, v38;
	[tilespmem:$0x1F160] =	vst v0;
	v0 =	vsel vm3, $0x1484, v36  }
0xc5: {  	v39 =	vsel vm4, $0x1502, v39;
	v38 =	vsel vm0, $0x1503, v38;
	[tilespmem:$0x1F170] =	vst v0;
	v0 =	vsel vm3, $0x1504, v37  }
0xc6: {  	v40 =	vsel vm4, $0x1582, v40;
	v39 =	vsel vm0, $0x1583, v39;
	[tilespmem:$0x1F180] =	vst v0;
	v0 =	vsel vm3, $0x1584, v38  }
0xc7: {  	v40 =	vsel vm0, $0x1603, v40;
	v41 =	vsel vm4, $0x1602, v41;
	[tilespmem:$0x1F190] =	vst v0;
	v0 =	vsel vm3, $0x1604, v39  }
0xc8: {  	v42 =	vsel vm4, $0x1682, v42;
	v41 =	vsel vm0, $0x1683, v41;
	[tilespmem:$0x1F1A0] =	vst v0;
	v0 =	vsel vm3, $0x1684, v40  }
0xc9: {  	v42 =	vsel vm0, $0x1703, v42;
	v43 =	vsel vm4, $0x1702, v43;
	[tilespmem:$0x1F1B0] =	vst v0;
	v0 =	vsel vm3, $0x1704, v41  }
0xca: {  	v48 =	vsel vm4, $0x1A02, v48;
	v43 =	vsel vm0, $0x1783, v43;
	[tilespmem:$0x1F1C0] =	vst v0;
	v0 =	vsel vm3, $0x1784, v42  }
0xcb: {  	v50 =	vsel vm4, $0x1B02, v50;
	v48 =	vsel vm0, $0x1A83, v48;
	[tilespmem:$0x1F1D0] =	vst v0;
	v0 =	vsel vm3, $0x1004, v43  }
0xcc: {  	v50 =	vsel vm0, $0x1B83, v50;
	v46 =	vsel vm4, $0x1082, v46;
	[tilespmem:$0x1F1E0] =	vst v0;
	v0 =	vsel vm3, $0x1084, v44  }
0xcd: {  	v47 =	vsel vm4, $0x1982, v47;
	v46 =	vsel vm0, $0x1103, v46;
	[tilespmem:$0x1F1F0] =	vst v0;
	v0 =	vsel vm3, $0x1104, v45  }
0xce: {  	v47 =	vsel vm0, $0x1A03, v47;
	v51 =	vsel vm4, $0x1B82, v51;
	[tilespmem:$0x1F200] =	vst v0;
	v0 =	vsel vm3, $0x1184, v46  }
0xcf: {  	v53 =	vsel vm4, $0x1C82, v53;
	v49 =	vsel vm4, $0x1A82, v49;
	[tilespmem:$0x1F210] =	vst v0;
	v0 =	vsel vm3, $0x1A84, v47  }
0xd0: {  	v51 =	vsel vm0, $0x1C03, v51;
	v49 =	vsel vm0, $0x1B03, v49;
	[tilespmem:$0x1F220] =	vst v0;
	v0 =	vsel vm3, $0x1B04, v48  }
0xd1: {  	v53 =	vsel vm0, $0x1D03, v53;
	v54 =	vsel vm4, $0x1D02, v54;
	[tilespmem:$0x1F230] =	vst v0;
	v0 =	vsel vm3, $0x1B84, v49  }
0xd2: {  	v54 =	vsel vm0, $0x1D83, v54;
	v52 =	vsel vm4, $0x1C02, v52;
	[tilespmem:$0x1F240] =	vst v0;
	v0 =	vsel vm3, $0x1C04, v50  }
0xd3: {  	v57 =	vsel vm4, $0x1E82, v57;
	v52 =	vsel vm0, $0x1C83, v52;
	[tilespmem:$0x1F250] =	vst v0;
	v0 =	vsel vm3, $0x1C84, v51  }
0xd4: {  	v57 =	vsel vm0, $0x1F03, v57;
	v61 =	vsel vm5, $0x1801, v61;
	[tilespmem:$0x1F260] =	vst v0;
	v0 =	vsel vm3, $0x1D04, v52  }
0xd5: {  	v61 =	vsel vm4, $0x1882, v61;
	v55 =	vsel vm4, $0x1D82, v55;
	[tilespmem:$0x1F270] =	vst v0;
	v0 =	vsel vm3, $0x1D84, v53  }
0xd6: {  	v56 =	vsel vm4, $0x1E02, v56;
	v55 =	vsel vm0, $0x1E03, v55;
	[tilespmem:$0x1F280] =	vst v0;
	v0 =	vsel vm3, $0x1E04, v54  }
0xd7: {  	v61 =	vsel vm0, $0x1903, v61;
	v56 =	vsel vm0, $0x1E83, v56;
	[tilespmem:$0x1F290] =	vst v0;
	v0 =	vsel vm3, $0x1E84, v55  }
0xd8: {  	v60 =	vsel vm5, $0x1F81, v60;
	v58 =	vsel vm4, $0x1F02, v58;
	[tilespmem:$0x1F2A0] =	vst v0;
	v0 =	vsel vm3, $0x1F04, v56  }
0xd9: {  	v59 =	vsel vm4, $0x1F82, v59;
	v58 =	vsel vm0, $0x1F83, v58;
	[tilespmem:$0x1F2B0] =	vst v0;
	v0 =	vsel vm3, $0x1F84, v57  }
0xda: {  	v60 =	vsel vm4, $0x1802, v60;
	v59 =	vsel vm0, $0x1803, v59;
	[tilespmem:$0x1F2C0] =	vst v0;
	v0 =	vsel vm3, $0x1804, v58  }
0xdb: {  	v60 =	vsel vm0, $0x1883, v60;
	v62 =	vsel vm5, $0x0, v62;
	[tilespmem:$0x1F2D0] =	vst v0;
	v0 =	vsel vm3, $0x1884, v59  }
0xdc: {  	v63 =	vsel vm5, $0x780, v63;
	v62 =	vsel vm4, $0x80, v62;
	[tilespmem:$0x1F2E0] =	vst v0;
	v0 =	vsel vm3, $0x1904, v60  }
0xdd: {  	v63 =	vsel vm4, $0x0, v63;
	v62 =	vsel vm0, $0x100, v62;
	[tilespmem:$0x1F2F0] =	vst v0;
	v0 =	vsel vm3, $0x1984, v61  }
0xde: {  	v63 =	vsel vm0, $0x80, v63;
	[tilespmem:$0x1F300] =	vst v0;
	v0 =	vsel vm3, $0x180, v62  }
0xdf: {  	[tilespmem:$0x1F310] =	vst v0;
	v0 =	vsel vm3, $0x100, v63  }
0xe0: {  	[tilespmem:$0x1F320] =	vst v0;
	v0 =	vld [tilespmem:$0x1EE90];
	_ =	sdelay $0x4  }
0xe1: {  	v0 =	vsel vm3, $0x80, v0  }
0xe2: {  	[tilespmem:$0x1F330] =	vst v0;
	v0 =	vld [tilespmem:$0x1EEA0];
	_ =	sdelay $0x4  }
0xe3: {  	v0 =	vsel vm3, $0x0, v0  }
0xe4: {  	[tilespmem:$0x1F340] =	vst v0;
	v0 =	vld [tilespmem:$0x1EEB0];
	_ =	sdelay $0x4  }
0xe5: {  	v0 =	vsel vm3, $0x780, v0  }
0xe6: {  	[tilespmem:$0x1F350] =	vst v0;
	v0 =	vld [tilespmem:$0x1EEC0];
	_ =	sdelay $0x4  }
0xe7: {  	v0 =	vsel vm3, $0x700, v0  }
0xe8: {  	[tilespmem:$0x1F360] =	vst v0;
	v0 =	vld [tilespmem:$0x1EED0];
	_ =	sdelay $0x4  }
0xe9: {  	v0 =	vsel vm3, $0x680, v0  }
0xea: {  	[tilespmem:$0x1F370] =	vst v0;
	v0 =	vld [tilespmem:$0x1EEE0];
	_ =	sdelay $0x4  }
0xeb: {  	v0 =	vsel vm3, $0x600, v0  }
0xec: {  	[tilespmem:$0x1F380] =	vst v0;
	v0 =	vld [tilespmem:$0x1EEF0];
	_ =	sdelay $0x4  }
0xed: {  	v0 =	vsel vm3, $0x580, v0  }
0xee: {  	[tilespmem:$0x1F390] =	vst v0;
	v0 =	vld [tilespmem:$0x1EF00];
	_ =	sdelay $0x4  }
0xef: {  	v0 =	vsel vm3, $0x500, v0  }
0xf0: {  	[tilespmem:$0x1F3A0] =	vst v0;
	v0 =	vld [tilespmem:$0x1EF10];
	_ =	sdelay $0x4  }
0xf1: {  	v0 =	vsel vm3, $0x480, v0  }
0xf2: {  	[tilespmem:$0x1F3B0] =	vst v0;
	v0 =	vld [tilespmem:$0x1EF20];
	_ =	sdelay $0x4  }
0xf3: {  	v0 =	vsel vm3, $0x400, v0  }
0xf4: {  	[tilespmem:$0x1F3C0] =	vst v0;
	v0 =	vld [tilespmem:$0x1EF30];
	_ =	sdelay $0x4  }
0xf5: {  	v0 =	vsel vm3, $0x380, v0  }
0xf6: {  	[tilespmem:$0x1F3D0] =	vst v0;
	v0 =	vld [tilespmem:$0x1EF40];
	_ =	sdelay $0x4  }
0xf7: {  	v0 =	vsel vm3, $0x300, v0  }
0xf8: {  	[tilespmem:$0x1F3E0] =	vst v0;
	v0 =	vld [tilespmem:$0x1F250];
	_ =	sdelay $0x4  }
0xf9: {  	v0 =	vsel vm1, $0x1C85, v0  }
0xfa: {  	[tilespmem:$0x1F3F0] =	vst v0;
	v0 =	vld [tilespmem:$0x1F260];
	_ =	sdelay $0x4  }
0xfb: {  	v0 =	vsel vm1, $0x1D05, v0  }
0xfc: {  	[tilespmem:$0x1F400] =	vst v0;
	v0 =	vld [tilespmem:$0x1F270];
	_ =	sdelay $0x4  }
0xfd: {  	v0 =	vsel vm1, $0x1D85, v0  }
0xfe: {  	[tilespmem:$0x1F410] =	vst v0;
	v0 =	vld [tilespmem:$0x1F280];
	_ =	sdelay $0x4  }
0xff: {  	v0 =	vsel vm1, $0x1E05, v0  }
0x100: {  	[tilespmem:$0x1F420] =	vst v0;
	v0 =	vld [tilespmem:$0x1F290];
	_ =	sdelay $0x4  }
0x101: {  	v0 =	vsel vm1, $0x1E85, v0  }
0x102: {  	[tilespmem:$0x1F430] =	vst v0;
	v0 =	vld [tilespmem:$0x1F2A0];
	_ =	sdelay $0x4  }
0x103: {  	v0 =	vsel vm1, $0x1F05, v0  }
0x104: {  	[tilespmem:$0x1F440] =	vst v0;
	v0 =	vld [tilespmem:$0x1F2B0];
	_ =	sdelay $0x4  }
0x105: {  	v0 =	vsel vm1, $0x1F85, v0  }
0x106: {  	[tilespmem:$0x1F450] =	vst v0;
	v0 =	vld [tilespmem:$0x1F2C0];
	_ =	sdelay $0x4  }
0x107: {  	v0 =	vsel vm1, $0x1805, v0  }
0x108: {  	[tilespmem:$0x1F460] =	vst v0;
	v0 =	vld [tilespmem:$0x1F2D0];
	_ =	sdelay $0x4  }
0x109: {  	v0 =	vsel vm1, $0x1885, v0  }
0x10a: {  	[tilespmem:$0x1F470] =	vst v0;
	v0 =	vld [tilespmem:$0x1F2E0];
	_ =	sdelay $0x4  }
0x10b: {  	v0 =	vsel vm1, $0x1905, v0  }
0x10c: {  	[tilespmem:$0x1F480] =	vst v0;
	v0 =	vld [tilespmem:$0x1F2F0];
	_ =	sdelay $0x4  }
0x10d: {  	v0 =	vsel vm1, $0x1985, v0  }
0x10e: {  	[tilespmem:$0x1F490] =	vst v0;
	v0 =	vld [tilespmem:$0x1F300];
	_ =	sdelay $0x4  }
0x10f: {  	v0 =	vsel vm1, $0x1A05, v0  }
0x110: {  	[tilespmem:$0x1F4A0] =	vst v0;
	v0 =	vld [tilespmem:$0x1F310];
	_ =	sdelay $0x4  }
0x111: {  	v0 =	vsel vm1, $0x200, v0  }
0x112: {  	[tilespmem:$0x1F4B0] =	vst v0;
	v0 =	vld [tilespmem:$0x1F320];
	_ =	sdelay $0x4  }
0x113: {  	v0 =	vsel vm1, $0x180, v0  }
0x114: {  	[tilespmem:$0x1F4C0] =	vst v0;
	v0 =	vld [tilespmem:$0x1F330];
	_ =	sdelay $0x4  }
0x115: {  	v0 =	vsel vm1, $0x100, v0  }
0x116: {  	[tilespmem:$0x1F4D0] =	vst v0;
	v0 =	vld [tilespmem:$0x1F340];
	_ =	sdelay $0x4  }
0x117: {  	v0 =	vsel vm1, $0x80, v0  }
0x118: {  	[tilespmem:$0x1F4E0] =	vst v0;
	v0 =	vld [tilespmem:$0x1F350];
	_ =	sdelay $0x4  }
0x119: {  	v0 =	vsel vm1, $0x0, v0  }
0x11a: {  	[tilespmem:$0x1F4F0] =	vst v0;
	v0 =	vld [tilespmem:$0x1F360];
	_ =	sdelay $0x4  }
0x11b: {  	v0 =	vsel vm1, $0x780, v0  }
0x11c: {  	[tilespmem:$0x1F500] =	vst v0;
	v0 =	vld [tilespmem:$0x1F370];
	_ =	sdelay $0x4  }
0x11d: {  	v0 =	vsel vm1, $0x700, v0  }
0x11e: {  	[tilespmem:$0x1F510] =	vst v0;
	v0 =	vld [tilespmem:$0x1F380];
	_ =	sdelay $0x4  }
0x11f: {  	v0 =	vsel vm1, $0x680, v0  }
0x120: {  	[tilespmem:$0x1F520] =	vst v0;
	v0 =	vld [tilespmem:$0x1F390];
	_ =	sdelay $0x4  }
0x121: {  	v0 =	vsel vm1, $0x600, v0  }
0x122: {  	[tilespmem:$0x1F530] =	vst v0;
	v0 =	vld [tilespmem:$0x1F3A0];
	_ =	sdelay $0x4  }
0x123: {  	v0 =	vsel vm1, $0x580, v0  }
0x124: {  	[tilespmem:$0x1F540] =	vst v0;
	v0 =	vld [tilespmem:$0x1F3B0];
	_ =	sdelay $0x4  }
0x125: {  	v0 =	vsel vm1, $0x500, v0  }
0x126: {  	[tilespmem:$0x1F550] =	vst v0;
	v0 =	vld [tilespmem:$0x1F3C0];
	_ =	sdelay $0x4  }
0x127: {  	v0 =	vsel vm1, $0x480, v0  }
0x128: {  	[tilespmem:$0x1F560] =	vst v0;
	v0 =	vld [tilespmem:$0x1F3D0];
	_ =	sdelay $0x4  }
0x129: {  	v0 =	vsel vm1, $0x400, v0  }
0x12a: {  	[tilespmem:$0x1F570] =	vst v0;
	v0 =	vld [tilespmem:$0x1F3E0];
	_ =	sdelay $0x4  }
0x12b: {  	v0 =	vsel vm1, $0x380, v0  }
0x12c: {  	[tilespmem:$0x1F580] =	vst v0;
	v0 =	vld [tilespmem:$0x1F3F0];
	_ =	sdelay $0x4  }
0x12d: {  	v0 =	vsel vm2, $0x1D06, v0  }
0x12e: {  	[tilespmem:$0x1F5A0] =	vst v0;
	v0 =	vld [tilespmem:$0x1F400];
	_ =	sdelay $0x4  }
0x12f: {  	v0 =	vsel vm2, $0x1D86, v0  }
0x130: {  	[tilespmem:$0x1F5B0] =	vst v0;
	v0 =	vld [tilespmem:$0x1F410];
	_ =	sdelay $0x4  }
0x131: {  	v0 =	vsel vm2, $0x1E06, v0  }
0x132: {  	[tilespmem:$0x1F5C0] =	vst v0;
	v0 =	vld [tilespmem:$0x1F420];
	_ =	sdelay $0x4  }
0x133: {  	v0 =	vsel vm2, $0x1E86, v0  }
0x134: {  	[tilespmem:$0x1F5D0] =	vst v0;
	v0 =	vld [tilespmem:$0x1F430];
	_ =	sdelay $0x4  }
0x135: {  	v0 =	vsel vm2, $0x1F06, v0  }
0x136: {  	[tilespmem:$0x1F5E0] =	vst v0;
	v0 =	vld [tilespmem:$0x1F440];
	_ =	sdelay $0x4  }
0x137: {  	v0 =	vsel vm2, $0x1F86, v0  }
0x138: {  	[tilespmem:$0x1F5F0] =	vst v0;
	v0 =	vld [tilespmem:$0x1F450];
	_ =	sdelay $0x4  }
0x139: {  	v0 =	vsel vm2, $0x1806, v0  }
0x13a: {  	[tilespmem:$0x1F600] =	vst v0;
	v0 =	vld [tilespmem:$0x1F460];
	_ =	sdelay $0x4  }
0x13b: {  	v0 =	vsel vm2, $0x1886, v0  }
0x13c: {  	[tilespmem:$0x1F610] =	vst v0;
	v0 =	vld [tilespmem:$0x1F470];
	_ =	sdelay $0x4  }
0x13d: {  	v0 =	vsel vm2, $0x1906, v0  }
0x13e: {  	[tilespmem:$0x1F620] =	vst v0;
	v0 =	vld [tilespmem:$0x1F480];
	_ =	sdelay $0x4  }
0x13f: {  	v0 =	vsel vm2, $0x1986, v0  }
0x140: {  	[tilespmem:$0x1F630] =	vst v0;
	v0 =	vld [tilespmem:$0x1F490];
	_ =	sdelay $0x4  }
0x141: {  	v0 =	vsel vm2, $0x1A06, v0  }
0x142: {  	[tilespmem:$0x1F640] =	vst v0;
	v0 =	vld [tilespmem:$0x1F4A0];
	_ =	sdelay $0x4  }
0x143: {  	v0 =	vsel vm2, $0x1A86, v0  }
0x144: {  	[tilespmem:$0x1F650] =	vst v0;
	v0 =	vld [tilespmem:$0x1F4B0];
	_ =	sdelay $0x4  }
0x145: {  	v0 =	vsel vm2, $0x280, v0  }
0x146: {  	[tilespmem:$0x1F660] =	vst v0;
	v0 =	vld [tilespmem:$0x1F4C0];
	_ =	sdelay $0x4  }
0x147: {  	v0 =	vsel vm2, $0x200, v0  }
0x148: {  	[tilespmem:$0x1F670] =	vst v0;
	v0 =	vld [tilespmem:$0x1F4D0];
	_ =	sdelay $0x4  }
0x149: {  	v0 =	vsel vm2, $0x180, v0  }
0x14a: {  	[tilespmem:$0x1F680] =	vst v0;
	v0 =	vld [tilespmem:$0x1F4E0];
	_ =	sdelay $0x4  }
0x14b: {  	v0 =	vsel vm2, $0x100, v0  }
0x14c: {  	[tilespmem:$0x1F690] =	vst v0;
	v0 =	vld [tilespmem:$0x1F4F0];
	_ =	sdelay $0x4  }
0x14d: {  	v0 =	vsel vm2, $0x80, v0  }
0x14e: {  	[tilespmem:$0x1F6A0] =	vst v0;
	v0 =	vld [tilespmem:$0x1F500];
	_ =	sdelay $0x4  }
0x14f: {  	v0 =	vsel vm2, $0x0, v0  }
0x150: {  	[tilespmem:$0x1F6B0] =	vst v0;
	v0 =	vld [tilespmem:$0x1F510];
	_ =	sdelay $0x4  }
0x151: {  	v0 =	vsel vm2, $0x780, v0  }
0x152: {  	[tilespmem:$0x1F6C0] =	vst v0;
	v0 =	vld [tilespmem:$0x1F520];
	_ =	sdelay $0x4  }
0x153: {  	v0 =	vsel vm2, $0x700, v0  }
0x154: {  	[tilespmem:$0x1F6D0] =	vst v0;
	v0 =	vld [tilespmem:$0x1F530];
	_ =	sdelay $0x4  }
0x155: {  	v0 =	vsel vm2, $0x680, v0  }
0x156: {  	[tilespmem:$0x1F6E0] =	vst v0;
	v0 =	vld [tilespmem:$0x1F540];
	_ =	sdelay $0x4  }
0x157: {  	v0 =	vsel vm2, $0x600, v0  }
0x158: {  	[tilespmem:$0x1F6F0] =	vst v0;
	v0 =	vld [tilespmem:$0x1F550];
	_ =	sdelay $0x4  }
0x159: {  	v0 =	vsel vm2, $0x580, v0  }
0x15a: {  	[tilespmem:$0x1F700] =	vst v0;
	v0 =	vld [tilespmem:$0x1F560];
	_ =	sdelay $0x4  }
0x15b: {  	v0 =	vsel vm2, $0x500, v0  }
0x15c: {  	[tilespmem:$0x1F710] =	vst v0;
	v0 =	vld [tilespmem:$0x1F570];
	_ =	sdelay $0x4  }
0x15d: {  	v0 =	vsel vm2, $0x480, v0  }
0x15e: {  	[tilespmem:$0x1F720] =	vst v0;
	v0 =	vld [tilespmem:$0x1F580]  }
0x15f: {  	vm9 =	vcmask $0x2320  }
0x160: {  	vm10 =	vcmask $0x2724;
	v1 =	vsel vm9, $0x488, v1  }
0x161: {  	vm11 =	vcmask $0x2B28;
	v1 =	vsel vm10, $0x509, v1  }
0x162: {  	v1 =	vsel vm11, $0x58A, v1  }
0x163: {  	[tilespmem:$0x1F590] =	vst v1;
	v0 =	vsel vm2, $0x400, v0  }
0x164: {  	[tilespmem:$0x1F730] =	vst v0;
	v0 =	vld [tilespmem:$0x1F590];
	_ =	sdelay $0x3  }
0x165: {  	vm12 =	vcmask $0x2F2C  }
0x166: {  	v0 =	vsel vm12, $0x60B, v0  }
0x167: {  	[tilespmem:$0x1F740] =	vst v0;
	v0 =	vld [tilespmem:$0x1F5A0];
	_ =	sdelay $0x4  }
0x168: {  	v0 =	vsel vm15, $0x1D87, v0  }
0x169: {  	[tilespmem:$0x1F750] =	vst v0;
	v0 =	vld [tilespmem:$0x1F5B0];
	_ =	sdelay $0x4  }
0x16a: {  	v0 =	vsel vm15, $0x1E07, v0  }
0x16b: {  	[tilespmem:$0x1F760] =	vst v0;
	v0 =	vld [tilespmem:$0x1F5C0];
	_ =	sdelay $0x4  }
0x16c: {  	v0 =	vsel vm15, $0x1E87, v0  }
0x16d: {  	[tilespmem:$0x1F770] =	vst v0;
	v0 =	vld [tilespmem:$0x1F5D0];
	_ =	sdelay $0x4  }
0x16e: {  	v0 =	vsel vm15, $0x1F07, v0  }
0x16f: {  	[tilespmem:$0x1F780] =	vst v0;
	v0 =	vld [tilespmem:$0x1F5E0];
	_ =	sdelay $0x4  }
0x170: {  	v0 =	vsel vm15, $0x1F87, v0  }
0x171: {  	[tilespmem:$0x1F790] =	vst v0;
	v0 =	vld [tilespmem:$0x1F5F0];
	_ =	sdelay $0x4  }
0x172: {  	v0 =	vsel vm15, $0x1807, v0  }
0x173: {  	[tilespmem:$0x1F7A0] =	vst v0;
	v0 =	vld [tilespmem:$0x1F600];
	_ =	sdelay $0x4  }
0x174: {  	v0 =	vsel vm15, $0x1887, v0  }
0x175: {  	[tilespmem:$0x1F7B0] =	vst v0;
	v0 =	vld [tilespmem:$0x1F610];
	_ =	sdelay $0x4  }
0x176: {  	v0 =	vsel vm15, $0x1907, v0  }
0x177: {  	[tilespmem:$0x1F7C0] =	vst v0;
	v0 =	vld [tilespmem:$0x1F620];
	_ =	sdelay $0x4  }
0x178: {  	v0 =	vsel vm15, $0x1987, v0  }
0x179: {  	[tilespmem:$0x1F7D0] =	vst v0;
	v0 =	vld [tilespmem:$0x1F630];
	_ =	sdelay $0x4  }
0x17a: {  	v0 =	vsel vm15, $0x1A07, v0  }
0x17b: {  	[tilespmem:$0x1F7E0] =	vst v0;
	v0 =	vld [tilespmem:$0x1F640];
	_ =	sdelay $0x4  }
0x17c: {  	v0 =	vsel vm15, $0x1A87, v0  }
0x17d: {  	[tilespmem:$0x1F7F0] =	vst v0;
	v0 =	vld [tilespmem:$0x1F650];
	_ =	sdelay $0x4  }
0x17e: {  	v0 =	vsel vm15, $0x1B07, v0  }
0x17f: {  	[tilespmem:$0x1F800] =	vst v0;
	v0 =	vld [tilespmem:$0x1F660];
	_ =	sdelay $0x4  }
0x180: {  	v0 =	vsel vm15, $0x300, v0  }
0x181: {  	[tilespmem:$0x1F810] =	vst v0;
	v0 =	vld [tilespmem:$0x1F670];
	_ =	sdelay $0x4  }
0x182: {  	v0 =	vsel vm15, $0x280, v0  }
0x183: {  	[tilespmem:$0x1F820] =	vst v0;
	v0 =	vld [tilespmem:$0x1F680];
	_ =	sdelay $0x4  }
0x184: {  	v0 =	vsel vm15, $0x200, v0  }
0x185: {  	[tilespmem:$0x1F830] =	vst v0;
	v0 =	vld [tilespmem:$0x1F690];
	_ =	sdelay $0x4  }
0x186: {  	v0 =	vsel vm15, $0x180, v0  }
0x187: {  	[tilespmem:$0x1F840] =	vst v0;
	v0 =	vld [tilespmem:$0x1F6A0];
	_ =	sdelay $0x4  }
0x188: {  	v0 =	vsel vm15, $0x100, v0  }
0x189: {  	[tilespmem:$0x1F850] =	vst v0;
	v0 =	vld [tilespmem:$0x1F6B0];
	_ =	sdelay $0x4  }
0x18a: {  	v0 =	vsel vm15, $0x80, v0  }
0x18b: {  	[tilespmem:$0x1F860] =	vst v0;
	v0 =	vld [tilespmem:$0x1F6C0];
	_ =	sdelay $0x4  }
0x18c: {  	v0 =	vsel vm15, $0x0, v0  }
0x18d: {  	[tilespmem:$0x1F870] =	vst v0;
	v0 =	vld [tilespmem:$0x1F6D0];
	_ =	sdelay $0x4  }
0x18e: {  	v0 =	vsel vm15, $0x780, v0  }
0x18f: {  	[tilespmem:$0x1F880] =	vst v0;
	v0 =	vld [tilespmem:$0x1F6E0];
	_ =	sdelay $0x4  }
0x190: {  	v0 =	vsel vm15, $0x700, v0  }
0x191: {  	[tilespmem:$0x1F890] =	vst v0;
	v0 =	vld [tilespmem:$0x1F6F0];
	_ =	sdelay $0x4  }
0x192: {  	v0 =	vsel vm15, $0x680, v0  }
0x193: {  	[tilespmem:$0x1F8A0] =	vst v0;
	v0 =	vld [tilespmem:$0x1F700];
	_ =	sdelay $0x4  }
0x194: {  	v0 =	vsel vm15, $0x600, v0  }
0x195: {  	[tilespmem:$0x1F8B0] =	vst v0;
	v0 =	vld [tilespmem:$0x1F710];
	_ =	sdelay $0x4  }
0x196: {  	v0 =	vsel vm15, $0x580, v0  }
0x197: {  	[tilespmem:$0x1F8C0] =	vst v0;
	v0 =	vld [tilespmem:$0x1F720];
	_ =	sdelay $0x4  }
0x198: {  	v0 =	vsel vm15, $0x500, v0  }
0x199: {  	[tilespmem:$0x1F8D0] =	vst v0;
	v0 =	vld [tilespmem:$0x1F730];
	_ =	sdelay $0x3  }
0x19a: {  	v1 =	vld [tilespmem:$0x1EF50]  }
0x19b: {  	v0 =	vsel vm15, $0x480, v0  }
0x19c: {  	[tilespmem:$0x1F8E0] =	vst v0;
	v0 =	vld [tilespmem:$0x1F740];
	_ =	sdelay $0x2  }
0x19d: {  	v1 =	vsel vm1, $0x146, v1  }
0x19e: {  	vm13 =	vcmask $0x3330;
	v1 =	vsel vm2, $0x187, v1  }
0x19f: {  	v1 =	vsel vm15, $0x1C8, v1;
	v0 =	vsel vm13, $0x68C, v0  }
0x1a0: {  	[tilespmem:$0x1F8F0] =	vst v0;
	v0 =	vsel vm9, $0x209, v1  }
0x1a1: {  	[tilespmem:$0x1F900] =	vst v0;
	v0 =	vld [tilespmem:$0x1F750];
	_ =	sdelay $0x4  }
0x1a2: {  	v3 =	vsel vm4, $0x282, v3;
	v0 =	vsel vm9, $0x1E08, v0  }
0x1a3: {  	v3 =	vsel vm0, $0x303, v3;
	v5 =	vsel vm4, $0x382, v5;
	[tilespmem:$0x1F910] =	vst v0;
	v0 =	vld [tilespmem:$0x1F760]  }
0x1a4: {  	v3 =	vsel vm3, $0x384, v3;
	v5 =	vsel vm0, $0x403, v5  }
0x1a5: {  	v3 =	vsel vm1, $0x405, v3;
	v5 =	vsel vm3, $0x484, v5  }
0x1a6: {  	v3 =	vsel vm2, $0x486, v3;
	v5 =	vsel vm1, $0x505, v5  }
0x1a7: {  	v3 =	vsel vm15, $0x507, v3;
	v9 =	vsel vm4, $0x582, v9;
	v5 =	vsel vm2, $0x586, v5  }
0x1a8: {  	v9 =	vsel vm0, $0x603, v9;
	v11 =	vsel vm4, $0x682, v11;
	v0 =	vsel vm9, $0x1E88, v0  }
0x1a9: {  	v3 =	vsel vm9, $0x588, v3;
	v9 =	vsel vm3, $0x684, v9;
	v11 =	vsel vm0, $0x703, v11;
	[tilespmem:$0x1F920] =	vst v0;
	v0 =	vld [tilespmem:$0x1F770]  }
0x1aa: {  	v5 =	vsel vm15, $0x607, v5;
	v9 =	vsel vm1, $0x705, v9;
	v11 =	vsel vm3, $0x784, v11  }
0x1ab: {  	v3 =	vsel vm10, $0x609, v3;
	v9 =	vsel vm2, $0x786, v9;
	v11 =	vsel vm1, $0x5, v11  }
0x1ac: {  	v5 =	vsel vm9, $0x688, v5;
	v9 =	vsel vm15, $0x7, v9;
	v11 =	vsel vm2, $0x86, v11  }
0x1ad: {  	v9 =	vsel vm9, $0x88, v9;
	v11 =	vsel vm15, $0x107, v11;
	v7 =	vsel vm4, $0x482, v7  }
0x1ae: {  	v11 =	vsel vm9, $0x188, v11;
	v7 =	vsel vm0, $0x503, v7;
	v0 =	vsel vm9, $0x1F08, v0  }
0x1af: {  	v7 =	vsel vm3, $0x584, v7;
	v13 =	vsel vm5, $0x701, v13;
	v15 =	vsel vm5, $0x1, v15;
	[tilespmem:$0x1F930] =	vst v0;
	v0 =	vld [tilespmem:$0x1F780]  }
0x1b0: {  	v7 =	vsel vm1, $0x605, v7;
	v13 =	vsel vm4, $0x782, v13;
	v15 =	vsel vm4, $0x82, v15;
	v16 =	vld [tilespmem:$0x1EF60]  }
0x1b1: {  	v7 =	vsel vm2, $0x686, v7;
	v13 =	vsel vm0, $0x3, v13;
	v15 =	vsel vm0, $0x103, v15;
	v18 =	vld [tilespmem:$0x1EF80]  }
0x1b2: {  	v7 =	vsel vm15, $0x707, v7;
	v13 =	vsel vm3, $0x84, v13;
	v15 =	vsel vm3, $0x184, v15;
	v19 =	vld [tilespmem:$0x1EF90]  }
0x1b3: {  	v7 =	vsel vm9, $0x788, v7;
	v13 =	vsel vm1, $0x105, v13;
	v15 =	vsel vm1, $0x205, v15;
	v21 =	vld [tilespmem:$0x1EFB0]  }
0x1b4: {  	v13 =	vsel vm2, $0x186, v13;
	v15 =	vsel vm2, $0x286, v15;
	v22 =	vld [tilespmem:$0x1EFC0];
	v0 =	vsel vm9, $0x1F88, v0  }
0x1b5: {  	v13 =	vsel vm15, $0x207, v13;
	v15 =	vsel vm15, $0x307, v15;
	v16 =	vsel vm1, $0x147, v16;
	[tilespmem:$0x1F940] =	vst v0;
	v0 =	vld [tilespmem:$0x1F790]  }
0x1b6: {  	v13 =	vsel vm9, $0x288, v13;
	v15 =	vsel vm9, $0x388, v15;
	v16 =	vsel vm2, $0x188, v16  }
0x1b7: {  	v16 =	vsel vm15, $0x1C9, v16;
	v18 =	vsel vm1, $0x149, v18;
	v19 =	vsel vm1, $0x14A, v19;
	v24 =	vld [tilespmem:$0x1EFE0]  }
0x1b8: {  	v16 =	vsel vm9, $0x20A, v16;
	v18 =	vsel vm2, $0x18A, v18;
	v26 =	vld [tilespmem:$0x1EFF0];
	v19 =	vsel vm2, $0x18B, v19  }
0x1b9: {  	v18 =	vsel vm15, $0x1CB, v18;
	v21 =	vsel vm1, $0x14C, v21;
	v27 =	vld [tilespmem:$0x1F000];
	v19 =	vsel vm15, $0x1CC, v19  }
0x1ba: {  	v18 =	vsel vm9, $0x20C, v18;
	v22 =	vsel vm1, $0x14D, v22;
	v28 =	vld [tilespmem:$0x1F010];
	v0 =	vsel vm9, $0x1808, v0  }
0x1bb: {  	v21 =	vsel vm2, $0x18D, v21;
	v19 =	vsel vm9, $0x20D, v19;
	v22 =	vsel vm2, $0x18E, v22;
	[tilespmem:$0x1F950] =	vst v0;
	v0 =	vld [tilespmem:$0x1F7A0]  }
0x1bc: {  	v29 =	vld [tilespmem:$0x1F020];
	v21 =	vsel vm15, $0x1CE, v21;
	v24 =	vsel vm1, $0x14F, v24;
	v22 =	vsel vm15, $0x1CF, v22  }
0x1bd: {  	v30 =	vld [tilespmem:$0x1F030];
	v21 =	vsel vm9, $0x20F, v21;
	v26 =	vsel vm1, $0x140, v26;
	v24 =	vsel vm2, $0x180, v24  }
0x1be: {  	v31 =	vld [tilespmem:$0x1F040];
	v22 =	vsel vm9, $0x200, v22;
	v27 =	vsel vm1, $0x141, v27;
	v26 =	vsel vm2, $0x181, v26  }
0x1bf: {  	v24 =	vsel vm15, $0x1C1, v24;
	v28 =	vsel vm1, $0x142, v28;
	v27 =	vsel vm2, $0x182, v27;
	v36 =	vld [tilespmem:$0x1F050]  }
0x1c0: {  	v26 =	vsel vm15, $0x1C2, v26;
	v24 =	vsel vm9, $0x202, v24;
	v37 =	vld [tilespmem:$0x1F060];
	v0 =	vsel vm9, $0x1888, v0  }
0x1c1: {  	v29 =	vsel vm1, $0x143, v29;
	v28 =	vsel vm2, $0x183, v28;
	v27 =	vsel vm15, $0x1C3, v27;
	[tilespmem:$0x1F960] =	vst v0;
	v0 =	vld [tilespmem:$0x1F7B0]  }
0x1c2: {  	v26 =	vsel vm9, $0x203, v26;
	v30 =	vsel vm1, $0x144, v30;
	v29 =	vsel vm2, $0x184, v29;
	v38 =	vld [tilespmem:$0x1F070]  }
0x1c3: {  	v28 =	vsel vm15, $0x1C4, v28;
	v27 =	vsel vm9, $0x204, v27;
	v31 =	vsel vm1, $0xB05, v31;
	v39 =	vld [tilespmem:$0x1F080]  }
0x1c4: {  	v30 =	vsel vm2, $0x185, v30;
	v29 =	vsel vm15, $0x1C5, v29;
	v28 =	vsel vm9, $0x205, v28;
	v40 =	vld [tilespmem:$0x1F090]  }
0x1c5: {  	v31 =	vsel vm2, $0xB86, v31;
	v30 =	vsel vm15, $0x1C6, v30;
	v29 =	vsel vm9, $0x206, v29;
	v41 =	vld [tilespmem:$0x1F0A0]  }
0x1c6: {  	v31 =	vsel vm15, $0xC07, v31;
	v30 =	vsel vm9, $0x207, v30;
	v42 =	vld [tilespmem:$0x1F0B0];
	v0 =	vsel vm9, $0x1908, v0  }
0x1c7: {  	v31 =	vsel vm9, $0xC88, v31;
	v32 =	vsel vm1, $0xB85, v36;
	v33 =	vsel vm1, $0xC05, v37;
	[tilespmem:$0x1F970] =	vst v0;
	v0 =	vld [tilespmem:$0x1F7C0]  }
0x1c8: {  	v34 =	vsel vm1, $0xC85, v38;
	v33 =	vsel vm2, $0xC86, v33;
	v35 =	vsel vm1, $0xD05, v39  }
0x1c9: {  	v43 =	vld [tilespmem:$0x1F0C0];
	v34 =	vsel vm2, $0xD06, v34;
	v33 =	vsel vm15, $0xD07, v33;
	v36 =	vsel vm1, $0xD85, v40  }
0x1ca: {  	v44 =	vld [tilespmem:$0x1F0D0];
	v35 =	vsel vm2, $0xD86, v35;
	v34 =	vsel vm15, $0xD87, v34;
	v33 =	vsel vm9, $0xD88, v33  }
0x1cb: {  	v45 =	vld [tilespmem:$0x1F0E0];
	v37 =	vsel vm1, $0xE05, v41;
	v36 =	vsel vm2, $0xE06, v36;
	v35 =	vsel vm15, $0xE07, v35  }
0x1cc: {  	v46 =	vld [tilespmem:$0x1F0F0];
	v34 =	vsel vm9, $0xE08, v34;
	v38 =	vsel vm1, $0xE85, v42;
	v0 =	vsel vm9, $0x1988, v0  }
0x1cd: {  	v37 =	vsel vm2, $0xE86, v37;
	v36 =	vsel vm15, $0xE87, v36;
	v35 =	vsel vm9, $0xE88, v35;
	[tilespmem:$0x1F980] =	vst v0;
	v0 =	vld [tilespmem:$0x1F7D0]  }
0x1ce: {  	v47 =	vld [tilespmem:$0x1F100];
	v39 =	vsel vm1, $0xF05, v43;
	v38 =	vsel vm2, $0xF06, v38;
	v37 =	vsel vm15, $0xF07, v37  }
0x1cf: {  	v36 =	vsel vm9, $0xF08, v36;
	v40 =	vsel vm1, $0xF85, v44;
	v39 =	vsel vm2, $0xF86, v39  }
0x1d0: {  	v48 =	vld [tilespmem:$0x1F110];
	v38 =	vsel vm15, $0xF87, v38;
	v37 =	vsel vm9, $0xF88, v37;
	v41 =	vsel vm1, $0x805, v45  }
0x1d1: {  	v49 =	vld [tilespmem:$0x1F120];
	v40 =	vsel vm2, $0x806, v40;
	v39 =	vsel vm15, $0x807, v39;
	v38 =	vsel vm9, $0x808, v38  }
0x1d2: {  	v50 =	vld [tilespmem:$0x1F130];
	v42 =	vsel vm1, $0x885, v46;
	v41 =	vsel vm2, $0x886, v41;
	v0 =	vsel vm9, $0x1A08, v0  }
0x1d3: {  	v40 =	vsel vm15, $0x887, v40;
	v39 =	vsel vm9, $0x888, v39;
	v43 =	vsel vm1, $0x905, v47;
	[tilespmem:$0x1F990] =	vst v0;
	v0 =	vld [tilespmem:$0x1F7E0]  }
0x1d4: {  	v51 =	vld [tilespmem:$0x1F140];
	v42 =	vsel vm2, $0x906, v42;
	v41 =	vsel vm15, $0x907, v41;
	v40 =	vsel vm9, $0x908, v40  }
0x1d5: {  	v52 =	vld [tilespmem:$0x1F150];
	v44 =	vsel vm1, $0x985, v48;
	v43 =	vsel vm2, $0x986, v43;
	v42 =	vsel vm15, $0x987, v42  }
0x1d6: {  	v41 =	vsel vm9, $0x988, v41;
	v45 =	vsel vm1, $0xA05, v49;
	v44 =	vsel vm2, $0xA06, v44  }
0x1d7: {  	v53 =	vld [tilespmem:$0x1F160];
	v43 =	vsel vm15, $0xA07, v43;
	v42 =	vsel vm9, $0xA08, v42;
	v46 =	vsel vm1, $0x1305, v50  }
0x1d8: {  	v54 =	vld [tilespmem:$0x1F170];
	v45 =	vsel vm2, $0xA86, v45;
	v44 =	vsel vm15, $0xA87, v44;
	v0 =	vsel vm9, $0x1A88, v0  }
0x1d9: {  	v43 =	vsel vm9, $0xA88, v43;
	v47 =	vsel vm1, $0x1385, v51;
	v46 =	vsel vm2, $0x1386, v46;
	[tilespmem:$0x1F9A0] =	vst v0;
	v0 =	vld [tilespmem:$0x1F7F0]  }
0x1da: {  	v55 =	vld [tilespmem:$0x1F180];
	v45 =	vsel vm15, $0xB07, v45;
	v44 =	vsel vm9, $0xB08, v44;
	v48 =	vsel vm1, $0x1405, v52  }
0x1db: {  	v56 =	vld [tilespmem:$0x1F190];
	v47 =	vsel vm2, $0x1406, v47;
	v46 =	vsel vm15, $0x1407, v46;
	v45 =	vsel vm9, $0xB88, v45  }
0x1dc: {  	v57 =	vld [tilespmem:$0x1F1A0];
	v49 =	vsel vm1, $0x1485, v53;
	v48 =	vsel vm2, $0x1486, v48;
	v47 =	vsel vm15, $0x1487, v47  }
0x1dd: {  	v58 =	vld [tilespmem:$0x1F1B0];
	v46 =	vsel vm9, $0x1488, v46;
	v50 =	vsel vm1, $0x1505, v54;
	v49 =	vsel vm2, $0x1506, v49  }
0x1de: {  	v59 =	vld [tilespmem:$0x1F1C0];
	v48 =	vsel vm15, $0x1507, v48;
	v47 =	vsel vm9, $0x1508, v47;
	v0 =	vsel vm9, $0x1B08, v0  }
0x1df: {  	v51 =	vsel vm1, $0x1585, v55;
	v50 =	vsel vm2, $0x1586, v50;
	v49 =	vsel vm15, $0x1587, v49;
	[tilespmem:$0x1F9B0] =	vst v0;
	v0 =	vld [tilespmem:$0x1F800]  }
0x1e0: {  	v48 =	vsel vm9, $0x1588, v48;
	v52 =	vsel vm1, $0x1605, v56;
	v51 =	vsel vm2, $0x1606, v51  }
0x1e1: {  	v50 =	vsel vm15, $0x1607, v50;
	v49 =	vsel vm9, $0x1608, v49;
	v53 =	vsel vm1, $0x1685, v57  }
0x1e2: {  	v52 =	vsel vm2, $0x1686, v52;
	v51 =	vsel vm15, $0x1687, v51;
	v50 =	vsel vm9, $0x1688, v50  }
0x1e3: {  	v54 =	vsel vm1, $0x1705, v58;
	v53 =	vsel vm2, $0x1706, v53;
	v52 =	vsel vm15, $0x1707, v52  }
0x1e4: {  	v51 =	vsel vm9, $0x1708, v51;
	v55 =	vsel vm1, $0x1785, v59;
	v0 =	vsel vm9, $0x1B88, v0  }
0x1e5: {  	v54 =	vsel vm2, $0x1786, v54;
	v53 =	vsel vm15, $0x1787, v53;
	v52 =	vsel vm9, $0x1788, v52;
	[tilespmem:$0x1F9C0] =	vst v0;
	v0 =	vld [tilespmem:$0x1F810]  }
0x1e6: {  	v55 =	vsel vm2, $0x1006, v55;
	v54 =	vsel vm15, $0x1007, v54;
	v53 =	vsel vm9, $0x1008, v53  }
0x1e7: {  	v55 =	vsel vm15, $0x1087, v55;
	v54 =	vsel vm9, $0x1088, v54;
	v1 =	vsel vm11, $0x68A, v3  }
0x1e8: {  	v3 =	vsel vm10, $0x709, v5;
	v5 =	vsel vm10, $0x9, v7;
	v7 =	vsel vm10, $0x109, v9  }
0x1e9: {  	v9 =	vsel vm10, $0x209, v11;
	v11 =	vsel vm10, $0x309, v13;
	v13 =	vsel vm10, $0x409, v15  }
0x1ea: {  	v15 =	vsel vm10, $0x24B, v16;
	v16 =	vsel vm10, $0x24D, v18;
	v0 =	vsel vm9, $0x380, v0  }
0x1eb: {  	v18 =	vsel vm10, $0x24E, v19;
	v19 =	vsel vm10, $0x240, v21;
	v21 =	vsel vm10, $0x241, v22;
	[tilespmem:$0x1F9D0] =	vst v0;
	v0 =	vld [tilespmem:$0x1F820]  }
0x1ec: {  	v22 =	vsel vm10, $0x243, v24;
	v24 =	vsel vm10, $0x244, v26;
	v26 =	vsel vm10, $0x245, v27  }
0x1ed: {  	v27 =	vsel vm10, $0x246, v28;
	v28 =	vsel vm10, $0x247, v29;
	v29 =	vsel vm10, $0x248, v30  }
0x1ee: {  	v30 =	vsel vm10, $0xD09, v31;
	v31 =	vsel vm10, $0xE09, v33;
	v33 =	vsel vm10, $0xE89, v34  }
0x1ef: {  	v34 =	vsel vm10, $0xF09, v35;
	v35 =	vsel vm10, $0xF89, v36;
	v36 =	vsel vm10, $0x809, v37  }
0x1f0: {  	v37 =	vsel vm10, $0x889, v38;
	v38 =	vsel vm10, $0x909, v39;
	v0 =	vsel vm9, $0x300, v0  }
0x1f1: {  	v39 =	vsel vm10, $0x989, v40;
	v40 =	vsel vm10, $0xA09, v41;
	v41 =	vsel vm10, $0xA89, v42;
	[tilespmem:$0x1F9E0] =	vst v0;
	v0 =	vld [tilespmem:$0x1F830]  }
0x1f2: {  	v42 =	vsel vm10, $0xB09, v43;
	v43 =	vsel vm10, $0xB89, v44;
	v44 =	vsel vm10, $0xC09, v45  }
0x1f3: {  	v45 =	vsel vm10, $0x1509, v46;
	v46 =	vsel vm10, $0x1589, v47;
	v47 =	vsel vm10, $0x1609, v48  }
0x1f4: {  	v48 =	vsel vm10, $0x1689, v49;
	v49 =	vsel vm10, $0x1709, v50;
	v50 =	vsel vm10, $0x1789, v51  }
0x1f5: {  	v51 =	vsel vm10, $0x1009, v52;
	v52 =	vsel vm10, $0x1089, v53;
	v53 =	vsel vm10, $0x1109, v54  }
0x1f6: {  	v55 =	vsel vm9, $0x1108, v55;
	[tilespmem:$0x1FB30] =	vst v53;
	v0 =	vsel vm9, $0x280, v0  }
0x1f7: {  	v53 =	vsel vm10, $0x1189, v55;
	[tilespmem:$0x1F9F0] =	vst v0;
	v0 =	vld [tilespmem:$0x1F840]  }
0x1f8: {  	[tilespmem:$0x1FB50] =	vst v53;
	v53 =	vld [tilespmem:$0x1F920];
	_ =	sdelay $0x3  }
0x1f9: {  	v0 =	vsel vm9, $0x200, v0  }
0x1fa: {  	v53 =	vsel vm10, $0x1F09, v53;
	[tilespmem:$0x1FA00] =	vst v0;
	v0 =	vld [tilespmem:$0x1F850]  }
0x1fb: {  	[tilespmem:$0x1FBF0] =	vst v53;
	v53 =	vld [tilespmem:$0x1F930];
	_ =	sdelay $0x3  }
0x1fc: {  	v0 =	vsel vm9, $0x180, v0  }
0x1fd: {  	v53 =	vsel vm10, $0x1F89, v53;
	[tilespmem:$0x1FA10] =	vst v0;
	v0 =	vld [tilespmem:$0x1F860]  }
0x1fe: {  	[tilespmem:$0x1FC00] =	vst v53;
	v53 =	vld [tilespmem:$0x1F940];
	_ =	sdelay $0x3  }
0x1ff: {  	v0 =	vsel vm9, $0x100, v0  }
0x200: {  	v53 =	vsel vm10, $0x1809, v53;
	[tilespmem:$0x1FA20] =	vst v0;
	v0 =	vld [tilespmem:$0x1F870]  }
0x201: {  	[tilespmem:$0x1FC20] =	vst v53;
	v53 =	vld [tilespmem:$0x1F950];
	_ =	sdelay $0x3  }
0x202: {  	v0 =	vsel vm9, $0x80, v0  }
0x203: {  	v53 =	vsel vm10, $0x1889, v53;
	[tilespmem:$0x1FA30] =	vst v0;
	v0 =	vld [tilespmem:$0x1F880]  }
0x204: {  	[tilespmem:$0x1FC50] =	vst v53;
	v53 =	vld [tilespmem:$0x1F960]  }
0x205: {  	v25 =	vimm.s32 $0x0  }
0x206: {  	v25 =	vsel vm6, $0x80, v25  }
0x207: {  	v25 =	vsel vm5, $0x100, v25  }
0x208: {  	v25 =	vsel vm4, $0x180, v25;
	v0 =	vsel vm9, $0x0, v0  }
0x209: {  	v25 =	vsel vm0, $0x200, v25;
	v53 =	vsel vm10, $0x1909, v53;
	[tilespmem:$0x1FA40] =	vst v0;
	v0 =	vld [tilespmem:$0x1F890]  }
0x20a: {  	v25 =	vsel vm3, $0x280, v25;
	[tilespmem:$0x1FC60] =	vst v53;
	v53 =	vld [tilespmem:$0x1F970]  }
0x20b: {  	v25 =	vsel vm1, $0x300, v25  }
0x20c: {  	v25 =	vsel vm2, $0x380, v25;
	v2 =	vsel vm4, $0x202, v2  }
0x20d: {  	vm14 =	vcmask $0x3734;
	v25 =	vsel vm15, $0x400, v25;
	v2 =	vsel vm0, $0x283, v2  }
0x20e: {  	v25 =	vsel vm9, $0x480, v25;
	v2 =	vsel vm3, $0x304, v2;
	v0 =	vsel vm9, $0x780, v0  }
0x20f: {  	v2 =	vsel vm1, $0x385, v2;
	v6 =	vsel vm4, $0x402, v6;
	v53 =	vsel vm10, $0x1989, v53;
	[tilespmem:$0x1FA50] =	vst v0;
	v0 =	vld [tilespmem:$0x1F8A0]  }
0x210: {  	v25 =	vsel vm10, $0x500, v25;
	v2 =	vsel vm2, $0x406, v2;
	v6 =	vsel vm0, $0x483, v6;
	[tilespmem:$0x1FC80] =	vst v53;
	v53 =	vld [tilespmem:$0x1F980]  }
0x211: {  	v2 =	vsel vm15, $0x487, v2;
	v8 =	vsel vm4, $0x502, v8;
	v6 =	vsel vm3, $0x504, v6  }
0x212: {  	v2 =	vsel vm9, $0x508, v2;
	v8 =	vsel vm0, $0x583, v8;
	v6 =	vsel vm1, $0x585, v6  }
0x213: {  	v2 =	vsel vm10, $0x589, v2;
	v8 =	vsel vm3, $0x604, v8;
	v6 =	vsel vm2, $0x606, v6  }
0x214: {  	v8 =	vsel vm1, $0x685, v8;
	v6 =	vsel vm15, $0x687, v6;
	v0 =	vsel vm9, $0x700, v0  }
0x215: {  	v8 =	vsel vm2, $0x706, v8;
	v12 =	vsel vm5, $0x681, v12;
	v53 =	vsel vm10, $0x1A09, v53;
	[tilespmem:$0x1FA60] =	vst v0;
	v0 =	vld [tilespmem:$0x1F8B0]  }
0x216: {  	v6 =	vsel vm9, $0x708, v6;
	v12 =	vsel vm4, $0x702, v12;
	v14 =	vsel vm5, $0x781, v14;
	[tilespmem:$0x1FCB0] =	vst v53;
	v53 =	vld [tilespmem:$0x1F990]  }
0x217: {  	v8 =	vsel vm15, $0x787, v8;
	v12 =	vsel vm0, $0x783, v12;
	v14 =	vsel vm4, $0x2, v14  }
0x218: {  	v8 =	vsel vm9, $0x8, v8;
	v12 =	vsel vm3, $0x4, v12;
	v14 =	vsel vm0, $0x83, v14  }
0x219: {  	v12 =	vsel vm1, $0x85, v12;
	v4 =	vsel vm4, $0x302, v4;
	v14 =	vsel vm3, $0x104, v14  }
0x21a: {  	v12 =	vsel vm2, $0x106, v12;
	v4 =	vsel vm0, $0x383, v4;
	v17 =	vld [tilespmem:$0x1EF70];
	v0 =	vsel vm9, $0x680, v0  }
0x21b: {  	v14 =	vsel vm1, $0x185, v14;
	v4 =	vsel vm3, $0x404, v4;
	v53 =	vsel vm10, $0x1A89, v53;
	[tilespmem:$0x1FA70] =	vst v0;
	v0 =	vld [tilespmem:$0x1F8C0]  }
0x21c: {  	v12 =	vsel vm15, $0x187, v12;
	v14 =	vsel vm2, $0x206, v14;
	v4 =	vsel vm1, $0x485, v4;
	[tilespmem:$0x1FCC0] =	vst v53;
	v53 =	vld [tilespmem:$0x1F9A0]  }
0x21d: {  	v12 =	vsel vm9, $0x208, v12;
	v4 =	vsel vm2, $0x506, v4;
	v10 =	vsel vm4, $0x602, v10;
	v20 =	vld [tilespmem:$0x1EFA0]  }
0x21e: {  	v14 =	vsel vm15, $0x287, v14;
	v4 =	vsel vm15, $0x587, v4;
	v10 =	vsel vm0, $0x683, v10;
	v23 =	vld [tilespmem:$0x1EFD0]  }
0x21f: {  	v14 =	vsel vm9, $0x308, v14;
	v4 =	vsel vm9, $0x608, v4;
	v10 =	vsel vm3, $0x704, v10;
	v60 =	vld [tilespmem:$0x1F1D0]  }
0x220: {  	v10 =	vsel vm1, $0x785, v10;
	v17 =	vsel vm1, $0x148, v17;
	v61 =	vld [tilespmem:$0x1F1E0];
	v0 =	vsel vm9, $0x600, v0  }
0x221: {  	v10 =	vsel vm2, $0x6, v10;
	v17 =	vsel vm2, $0x189, v17;
	v53 =	vsel vm10, $0x1B09, v53;
	[tilespmem:$0x1FA80] =	vst v0;
	v0 =	vld [tilespmem:$0x1F8D0]  }
0x222: {  	v10 =	vsel vm15, $0x87, v10;
	v17 =	vsel vm15, $0x1CA, v17;
	v20 =	vsel vm1, $0x14B, v20;
	[tilespmem:$0x1FCE0] =	vst v53;
	v53 =	vld [tilespmem:$0x1F9B0]  }
0x223: {  	v10 =	vsel vm9, $0x108, v10;
	v17 =	vsel vm9, $0x20B, v17;
	v20 =	vsel vm2, $0x18C, v20;
	v62 =	vld [tilespmem:$0x1F1F0]  }
0x224: {  	v17 =	vsel vm10, $0x24C, v17;
	v20 =	vsel vm15, $0x1CD, v20;
	v23 =	vsel vm1, $0x14E, v23;
	v63 =	vld [tilespmem:$0x1F200]  }
0x225: {  	v20 =	vsel vm9, $0x20E, v20;
	v23 =	vsel vm2, $0x18F, v23;
	v56 =	vsel vm1, $0x1005, v60;
	v60 =	vld [tilespmem:$0x1F210]  }
0x226: {  	v23 =	vsel vm15, $0x1C0, v23;
	v57 =	vsel vm1, $0x1085, v61;
	v61 =	vld [tilespmem:$0x1F220];
	v0 =	vsel vm9, $0x580, v0  }
0x227: {  	v23 =	vsel vm9, $0x201, v23;
	v32 =	vsel vm2, $0xC06, v32;
	v53 =	vsel vm10, $0x1B89, v53;
	[tilespmem:$0x1FA90] =	vst v0;
	v0 =	vld [tilespmem:$0x1F8E0]  }
0x228: {  	v20 =	vsel vm10, $0x24F, v20;
	v23 =	vsel vm10, $0x242, v23;
	v32 =	vsel vm15, $0xC87, v32;
	[tilespmem:$0x1FD10] =	vst v53;
	v53 =	vld [tilespmem:$0x1F9C0]  }
0x229: {  	v32 =	vsel vm9, $0xD08, v32;
	v56 =	vsel vm2, $0x1086, v56;
	v58 =	vsel vm1, $0x1105, v62;
	v62 =	vld [tilespmem:$0x1F230]  }
0x22a: {  	v57 =	vsel vm2, $0x1106, v57;
	v56 =	vsel vm15, $0x1107, v56;
	v59 =	vsel vm1, $0x1185, v63;
	v63 =	vld [tilespmem:$0x1F240]  }
0x22b: {  	v58 =	vsel vm2, $0x1186, v58;
	v57 =	vsel vm15, $0x1187, v57;
	v59 =	vsel vm2, $0x1206, v59  }
0x22c: {  	v58 =	vsel vm15, $0x1207, v58;
	v60 =	vsel vm1, $0x1205, v60;
	v0 =	vsel vm9, $0x500, v0  }
0x22d: {  	v59 =	vsel vm15, $0x1287, v59;
	v61 =	vsel vm1, $0x1B05, v61;
	v53 =	vsel vm10, $0x1C09, v53;
	[tilespmem:$0x1FAA0] =	vst v0;
	v0 =	vld [tilespmem:$0x1F8F0]  }
0x22e: {  	v60 =	vsel vm2, $0x1286, v60;
	v62 =	vsel vm1, $0x1B85, v62;
	v61 =	vsel vm2, $0x1B86, v61;
	[tilespmem:$0x1FD20] =	vst v53;
	v53 =	vld [tilespmem:$0x1F9D0]  }
0x22f: {  	v60 =	vsel vm15, $0x1307, v60;
	v63 =	vsel vm1, $0x1C05, v63;
	v62 =	vsel vm2, $0x1C06, v62  }
0x230: {  	v61 =	vsel vm15, $0x1C07, v61;
	v63 =	vsel vm2, $0x1C86, v63;
	v1 =	vsel vm12, $0x70B, v1  }
0x231: {  	v62 =	vsel vm15, $0x1C87, v62;
	v63 =	vsel vm15, $0x1D07, v63;
	v1 =	vsel vm13, $0x78C, v1  }
0x232: {  	vm15 =	vcmask $0x3B38;
	v1 =	vsel vm14, $0xD, v1;
	v0 =	vsel vm14, $0x70D, v0  }
0x233: {  	v53 =	vsel vm10, $0x400, v53;
	[tilespmem:$0x1FAB0] =	vst v0;
	v0 =	vsel vm11, $0x60A, v2;
	v2 =	vsel vm10, $0x689, v4  }
0x234: {  	[tilespmem:$0x1FD40] =	vst v53;
	v53 =	vld [tilespmem:$0x1F9E0];
	v4 =	vsel vm10, $0x789, v6;
	v6 =	vsel vm10, $0x89, v8;
	v8 =	vsel vm10, $0x189, v10  }
0x235: {  	v10 =	vsel vm10, $0x289, v12;
	v12 =	vsel vm10, $0x389, v14;
	v14 =	vld [tilespmem:$0x1F900];
	v0 =	vsel vm12, $0x68B, v0  }
0x236: {  	[tilespmem:$0x1FED0] =	vst v25;
	v32 =	vsel vm10, $0xD89, v32;
	v55 =	vsel vm15, $0x8E, v1;
	v25 =	vld [tilespmem:$0x1FAB0];
	v0 =	vsel vm13, $0x70C, v0  }
0x237: {  	v1 =	vsel vm11, $0x78A, v3;
	v2 =	vsel vm11, $0x70A, v2;
	v0 =	vsel vm14, $0x78D, v0  }
0x238: {  	v1 =	vsel vm12, $0xB, v1;
	v54 =	vsel vm15, $0xE, v0;
	v0 =	vsel vm12, $0x78B, v2  }
0x239: {  	v53 =	vsel vm10, $0x380, v53;
	v2 =	vsel vm11, $0xA, v4;
	v0 =	vsel vm13, $0xC, v0  }
0x23a: {  	v14 =	vsel vm10, $0x24A, v14;
	v2 =	vsel vm12, $0x8B, v2;
	v0 =	vsel vm14, $0x8D, v0  }
0x23b: {  	v25 =	vsel vm15, $0x78E, v25;
	v3 =	vsel vm15, $0x10E, v0;
	v0 =	vsel vm13, $0x8C, v1  }
0x23c: {  	v1 =	vsel vm13, $0x10C, v2;
	v2 =	vsel vm11, $0x8A, v5;
	v0 =	vsel vm14, $0x10D, v0  }
0x23d: {  	v1 =	vsel vm14, $0x18D, v1;
	v4 =	vsel vm15, $0x18E, v0;
	v0 =	vsel vm12, $0x10B, v2  }
0x23e: {  	v5 =	vsel vm15, $0x20E, v1;
	v1 =	vsel vm11, $0x10A, v6;
	v0 =	vsel vm13, $0x18C, v0  }
0x23f: {  	v2 =	vsel vm11, $0x18A, v7;
	v1 =	vsel vm12, $0x18B, v1;
	v0 =	vsel vm14, $0x20D, v0  }
0x240: {  	v2 =	vsel vm12, $0x20B, v2;
	v6 =	vsel vm15, $0x28E, v0;
	v0 =	vsel vm13, $0x20C, v1  }
0x241: {  	v1 =	vsel vm13, $0x28C, v2;
	v2 =	vsel vm11, $0x20A, v8;
	v0 =	vsel vm14, $0x28D, v0  }
0x242: {  	v1 =	vsel vm14, $0x30D, v1;
	v7 =	vsel vm15, $0x30E, v0;
	v0 =	vsel vm12, $0x28B, v2  }
0x243: {  	v8 =	vsel vm15, $0x38E, v1;
	v1 =	vsel vm11, $0x28A, v9;
	v0 =	vsel vm13, $0x30C, v0  }
0x244: {  	v2 =	vsel vm11, $0x30A, v10;
	v1 =	vsel vm12, $0x30B, v1;
	v0 =	vsel vm14, $0x38D, v0  }
0x245: {  	v2 =	vsel vm12, $0x38B, v2;
	v9 =	vsel vm15, $0x40E, v0;
	v0 =	vsel vm13, $0x38C, v1  }
0x246: {  	v1 =	vsel vm13, $0x40C, v2;
	v2 =	vsel vm11, $0x38A, v11;
	v0 =	vsel vm14, $0x40D, v0  }
0x247: {  	v1 =	vsel vm14, $0x48D, v1;
	v10 =	vsel vm15, $0x48E, v0;
	v0 =	vsel vm12, $0x40B, v2  }
0x248: {  	v11 =	vsel vm15, $0x50E, v1;
	v1 =	vsel vm11, $0x40A, v12;
	v0 =	vsel vm13, $0x48C, v0  }
0x249: {  	v2 =	vsel vm11, $0x48A, v13;
	v1 =	vsel vm12, $0x48B, v1;
	v0 =	vsel vm14, $0x50D, v0  }
0x24a: {  	v2 =	vsel vm12, $0x50B, v2;
	v12 =	vsel vm15, $0x58E, v0;
	v0 =	vsel vm13, $0x50C, v1  }
0x24b: {  	v1 =	vsel vm13, $0x58C, v2;
	v2 =	vsel vm11, $0x28B, v14;
	v0 =	vsel vm14, $0x58D, v0  }
0x24c: {  	v1 =	vsel vm14, $0x60D, v1;
	v13 =	vsel vm15, $0x60E, v0;
	v0 =	vsel vm12, $0x2CC, v2  }
0x24d: {  	v14 =	vsel vm15, $0x68E, v1;
	v1 =	vsel vm11, $0x28C, v15;
	v0 =	vsel vm13, $0x30D, v0  }
0x24e: {  	v2 =	vsel vm11, $0x28D, v17;
	v1 =	vsel vm12, $0x2CD, v1;
	v0 =	vsel vm14, $0x34E, v0  }
0x24f: {  	v2 =	vsel vm12, $0x2CE, v2;
	v15 =	vsel vm15, $0x38F, v0;
	v0 =	vsel vm13, $0x30E, v1  }
0x250: {  	v1 =	vsel vm13, $0x30F, v2;
	v2 =	vsel vm11, $0x28E, v16;
	v0 =	vsel vm14, $0x34F, v0  }
0x251: {  	v1 =	vsel vm14, $0x340, v1;
	v16 =	vsel vm15, $0x380, v0;
	v0 =	vsel vm12, $0x2CF, v2  }
0x252: {  	v17 =	vsel vm15, $0x381, v1;
	v1 =	vsel vm11, $0x28F, v18;
	v0 =	vsel vm13, $0x300, v0  }
0x253: {  	v2 =	vsel vm11, $0x280, v20;
	v1 =	vsel vm12, $0x2C0, v1;
	v0 =	vsel vm14, $0x341, v0  }
0x254: {  	v2 =	vsel vm12, $0x2C1, v2;
	v18 =	vsel vm15, $0x382, v0;
	v0 =	vsel vm13, $0x301, v1  }
0x255: {  	v1 =	vsel vm13, $0x302, v2;
	v2 =	vsel vm11, $0x281, v19;
	v0 =	vsel vm14, $0x342, v0  }
0x256: {  	v1 =	vsel vm14, $0x343, v1;
	v19 =	vsel vm15, $0x383, v0;
	v0 =	vsel vm12, $0x2C2, v2  }
0x257: {  	v20 =	vsel vm15, $0x384, v1;
	v1 =	vsel vm11, $0x282, v21;
	v0 =	vsel vm13, $0x303, v0  }
0x258: {  	v2 =	vsel vm11, $0x283, v23;
	v1 =	vsel vm12, $0x2C3, v1;
	v0 =	vsel vm14, $0x344, v0  }
0x259: {  	v2 =	vsel vm12, $0x2C4, v2;
	v21 =	vsel vm15, $0x385, v0;
	v0 =	vsel vm13, $0x304, v1  }
0x25a: {  	v1 =	vsel vm13, $0x305, v2;
	v2 =	vsel vm11, $0x284, v22;
	v0 =	vsel vm14, $0x345, v0  }
0x25b: {  	v1 =	vsel vm14, $0x346, v1;
	v22 =	vsel vm15, $0x386, v0;
	v0 =	vsel vm12, $0x2C5, v2  }
0x25c: {  	v23 =	vsel vm15, $0x387, v1;
	v1 =	vsel vm11, $0x285, v24;
	v0 =	vsel vm13, $0x306, v0  }
0x25d: {  	v2 =	vsel vm11, $0x286, v26;
	v1 =	vsel vm12, $0x2C6, v1;
	v0 =	vsel vm14, $0x347, v0  }
0x25e: {  	v2 =	vsel vm12, $0x2C7, v2;
	v24 =	vsel vm15, $0x388, v0;
	v0 =	vsel vm13, $0x307, v1  }
0x25f: {  	v1 =	vsel vm13, $0x308, v2;
	v2 =	vsel vm11, $0x287, v27;
	v0 =	vsel vm14, $0x348, v0  }
0x260: {  	[tilespmem:$0x1FAC0] =	vst v25;
	v1 =	vsel vm14, $0x349, v1;
	v25 =	vsel vm15, $0x389, v0;
	v0 =	vsel vm12, $0x2C8, v2  }
0x261: {  	v26 =	vsel vm15, $0x38A, v1;
	v1 =	vsel vm11, $0x288, v28;
	v0 =	vsel vm13, $0x309, v0  }
0x262: {  	v2 =	vsel vm11, $0x289, v29;
	v1 =	vsel vm12, $0x2C9, v1;
	v0 =	vsel vm14, $0x34A, v0  }
0x263: {  	v2 =	vsel vm12, $0x2CA, v2;
	v27 =	vsel vm15, $0x38B, v0;
	v0 =	vsel vm13, $0x30A, v1  }
0x264: {  	v1 =	vsel vm13, $0x30B, v2;
	v2 =	vsel vm11, $0xD8A, v30;
	v0 =	vsel vm14, $0x34B, v0  }
0x265: {  	v1 =	vsel vm14, $0x34C, v1;
	v28 =	vsel vm15, $0x38C, v0;
	v0 =	vsel vm12, $0xE0B, v2  }
0x266: {  	v29 =	vsel vm15, $0x38D, v1;
	v1 =	vsel vm11, $0xE0A, v32;
	v0 =	vsel vm13, $0xE8C, v0  }
0x267: {  	v2 =	vsel vm11, $0xE8A, v31;
	v1 =	vsel vm12, $0xE8B, v1;
	v0 =	vsel vm14, $0xF0D, v0  }
0x268: {  	v2 =	vsel vm12, $0xF0B, v2;
	v30 =	vsel vm15, $0xF8E, v0;
	v0 =	vsel vm13, $0xF0C, v1  }
0x269: {  	v1 =	vsel vm13, $0xF8C, v2;
	v2 =	vsel vm11, $0xF0A, v33;
	v0 =	vsel vm14, $0xF8D, v0  }
0x26a: {  	v1 =	vsel vm14, $0x80D, v1;
	v31 =	vsel vm15, $0x80E, v0;
	v0 =	vsel vm12, $0xF8B, v2  }
0x26b: {  	v32 =	vsel vm15, $0x88E, v1;
	v1 =	vsel vm11, $0xF8A, v34;
	v0 =	vsel vm13, $0x80C, v0  }
0x26c: {  	v2 =	vsel vm11, $0x80A, v35;
	v1 =	vsel vm12, $0x80B, v1;
	v0 =	vsel vm14, $0x88D, v0  }
0x26d: {  	v2 =	vsel vm12, $0x88B, v2;
	v33 =	vsel vm15, $0x90E, v0;
	v0 =	vsel vm13, $0x88C, v1  }
0x26e: {  	v1 =	vsel vm13, $0x90C, v2;
	v2 =	vsel vm11, $0x88A, v36;
	v0 =	vsel vm14, $0x90D, v0  }
0x26f: {  	v1 =	vsel vm14, $0x98D, v1;
	v34 =	vsel vm15, $0x98E, v0;
	v0 =	vsel vm12, $0x90B, v2  }
0x270: {  	v35 =	vsel vm15, $0xA0E, v1;
	v1 =	vsel vm11, $0x90A, v37;
	v0 =	vsel vm13, $0x98C, v0  }
0x271: {  	v2 =	vsel vm11, $0x98A, v38;
	v1 =	vsel vm12, $0x98B, v1;
	v0 =	vsel vm14, $0xA0D, v0  }
0x272: {  	v2 =	vsel vm12, $0xA0B, v2;
	v36 =	vsel vm15, $0xA8E, v0;
	v0 =	vsel vm13, $0xA0C, v1  }
0x273: {  	v1 =	vsel vm13, $0xA8C, v2;
	v2 =	vsel vm11, $0xA0A, v39;
	v0 =	vsel vm14, $0xA8D, v0  }
0x274: {  	v1 =	vsel vm14, $0xB0D, v1;
	v37 =	vsel vm15, $0xB0E, v0;
	v0 =	vsel vm12, $0xA8B, v2  }
0x275: {  	v38 =	vsel vm15, $0xB8E, v1;
	v1 =	vsel vm11, $0xA8A, v40;
	v0 =	vsel vm13, $0xB0C, v0  }
0x276: {  	v2 =	vsel vm11, $0xB0A, v41;
	v1 =	vsel vm12, $0xB0B, v1;
	v0 =	vsel vm14, $0xB8D, v0  }
0x277: {  	v2 =	vsel vm12, $0xB8B, v2;
	v39 =	vsel vm15, $0xC0E, v0;
	v0 =	vsel vm13, $0xB8C, v1  }
0x278: {  	[tilespmem:$0x1FD70] =	vst v53;
	v53 =	vld [tilespmem:$0x1F9F0];
	v1 =	vsel vm13, $0xC0C, v2;
	v0 =	vsel vm14, $0xC0D, v0  }
0x279: {  	v1 =	vsel vm14, $0xC8D, v1;
	v0 =	vsel vm15, $0xC8E, v0  }
0x27a: {  	v2 =	vsel vm11, $0xB8A, v42;
	[tilespmem:$0x1FAD0] =	vst v0;
	v0 =	vsel vm15, $0xD0E, v1  }
0x27b: {  	[tilespmem:$0x1FAE0] =	vst v0;
	v0 =	vsel vm12, $0xC0B, v2  }
0x27c: {  	v0 =	vsel vm13, $0xC8C, v0  }
0x27d: {  	v53 =	vsel vm10, $0x300, v53;
	v1 =	vsel vm11, $0xC0A, v43;
	v0 =	vsel vm14, $0xD0D, v0  }
0x27e: {  	[tilespmem:$0x1FD80] =	vst v53;
	v53 =	vld [tilespmem:$0x1FA00];
	v2 =	vsel vm11, $0xC8A, v44;
	v1 =	vsel vm12, $0xC8B, v1;
	v0 =	vsel vm15, $0xD8E, v0  }
0x27f: {  	v2 =	vsel vm12, $0xD0B, v2;
	[tilespmem:$0x1FAF0] =	vst v0;
	v0 =	vsel vm13, $0xD0C, v1  }
0x280: {  	v1 =	vsel vm13, $0xD8C, v2;
	v0 =	vsel vm14, $0xD8D, v0  }
0x281: {  	v1 =	vsel vm14, $0xE0D, v1;
	v0 =	vsel vm15, $0xE0E, v0  }
0x282: {  	v2 =	vsel vm11, $0x158A, v45;
	[tilespmem:$0x1FB00] =	vst v0;
	v0 =	vsel vm15, $0xE8E, v1  }
0x283: {  	v53 =	vsel vm10, $0x280, v53;
	[tilespmem:$0x1FB10] =	vst v0;
	v0 =	vsel vm12, $0x160B, v2  }
0x284: {  	v1 =	vsel vm11, $0x160A, v46;
	v2 =	vsel vm11, $0x168A, v47;
	v0 =	vsel vm13, $0x168C, v0  }
0x285: {  	v1 =	vsel vm12, $0x168B, v1;
	v2 =	vsel vm12, $0x170B, v2;
	v0 =	vsel vm14, $0x170D, v0  }
0x286: {  	v42 =	vmovc v22;
	v22 =	vsel vm15, $0x178E, v0;
	v0 =	vsel vm13, $0x170C, v1;
	v1 =	vsel vm13, $0x178C, v2  }
0x287: {  	[tilespmem:$0x1FD90] =	vst v53;
	v53 =	vld [tilespmem:$0x1FA10];
	v2 =	vsel vm11, $0x170A, v48;
	v0 =	vsel vm14, $0x178D, v0;
	v1 =	vsel vm14, $0x100D, v1  }
0x288: {  	v43 =	vmovc v23;
	v44 =	vmovc v24;
	v23 =	vsel vm15, $0x100E, v0;
	v24 =	vsel vm15, $0x108E, v1;
	v0 =	vsel vm12, $0x178B, v2  }
0x289: {  	v1 =	vsel vm11, $0x178A, v49;
	v2 =	vsel vm11, $0x100A, v50;
	v0 =	vsel vm13, $0x100C, v0  }
0x28a: {  	v1 =	vsel vm12, $0x100B, v1;
	v2 =	vsel vm12, $0x108B, v2;
	v0 =	vsel vm14, $0x108D, v0  }
0x28b: {  	v45 =	vmovc v25;
	v25 =	vsel vm15, $0x110E, v0;
	v0 =	vsel vm13, $0x108C, v1;
	v1 =	vsel vm13, $0x110C, v2  }
0x28c: {  	v53 =	vsel vm10, $0x200, v53;
	v0 =	vsel vm14, $0x110D, v0;
	v1 =	vsel vm14, $0x118D, v1  }
0x28d: {  	[tilespmem:$0x1FDB0] =	vst v53;
	v53 =	vld [tilespmem:$0x1FA20];
	v46 =	vmovc v26;
	v2 =	vsel vm11, $0x108A, v51;
	v26 =	vsel vm15, $0x118E, v0;
	v0 =	vsel vm15, $0x120E, v1  }
0x28e: {  	[tilespmem:$0x1FB20] =	vst v0;
	v0 =	vsel vm12, $0x110B, v2;
	v2 =	vld [tilespmem:$0x1FB30];
	_ =	sdelay $0x3  }
0x28f: {  	v53 =	vsel vm10, $0x180, v53;
	v0 =	vsel vm13, $0x118C, v0  }
0x290: {  	v1 =	vsel vm11, $0x110A, v52;
	v0 =	vsel vm14, $0x120D, v0;
	v2 =	vsel vm11, $0x118A, v2  }
0x291: {  	[tilespmem:$0x1FDC0] =	vst v53;
	v53 =	vld [tilespmem:$0x1FA30];
	v1 =	vsel vm12, $0x118B, v1;
	v0 =	vsel vm15, $0x128E, v0;
	v2 =	vsel vm12, $0x120B, v2  }
0x292: {  	v56 =	vsel vm9, $0x1188, v56;
	[tilespmem:$0x1FB40] =	vst v0;
	v0 =	vsel vm13, $0x120C, v1;
	v1 =	vsel vm13, $0x128C, v2;
	v2 =	vld [tilespmem:$0x1FB50]  }
0x293: {  	v56 =	vsel vm10, $0x1209, v56;
	v0 =	vsel vm14, $0x128D, v0  }
0x294: {  	[tilespmem:$0x1FB80] =	vst v56;
	v0 =	vsel vm15, $0x130E, v0;
	v1 =	vsel vm14, $0x130D, v1  }
0x295: {  	[tilespmem:$0x1FB60] =	vst v0;
	v0 =	vsel vm15, $0x138E, v1;
	v1 =	vld [tilespmem:$0x1FB80]  }
0x296: {  	v57 =	vsel vm9, $0x1208, v57;
	v58 =	vsel vm9, $0x1288, v58;
	v53 =	vsel vm10, $0x100, v53  }
0x297: {  	v56 =	vsel vm10, $0x1289, v57;
	v59 =	vsel vm9, $0x1308, v59;
	[tilespmem:$0x1FDE0] =	vst v53;
	v53 =	vld [tilespmem:$0x1FA40];
	v2 =	vsel vm11, $0x120A, v2  }
0x298: {  	v57 =	vsel vm10, $0x1309, v58;
	v58 =	vsel vm10, $0x1389, v59;
	[tilespmem:$0x1FB70] =	vst v0;
	v0 =	vsel vm12, $0x128B, v2  }
0x299: {  	v60 =	vsel vm9, $0x1388, v60;
	v61 =	vsel vm9, $0x1C88, v61;
	v0 =	vsel vm13, $0x130C, v0  }
0x29a: {  	v59 =	vsel vm10, $0x1409, v60;
	v1 =	vsel vm11, $0x128A, v1;
	v0 =	vsel vm14, $0x138D, v0  }
0x29b: {  	v2 =	vsel vm11, $0x130A, v56;
	v1 =	vsel vm12, $0x130B, v1;
	v0 =	vsel vm15, $0x140E, v0  }
0x29c: {  	v53 =	vsel vm10, $0x80, v53;
	v2 =	vsel vm12, $0x138B, v2;
	[tilespmem:$0x1FB90] =	vst v0;
	v0 =	vsel vm13, $0x138C, v1  }
0x29d: {  	[tilespmem:$0x1FE10] =	vst v53;
	v53 =	vld [tilespmem:$0x1FA50];
	v1 =	vsel vm13, $0x140C, v2;
	v2 =	vsel vm11, $0x138A, v57;
	v0 =	vsel vm14, $0x140D, v0  }
0x29e: {  	v1 =	vsel vm14, $0x148D, v1;
	v50 =	vsel vm15, $0x148E, v0;
	v0 =	vsel vm12, $0x140B, v2  }
0x29f: {  	v51 =	vsel vm15, $0x150E, v1;
	v1 =	vsel vm11, $0x140A, v58;
	v0 =	vsel vm13, $0x148C, v0  }
0x2a0: {  	v2 =	vsel vm11, $0x148A, v59;
	v1 =	vsel vm12, $0x148B, v1;
	v0 =	vsel vm14, $0x150D, v0  }
0x2a1: {  	v2 =	vsel vm12, $0x150B, v2;
	v52 =	vsel vm15, $0x158E, v0;
	v0 =	vsel vm13, $0x150C, v1  }
0x2a2: {  	v53 =	vsel vm10, $0x0, v53;
	v1 =	vsel vm13, $0x158C, v2;
	v0 =	vsel vm14, $0x158D, v0  }
0x2a3: {  	v60 =	vsel vm10, $0x1D09, v61;
	[tilespmem:$0x1FE20] =	vst v53;
	v1 =	vsel vm14, $0x160D, v1;
	v0 =	vsel vm15, $0x160E, v0  }
0x2a4: {  	v2 =	vsel vm11, $0x1D8A, v60;
	[tilespmem:$0x1FBA0] =	vst v0;
	v0 =	vsel vm15, $0x168E, v1  }
0x2a5: {  	v62 =	vsel vm9, $0x1D08, v62;
	v63 =	vsel vm9, $0x1D88, v63;
	v53 =	vld [tilespmem:$0x1FA60];
	[tilespmem:$0x1FBB0] =	vst v0;
	v0 =	vsel vm12, $0x1E0B, v2  }
0x2a6: {  	v61 =	vsel vm10, $0x1D89, v62;
	v62 =	vsel vm10, $0x1E09, v63;
	v63 =	vld [tilespmem:$0x1F910];
	v0 =	vsel vm13, $0x1E8C, v0  }
0x2a7: {  	v1 =	vsel vm11, $0x1E0A, v61;
	v0 =	vsel vm14, $0x1F0D, v0  }
0x2a8: {  	v2 =	vsel vm11, $0x1E8A, v62;
	v1 =	vsel vm12, $0x1E8B, v1;
	v0 =	vsel vm15, $0x1F8E, v0  }
0x2a9: {  	v2 =	vsel vm12, $0x1F0B, v2;
	[tilespmem:$0x1FBC0] =	vst v0;
	v0 =	vsel vm13, $0x1F0C, v1  }
0x2aa: {  	v53 =	vsel vm10, $0x780, v53;
	v1 =	vsel vm13, $0x1F8C, v2;
	v0 =	vsel vm14, $0x1F8D, v0  }
0x2ab: {  	v63 =	vsel vm10, $0x1E89, v63;
	[tilespmem:$0x1FE40] =	vst v53;
	v53 =	vld [tilespmem:$0x1FA70];
	v1 =	vsel vm14, $0x180D, v1;
	v0 =	vsel vm15, $0x180E, v0  }
0x2ac: {  	v2 =	vsel vm11, $0x1F0A, v63;
	[tilespmem:$0x1FBD0] =	vst v0;
	v0 =	vsel vm15, $0x188E, v1;
	v1 =	vld [tilespmem:$0x1FBF0]  }
0x2ad: {  	[tilespmem:$0x1FBE0] =	vst v0;
	v0 =	vsel vm12, $0x1F8B, v2;
	v2 =	vld [tilespmem:$0x1FC00];
	_ =	sdelay $0x2  }
0x2ae: {  	v53 =	vsel vm10, $0x700, v53  }
0x2af: {  	[tilespmem:$0x1FE70] =	vst v53;
	v53 =	vld [tilespmem:$0x1FA80];
	v0 =	vsel vm13, $0x180C, v0  }
0x2b0: {  	v0 =	vsel vm14, $0x188D, v0;
	v1 =	vsel vm11, $0x1F8A, v1;
	v2 =	vsel vm11, $0x180A, v2  }
0x2b1: {  	v0 =	vsel vm15, $0x190E, v0;
	v1 =	vsel vm12, $0x180B, v1;
	v2 =	vsel vm12, $0x188B, v2  }
0x2b2: {  	[tilespmem:$0x1FC10] =	vst v0;
	v0 =	vsel vm13, $0x188C, v1;
	v1 =	vsel vm13, $0x190C, v2;
	v2 =	vld [tilespmem:$0x1FC20]  }
0x2b3: {  	v56 =	vmov v3;
	v3 =	vld [tilespmem:$0x1FC50]  }
0x2b4: {  	v53 =	vsel vm10, $0x680, v53  }
0x2b5: {  	[tilespmem:$0x1FE80] =	vst v53;
	v53 =	vld [tilespmem:$0x1FA90]  }
0x2b6: {  	v57 =	vmov v4;
	v4 =	vld [tilespmem:$0x1FC60]  }
0x2b7: {  	v58 =	vmov v5;
	v5 =	vld [tilespmem:$0x1FC80];
	v2 =	vsel vm11, $0x188A, v2  }
0x2b8: {  	v3 =	vsel vm11, $0x190A, v3;
	v59 =	vmovc v6;
	v6 =	vld [tilespmem:$0x1FCB0];
	v0 =	vsel vm14, $0x190D, v0;
	v2 =	vsel vm12, $0x190B, v2  }
0x2b9: {  	v62 =	vmovc v9;
	v9 =	vld [tilespmem:$0x1FD10];
	v1 =	vsel vm14, $0x198D, v1;
	v0 =	vsel vm15, $0x198E, v0;
	v2 =	vsel vm13, $0x198C, v2  }
0x2ba: {  	v3 =	vsel vm12, $0x198B, v3;
	v1 =	vsel vm15, $0x1A0E, v1;
	v2 =	vsel vm14, $0x1A0D, v2  }
0x2bb: {  	v3 =	vsel vm13, $0x1A0C, v3;
	v60 =	vmovc v7;
	v4 =	vsel vm11, $0x198A, v4;
	v7 =	vld [tilespmem:$0x1FCC0];
	v2 =	vsel vm15, $0x1A8E, v2  }
0x2bc: {  	v53 =	vsel vm10, $0x600, v53;
	v3 =	vsel vm14, $0x1A8D, v3;
	v4 =	vsel vm12, $0x1A0B, v4;
	[tilespmem:$0x1FC30] =	vst v0;
	v0 =	vmovc v11;
	v11 =	vld [tilespmem:$0x1FD40]  }
0x2bd: {  	v3 =	vsel vm15, $0x1B0E, v3;
	v4 =	vsel vm13, $0x1A8C, v4;
	v5 =	vsel vm11, $0x1A0A, v5;
	[tilespmem:$0x1FC40] =	vst v1;
	v1 =	vmovc v12;
	v12 =	vld [tilespmem:$0x1FD70]  }
0x2be: {  	v6 =	vsel vm11, $0x1A8A, v6;
	v4 =	vsel vm14, $0x1B0D, v4;
	v9 =	vsel vm11, $0x1C0A, v9;
	[tilespmem:$0x1FC70] =	vst v2;
	v2 =	vmovc v13;
	v13 =	vld [tilespmem:$0x1FD80]  }
0x2bf: {  	v5 =	vsel vm12, $0x1A8B, v5;
	v6 =	vsel vm12, $0x1B0B, v6;
	v9 =	vsel vm12, $0x1C8B, v9  }
0x2c0: {  	v4 =	vsel vm15, $0x1B8E, v4;
	v7 =	vsel vm11, $0x1B0A, v7;
	v9 =	vsel vm13, $0x1D0C, v9  }
0x2c1: {  	v7 =	vsel vm12, $0x1B8B, v7;
	v9 =	vsel vm14, $0x1D8D, v9;
	v11 =	vsel vm11, $0x480, v11  }
0x2c2: {  	v61 =	vmovc v8;
	v8 =	vld [tilespmem:$0x1FCE0];
	v7 =	vsel vm13, $0x1C0C, v7;
	v9 =	vsel vm15, $0x1E0E, v9;
	v11 =	vsel vm12, $0x500, v11  }
0x2c3: {  	v12 =	vsel vm11, $0x400, v12;
	v11 =	vsel vm13, $0x580, v11;
	v13 =	vsel vm11, $0x380, v13  }
0x2c4: {  	v63 =	vmovc v10;
	v10 =	vld [tilespmem:$0x1FD20];
	v12 =	vsel vm12, $0x480, v12;
	v11 =	vsel vm14, $0x600, v11;
	v13 =	vsel vm12, $0x400, v13  }
0x2c5: {  	[tilespmem:$0x1FD50] =	vst v9;
	v9 =	vmovc v35;
	v35 =	vsel vm15, $0x680, v11;
	v11 =	vsel vm13, $0x500, v12;
	v12 =	vsel vm13, $0x480, v13;
	v13 =	vld [tilespmem:$0x1FD90]  }
0x2c6: {  	v5 =	vsel vm13, $0x1B0C, v5;
	v6 =	vsel vm13, $0x1B8C, v6;
	v7 =	vsel vm14, $0x1C8D, v7  }
0x2c7: {  	[tilespmem:$0x1FEA0] =	vst v53;
	v5 =	vsel vm14, $0x1B8D, v5;
	v8 =	vsel vm11, $0x1B8A, v8;
	v7 =	vsel vm15, $0x1D0E, v7  }
0x2c8: {  	[tilespmem:$0x1FC90] =	vst v3;
	v6 =	vsel vm14, $0x1C0D, v6;
	v5 =	vsel vm15, $0x1C0E, v5;
	v8 =	vsel vm12, $0x1C0B, v8  }
0x2c9: {  	[tilespmem:$0x1FCA0] =	vst v4;
	v10 =	vsel vm11, $0x1C8A, v10;
	v11 =	vsel vm14, $0x580, v11;
	v12 =	vsel vm14, $0x500, v12  }
0x2ca: {  	[tilespmem:$0x1FD00] =	vst v7;
	v7 =	vmovc v33;
	v33 =	vsel vm15, $0x600, v11;
	v11 =	vsel vm15, $0x580, v12;
	v12 =	vld [tilespmem:$0x1FDB0];
	v13 =	vsel vm11, $0x300, v13  }
0x2cb: {  	v8 =	vsel vm13, $0x1C8C, v8;
	v10 =	vsel vm12, $0x1D0B, v10;
	[tilespmem:$0x1FDA0] =	vst v11;
	v11 =	vsel vm12, $0x380, v13;
	v13 =	vld [tilespmem:$0x1FDC0]  }
0x2cc: {  	v6 =	vsel vm15, $0x1C8E, v6;
	[tilespmem:$0x1FCD0] =	vst v5;
	v8 =	vsel vm14, $0x1D0D, v8;
	v10 =	vsel vm13, $0x1D8C, v10  }
0x2cd: {  	[tilespmem:$0x1FCF0] =	vst v6;
	v8 =	vsel vm15, $0x1D8E, v8;
	v10 =	vsel vm14, $0x1E0D, v10;
	v11 =	vsel vm13, $0x400, v11  }
0x2ce: {  	s5 =	simm.s32 $0x0;
	[tilespmem:$0x1FD30] =	vst v8;
	v10 =	vsel vm15, $0x1E8E, v10;
	v11 =	vsel vm14, $0x480, v11  }
0x2cf: {  	[smem:$0x7FF] =	sst s5;
	[tilespmem:$0x1FD60] =	vst v10;
	v11 =	vsel vm15, $0x500, v11  }
0x2d0: {  	s0 =	rddreg [dreg:$0x0];
	v12 =	vsel vm11, $0x280, v12;
	[tilespmem:$0x1FDD0] =	vst v11;
	v13 =	vsel vm11, $0x200, v13  }
0x2d1: {  	s4 =	rddreg [dreg:$0x2];
	v53 =	vld [tilespmem:$0x1FAA0];
	v12 =	vsel vm12, $0x300, v12;
	_ =	strace $0x80000047;
	v13 =	vsel vm12, $0x280, v13  }
0x2d2: {  	v11 =	vsel vm13, $0x380, v12;
	v12 =	vsel vm13, $0x300, v13;
	v13 =	vld [tilespmem:$0x1FDE0];
	_ =	sdelay $0x2  }
0x2d3: {  	v11 =	vsel vm14, $0x400, v11  }
0x2d4: {  	v11 =	vsel vm15, $0x480, v11;
	v12 =	vsel vm14, $0x380, v12  }
0x2d5: {  	[tilespmem:$0x1FDF0] =	vst v11;
	v11 =	vsel vm15, $0x400, v12;
	v12 =	vld [tilespmem:$0x1FE10];
	v13 =	vsel vm11, $0x180, v13  }
0x2d6: {  	[tilespmem:$0x1FE00] =	vst v11;
	v11 =	vsel vm12, $0x200, v13;
	v13 =	vld [tilespmem:$0x1FE20];
	_ =	sdelay $0x3  }
0x2d7: {  	v11 =	vsel vm13, $0x280, v11  }
0x2d8: {  	v12 =	vsel vm11, $0x100, v12;
	v11 =	vsel vm14, $0x300, v11;
	v13 =	vsel vm11, $0x80, v13  }
0x2d9: {  	v12 =	vsel vm12, $0x180, v12;
	v11 =	vsel vm15, $0x380, v11;
	v13 =	vsel vm12, $0x100, v13  }
0x2da: {  	[tilespmem:$0x1FE30] =	vst v11;
	v11 =	vsel vm13, $0x200, v12;
	v12 =	vsel vm13, $0x180, v13;
	v13 =	vld [tilespmem:$0x1FE40];
	_ =	sdelay $0x2  }
0x2db: {  	v11 =	vsel vm14, $0x280, v11  }
0x2dc: {  	v11 =	vsel vm15, $0x300, v11;
	v12 =	vsel vm14, $0x200, v12  }
0x2dd: {  	[tilespmem:$0x1FE50] =	vst v11;
	v11 =	vsel vm15, $0x280, v12;
	v12 =	vld [tilespmem:$0x1FE70];
	v13 =	vsel vm11, $0x0, v13  }
0x2de: {  	[tilespmem:$0x1FE60] =	vst v11;
	v11 =	vsel vm12, $0x80, v13;
	v13 =	vld [tilespmem:$0x1FE80];
	_ =	sdelay $0x2  }
0x2df: {  	s1 =	srdreg.scid;
	s2 =	stileid.u32;
	v40 =	vmov v20;
	v20 =	vlaneseq.u32  }
0x2e0: {  	s1 =	sand.u32 $0x1, s1;
	s2 =	sshll.u32 s2, $0x1;
	v41 =	vmov v21;
	v21 =	vmul.u32 $0x81, v20;
	v11 =	vsel vm13, $0x100, v11  }
0x2e1: {  	s6 =	sor.u32 s1, s2;
	v12 =	vsel vm11, $0x780, v12;
	v11 =	vsel vm14, $0x180, v11;
	v13 =	vsel vm11, $0x700, v13  }
0x2e2: {  	s2 =	sshll.u32 s6, $0x7;
	[tilespmem:$0x1FEF0] =	vst v21;
	v12 =	vsel vm12, $0x0, v12;
	v11 =	vsel vm15, $0x200, v11;
	v13 =	vsel vm12, $0x780, v13  }
0x2e3: {  	s3 =	sadd.s32 s0, s2;
	[tilespmem:$0x1FE90] =	vst v11;
	v11 =	vsel vm13, $0x80, v12;
	v12 =	vsel vm13, $0x0, v13;
	v13 =	vld [tilespmem:$0x1FEA0]  }
0x2e4: {  	s2 =	sadd.s32 $0x1E8500, s3;
	[tilespmem:$0x1FF10] =	vst v35  }
0x2e5: {  	s12 =	sadd.s32 $0x2DC780, s3;
	[dreg:$0x5] =	wrdreg s2;
	[tilespmem:$0x1FF20] =	vst v33  }
0x2e6: {  	s13 =	sadd.s32 $0x3D0A00, s3;
	[dreg:$0x6] =	wrdreg s12;
	[tilespmem:$0x1FF70] =	vst v22;
	v11 =	vsel vm14, $0x100, v11  }
0x2e7: {  	s14 =	sadd.s32 $0xF4280, s3;
	[dreg:$0x7] =	wrdreg s13;
	[tilespmem:$0x1FF80] =	vst v23;
	v11 =	vsel vm15, $0x180, v11;
	v12 =	vsel vm14, $0x80, v12  }
0x2e8: {  	s15 =	sadd.s32 $0x4C4C80, s3;
	[dreg:$0x8] =	wrdreg s14;
	[tilespmem:$0x1FEB0] =	vst v11;
	v11 =	vsel vm15, $0x100, v12;
	v13 =	vsel vm11, $0x680, v13  }
0x2e9: {  	s16 =	sadd.s32 $0x5B8F00, s3;
	[dreg:$0x9] =	wrdreg s15;
	[tilespmem:$0x1FEC0] =	vst v11;
	v11 =	vsel vm12, $0x700, v13;
	v13 =	vld [tilespmem:$0x1FED0]  }
0x2ea: {  	s17 =	sadd.s32 $0x6AD180, s3;
	[dreg:$0xa] =	wrdreg s16;
	[tilespmem:$0x1FF90] =	vst v24  }
0x2eb: {  	s18 =	sadd.s32 $0x1000, s3;
	[dreg:$0xb] =	wrdreg s17;
	[tilespmem:$0x1FFA0] =	vst v25  }
0x2ec: {  	s19 =	sadd.s32 $0x1E9500, s3;
	v53 =	vsel vm10, $0x580, v53;
	[dreg:$0xc] =	wrdreg s18;
	[tilespmem:$0x1FFB0] =	vst v26  }
0x2ed: {  	s20 =	sadd.s32 $0xF5280, s3;
	[dreg:$0xd] =	wrdreg s19;
	[tilespmem:$0x1FFC0] =	vst v50;
	v12 =	vsel vm11, $0x600, v53;
	v11 =	vsel vm13, $0x780, v11  }
0x2ee: {  	s21 =	sadd.s32 $0x2DD780, s3;
	v3 =	vmovc v14;
	[dreg:$0xe] =	wrdreg s20;
	[tilespmem:$0x1FFD0] =	vst v51;
	v14 =	vsel vm14, $0x0, v11;
	v11 =	vsel vm12, $0x680, v12;
	v13 =	vsel vm11, $0x580, v13  }
0x2ef: {  	s28 =	simm.s32 $0x8000;
	s7 =	sadd.s32 $0x3D1A00, s3;
	[dreg:$0xf] =	wrdreg s21;
	[tilespmem:$0x1FFE0] =	vst v52;
	v11 =	vsel vm13, $0x700, v11;
	v12 =	vsel vm12, $0x600, v13  }
0x2f0: {  	s29 =	simm.s32 $0x5;
	s23 =	sadd.s32 $0x4C5C80, s3;
	v8 =	vmovc v34;
	[dreg:$0x10] =	wrdreg s7;
	[tilespmem:$0x1FFF0] =	vst v29;
	v34 =	vsel vm15, $0x80, v14;
	v13 =	vsel vm14, $0x780, v11;
	v12 =	vsel vm13, $0x680, v12  }
0x2f1: {  	s30 =	simm.s32 $0x4000;
	s24 =	sadd.s32 $0x5B9F00, s3;
	v47 =	vmov v27;
	[dreg:$0x11] =	wrdreg s23;
	[tilespmem:$0x1FF30] =	vst v34;
	v27 =	vsel vm15, $0x0, v13;
	v12 =	vsel vm14, $0x700, v12  }
0x2f2: {  	s31 =	simm.s32 $0x0;
	s1 =	ssub.s32 $0x2, s1;
	[dreg:$0x12] =	wrdreg s24;
	[tilespmem:$0x1FF40] =	vst v27;
	v53 =	vsel vm15, $0x780, v12;
	v12 =	vmul.u32 $0x41, v20;
	v20 =	vor.u32 $0x800, v21  }
0x2f3: {  	s22 =	sshrl.u32 s1, $0x1;
	s25 =	sadd.s32 $0x6AE180, s3;
	[dreg:$0x4] =	wrdreg s3;
	[tilespmem:$0x1FEE0] =	vst v20  }
0x2f4: {  	s1 =	ssub.s32 s1, s22;
	s26 =	sadd.s32 $0x7A1000, s4;
	[dreg:$0x13] =	wrdreg s25;
	v20 =	vor.u32 $0x1000, v21;
	[tilespmem:$0x1FF50] =	vst v53  }
0x2f5: {  	s1 =	smax.u32 s1, $0x1;
	v4 =	vmov v30;
	v5 =	vmov v31;
	v6 =	vmov v32;
	s23 =	sor.u32 $0x40, s6;
	[dreg:$0x14] =	wrdreg s26;
	[tilespmem:$0x1FF00] =	vst v20  }
0x2f6: {  	v10 =	vmovc v36;
	[dreg:$0x15] =	wrdreg s1;
	s1 =	simm.s32 $0x4;
	s26 =	simm.s32 $0x3;
	v14 =	vmovc v38;
	v11 =	vmov v39;
	v39 =	vmov v29;
	v13 =	vmov v37;
	[tilespmem:$0x1FF60] =	vst v12  }
.LBB2_1:
0x2f7: {  	s2 =	rddreg [dreg:$0x4]  }
0x2f8: {  	[tilespmem:s5], [sflag:$0x1] =	stream.linear.gather [hbm4b:s2+s5], $0x400, $0x38;
	[tilespmem:$0xA000] =	vst v63  }
0x2f9: {  	s14 =	rddreg [dreg:$0x8];
	s3 =	simm.s32 $0x400  }
0x2fa: {  	[tilespmem:s3], [sflag:$0x1] =	stream.linear.gather [hbm4b:s14+s5], $0x400, $0x38;
	[tilespmem:$0xA000] =	vst v63  }
0x2fb: {  	s15 =	rddreg [dreg:$0x5];
	s16 =	simm.s32 $0x800  }
0x2fc: {  	[tilespmem:s16], [sflag:$0x1] =	stream.linear.gather [hbm4b:s15+s5], $0x400, $0x38;
	[tilespmem:$0xA000] =	vst v63  }
0x2fd: {  	s17 =	rddreg [dreg:$0x6];
	s18 =	simm.s32 $0xC00  }
0x2fe: {  	[tilespmem:s18], [sflag:$0x1] =	stream.linear.gather [hbm4b:s17+s5], $0x400, $0x38;
	[tilespmem:$0xA000] =	vst v63  }
0x2ff: {  	s19 =	rddreg [dreg:$0x7];
	s20 =	simm.s32 $0x1000  }
0x300: {  	[tilespmem:s20], [sflag:$0x1] =	stream.linear.gather [hbm4b:s19+s5], $0x400, $0x38;
	[tilespmem:$0xA000] =	vst v63  }
0x301: {  	s21 =	rddreg [dreg:$0x9];
	s22 =	simm.s32 $0x1400  }
0x302: {  	[tilespmem:s22], [sflag:$0x1] =	stream.linear.gather [hbm4b:s21+s5], $0x400, $0x38;
	[tilespmem:$0xA000] =	vst v63  }
0x303: {  	s24 =	rddreg [dreg:$0xa];
	s25 =	simm.s32 $0x1800  }
0x304: {  	[tilespmem:s25], [sflag:$0x1] =	stream.linear.gather [hbm4b:s24+s5], $0x400, $0x38;
	[tilespmem:$0xA000] =	vst v63  }
0x305: {  	s7 =	rddreg [dreg:$0xb];
	s8 =	simm.s32 $0x1C00  }
0x306: {  	[tilespmem:s8], [sflag:$0x1] =	stream.linear.gather [hbm4b:s7+s5], $0x400, $0x38;
	[tilespmem:$0xA000] =	vst v63  }
0x307: {  	s9 =	rddreg [dreg:$0xc];
	s10 =	simm.s32 $0x2000  }
0x308: {  	[tilespmem:s10], [sflag:$0x2] =	stream.linear.gather [hbm4b:s9+s5], $0x400, $0x38;
	[tilespmem:$0xA000] =	vst v63  }
0x309: {  	s11 =	rddreg [dreg:$0xe];
	s12 =	simm.s32 $0x2400  }
0x30a: {  	[tilespmem:s12], [sflag:$0x2] =	stream.linear.gather [hbm4b:s11+s5], $0x400, $0x38;
	[tilespmem:$0xA000] =	vst v63  }
0x30b: {  	s13 =	rddreg [dreg:$0xd];
	s14 =	simm.s32 $0x2800  }
0x30c: {  	[tilespmem:s14], [sflag:$0x2] =	stream.linear.gather [hbm4b:s13+s5], $0x400, $0x38;
	[tilespmem:$0xA000] =	vst v63  }
0x30d: {  	s15 =	rddreg [dreg:$0xf];
	s16 =	simm.s32 $0x2C00  }
0x30e: {  	[tilespmem:s16], [sflag:$0x2] =	stream.linear.gather [hbm4b:s15+s5], $0x400, $0x38;
	[tilespmem:$0xA000] =	vst v63  }
0x30f: {  	s17 =	rddreg [dreg:$0x10];
	s18 =	simm.s32 $0x3000  }
0x310: {  	[tilespmem:s18], [sflag:$0x2] =	stream.linear.gather [hbm4b:s17+s5], $0x400, $0x38;
	[tilespmem:$0xA000] =	vst v63  }
0x311: {  	s19 =	rddreg [dreg:$0x11];
	s20 =	simm.s32 $0x3400  }
0x312: {  	v27 =	vld [tilespmem:$0x1FB20];
	[tilespmem:s20], [sflag:$0x2] =	stream.linear.gather [hbm4b:s19+s5], $0x400, $0x38  }
0x313: {  	v29 =	vld [tilespmem:$0x1FB40];
	s21 =	rddreg [dreg:$0x12];
	s22 =	simm.s32 $0x3800  }
0x314: {  	v38 =	vld [tilespmem:$0x1FB70];
	[tilespmem:s22], [sflag:$0x2] =	stream.linear.gather [hbm4b:s21+s5], $0x400, $0x38  }
0x315: {  	v48 =	vld [tilespmem:$0x1FB60];
	s3 =	simm.s32 $0x0;
	s24 =	rddreg [dreg:$0x13];
	s25 =	simm.s32 $0x3C00  }
0x316: {  	v49 =	vld [tilespmem:$0x1FB90];
	[tilespmem:s25], [sflag:$0x2] =	stream.linear.gather [hbm4b:s24+s5], $0x400, $0x38  }
.LBB2_2:
0x317: {  	s8 =	sand.u32 $0x1, s3  }
0x318: {  	s2 =	sadd.s32 $0x1, s8  }
0x319: {  	_ =	swait.ge [sflag:s2], $0x400  }
0x31a: {  	[sflag:s2] =	ssyncset.done $0x0  }
0x31b: {  	[sflag:s2] =	ssyncadd.s32 $0xFFFFFC00  }
0x31c: {  	_ =	swait.ge [sflag:s2], $0x400  }
0x31d: {  	[sflag:s2] =	ssyncset.done $0x0  }
0x31e: {  	[sflag:s2] =	ssyncadd.s32 $0xFFFFFC00  }
0x31f: {  	_ =	swait.ge [sflag:s2], $0x400  }
0x320: {  	[sflag:s2] =	ssyncset.done $0x0  }
0x321: {  	[sflag:s2] =	ssyncadd.s32 $0xFFFFFC00  }
0x322: {  	_ =	swait.ge [sflag:s2], $0x400  }
0x323: {  	[sflag:s2] =	ssyncset.done $0x0  }
0x324: {  	[sflag:s2] =	ssyncadd.s32 $0xFFFFFC00  }
0x325: {  	_ =	swait.ge [sflag:s2], $0x400  }
0x326: {  	[sflag:s2] =	ssyncset.done $0x0  }
0x327: {  	[sflag:s2] =	ssyncadd.s32 $0xFFFFFC00  }
0x328: {  	_ =	swait.ge [sflag:s2], $0x400  }
0x329: {  	[sflag:s2] =	ssyncset.done $0x0  }
0x32a: {  	[sflag:s2] =	ssyncadd.s32 $0xFFFFFC00  }
0x32b: {  	_ =	swait.ge [sflag:s2], $0x400  }
0x32c: {  	[sflag:s2] =	ssyncset.done $0x0  }
0x32d: {  	[sflag:s2] =	ssyncadd.s32 $0xFFFFFC00  }
0x32e: {  	s11 =	simm.s32 $0x0;
	_ =	swait.ge [sflag:s2], $0x400  }
0x32f: {  	p0 =	slt.u32 s3, $0x2;
	v31 =	vor.u32 s11, v2;
	[sflag:s2] =	ssyncset.done $0x0  }
0x330: {  	s10 =	sadd.s32 @!p0 $0x3, s8;
	[sflag:s2] =	ssyncadd.s32 $0xFFFFFC00  }
0x331: {  	_ =	swait.ge @!p0 [sflag:s10], $0x2000  }
0x332: {  	s9 =	sshll.u32 s8, $0xF;
	[sflag:s10] =	ssyncset.done @!p0 $0x0  }
0x333: {  	s9 =	sshrl.u32 s9, $0x2;
	[sflag:s10] =	ssyncadd.s32 @!p0 $0xFFFFE000  }
0x334: {  	v32 =	vor.u32 s11, v1;
	v12 =	vld.idx.msk [tilespmem:v31+s9+$0x0], $0xffff;
	_ =	sdelay $0x4  }
0x335: {  	v35 =	vor.u32 s11, v62;
	[tilespmem:$0x1E980] =	vst v12;
	v12 =	vld.idx.msk [tilespmem:v32+s9+$0x0], $0xffff  }
0x336: {  	v33 =	vor.u32 s11, v0;
	_ =	sdelay $0x3  }
0x337: {  	v20 =	vld.idx.msk [tilespmem:v35+s9+$0x0], $0xffff;
	[tilespmem:$0x1E970] =	vst v12;
	v12 =	vor.u32 s11, v59  }
0x338: {  	[tilespmem:$0x1E8C0] =	vst v12;
	v12 =	vld.idx.msk [tilespmem:v33+s9+$0x0], $0xffff;
	_ =	sdelay $0x3  }
0x339: {  	v36 =	vor.u32 s11, v61;
	[tilespmem:$0x1E950] =	vst v20;
	v20 =	vld [tilespmem:$0x1FAC0]  }
0x33a: {  	v30 =	vor.u32 s11, v3;
	[tilespmem:$0x1E960] =	vst v12;
	v12 =	vor.u32 s11, v58  }
0x33b: {  	[tilespmem:$0x1E8D0] =	vst v12;
	v12 =	vld [tilespmem:$0x1FEF0];
	_ =	sdelay $0x2  }
0x33c: {  	v37 =	vor.u32 s11, v60;
	v31 =	vor.u32 s11, v20;
	v20 =	vld.idx.msk [tilespmem:v36+s9+$0x0], $0xffff  }
0x33d: {  	v53 =	vld.idx.msk [tilespmem:v30+s9+$0x0], $0xffff  }
0x33e: {  	v30 =	vor.u32 s11, v12;
	v12 =	vld [tilespmem:$0x1E8C0];
	_ =	sdelay $0x2  }
0x33f: {  	[tilespmem:$0x1E940] =	vst v20;
	v20 =	vld.idx.msk [tilespmem:v37+s9+$0x0], $0xffff;
	_ =	sdelay $0x4  }
0x340: {  	[tilespmem:$0x1E930] =	vst v20;
	v20 =	vld.idx.msk [tilespmem:v12+s9+$0x0], $0xffff  }
0x341: {  	v12 =	vld [tilespmem:$0x1E8D0];
	_ =	sdelay $0x5  }
0x342: {  	v34 =	vor.u32 s11, v63  }
0x343: {  	v33 =	vor.u32 s11, v55  }
0x344: {  	[tilespmem:$0x1E920] =	vst v20;
	v20 =	vld.idx.msk [tilespmem:v12+s9+$0x0], $0xffff;
	_ =	sdelay $0x2  }
0x345: {  	v21 =	vld.idx.msk [tilespmem:v34+s9+$0x0], $0xffff  }
0x346: {  	v34 =	vor.u32 s11, v56;
	v12 =	vld.idx.msk [tilespmem:v33+s9+$0x0], $0xffff  }
0x347: {  	[tilespmem:$0x1E910] =	vst v20;
	v20 =	vld.idx.msk [tilespmem:v30+s9+$0x0], $0xffff;
	_ =	sdelay $0x3  }
0x348: {  	[tilespmem:$0x1E8F0] =	vst v12;
	v12 =	vld.idx.msk [tilespmem:v34+s9+$0x0], $0xffff  }
0x349: {  	[tilespmem:$0x1E8E0] =	vst v20;
	v20 =	vld [tilespmem:$0x1FF60];
	_ =	sdelay $0x2  }
0x34a: {  	v32 =	vor.u32 s11, v54  }
0x34b: {  	v36 =	vld.idx.msk [tilespmem:v31+s9+$0x0], $0xffff;
	v30 =	vor.u32 s11, v57  }
0x34c: {  	[tilespmem:$0x1E900] =	vst v12;
	v12 =	vmov v50;
	v50 =	vld [tilespmem:$0x1E8E0];
	v31 =	vor.u32 s11, v20;
	_ =	sdelay $0x2  }
0x34d: {  	v37 =	vld.idx.msk [tilespmem:v32+s9+$0x0], $0xffff;
	v32 =	vor.u32 s11, v15  }
0x34e: {  	s10 =	sor.u32 $0x4000, s9;
	v33 =	vor.u32 s11, v16;
	v35 =	vld.idx.msk [tilespmem:v30+s9+$0x0], $0xffff  }
0x34f: {  	v34 =	vor.u32 s11, v17;
	[tilespmem:v31+s10+$0x0] =	vst.idx.msk $0xffff, v50;
	v50 =	vld [tilespmem:$0x1E8F0];
	_ =	sdelay $0x2  }
0x350: {  	[tilespmem:v32+s10+$0x0] =	vst.idx.msk $0xffff, v36  }
0x351: {  	[tilespmem:v33+s10+$0x0] =	vst.idx.msk $0xffff, v37  }
0x352: {  	v30 =	vor.u32 s11, v18;
	[tilespmem:v34+s10+$0x0] =	vst.idx.msk $0xffff, v50;
	v50 =	vld [tilespmem:$0x1E900];
	_ =	sdelay $0x3  }
0x353: {  	v31 =	vor.u32 s11, v19  }
0x354: {  	v32 =	vor.u32 s11, v40;
	[tilespmem:v30+s10+$0x0] =	vst.idx.msk $0xffff, v50;
	v50 =	vld [tilespmem:$0x1E910]  }
0x355: {  	v36 =	vld [tilespmem:$0x1E920];
	v33 =	vor.u32 s11, v41;
	_ =	sdelay $0x2  }
0x356: {  	v37 =	vld [tilespmem:$0x1E930];
	v34 =	vor.u32 s11, v42;
	[tilespmem:v31+s10+$0x0] =	vst.idx.msk $0xffff, v35  }
0x357: {  	v30 =	vor.u32 s11, v43;
	[tilespmem:v32+s10+$0x0] =	vst.idx.msk $0xffff, v50;
	v50 =	vld [tilespmem:$0x1E940]  }
0x358: {  	v31 =	vor.u32 s11, v44;
	[tilespmem:v33+s10+$0x0] =	vst.idx.msk $0xffff, v36;
	v36 =	vld [tilespmem:$0x1E950]  }
0x359: {  	v32 =	vor.u32 s11, v45;
	_ =	sdelay $0x1  }
0x35a: {  	[tilespmem:v34+s10+$0x0] =	vst.idx.msk $0xffff, v37  }
0x35b: {  	[tilespmem:v30+s10+$0x0] =	vst.idx.msk $0xffff, v50  }
0x35c: {  	[tilespmem:v31+s10+$0x0] =	vst.idx.msk $0xffff, v36  }
0x35d: {  	[tilespmem:v32+s10+$0x0] =	vst.idx.msk $0xffff, v21;
	v21 =	vld [tilespmem:$0x1FB00];
	_ =	sdelay $0x4  }
0x35e: {  	v33 =	vor.u32 s11, v46;
	v37 =	vor.u32 s11, v21;
	v21 =	vld [tilespmem:$0x1E960];
	_ =	sdelay $0x4  }
0x35f: {  	[tilespmem:v33+s10+$0x0] =	vst.idx.msk $0xffff, v21;
	v21 =	vld [tilespmem:$0x1FAF0];
	_ =	sdelay $0x4  }
0x360: {  	v34 =	vor.u32 s11, v47;
	v33 =	vor.u32 s11, v21;
	v21 =	vld [tilespmem:$0x1E970];
	_ =	sdelay $0x4  }
0x361: {  	[tilespmem:v34+s10+$0x0] =	vst.idx.msk $0xffff, v21;
	v21 =	vld [tilespmem:$0x1FAE0];
	_ =	sdelay $0x4  }
0x362: {  	v30 =	vor.u32 s11, v28;
	v50 =	vor.u32 s11, v21;
	v21 =	vld [tilespmem:$0x1E980];
	_ =	sdelay $0x3  }
0x363: {  	v31 =	vor.u32 s11, v39  }
0x364: {  	[tilespmem:v30+s10+$0x0] =	vst.idx.msk $0xffff, v21;
	v21 =	vld [tilespmem:$0x1FAD0];
	_ =	sdelay $0x3  }
0x365: {  	[tilespmem:v31+s10+$0x0] =	vst.idx.msk $0xffff, v53  }
0x366: {  	v31 =	vor.u32 s11, v21;
	v21 =	vld.idx.msk [tilespmem:v33+s9+$0x0], $0xffff;
	_ =	sdelay $0x4  }
0x367: {  	v30 =	vor.u32 s11, v13;
	[tilespmem:$0x1EA30] =	vst v21;
	v21 =	vld.idx.msk [tilespmem:v50+s9+$0x0], $0xffff;
	_ =	sdelay $0x4  }
0x368: {  	[tilespmem:$0x1EA20] =	vst v21;
	v21 =	vld.idx.msk [tilespmem:v30+s9+$0x0], $0xffff;
	_ =	sdelay $0x4  }
0x369: {  	[tilespmem:$0x1E9E0] =	vst v21;
	v21 =	vld.idx.msk [tilespmem:v31+s9+$0x0], $0xffff;
	_ =	sdelay $0x4  }
0x36a: {  	v35 =	vor.u32 s11, v11;
	[tilespmem:$0x1EA10] =	vst v21;
	v21 =	vld [tilespmem:$0x1FEE0];
	_ =	sdelay $0x4  }
0x36b: {  	v36 =	vor.u32 s11, v7;
	v50 =	vor.u32 s11, v21;
	v21 =	vld.idx.msk [tilespmem:v35+s9+$0x0], $0xffff;
	_ =	sdelay $0x3  }
0x36c: {  	v53 =	vld.idx.msk [tilespmem:v37+s9+$0x0], $0xffff  }
0x36d: {  	v37 =	vor.u32 s11, v6;
	[tilespmem:$0x1EA00] =	vst v21;
	v21 =	vld.idx.msk [tilespmem:v36+s9+$0x0], $0xffff;
	_ =	sdelay $0x4  }
0x36e: {  	v32 =	vor.u32 s11, v5;
	[tilespmem:$0x1E9B0] =	vst v21;
	v21 =	vld.idx.msk [tilespmem:v37+s9+$0x0], $0xffff;
	_ =	sdelay $0x4  }
0x36f: {  	[tilespmem:$0x1E9A0] =	vst v21;
	v21 =	vld.idx.msk [tilespmem:v32+s9+$0x0], $0xffff;
	_ =	sdelay $0x4  }
0x370: {  	v31 =	vor.u32 s11, v8;
	[tilespmem:$0x1E990] =	vst v21;
	v21 =	vld [tilespmem:$0x1FB10];
	_ =	sdelay $0x4  }
0x371: {  	v33 =	vor.u32 s11, v10;
	v35 =	vor.u32 s11, v21;
	v21 =	vld.idx.msk [tilespmem:v31+s9+$0x0], $0xffff;
	_ =	sdelay $0x4  }
0x372: {  	[tilespmem:$0x1E9C0] =	vst v21;
	v21 =	vld.idx.msk [tilespmem:v33+s9+$0x0], $0xffff;
	_ =	sdelay $0x4  }
0x373: {  	v34 =	vor.u32 s11, v14;
	[tilespmem:$0x1E9D0] =	vst v21;
	v21 =	vld.idx.msk [tilespmem:v35+s9+$0x0], $0xffff;
	_ =	sdelay $0x2  }
0x374: {  	v30 =	vor.u32 s11, v4;
	_ =	sdelay $0x1  }
0x375: {  	[tilespmem:$0x1EA40] =	vst v21;
	v21 =	vld.idx.msk [tilespmem:v34+s9+$0x0], $0xffff;
	_ =	sdelay $0x1  }
0x376: {  	s12 =	simm.s32 $0x10;
	v36 =	vld.idx.msk [tilespmem:v50+s9+$0x0], $0xffff  }
0x377: {  	v37 =	vld.idx.msk [tilespmem:v30+s9+$0x0], $0xffff;
	v30 =	vor.u32 s11, v9;
	v31 =	vor.u32 s12, v20  }
0x378: {  	v32 =	vor.u32 s12, v15  }
0x379: {  	v50 =	vor.u32 s12, v16;
	[tilespmem:$0x1E9F0] =	vst v21;
	v21 =	vld [tilespmem:$0x1E990];
	_ =	sdelay $0x2  }
0x37a: {  	v35 =	vld.idx.msk [tilespmem:v30+s9+$0x0], $0xffff;
	[tilespmem:v31+s10+$0x0] =	vst.idx.msk $0xffff, v36  }
0x37b: {  	[tilespmem:v32+s10+$0x0] =	vst.idx.msk $0xffff, v37  }
0x37c: {  	v34 =	vor.u32 s12, v17;
	[tilespmem:v50+s10+$0x0] =	vst.idx.msk $0xffff, v21;
	v21 =	vld [tilespmem:$0x1E9A0];
	_ =	sdelay $0x4  }
0x37d: {  	v30 =	vor.u32 s12, v18;
	[tilespmem:v34+s10+$0x0] =	vst.idx.msk $0xffff, v21;
	v21 =	vld [tilespmem:$0x1E9B0];
	_ =	sdelay $0x4  }
0x37e: {  	v31 =	vor.u32 s12, v19;
	[tilespmem:v30+s10+$0x0] =	vst.idx.msk $0xffff, v21;
	v21 =	vld [tilespmem:$0x1E9C0];
	_ =	sdelay $0x3  }
0x37f: {  	v37 =	vor.u32 s12, v40  }
0x380: {  	v50 =	vor.u32 s12, v41;
	[tilespmem:v31+s10+$0x0] =	vst.idx.msk $0xffff, v21;
	v21 =	vld [tilespmem:$0x1E9D0];
	_ =	sdelay $0x3  }
0x381: {  	[tilespmem:v37+s10+$0x0] =	vst.idx.msk $0xffff, v35  }
0x382: {  	v36 =	vor.u32 s12, v42;
	[tilespmem:v50+s10+$0x0] =	vst.idx.msk $0xffff, v21;
	v21 =	vld [tilespmem:$0x1E9E0];
	_ =	sdelay $0x4  }
0x383: {  	v30 =	vor.u32 s12, v43;
	[tilespmem:v36+s10+$0x0] =	vst.idx.msk $0xffff, v21;
	v21 =	vld [tilespmem:$0x1E9F0];
	_ =	sdelay $0x4  }
0x384: {  	v31 =	vor.u32 s12, v44;
	[tilespmem:v30+s10+$0x0] =	vst.idx.msk $0xffff, v21;
	v21 =	vld [tilespmem:$0x1EA00];
	_ =	sdelay $0x4  }
0x385: {  	v37 =	vor.u32 s12, v45;
	[tilespmem:v31+s10+$0x0] =	vst.idx.msk $0xffff, v21;
	v21 =	vld [tilespmem:$0x1EA10];
	_ =	sdelay $0x4  }
0x386: {  	[tilespmem:v37+s10+$0x0] =	vst.idx.msk $0xffff, v21;
	v21 =	vld [tilespmem:$0x1FBB0];
	_ =	sdelay $0x4  }
0x387: {  	v50 =	vor.u32 s12, v46;
	v37 =	vor.u32 s11, v21;
	v21 =	vld [tilespmem:$0x1EA20];
	_ =	sdelay $0x4  }
0x388: {  	[tilespmem:v50+s10+$0x0] =	vst.idx.msk $0xffff, v21;
	v21 =	vld [tilespmem:$0x1FBA0];
	_ =	sdelay $0x4  }
0x389: {  	v36 =	vor.u32 s12, v47;
	v33 =	vor.u32 s11, v21;
	v21 =	vld [tilespmem:$0x1EA30];
	_ =	sdelay $0x3  }
0x38a: {  	v30 =	vor.u32 s12, v28  }
0x38b: {  	v31 =	vor.u32 s12, v39;
	[tilespmem:v36+s10+$0x0] =	vst.idx.msk $0xffff, v21;
	v21 =	vld [tilespmem:$0x1EA40];
	_ =	sdelay $0x3  }
0x38c: {  	[tilespmem:v30+s10+$0x0] =	vst.idx.msk $0xffff, v53;
	v30 =	vor.u32 s11, v48  }
0x38d: {  	[tilespmem:v31+s10+$0x0] =	vst.idx.msk $0xffff, v21;
	v31 =	vor.u32 s11, v26  }
0x38e: {  	v48 =	vor.u32 s11, v27;
	v21 =	vld [tilespmem:$0x1FF00]  }
0x38f: {  	v50 =	vor.u32 s11, v24;
	v26 =	vld.idx.msk [tilespmem:v37+s9+$0x0], $0xffff  }
0x390: {  	v34 =	vor.u32 s11, v52;
	v52 =	vor.u32 s11, v25;
	v24 =	vld.idx.msk [tilespmem:v33+s9+$0x0], $0xffff  }
0x391: {  	v53 =	vor.u32 s11, v23;
	v23 =	vld.idx.msk [tilespmem:v30+s9+$0x0], $0xffff  }
0x392: {  	v30 =	vor.u32 s11, v22;
	v22 =	vld.idx.msk [tilespmem:v31+s9+$0x0], $0xffff  }
0x393: {  	v27 =	vor.u32 s11, v21;
	v21 =	vld.idx.msk [tilespmem:v48+s9+$0x0], $0xffff  }
0x394: {  	v48 =	vld.idx.msk [tilespmem:v50+s9+$0x0], $0xffff;
	v31 =	vor.u32 s11, v38  }
0x395: {  	v38 =	vld.idx.msk [tilespmem:v52+s9+$0x0], $0xffff  }
0x396: {  	v50 =	vor.u32 s11, v29;
	v52 =	vld.idx.msk [tilespmem:v53+s9+$0x0], $0xffff  }
0x397: {  	v53 =	vor.u32 s11, v12;
	v37 =	vld.idx.msk [tilespmem:v30+s9+$0x0], $0xffff  }
0x398: {  	s24 =	simm.s32 $0x20;
	v30 =	vor.u32 s11, v49;
	v36 =	vld.idx.msk [tilespmem:v27+s9+$0x0], $0xffff  }
0x399: {  	v35 =	vor.u32 s11, v51;
	v29 =	vld.idx.msk [tilespmem:v31+s9+$0x0], $0xffff;
	v31 =	vor.u32 s24, v20  }
0x39a: {  	v32 =	vor.u32 s24, v15;
	v25 =	vld.idx.msk [tilespmem:v34+s9+$0x0], $0xffff  }
0x39b: {  	v49 =	vld.idx.msk [tilespmem:v50+s9+$0x0], $0xffff;
	v50 =	vor.u32 s24, v16  }
0x39c: {  	v51 =	vor.u32 s24, v17;
	v20 =	vld.idx.msk [tilespmem:v53+s9+$0x0], $0xffff  }
0x39d: {  	v53 =	vld.idx.msk [tilespmem:v30+s9+$0x0], $0xffff;
	v30 =	vor.u32 s24, v18  }
0x39e: {  	v27 =	vld.idx.msk [tilespmem:v35+s9+$0x0], $0xffff;
	[tilespmem:v31+s10+$0x0] =	vst.idx.msk $0xffff, v36;
	v31 =	vor.u32 s24, v19  }
0x39f: {  	v36 =	vor.u32 s24, v40;
	[tilespmem:v32+s10+$0x0] =	vst.idx.msk $0xffff, v37  }
0x3a0: {  	v37 =	vor.u32 s24, v41;
	[tilespmem:v50+s10+$0x0] =	vst.idx.msk $0xffff, v52  }
0x3a1: {  	[tilespmem:v51+s10+$0x0] =	vst.idx.msk $0xffff, v48;
	v48 =	vor.u32 s24, v42  }
0x3a2: {  	[tilespmem:v30+s10+$0x0] =	vst.idx.msk $0xffff, v38;
	v30 =	vor.u32 s24, v43  }
0x3a3: {  	[tilespmem:v31+s10+$0x0] =	vst.idx.msk $0xffff, v22;
	v31 =	vor.u32 s24, v44  }
0x3a4: {  	v50 =	vor.u32 s24, v45;
	[tilespmem:v36+s10+$0x0] =	vst.idx.msk $0xffff, v21  }
0x3a5: {  	[tilespmem:v37+s10+$0x0] =	vst.idx.msk $0xffff, v49  }
0x3a6: {  	[tilespmem:v48+s10+$0x0] =	vst.idx.msk $0xffff, v23  }
0x3a7: {  	[tilespmem:v30+s10+$0x0] =	vst.idx.msk $0xffff, v29  }
0x3a8: {  	[tilespmem:v31+s10+$0x0] =	vst.idx.msk $0xffff, v53  }
0x3a9: {  	[tilespmem:v50+s10+$0x0] =	vst.idx.msk $0xffff, v20;
	v20 =	vld [tilespmem:$0x1FCF0];
	_ =	sdelay $0x2  }
0x3aa: {  	v51 =	vor.u32 s24, v46  }
0x3ab: {  	v52 =	vor.u32 s24, v47  }
0x3ac: {  	v30 =	vor.u32 s24, v28;
	v53 =	vor.u32 s11, v20;
	v20 =	vld [tilespmem:$0x1FD50];
	_ =	sdelay $0x2  }
0x3ad: {  	[tilespmem:v51+s10+$0x0] =	vst.idx.msk $0xffff, v27  }
0x3ae: {  	[tilespmem:v52+s10+$0x0] =	vst.idx.msk $0xffff, v25  }
0x3af: {  	[tilespmem:v30+s10+$0x0] =	vst.idx.msk $0xffff, v24;
	v30 =	vor.u32 s11, v20;
	v20 =	vld [tilespmem:$0x1FD60];
	_ =	sdelay $0x4  }
0x3b0: {  	v37 =	vor.u32 s11, v20;
	v20 =	vld [tilespmem:$0x1FC10];
	_ =	sdelay $0x4  }
0x3b1: {  	v36 =	vor.u32 s11, v20;
	v20 =	vld [tilespmem:$0x1FCA0];
	_ =	sdelay $0x4  }
0x3b2: {  	v35 =	vor.u32 s11, v20;
	v20 =	vld [tilespmem:$0x1FCD0];
	_ =	sdelay $0x2  }
0x3b3: {  	v31 =	vor.u32 s24, v39;
	_ =	sdelay $0x1  }
0x3b4: {  	v34 =	vor.u32 s11, v20;
	v20 =	vld [tilespmem:$0x1FBD0]  }
0x3b5: {  	s19 =	sshll.u32 s3, $0x5  }
0x3b6: {  	s21 =	simm.s32 $0x30;
	s22 =	simm.s32 $0x0;
	s25 =	sor.u32 s6, s19  }
0x3b7: {  	s20 =	smin.u32 s25, $0x1E83;
	s17 =	sor.u32 $0x400, s9;
	s18 =	sor.u32 $0x800, s9;
	v22 =	vmov v41;
	[tilespmem:v31+s10+$0x0] =	vst.idx.msk $0xffff, v26  }
0x3b8: {  	s16 =	sor.u32 $0xC00, s9;
	s14 =	sor.u32 $0x1000, s9;
	s15 =	sor.u32 $0x1400, s9;
	v21 =	vmovc v40;
	v23 =	vmovc v42;
	v29 =	vmov v28;
	v28 =	vmov v47;
	v27 =	vmov v46;
	v32 =	vld.idx.msk [tilespmem:v53+s9+$0x0], $0xffff  }
0x3b9: {  	s13 =	sor.u32 $0x1800, s9;
	s12 =	sor.u32 $0x1C00, s9;
	s24 =	simm.s32 $0x10;
	v25 =	vmovc v44;
	v24 =	vmovc v43;
	v26 =	vmov v45;
	v33 =	vor.u32 s11, v20;
	v20 =	vmov v19;
	v19 =	vld [tilespmem:$0x1FEF0]  }
.LBB2_3:
0x3ba: {  	v12 =	vld [tilespmem:$0x1FD50];
	_ =	sdelay $0x4  }
0x3bb: {  	v38 =	vor.u32 s24, v12;
	v12 =	vld [tilespmem:$0x1FC30];
	_ =	sdelay $0x4  }
0x3bc: {  	v39 =	vor.u32 s22, v12;
	v12 =	vld [tilespmem:$0x1FBE0];
	_ =	sdelay $0x4  }
0x3bd: {  	v40 =	vor.u32 s22, v12;
	v12 =	vld [tilespmem:$0x1FBC0];
	_ =	sdelay $0x4  }
0x3be: {  	v42 =	vor.u32 s22, v12;
	v12 =	vld [tilespmem:$0x1FD00];
	_ =	sdelay $0x4  }
0x3bf: {  	v43 =	vor.u32 s22, v12;
	v12 =	vld [tilespmem:$0x1FD30];
	_ =	sdelay $0x4  }
0x3c0: {  	v53 =	vor.u32 s22, v12;
	v12 =	vld [tilespmem:$0x1FC40];
	_ =	sdelay $0x4  }
0x3c1: {  	v45 =	vor.u32 s22, v12;
	v12 =	vld [tilespmem:$0x1FC90];
	_ =	sdelay $0x3  }
0x3c2: {  	v37 =	vld.idx.msk [tilespmem:v37+s9+$0x0], $0xffff  }
0x3c3: {  	v46 =	vor.u32 s22, v12;
	v12 =	vld [tilespmem:$0x1FC70]  }
0x3c4: {  	v36 =	vld.idx.msk [tilespmem:v36+s9+$0x0], $0xffff;
	v31 =	vor.u32 $0x1800, v19  }
0x3c5: {  	v35 =	vld.idx.msk [tilespmem:v35+s9+$0x0], $0xffff;
	v41 =	vor.u32 s22, v31  }
0x3c6: {  	v34 =	vld.idx.msk [tilespmem:v34+s9+$0x0], $0xffff  }
0x3c7: {  	v33 =	vld.idx.msk [tilespmem:v33+s9+$0x0], $0xffff  }
0x3c8: {  	v47 =	vor.u32 s22, v12;
	v12 =	vld [tilespmem:$0x1FF60]  }
0x3c9: {  	v44 =	vld.idx.msk [tilespmem:v30+s9+$0x0], $0xffff  }
0x3ca: {  	v41 =	vld.idx.msk [tilespmem:v41+s9+$0x0], $0xffff  }
0x3cb: {  	v30 =	vmov v38;
	v38 =	vld.idx.msk [tilespmem:v39+s9+$0x0], $0xffff  }
0x3cc: {  	v40 =	vld.idx.msk [tilespmem:v40+s9+$0x0], $0xffff  }
0x3cd: {  	v42 =	vld.idx.msk [tilespmem:v42+s9+$0x0], $0xffff;
	v48 =	vor.u32 s21, v12  }
0x3ce: {  	v49 =	vor.u32 s21, v15;
	v43 =	vld.idx.msk [tilespmem:v43+s9+$0x0], $0xffff  }
0x3cf: {  	v50 =	vor.u32 s21, v16;
	v39 =	vld.idx.msk [tilespmem:v53+s9+$0x0], $0xffff  }
0x3d0: {  	v51 =	vor.u32 s21, v17;
	v45 =	vld.idx.msk [tilespmem:v45+s9+$0x0], $0xffff  }
0x3d1: {  	v52 =	vor.u32 s21, v18;
	v19 =	vmov v18;
	v46 =	vld.idx.msk [tilespmem:v46+s9+$0x0], $0xffff  }
0x3d2: {  	v18 =	vmovc v17;
	v17 =	vmov v16;
	v16 =	vmov v15;
	v53 =	vor.u32 s21, v20;
	v47 =	vld.idx.msk [tilespmem:v47+s9+$0x0], $0xffff;
	[tilespmem:v48+s10+$0x0] =	vst.idx.msk $0xffff, v41  }
0x3d3: {  	v15 =	vmovc v11;
	v11 =	vmovc v14;
	v14 =	vmov v13;
	v13 =	vmov v10;
	v41 =	vor.u32 s21, v21;
	[tilespmem:v49+s10+$0x0] =	vst.idx.msk $0xffff, v42  }
0x3d4: {  	v10 =	vmovc v9;
	v9 =	vmovc v8;
	v8 =	vmov v7;
	v7 =	vmov v6;
	v42 =	vor.u32 s21, v22;
	[tilespmem:v50+s10+$0x0] =	vst.idx.msk $0xffff, v33  }
0x3d5: {  	v6 =	vmovc v5;
	v5 =	vmovc v4;
	v4 =	vmov v3;
	v3 =	vmov v2;
	v33 =	vor.u32 s21, v23;
	[tilespmem:v51+s10+$0x0] =	vst.idx.msk $0xffff, v40  }
0x3d6: {  	v2 =	vmovc v1;
	v1 =	vmovc v0;
	v0 =	vmov v63;
	v63 =	vmov v62;
	v40 =	vor.u32 s21, v24;
	[tilespmem:v52+s10+$0x0] =	vst.idx.msk $0xffff, v36  }
0x3d7: {  	v62 =	vmovc v61;
	v61 =	vmovc v60;
	v60 =	vmov v59;
	v59 =	vmov v58;
	v36 =	vor.u32 s21, v25;
	[tilespmem:v53+s10+$0x0] =	vst.idx.msk $0xffff, v38;
	v53 =	vld [tilespmem:$0x1FFF0]  }
0x3d8: {  	v49 =	vor.u32 s21, v26;
	[tilespmem:v41+s10+$0x0] =	vst.idx.msk $0xffff, v45  }
0x3d9: {  	v50 =	vor.u32 s21, v27;
	[tilespmem:v42+s10+$0x0] =	vst.idx.msk $0xffff, v47  }
0x3da: {  	v58 =	vmov v59;
	v59 =	vmov v60;
	v42 =	vor.u32 s21, v28;
	[tilespmem:v33+s10+$0x0] =	vst.idx.msk $0xffff, v46  }
0x3db: {  	s7 =	smov.u32 s24;
	v60 =	vmovc v61;
	v61 =	vmovc v62;
	v62 =	vmov v63;
	v63 =	vmov v0;
	v45 =	vor.u32 s21, v29;
	[tilespmem:v40+s10+$0x0] =	vst.idx.msk $0xffff, v35  }
0x3dc: {  	v0 =	vmovc v1;
	v1 =	vmovc v2;
	v2 =	vmov v3;
	v3 =	vmov v4;
	s22 =	smov.u32 s7;
	v46 =	vor.u32 s21, v53;
	[tilespmem:v36+s10+$0x0] =	vst.idx.msk $0xffff, v34  }
0x3dd: {  	v4 =	vmov v5;
	v5 =	vmov v6;
	v47 =	vor.u32 s22, v3;
	[tilespmem:v49+s10+$0x0] =	vst.idx.msk $0xffff, v32  }
0x3de: {  	v6 =	vmovc v7;
	v7 =	vmovc v8;
	v8 =	vmov v9;
	v9 =	vmov v10;
	v49 =	vor.u32 s22, v2;
	[tilespmem:v50+s10+$0x0] =	vst.idx.msk $0xffff, v43  }
0x3df: {  	v10 =	vmovc v13;
	v13 =	vmovc v14;
	v14 =	vmov v11;
	v11 =	vmov v15;
	v51 =	vor.u32 s22, v0;
	[tilespmem:v42+s10+$0x0] =	vst.idx.msk $0xffff, v39  }
0x3e0: {  	v15 =	vmovc v16;
	v16 =	vmovc v17;
	v17 =	vmov v18;
	v18 =	vmov v19;
	v19 =	vld [tilespmem:$0x1FEF0];
	v52 =	vor.u32 s22, v59;
	[tilespmem:v45+s10+$0x0] =	vst.idx.msk $0xffff, v44  }
0x3e1: {  	v48 =	vld [tilespmem:$0x1FAC0];
	v50 =	vor.u32 s22, v1;
	[tilespmem:v46+s10+$0x0] =	vst.idx.msk $0xffff, v37  }
0x3e2: {  	v39 =	vor.u32 s22, v60;
	v34 =	vld.idx.msk [tilespmem:v47+s9+$0x0], $0xffff  }
0x3e3: {  	v45 =	vor.u32 s22, v63;
	v32 =	vld.idx.msk [tilespmem:v49+s9+$0x0], $0xffff  }
0x3e4: {  	v44 =	vor.u32 s22, v54;
	v38 =	vld.idx.msk [tilespmem:v51+s9+$0x0], $0xffff  }
0x3e5: {  	v47 =	vor.u32 s22, v61;
	v40 =	vld.idx.msk [tilespmem:v52+s9+$0x0], $0xffff  }
0x3e6: {  	v49 =	vor.u32 s22, v58;
	v36 =	vld.idx.msk [tilespmem:v50+s9+$0x0], $0xffff  }
0x3e7: {  	v50 =	vor.u32 s22, v19;
	v39 =	vld.idx.msk [tilespmem:v39+s9+$0x0], $0xffff  }
0x3e8: {  	v51 =	vor.u32 s22, v48;
	v33 =	vld.idx.msk [tilespmem:v45+s9+$0x0], $0xffff  }
0x3e9: {  	v46 =	vor.u32 s22, v62;
	v44 =	vld.idx.msk [tilespmem:v44+s9+$0x0], $0xffff  }
0x3ea: {  	v45 =	vor.u32 s22, v55;
	v37 =	vld.idx.msk [tilespmem:v47+s9+$0x0], $0xffff  }
0x3eb: {  	s11 =	sadd.s32 $0x400, s11;
	v52 =	vor.u32 s22, v56;
	v41 =	vld.idx.msk [tilespmem:v49+s9+$0x0], $0xffff  }
0x3ec: {  	v48 =	vor.u32 s11, v12;
	v47 =	vor.u32 s22, v57;
	v42 =	vld.idx.msk [tilespmem:v50+s9+$0x0], $0xffff  }
0x3ed: {  	v43 =	vld.idx.msk [tilespmem:v51+s9+$0x0], $0xffff;
	v49 =	vor.u32 s11, v15  }
0x3ee: {  	v35 =	vld.idx.msk [tilespmem:v46+s9+$0x0], $0xffff;
	v50 =	vor.u32 s11, v16  }
0x3ef: {  	v51 =	vor.u32 s11, v17;
	v45 =	vld.idx.msk [tilespmem:v45+s9+$0x0], $0xffff  }
0x3f0: {  	v46 =	vld.idx.msk [tilespmem:v52+s9+$0x0], $0xffff;
	v52 =	vor.u32 s11, v18  }
0x3f1: {  	v47 =	vld.idx.msk [tilespmem:v47+s9+$0x0], $0xffff;
	[tilespmem:v48+s10+$0x0] =	vst.idx.msk $0xffff, v42;
	v48 =	vor.u32 s11, v20  }
0x3f2: {  	[tilespmem:v49+s10+$0x0] =	vst.idx.msk $0xffff, v43;
	v49 =	vor.u32 s11, v21  }
0x3f3: {  	[tilespmem:v50+s10+$0x0] =	vst.idx.msk $0xffff, v44;
	v50 =	vor.u32 s11, v22  }
0x3f4: {  	[tilespmem:v51+s10+$0x0] =	vst.idx.msk $0xffff, v45;
	v51 =	vor.u32 s11, v23  }
0x3f5: {  	[tilespmem:v52+s10+$0x0] =	vst.idx.msk $0xffff, v46;
	v52 =	vor.u32 s11, v24  }
0x3f6: {  	[tilespmem:v48+s10+$0x0] =	vst.idx.msk $0xffff, v47;
	v47 =	vor.u32 s11, v25  }
0x3f7: {  	v42 =	vld [tilespmem:$0x1FB00];
	v48 =	vor.u32 s11, v26;
	[tilespmem:v49+s10+$0x0] =	vst.idx.msk $0xffff, v41  }
0x3f8: {  	v49 =	vor.u32 s11, v27;
	[tilespmem:v50+s10+$0x0] =	vst.idx.msk $0xffff, v40  }
0x3f9: {  	v50 =	vor.u32 s11, v28;
	[tilespmem:v51+s10+$0x0] =	vst.idx.msk $0xffff, v39  }
0x3fa: {  	v51 =	vor.u32 s11, v29;
	[tilespmem:v52+s10+$0x0] =	vst.idx.msk $0xffff, v37  }
0x3fb: {  	v43 =	vld [tilespmem:$0x1FAF0];
	v52 =	vor.u32 s11, v53;
	[tilespmem:v47+s10+$0x0] =	vst.idx.msk $0xffff, v35  }
0x3fc: {  	[tilespmem:v48+s10+$0x0] =	vst.idx.msk $0xffff, v33;
	v33 =	vor.u32 s22, v42  }
0x3fd: {  	v45 =	vor.u32 s22, v13;
	[tilespmem:v49+s10+$0x0] =	vst.idx.msk $0xffff, v38  }
0x3fe: {  	v44 =	vld [tilespmem:$0x1FAE0];
	v47 =	vor.u32 s22, v11;
	[tilespmem:v50+s10+$0x0] =	vst.idx.msk $0xffff, v36  }
0x3ff: {  	v46 =	vld [tilespmem:$0x1FAD0];
	v48 =	vor.u32 s22, v4;
	[tilespmem:v51+s10+$0x0] =	vst.idx.msk $0xffff, v32  }
0x400: {  	v38 =	vor.u32 s22, v43;
	v49 =	vld [tilespmem:$0x1FEE0];
	[tilespmem:v52+s10+$0x0] =	vst.idx.msk $0xffff, v34  }
0x401: {  	v51 =	vor.u32 s22, v6;
	v33 =	vld.idx.msk [tilespmem:v33+s9+$0x0], $0xffff  }
0x402: {  	v32 =	vld.idx.msk [tilespmem:v45+s9+$0x0], $0xffff  }
0x403: {  	v36 =	vor.u32 s22, v44;
	v35 =	vld.idx.msk [tilespmem:v47+s9+$0x0], $0xffff  }
0x404: {  	v50 =	vor.u32 s22, v7;
	v41 =	vld.idx.msk [tilespmem:v48+s9+$0x0], $0xffff  }
0x405: {  	v44 =	vor.u32 s22, v10;
	v38 =	vld.idx.msk [tilespmem:v38+s9+$0x0], $0xffff  }
0x406: {  	v52 =	vor.u32 s22, v5;
	v39 =	vld.idx.msk [tilespmem:v51+s9+$0x0], $0xffff  }
0x407: {  	v42 =	vor.u32 s22, v49;
	v51 =	vld [tilespmem:$0x1FB10]  }
0x408: {  	v34 =	vor.u32 s22, v46;
	v36 =	vld.idx.msk [tilespmem:v36+s9+$0x0], $0xffff  }
0x409: {  	v37 =	vld.idx.msk [tilespmem:v50+s9+$0x0], $0xffff;
	v50 =	vor.u32 s22, v8  }
0x40a: {  	s25 =	sadd.s32 $0x30, s11;
	v47 =	vor.u32 s22, v9;
	v44 =	vld.idx.msk [tilespmem:v44+s9+$0x0], $0xffff  }
0x40b: {  	s21 =	smov.u32 s25;
	s25 =	sadd.s32 $0x10, s11;
	v40 =	vld.idx.msk [tilespmem:v52+s9+$0x0], $0xffff;
	v52 =	vor.u32 s22, v14  }
0x40c: {  	v48 =	vor.u32 s25, v12;
	v42 =	vld.idx.msk [tilespmem:v42+s9+$0x0], $0xffff;
	v45 =	vor.u32 s22, v51  }
0x40d: {  	v49 =	vor.u32 s25, v15;
	v34 =	vld.idx.msk [tilespmem:v34+s9+$0x0], $0xffff  }
0x40e: {  	v43 =	vld.idx.msk [tilespmem:v50+s9+$0x0], $0xffff;
	v50 =	vor.u32 s25, v16  }
0x40f: {  	v47 =	vld.idx.msk [tilespmem:v47+s9+$0x0], $0xffff;
	v51 =	vor.u32 s25, v17  }
0x410: {  	v46 =	vld.idx.msk [tilespmem:v52+s9+$0x0], $0xffff;
	v52 =	vor.u32 s25, v18  }
0x411: {  	v45 =	vld.idx.msk [tilespmem:v45+s9+$0x0], $0xffff;
	[tilespmem:v48+s10+$0x0] =	vst.idx.msk $0xffff, v42;
	v42 =	vor.u32 s25, v20  }
0x412: {  	[tilespmem:v49+s10+$0x0] =	vst.idx.msk $0xffff, v41;
	v41 =	vor.u32 s25, v21  }
0x413: {  	v48 =	vor.u32 s25, v22;
	[tilespmem:v50+s10+$0x0] =	vst.idx.msk $0xffff, v40  }
0x414: {  	v49 =	vor.u32 s25, v23;
	v40 =	vld [tilespmem:$0x1FB60];
	[tilespmem:v51+s10+$0x0] =	vst.idx.msk $0xffff, v39  }
0x415: {  	v50 =	vor.u32 s25, v24;
	v39 =	vld [tilespmem:$0x1FFE0];
	[tilespmem:v52+s10+$0x0] =	vst.idx.msk $0xffff, v37  }
0x416: {  	v51 =	vor.u32 s25, v25;
	[tilespmem:v42+s10+$0x0] =	vst.idx.msk $0xffff, v43;
	v42 =	vld [tilespmem:$0x1FB20]  }
0x417: {  	v52 =	vor.u32 s25, v26;
	v43 =	vld [tilespmem:$0x1FF90];
	[tilespmem:v41+s10+$0x0] =	vst.idx.msk $0xffff, v47  }
0x418: {  	v47 =	vor.u32 s25, v27;
	v41 =	vld [tilespmem:$0x1FFB0];
	[tilespmem:v48+s10+$0x0] =	vst.idx.msk $0xffff, v44  }
0x419: {  	v48 =	vor.u32 s25, v28;
	v44 =	vld [tilespmem:$0x1FFA0];
	[tilespmem:v49+s10+$0x0] =	vst.idx.msk $0xffff, v32  }
0x41a: {  	v49 =	vor.u32 s25, v29;
	[tilespmem:v50+s10+$0x0] =	vst.idx.msk $0xffff, v46;
	v46 =	vld [tilespmem:$0x1FF70]  }
0x41b: {  	v50 =	vor.u32 s25, v53;
	[tilespmem:v51+s10+$0x0] =	vst.idx.msk $0xffff, v35;
	v51 =	vld [tilespmem:$0x1FBB0]  }
0x41c: {  	[tilespmem:v52+s10+$0x0] =	vst.idx.msk $0xffff, v34;
	v52 =	vld [tilespmem:$0x1FBA0]  }
0x41d: {  	[tilespmem:v47+s10+$0x0] =	vst.idx.msk $0xffff, v36;
	v47 =	vld [tilespmem:$0x1FF00]  }
0x41e: {  	v32 =	vor.u32 s22, v39;
	[tilespmem:v48+s10+$0x0] =	vst.idx.msk $0xffff, v38;
	v48 =	vld [tilespmem:$0x1FB70]  }
0x41f: {  	v35 =	vor.u32 s22, v41;
	[tilespmem:v49+s10+$0x0] =	vst.idx.msk $0xffff, v33;
	v49 =	vld [tilespmem:$0x1FB40]  }
0x420: {  	v37 =	vor.u32 s22, v42;
	[tilespmem:v50+s10+$0x0] =	vst.idx.msk $0xffff, v45;
	v45 =	vld [tilespmem:$0x1FF80]  }
0x421: {  	v50 =	vld [tilespmem:$0x1FFD0]  }
0x422: {  	v38 =	vor.u32 s22, v43;
	v34 =	vor.u32 s22, v51;
	v51 =	vld [tilespmem:$0x1FFC0]  }
0x423: {  	v33 =	vor.u32 s22, v40;
	v32 =	vld.idx.msk [tilespmem:v32+s9+$0x0], $0xffff  }
0x424: {  	v41 =	vor.u32 s22, v46;
	v35 =	vld.idx.msk [tilespmem:v35+s9+$0x0], $0xffff  }
0x425: {  	v37 =	vld.idx.msk [tilespmem:v37+s9+$0x0], $0xffff  }
0x426: {  	v36 =	vor.u32 s22, v52;
	v52 =	vld [tilespmem:$0x1FB90]  }
0x427: {  	v42 =	vor.u32 s22, v47;
	v38 =	vld.idx.msk [tilespmem:v38+s9+$0x0], $0xffff  }
0x428: {  	v43 =	vor.u32 s22, v48;
	v33 =	vld.idx.msk [tilespmem:v33+s9+$0x0], $0xffff  }
0x429: {  	v41 =	vld.idx.msk [tilespmem:v41+s9+$0x0], $0xffff;
	v40 =	vor.u32 s22, v45  }
0x42a: {  	v34 =	vld.idx.msk [tilespmem:v34+s9+$0x0], $0xffff;
	v45 =	vor.u32 s22, v50  }
0x42b: {  	v46 =	vor.u32 s22, v51;
	v39 =	vld.idx.msk [tilespmem:v36+s9+$0x0], $0xffff  }
0x42c: {  	v36 =	vor.u32 s22, v44;
	v42 =	vld.idx.msk [tilespmem:v42+s9+$0x0], $0xffff  }
0x42d: {  	s25 =	sadd.s32 $0x20, s11;
	v44 =	vor.u32 s22, v49;
	v43 =	vld.idx.msk [tilespmem:v43+s9+$0x0], $0xffff  }
0x42e: {  	v48 =	vor.u32 s25, v12;
	v47 =	vor.u32 s22, v52;
	v40 =	vld.idx.msk [tilespmem:v40+s9+$0x0], $0xffff  }
0x42f: {  	v49 =	vor.u32 s25, v15;
	v45 =	vld.idx.msk [tilespmem:v45+s9+$0x0], $0xffff  }
0x430: {  	v50 =	vor.u32 s25, v16;
	v46 =	vld.idx.msk [tilespmem:v46+s9+$0x0], $0xffff  }
0x431: {  	v51 =	vor.u32 s25, v17;
	v36 =	vld.idx.msk [tilespmem:v36+s9+$0x0], $0xffff  }
0x432: {  	v52 =	vor.u32 s25, v18;
	v44 =	vld.idx.msk [tilespmem:v44+s9+$0x0], $0xffff  }
0x433: {  	v47 =	vld.idx.msk [tilespmem:v47+s9+$0x0], $0xffff;
	[tilespmem:v48+s10+$0x0] =	vst.idx.msk $0xffff, v42;
	v42 =	vor.u32 s25, v20  }
0x434: {  	v48 =	vor.u32 s25, v21;
	[tilespmem:v49+s10+$0x0] =	vst.idx.msk $0xffff, v41  }
0x435: {  	v49 =	vor.u32 s25, v22;
	[tilespmem:v50+s10+$0x0] =	vst.idx.msk $0xffff, v40  }
0x436: {  	v50 =	vor.u32 s25, v23;
	[tilespmem:v51+s10+$0x0] =	vst.idx.msk $0xffff, v38  }
0x437: {  	v51 =	vor.u32 s25, v24;
	[tilespmem:v52+s10+$0x0] =	vst.idx.msk $0xffff, v36  }
0x438: {  	v12 =	vld [tilespmem:$0x1FCF0];
	v52 =	vor.u32 s25, v25;
	[tilespmem:v42+s10+$0x0] =	vst.idx.msk $0xffff, v35  }
0x439: {  	[tilespmem:v48+s10+$0x0] =	vst.idx.msk $0xffff, v37  }
0x43a: {  	[tilespmem:v49+s10+$0x0] =	vst.idx.msk $0xffff, v44  }
0x43b: {  	[tilespmem:v50+s10+$0x0] =	vst.idx.msk $0xffff, v33  }
0x43c: {  	[tilespmem:v51+s10+$0x0] =	vst.idx.msk $0xffff, v43  }
0x43d: {  	[tilespmem:v52+s10+$0x0] =	vst.idx.msk $0xffff, v47;
	v52 =	vor.u32 s25, v53;
	v53 =	vor.u32 s22, v12;
	v12 =	vld [tilespmem:$0x1FD60];
	_ =	sdelay $0x4  }
0x43e: {  	v37 =	vor.u32 s22, v12;
	v12 =	vld [tilespmem:$0x1FC10];
	_ =	sdelay $0x4  }
0x43f: {  	v36 =	vor.u32 s22, v12;
	v12 =	vld [tilespmem:$0x1FCA0]  }
0x440: {  	v48 =	vor.u32 s25, v26  }
0x441: {  	v49 =	vor.u32 s25, v27  }
0x442: {  	v50 =	vor.u32 s25, v28  }
0x443: {  	v51 =	vor.u32 s25, v29  }
0x444: {  	v35 =	vor.u32 s22, v12;
	v12 =	vld [tilespmem:$0x1FCD0]  }
0x445: {  	[tilespmem:v48+s10+$0x0] =	vst.idx.msk $0xffff, v46  }
0x446: {  	[tilespmem:v49+s10+$0x0] =	vst.idx.msk $0xffff, v45  }
0x447: {  	[tilespmem:v50+s10+$0x0] =	vst.idx.msk $0xffff, v32  }
0x448: {  	[tilespmem:v51+s10+$0x0] =	vst.idx.msk $0xffff, v39  }
0x449: {  	p0 =	sne.s32 s24, $0x70;
	[tilespmem:v52+s10+$0x0] =	vst.idx.msk $0xffff, v34;
	v34 =	vor.u32 s22, v12;
	v12 =	vld [tilespmem:$0x1FBD0]  }
.Ltmp0:
0x44a: {  	_ = 	snop;
	(pc) =	sbr.rel @p0 .LBB2_3-.Ltmp0, $2  }
0x44b: {  	_ =	sdelay $0x2  }
0x44c: {  	s24 =	sadd.s32 $0x10, s24;
	v32 =	vld.idx.msk [tilespmem:v53+s9+$0x0], $0xffff;
	v33 =	vor.u32 s22, v12  }
0x44d: {  	v12 =	vld [tilespmem:$0x1FC30];
	_ =	sdelay $0x4  }
0x44e: {  	v38 =	vor.u32 s22, v12;
	v12 =	vld [tilespmem:$0x1FBE0];
	_ =	sdelay $0x4  }
0x44f: {  	v39 =	vor.u32 s22, v12;
	v12 =	vld [tilespmem:$0x1FBC0];
	_ =	sdelay $0x4  }
0x450: {  	v40 =	vor.u32 s22, v12;
	v12 =	vld [tilespmem:$0x1FD00];
	_ =	sdelay $0x4  }
0x451: {  	v41 =	vor.u32 s22, v12;
	v12 =	vld [tilespmem:$0x1FD30];
	_ =	sdelay $0x4  }
0x452: {  	v42 =	vor.u32 s22, v12;
	v12 =	vld [tilespmem:$0x1FC40];
	_ =	sdelay $0x4  }
0x453: {  	v43 =	vor.u32 s22, v12;
	v12 =	vld [tilespmem:$0x1FC90];
	_ =	sdelay $0x3  }
0x454: {  	v37 =	vld.idx.msk [tilespmem:v37+s9+$0x0], $0xffff  }
0x455: {  	v44 =	vor.u32 s22, v12;
	v12 =	vld [tilespmem:$0x1FC70]  }
0x456: {  	v36 =	vld.idx.msk [tilespmem:v36+s9+$0x0], $0xffff  }
0x457: {  	v35 =	vld.idx.msk [tilespmem:v35+s9+$0x0], $0xffff;
	v31 =	vor.u32 s22, v31  }
0x458: {  	v34 =	vld.idx.msk [tilespmem:v34+s9+$0x0], $0xffff  }
0x459: {  	v33 =	vld.idx.msk [tilespmem:v33+s9+$0x0], $0xffff  }
0x45a: {  	v45 =	vor.u32 s22, v12;
	v12 =	vld [tilespmem:$0x1FF60]  }
0x45b: {  	v30 =	vld.idx.msk [tilespmem:v30+s9+$0x0], $0xffff  }
0x45c: {  	v31 =	vld.idx.msk [tilespmem:v31+s9+$0x0], $0xffff  }
0x45d: {  	v38 =	vld.idx.msk [tilespmem:v38+s9+$0x0], $0xffff  }
0x45e: {  	v39 =	vld.idx.msk [tilespmem:v39+s9+$0x0], $0xffff  }
0x45f: {  	v40 =	vld.idx.msk [tilespmem:v40+s9+$0x0], $0xffff;
	v46 =	vor.u32 s21, v12  }
0x460: {  	v47 =	vor.u32 s21, v15;
	v41 =	vld.idx.msk [tilespmem:v41+s9+$0x0], $0xffff  }
0x461: {  	v48 =	vor.u32 s21, v16;
	v42 =	vld.idx.msk [tilespmem:v42+s9+$0x0], $0xffff  }
0x462: {  	v49 =	vor.u32 s21, v17;
	v43 =	vld.idx.msk [tilespmem:v43+s9+$0x0], $0xffff  }
0x463: {  	v50 =	vor.u32 s21, v18;
	v44 =	vld.idx.msk [tilespmem:v44+s9+$0x0], $0xffff  }
0x464: {  	v51 =	vor.u32 s21, v20;
	v45 =	vld.idx.msk [tilespmem:v45+s9+$0x0], $0xffff;
	[tilespmem:v46+s10+$0x0] =	vst.idx.msk $0xffff, v31  }
0x465: {  	v31 =	vor.u32 s21, v21;
	[tilespmem:v47+s10+$0x0] =	vst.idx.msk $0xffff, v40  }
0x466: {  	v46 =	vor.u32 s21, v22;
	[tilespmem:v48+s10+$0x0] =	vst.idx.msk $0xffff, v33  }
0x467: {  	v47 =	vor.u32 s21, v23;
	[tilespmem:v49+s10+$0x0] =	vst.idx.msk $0xffff, v39  }
0x468: {  	v48 =	vor.u32 s21, v24;
	[tilespmem:v50+s10+$0x0] =	vst.idx.msk $0xffff, v36  }
0x469: {  	v49 =	vor.u32 s21, v25;
	v39 =	vld [tilespmem:$0x1FFF0];
	[tilespmem:v51+s10+$0x0] =	vst.idx.msk $0xffff, v38  }
0x46a: {  	v50 =	vor.u32 s21, v26;
	[tilespmem:v31+s10+$0x0] =	vst.idx.msk $0xffff, v43  }
0x46b: {  	v31 =	vor.u32 s21, v27;
	[tilespmem:v46+s10+$0x0] =	vst.idx.msk $0xffff, v45  }
0x46c: {  	v51 =	vor.u32 s21, v28;
	[tilespmem:v47+s10+$0x0] =	vst.idx.msk $0xffff, v44  }
0x46d: {  	v52 =	vor.u32 s21, v29;
	[tilespmem:v48+s10+$0x0] =	vst.idx.msk $0xffff, v35  }
0x46e: {  	v53 =	vor.u32 s21, v39;
	[tilespmem:v49+s10+$0x0] =	vst.idx.msk $0xffff, v34  }
0x46f: {  	[tilespmem:v50+s10+$0x0] =	vst.idx.msk $0xffff, v32  }
0x470: {  	[tilespmem:v31+s10+$0x0] =	vst.idx.msk $0xffff, v41  }
0x471: {  	[tilespmem:v51+s10+$0x0] =	vst.idx.msk $0xffff, v42  }
0x472: {  	s7 =	sshll.u32 s20, $0xA;
	[tilespmem:v52+s10+$0x0] =	vst.idx.msk $0xffff, v30  }
0x473: {  	s8 =	sadd.s32 $0x3, s8;
	p0 =	sgt.u32 s3, $0xF2;
	s7 =	sadd.s32 s4, s7;
	[tilespmem:v53+s10+$0x0] =	vst.idx.msk $0xffff, v37  }
0x474: {  	[hbm4b:s7+s5] =	stream.linear.scatter [tilespmem:s10], [sflag:s8], $0x2000, $0x38;
	[tilespmem:$0xA000] =	vst v63  }
0x475: {  	s7 =	sadd.s32 @!p0 s23, s19  }
0x476: {  	s7 =	smin.u32 @!p0 s7, $0x1E83  }
0x477: {  	s7 =	sshll.u32 @!p0 s7, $0x7  }
0x478: {  	s8 =	simm.s32 @!p0 $0x0;
	s7 =	sadd.s32 @!p0 s0, s7  }
0x479: {  	[tilespmem:s9], [sflag:s2] =	stream.linear.gather @!p0 [hbm4b:s7+s8], $0x400, $0x38;
	[tilespmem:$0xA000] =	vst v63  }
0x47a: {  	s9 =	sadd.s32 @!p0 $0xF4280, s7  }
0x47b: {  	[tilespmem:s17], [sflag:s2] =	stream.linear.gather @!p0 [hbm4b:s9+s8], $0x400, $0x38;
	[tilespmem:$0xA000] =	vst v63  }
0x47c: {  	s9 =	sadd.s32 @!p0 $0x1E8500, s7  }
0x47d: {  	[tilespmem:s18], [sflag:s2] =	stream.linear.gather @!p0 [hbm4b:s9+s8], $0x400, $0x38;
	[tilespmem:$0xA000] =	vst v63  }
0x47e: {  	s9 =	sadd.s32 @!p0 $0x2DC780, s7  }
0x47f: {  	[tilespmem:s16], [sflag:s2] =	stream.linear.gather @!p0 [hbm4b:s9+s8], $0x400, $0x38;
	[tilespmem:$0xA000] =	vst v63  }
0x480: {  	s9 =	sadd.s32 @!p0 $0x3D0A00, s7  }
0x481: {  	v38 =	vld [tilespmem:$0x1FB70];
	[tilespmem:s14], [sflag:s2] =	stream.linear.gather @!p0 [hbm4b:s9+s8], $0x400, $0x38  }
0x482: {  	v43 =	vmov v24;
	v24 =	vld [tilespmem:$0x1FF90];
	s9 =	sadd.s32 @!p0 $0x4C4C80, s7  }
0x483: {  	v45 =	vmov v26;
	v26 =	vld [tilespmem:$0x1FFB0];
	[tilespmem:s15], [sflag:s2] =	stream.linear.gather @!p0 [hbm4b:s9+s8], $0x400, $0x38  }
0x484: {  	v46 =	vmov v27;
	v27 =	vld [tilespmem:$0x1FB20];
	s9 =	sadd.s32 @!p0 $0x5B8F00, s7  }
0x485: {  	v44 =	vmov v25;
	v25 =	vld [tilespmem:$0x1FFA0];
	[tilespmem:s13], [sflag:s2] =	stream.linear.gather @!p0 [hbm4b:s9+s8], $0x400, $0x38  }
0x486: {  	s3 =	sadd.s32 $0x1, s3;
	v47 =	vmov v28;
	v28 =	vmov v29;
	v29 =	vld [tilespmem:$0x1FB40];
	s7 =	sadd.s32 @!p0 $0x6AD180, s7  }
0x487: {  	v48 =	vld [tilespmem:$0x1FB60];
	[tilespmem:s12], [sflag:s2] =	stream.linear.gather @!p0 [hbm4b:s7+s8], $0x400, $0x38  }
0x488: {  	v49 =	vld [tilespmem:$0x1FB90];
	p0 =	sne.s32 s3, $0xF5  }
.Ltmp1:
0x489: {  	v50 =	vld [tilespmem:$0x1FFC0];
	(pc) =	sbr.rel @p0 .LBB2_2-.Ltmp1, $4  }
0x48a: {  	v41 =	vmov v22;
	v22 =	vld [tilespmem:$0x1FF70]  }
0x48b: {  	v42 =	vmov v23;
	v23 =	vld [tilespmem:$0x1FF80]  }
0x48c: {  	v51 =	vld [tilespmem:$0x1FFD0]  }
0x48d: {  	v19 =	vmov v20;
	v40 =	vmov v21;
	v52 =	vld [tilespmem:$0x1FFE0]  }
0x48e: {  	_ =	swait.ge [sflag:s1], $0x2000  }
0x48f: {  	[sflag:s1] =	ssyncset.done $0x0  }
0x490: {  	[sflag:s1] =	ssyncadd.s32 $0xFFFFE000  }
0x491: {  	_ =	swait.ge [sflag:s26], $0x2000  }
0x492: {  	[sflag:s26] =	ssyncset.done $0x0  }
0x493: {  	s2 =	simm.s32 $0x0;
	[sflag:s26] =	ssyncadd.s32 $0xFFFFE000  }
0x494: {  	v26 =	vlaneseq.u32;
	s3 =	sand.u32 $0x30, s2;
	s24 =	rddreg [dreg:$0x1]  }
0x495: {  	v53 =	vmul.u32 $0x80, v26;
	v30 =	vmov s3;
	[tilespmem:s28], [sflag:$0x5] =	stream.linear.gather [hbm4b:s24+s2], $0x2000, $0x38;
	[tilespmem:$0xA000] =	vst v63  }
0x496: {  	s7 =	simm.s32 $0x0;
	v30 =	vshll.u32 v30, $0x7;
	_ =	swait.ge [sflag:s29], $0x2000  }
0x497: {  	v31 =	vor.u32 s7, v26;
	v32 =	vor.u32 v53, v30;
	v12 =	vld [tilespmem:$0x1FF60]  }
0x498: {  	v32 =	vadd.s32 v31, v32;
	v49 =	vld [tilespmem:$0x1FF50];
	_ =	sdelay $0x2  }
0x499: {  	s25 =	simm.s32 $0x0;
	[sflag:s29] =	ssyncset.done $0x0  }
0x49a: {  	s2 =	sor.u32 s3, s25;
	[sflag:s29] =	ssyncadd.s32 $0xFFFFE000  }
0x49b: {  	v32 =	vld.idx.msk [tilespmem:v32+s28+$0x0], $0xffff;
	v33 =	vor.u32 s2, v12;
	v34 =	vor.u32 v49, v30  }
0x49c: {  	v27 =	vld [tilespmem:$0x1FF40];
	v34 =	vadd.s32 v31, v34;
	_ =	sdelay $0x3  }
0x49d: {  	[tilespmem:v33+s30+$0x0] =	vst.idx.msk $0xffff, v32  }
0x49e: {  	v36 =	vor.u32 s2, v15;
	v37 =	vor.u32 v27, v30;
	v32 =	vld.idx.msk [tilespmem:v34+s28+$0x0], $0xffff  }
0x49f: {  	v48 =	vld [tilespmem:$0x1FF30];
	v34 =	vadd.s32 v31, v37;
	_ =	sdelay $0x3  }
0x4a0: {  	[tilespmem:v36+s30+$0x0] =	vst.idx.msk $0xffff, v32  }
0x4a1: {  	v38 =	vor.u32 s2, v16;
	v36 =	vor.u32 v48, v30;
	v32 =	vld.idx.msk [tilespmem:v34+s28+$0x0], $0xffff  }
0x4a2: {  	v25 =	vld [tilespmem:$0x1FEC0];
	v34 =	vadd.s32 v31, v36;
	_ =	sdelay $0x3  }
0x4a3: {  	[tilespmem:v38+s30+$0x0] =	vst.idx.msk $0xffff, v32  }
0x4a4: {  	v37 =	vor.u32 s2, v17;
	v38 =	vor.u32 v25, v30;
	v32 =	vld.idx.msk [tilespmem:v34+s28+$0x0], $0xffff  }
0x4a5: {  	v24 =	vld [tilespmem:$0x1FEB0];
	v34 =	vadd.s32 v31, v38;
	_ =	sdelay $0x3  }
0x4a6: {  	[tilespmem:v37+s30+$0x0] =	vst.idx.msk $0xffff, v32  }
0x4a7: {  	v36 =	vor.u32 s2, v18;
	v37 =	vor.u32 v24, v30;
	v32 =	vld.idx.msk [tilespmem:v34+s28+$0x0], $0xffff  }
0x4a8: {  	v23 =	vld [tilespmem:$0x1FE90];
	v34 =	vadd.s32 v31, v37;
	_ =	sdelay $0x3  }
0x4a9: {  	[tilespmem:v36+s30+$0x0] =	vst.idx.msk $0xffff, v32  }
0x4aa: {  	v38 =	vor.u32 s2, v19;
	v36 =	vor.u32 v23, v30;
	v32 =	vld.idx.msk [tilespmem:v34+s28+$0x0], $0xffff  }
0x4ab: {  	v22 =	vld [tilespmem:$0x1FE60];
	v34 =	vadd.s32 v31, v36;
	_ =	sdelay $0x3  }
0x4ac: {  	[tilespmem:v38+s30+$0x0] =	vst.idx.msk $0xffff, v32  }
0x4ad: {  	v37 =	vor.u32 s2, v40;
	v38 =	vor.u32 v22, v30;
	v32 =	vld.idx.msk [tilespmem:v34+s28+$0x0], $0xffff  }
0x4ae: {  	v21 =	vld [tilespmem:$0x1FE50];
	v34 =	vadd.s32 v31, v38;
	_ =	sdelay $0x3  }
0x4af: {  	[tilespmem:v37+s30+$0x0] =	vst.idx.msk $0xffff, v32  }
0x4b0: {  	v36 =	vor.u32 s2, v41;
	v37 =	vor.u32 v21, v30;
	v32 =	vld.idx.msk [tilespmem:v34+s28+$0x0], $0xffff  }
0x4b1: {  	v34 =	vadd.s32 v31, v37;
	_ =	sdelay $0x3  }
0x4b2: {  	v20 =	vld [tilespmem:$0x1FE30];
	[tilespmem:v36+s30+$0x0] =	vst.idx.msk $0xffff, v32  }
0x4b3: {  	v38 =	vor.u32 s2, v42;
	v32 =	vld.idx.msk [tilespmem:v34+s28+$0x0], $0xffff;
	_ =	sdelay $0x3  }
0x4b4: {  	v36 =	vor.u32 v20, v30  }
0x4b5: {  	v34 =	vadd.s32 v31, v36;
	[tilespmem:v38+s30+$0x0] =	vst.idx.msk $0xffff, v32;
	v38 =	vld [tilespmem:$0x1FE00];
	_ =	sdelay $0x4  }
0x4b6: {  	v33 =	vor.u32 s2, v43;
	v32 =	vld.idx.msk [tilespmem:v34+s28+$0x0], $0xffff;
	v37 =	vor.u32 v38, v30  }
0x4b7: {  	v34 =	vadd.s32 v31, v37;
	v37 =	vld [tilespmem:$0x1FDF0];
	_ =	sdelay $0x3  }
0x4b8: {  	[tilespmem:v33+s30+$0x0] =	vst.idx.msk $0xffff, v32  }
0x4b9: {  	v33 =	vor.u32 s2, v44;
	v32 =	vld.idx.msk [tilespmem:v34+s28+$0x0], $0xffff;
	v36 =	vor.u32 v37, v30  }
0x4ba: {  	v29 =	vld [tilespmem:$0x1FDD0];
	v34 =	vadd.s32 v31, v36;
	_ =	sdelay $0x3  }
0x4bb: {  	[tilespmem:v33+s30+$0x0] =	vst.idx.msk $0xffff, v32  }
0x4bc: {  	v36 =	vor.u32 v29, v30;
	v33 =	vor.u32 s2, v45;
	v32 =	vld.idx.msk [tilespmem:v34+s28+$0x0], $0xffff  }
0x4bd: {  	v12 =	vld [tilespmem:$0x1FDA0];
	v34 =	vadd.s32 v31, v36;
	_ =	sdelay $0x3  }
0x4be: {  	[tilespmem:v33+s30+$0x0] =	vst.idx.msk $0xffff, v32  }
0x4bf: {  	v36 =	vor.u32 v12, v30;
	v33 =	vor.u32 s2, v46;
	v32 =	vld.idx.msk [tilespmem:v34+s28+$0x0], $0xffff  }
0x4c0: {  	v34 =	vadd.s32 v31, v36;
	v36 =	vld [tilespmem:$0x1FF20];
	_ =	sdelay $0x3  }
0x4c1: {  	v35 =	vld [tilespmem:$0x1FF10];
	[tilespmem:v33+s30+$0x0] =	vst.idx.msk $0xffff, v32  }
0x4c2: {  	v33 =	vor.u32 s2, v47;
	v32 =	vld.idx.msk [tilespmem:v34+s28+$0x0], $0xffff;
	v34 =	vor.u32 v36, v30  }
0x4c3: {  	v34 =	vadd.s32 v31, v34;
	_ =	sdelay $0x3  }
0x4c4: {  	s3 =	simm.s32 $0x10;
	v30 =	vor.u32 v35, v30;
	[tilespmem:v33+s30+$0x0] =	vst.idx.msk $0xffff, v32  }
0x4c5: {  	s8 =	simm.s32 $0x1;
	s9 =	simm.s32 $0x2;
	s10 =	sand.u32 $0x30, s3;
	v30 =	vadd.s32 v31, v30;
	v33 =	vor.u32 s2, v28;
	v32 =	vld.idx.msk [tilespmem:v34+s28+$0x0], $0xffff  }
.LBB2_6:
0x4c6: {  	_ =	sdelay $0x2  }
0x4c7: {  	s7 =	sshrl.u32 s8, $0x2;
	v31 =	vmov s10  }
0x4c8: {  	s11 =	sshll.u32 s7, $0x4;
	v31 =	vshll.u32 v31, $0x7;
	[tilespmem:v33+s30+$0x0] =	vst.idx.msk $0xffff, v32  }
0x4c9: {  	v34 =	vor.u32 s2, v39;
	v33 =	vor.u32 v53, v31;
	v32 =	vld.idx.msk [tilespmem:v30+s28+$0x0], $0xffff;
	v30 =	vor.u32 s11, v26  }
0x4ca: {  	v33 =	vadd.s32 v30, v33;
	_ =	sdelay $0x3  }
0x4cb: {  	[tilespmem:v34+s30+$0x0] =	vst.idx.msk $0xffff, v32  }
0x4cc: {  	v32 =	vld.idx.msk [tilespmem:v33+s28+$0x0], $0xffff  }
0x4cd: {  	v33 =	vld [tilespmem:$0x1FF60];
	_ =	sdelay $0x2  }
0x4ce: {  	s25 =	sshll.u32 s7, $0xA  }
0x4cf: {  	s2 =	sor.u32 s10, s25  }
0x4d0: {  	v34 =	vor.u32 v49, v31;
	v33 =	vor.u32 s2, v33  }
0x4d1: {  	v34 =	vadd.s32 v30, v34;
	_ =	sdelay $0x3  }
0x4d2: {  	[tilespmem:v33+s30+$0x0] =	vst.idx.msk $0xffff, v32  }
0x4d3: {  	v33 =	vor.u32 s2, v15;
	v32 =	vld.idx.msk [tilespmem:v34+s28+$0x0], $0xffff;
	v34 =	vor.u32 v27, v31  }
0x4d4: {  	v34 =	vadd.s32 v30, v34;
	_ =	sdelay $0x3  }
0x4d5: {  	[tilespmem:v33+s30+$0x0] =	vst.idx.msk $0xffff, v32  }
0x4d6: {  	v33 =	vor.u32 s2, v16;
	v32 =	vld.idx.msk [tilespmem:v34+s28+$0x0], $0xffff;
	v34 =	vor.u32 v48, v31  }
0x4d7: {  	v34 =	vadd.s32 v30, v34;
	_ =	sdelay $0x3  }
0x4d8: {  	[tilespmem:v33+s30+$0x0] =	vst.idx.msk $0xffff, v32  }
0x4d9: {  	v33 =	vor.u32 s2, v17;
	v32 =	vld.idx.msk [tilespmem:v34+s28+$0x0], $0xffff;
	v34 =	vor.u32 v25, v31  }
0x4da: {  	v34 =	vadd.s32 v30, v34;
	_ =	sdelay $0x3  }
0x4db: {  	[tilespmem:v33+s30+$0x0] =	vst.idx.msk $0xffff, v32  }
0x4dc: {  	v33 =	vor.u32 s2, v18;
	v32 =	vld.idx.msk [tilespmem:v34+s28+$0x0], $0xffff;
	v34 =	vor.u32 v24, v31  }
0x4dd: {  	v34 =	vadd.s32 v30, v34;
	_ =	sdelay $0x3  }
0x4de: {  	[tilespmem:v33+s30+$0x0] =	vst.idx.msk $0xffff, v32  }
0x4df: {  	v33 =	vor.u32 s2, v19;
	v32 =	vld.idx.msk [tilespmem:v34+s28+$0x0], $0xffff;
	v34 =	vor.u32 v23, v31  }
0x4e0: {  	v34 =	vadd.s32 v30, v34;
	_ =	sdelay $0x3  }
0x4e1: {  	[tilespmem:v33+s30+$0x0] =	vst.idx.msk $0xffff, v32  }
0x4e2: {  	v33 =	vor.u32 s2, v40;
	v32 =	vld.idx.msk [tilespmem:v34+s28+$0x0], $0xffff;
	v34 =	vor.u32 v22, v31  }
0x4e3: {  	v34 =	vadd.s32 v30, v34;
	_ =	sdelay $0x3  }
0x4e4: {  	[tilespmem:v33+s30+$0x0] =	vst.idx.msk $0xffff, v32  }
0x4e5: {  	v33 =	vor.u32 s2, v41;
	v32 =	vld.idx.msk [tilespmem:v34+s28+$0x0], $0xffff;
	v34 =	vor.u32 v21, v31  }
0x4e6: {  	v34 =	vadd.s32 v30, v34;
	_ =	sdelay $0x3  }
0x4e7: {  	[tilespmem:v33+s30+$0x0] =	vst.idx.msk $0xffff, v32  }
0x4e8: {  	v33 =	vor.u32 s2, v42;
	v32 =	vld.idx.msk [tilespmem:v34+s28+$0x0], $0xffff;
	v34 =	vor.u32 v20, v31  }
0x4e9: {  	v34 =	vadd.s32 v30, v34;
	_ =	sdelay $0x3  }
0x4ea: {  	[tilespmem:v33+s30+$0x0] =	vst.idx.msk $0xffff, v32  }
0x4eb: {  	v33 =	vor.u32 s2, v43;
	v32 =	vld.idx.msk [tilespmem:v34+s28+$0x0], $0xffff;
	v34 =	vor.u32 v38, v31  }
0x4ec: {  	v34 =	vadd.s32 v30, v34;
	_ =	sdelay $0x3  }
0x4ed: {  	[tilespmem:v33+s30+$0x0] =	vst.idx.msk $0xffff, v32  }
0x4ee: {  	v33 =	vor.u32 s2, v44;
	v32 =	vld.idx.msk [tilespmem:v34+s28+$0x0], $0xffff;
	v34 =	vor.u32 v37, v31  }
0x4ef: {  	v34 =	vadd.s32 v30, v34;
	_ =	sdelay $0x3  }
0x4f0: {  	[tilespmem:v33+s30+$0x0] =	vst.idx.msk $0xffff, v32  }
0x4f1: {  	v33 =	vor.u32 s2, v45;
	v32 =	vld.idx.msk [tilespmem:v34+s28+$0x0], $0xffff;
	v34 =	vor.u32 v29, v31  }
0x4f2: {  	v34 =	vadd.s32 v30, v34;
	_ =	sdelay $0x3  }
0x4f3: {  	[tilespmem:v33+s30+$0x0] =	vst.idx.msk $0xffff, v32  }
0x4f4: {  	v33 =	vor.u32 s2, v46;
	v32 =	vld.idx.msk [tilespmem:v34+s28+$0x0], $0xffff;
	v34 =	vor.u32 v12, v31  }
0x4f5: {  	v34 =	vadd.s32 v30, v34;
	_ =	sdelay $0x3  }
0x4f6: {  	[tilespmem:v33+s30+$0x0] =	vst.idx.msk $0xffff, v32  }
0x4f7: {  	v33 =	vor.u32 s2, v47;
	v32 =	vld.idx.msk [tilespmem:v34+s28+$0x0], $0xffff;
	v34 =	vor.u32 v36, v31  }
0x4f8: {  	p0 =	sne.s32 s9, $0xF;
	v34 =	vadd.s32 v30, v34  }
.Ltmp2:
0x4f9: {  	_ = 	snop;
	(pc) =	sbr.rel @p0 .LBB2_6-.Ltmp2, $3  }
0x4fa: {  	_ =	sdelay $0x1  }
0x4fb: {  	s3 =	sadd.s32 $0x10, s3;
	v31 =	vor.u32 v35, v31;
	[tilespmem:v33+s30+$0x0] =	vst.idx.msk $0xffff, v32  }
0x4fc: {  	s8 =	smov.u32 s9;
	s9 =	sadd.s32 $0x1, s9;
	s10 =	sand.u32 $0x30, s3;
	v30 =	vadd.s32 v30, v31;
	v33 =	vor.u32 s2, v28;
	v32 =	vld.idx.msk [tilespmem:v34+s28+$0x0], $0xffff  }
0x4fd: {  	_ =	sdelay $0x2  }
0x4fe: {  	s3 =	sshrl.u32 s8, $0x2;
	v31 =	vmov s10  }
0x4ff: {  	s7 =	sshll.u32 s3, $0x4;
	v31 =	vshll.u32 v31, $0x7;
	[tilespmem:v33+s30+$0x0] =	vst.idx.msk $0xffff, v32  }
0x500: {  	v34 =	vor.u32 s2, v39;
	v53 =	vor.u32 v53, v31;
	v32 =	vor.u32 s7, v26;
	v30 =	vld.idx.msk [tilespmem:v30+s28+$0x0], $0xffff  }
0x501: {  	v26 =	vld [tilespmem:$0x1FF60];
	v33 =	vadd.s32 v32, v53;
	_ =	sdelay $0x2  }
0x502: {  	s22 =	sshll.u32 s3, $0xA  }
0x503: {  	s2 =	sor.u32 s10, s22;
	[tilespmem:v34+s30+$0x0] =	vst.idx.msk $0xffff, v30  }
0x504: {  	v49 =	vor.u32 v49, v31;
	v53 =	vor.u32 s2, v26;
	v30 =	vld.idx.msk [tilespmem:v33+s28+$0x0], $0xffff  }
0x505: {  	v34 =	vadd.s32 v32, v49;
	_ =	sdelay $0x3  }
0x506: {  	[tilespmem:v53+s30+$0x0] =	vst.idx.msk $0xffff, v30  }
0x507: {  	v49 =	vor.u32 v27, v31;
	v53 =	vor.u32 s2, v15;
	v30 =	vld.idx.msk [tilespmem:v34+s28+$0x0], $0xffff  }
0x508: {  	v34 =	vadd.s32 v32, v49;
	_ =	sdelay $0x3  }
0x509: {  	[tilespmem:v53+s30+$0x0] =	vst.idx.msk $0xffff, v30  }
0x50a: {  	v48 =	vor.u32 v48, v31;
	v53 =	vor.u32 s2, v16;
	v30 =	vld.idx.msk [tilespmem:v34+s28+$0x0], $0xffff  }
0x50b: {  	v34 =	vadd.s32 v32, v48;
	_ =	sdelay $0x3  }
0x50c: {  	[tilespmem:v53+s30+$0x0] =	vst.idx.msk $0xffff, v30  }
0x50d: {  	v49 =	vor.u32 s2, v17;
	v53 =	vor.u32 v25, v31;
	v30 =	vld.idx.msk [tilespmem:v34+s28+$0x0], $0xffff  }
0x50e: {  	v34 =	vadd.s32 v32, v53;
	_ =	sdelay $0x3  }
0x50f: {  	[tilespmem:v49+s30+$0x0] =	vst.idx.msk $0xffff, v30  }
0x510: {  	v48 =	vor.u32 s2, v18;
	v49 =	vor.u32 v24, v31;
	v30 =	vld.idx.msk [tilespmem:v34+s28+$0x0], $0xffff  }
0x511: {  	v34 =	vadd.s32 v32, v49;
	_ =	sdelay $0x3  }
0x512: {  	[tilespmem:v48+s30+$0x0] =	vst.idx.msk $0xffff, v30  }
0x513: {  	v53 =	vor.u32 s2, v19;
	v48 =	vor.u32 v23, v31;
	v30 =	vld.idx.msk [tilespmem:v34+s28+$0x0], $0xffff  }
0x514: {  	v34 =	vadd.s32 v32, v48;
	_ =	sdelay $0x3  }
0x515: {  	[tilespmem:v53+s30+$0x0] =	vst.idx.msk $0xffff, v30  }
0x516: {  	v49 =	vor.u32 s2, v40;
	v53 =	vor.u32 v22, v31;
	v30 =	vld.idx.msk [tilespmem:v34+s28+$0x0], $0xffff  }
0x517: {  	v34 =	vadd.s32 v32, v53;
	_ =	sdelay $0x3  }
0x518: {  	[tilespmem:v49+s30+$0x0] =	vst.idx.msk $0xffff, v30  }
0x519: {  	v48 =	vor.u32 s2, v41;
	v49 =	vor.u32 v21, v31;
	v30 =	vld.idx.msk [tilespmem:v34+s28+$0x0], $0xffff  }
0x51a: {  	v34 =	vadd.s32 v32, v49;
	_ =	sdelay $0x3  }
0x51b: {  	[tilespmem:v48+s30+$0x0] =	vst.idx.msk $0xffff, v30  }
0x51c: {  	v53 =	vor.u32 s2, v42;
	v48 =	vor.u32 v20, v31;
	v30 =	vld.idx.msk [tilespmem:v34+s28+$0x0], $0xffff  }
0x51d: {  	v34 =	vadd.s32 v32, v48;
	_ =	sdelay $0x3  }
0x51e: {  	[tilespmem:v53+s30+$0x0] =	vst.idx.msk $0xffff, v30  }
0x51f: {  	v49 =	vor.u32 s2, v43;
	v53 =	vor.u32 v38, v31;
	v30 =	vld.idx.msk [tilespmem:v34+s28+$0x0], $0xffff  }
0x520: {  	v34 =	vadd.s32 v32, v53;
	_ =	sdelay $0x3  }
0x521: {  	[tilespmem:v49+s30+$0x0] =	vst.idx.msk $0xffff, v30  }
0x522: {  	v48 =	vor.u32 v37, v31;
	v38 =	vor.u32 s2, v44;
	v30 =	vld.idx.msk [tilespmem:v34+s28+$0x0], $0xffff  }
0x523: {  	v34 =	vadd.s32 v32, v48;
	_ =	sdelay $0x3  }
0x524: {  	[tilespmem:v38+s30+$0x0] =	vst.idx.msk $0xffff, v30  }
0x525: {  	v53 =	vor.u32 v29, v31;
	v49 =	vor.u32 s2, v45;
	v30 =	vld.idx.msk [tilespmem:v34+s28+$0x0], $0xffff  }
0x526: {  	v34 =	vadd.s32 v32, v53;
	_ =	sdelay $0x3  }
0x527: {  	[tilespmem:v49+s30+$0x0] =	vst.idx.msk $0xffff, v30  }
0x528: {  	v37 =	vor.u32 s2, v46;
	v38 =	vor.u32 v12, v31;
	v30 =	vld.idx.msk [tilespmem:v34+s28+$0x0], $0xffff  }
0x529: {  	v34 =	vadd.s32 v32, v38;
	_ =	sdelay $0x3  }
0x52a: {  	[tilespmem:v37+s30+$0x0] =	vst.idx.msk $0xffff, v30  }
0x52b: {  	v48 =	vor.u32 s2, v47;
	v49 =	vor.u32 v36, v31;
	v30 =	vld.idx.msk [tilespmem:v34+s28+$0x0], $0xffff  }
0x52c: {  	v34 =	vadd.s32 v32, v49;
	_ =	sdelay $0x3  }
0x52d: {  	[tilespmem:v48+s30+$0x0] =	vst.idx.msk $0xffff, v30  }
0x52e: {  	v53 =	vor.u32 s2, v28;
	v31 =	vor.u32 v35, v31;
	v30 =	vld.idx.msk [tilespmem:v34+s28+$0x0], $0xffff  }
0x52f: {  	v31 =	vadd.s32 v32, v31;
	_ =	sdelay $0x3  }
0x530: {  	[tilespmem:v53+s30+$0x0] =	vst.idx.msk $0xffff, v30  }
0x531: {  	v30 =	vld.idx.msk [tilespmem:v31+s28+$0x0], $0xffff;
	v31 =	vor.u32 s2, v39;
	_ =	sdelay $0x4  }
0x532: {  	s24 =	rddreg [dreg:$0x14];
	[tilespmem:v31+s30+$0x0] =	vst.idx.msk $0xffff, v30  }
0x533: {  	[hbm4b:s24+s5] =	stream.linear.scatter [tilespmem:s30], [sflag:$0x5], $0x1000, $0x38;
	[tilespmem:$0xA000] =	vst v63  }
0x534: {  	_ =	swait.ge [sflag:s29], $0x1000  }
0x535: {  	s31 =	sadd.s32 $0x1, s31;
	s25 =	rddreg [dreg:$0x15]  }
0x536: {  	p0 =	sne.s32 s31, s25  }
.Ltmp3:
0x537: {  	v22 =	vld [tilespmem:$0x1FF70];
	(pc) =	sbr.rel @p0 .LBB2_1-.Ltmp3, $4  }
0x538: {  	v23 =	vld [tilespmem:$0x1FF80]  }
0x539: {  	v24 =	vld [tilespmem:$0x1FF90]  }
0x53a: {  	[sflag:s29] =	ssyncset.done $0x0;
	v25 =	vld [tilespmem:$0x1FFA0]  }
0x53b: {  	v26 =	vld [tilespmem:$0x1FFB0];
	[sflag:s29] =	ssyncadd.s32 $0xFFFFF000  }
0x53c: {  	_ =	sfence.sel $0x180000  }
0x53d: {  	[bflag:$0x0] =	sbarrier.arrive $0xFFFF  }
0x53e: {  	_ =	strace $0x90000047  }
0x53f: {  	s0 =	stileid.u32;
	[bflag:$0x2] =	sbarrier.arrive $0xFFFF  }
0x540: {  	p0 =	sne.s32 s0, $0x0;
	s0 =	rddreg [dreg:$0x3]  }
0x541: {  	s0 =	sadd.s32 @!p0 $0x100000, s0  }
0x542: {  	[sflag:s0] =	ssyncadd.tile.s32 @!p0 $0x1;
	_ =	shalt  }
.Lfunc_end2:
_tile_overlayer_lowered:
.L_overlay_start_2:
0x543: {  	(tag) =	ssettag $0x2  }
0x544: {  	s0 =	rddreg [dreg:$0x0];
	s2 =	stileid.u32  }
0x545: {  	s1 =	rddreg [dreg:$0x1];
	p0 =	sne.s32 s2, $0x0  }
0x546: {  	s3 =	rddreg [dreg:$0x2];
	[bflag:$0x3] =	sbarrier.arrive $0xFFFF;
	s2 =	simm.s32 @!p0 $0x1C05  }
0x547: {  	[timem:s3], [sflag:s2] =	dma.local @!p0 [hbm:s0], s1  }
0x548: {  	s0 =	simm.s32 @!p0 $0x5  }
0x549: {  	_ =	swait.ge @!p0 [sflag:s0], s1  }
0x54a: {  	s1 =	ssub.s32 @!p0 $0x0, s1;
	[sflag:s0] =	ssyncset.done @!p0 $0x0  }
0x54b: {  	[sflag:s0] =	ssyncadd.s32 @!p0 s1  }
0x54c: {  	[bflag:$0x3] =	sbarrier.arrive $0xFFFF  }
0x54d: {  	_ =	shalt  }

</sc_bundles>
